<compile_context>
chip_gen: v7x
topology: tpu7x:2x2x1
jax: 0.10.2.dev20260603
libtpu: 0.0.44.dev20260713+nightly
codegen_flags: <defaults>
</compile_context>

<pallas_src>
import functools

import jax
import jax.numpy as jnp
from jax import lax
from jax.experimental import pallas as pl
from jax.experimental.pallas import tpu as pltpu
from jax.experimental.pallas import tpu_sc as plsc

ALPHA = 0.999
NC = 2
NS = 16
NW = NC * NS
ROWS = 128
SL = 8


@functools.lru_cache(maxsize=None)
def _make_sc_scatter(N_pad, C, G):
    NPS = N_pad // NS
    mesh = plsc.VectorSubcoreMesh(
        core_axis_name="c", subcore_axis_name="s", num_cores=NC, num_subcores=NS
    )

    @functools.partial(
        pl.kernel,
        out_type=jax.ShapeDtypeStruct((NC, N_pad, C), jnp.float32),
        mesh=mesh,
        compiler_params=pltpu.CompilerParams(use_tc_tiling_on_sc=False),
        scratch_types=[
            pltpu.VMEM_SHARED((N_pad, C), jnp.float32),
            pltpu.VMEM((SL, ROWS), jnp.int32),
            pltpu.VMEM((SL, ROWS), jnp.int32),
            pltpu.VMEM((SL, ROWS), jnp.float32),
            pltpu.VMEM((SL, ROWS, C), jnp.float32),
            pltpu.SemaphoreType.DMA,
            pltpu.SemaphoreType.DMA,
        ],
    )
    def sc_scatter(z_hbm, colb_hbm, rowb_hbm, wb_hbm, zeros_hbm, out_hbm,
                   acc_sh, colv, rowv, wv, rowsv, gsem, ssem):
        c = lax.axis_index("c")
        s = lax.axis_index("s")
        wid = s * NC + c

        pltpu.sync_copy(zeros_hbm, acc_sh.at[pl.ds(s * NPS, NPS)])
        plsc.subcore_barrier()

        def group(g, carry):
            base = (wid * G + g) * SL
            pltpu.sync_copy(colb_hbm.at[pl.ds(base, SL)], colv)
            pltpu.sync_copy(rowb_hbm.at[pl.ds(base, SL)], rowv)
            pltpu.sync_copy(wb_hbm.at[pl.ds(base, SL)], wv)
            gds = [
                pltpu.async_copy(z_hbm.at[colv.at[j]], rowsv.at[j], gsem)
                for j in range(SL)
            ]
            for d in gds:
                d.wait()
            for j in range(SL):
                @plsc.parallel_loop(0, ROWS, 16, unroll=2)
                def _scale(i):
                    wvec = wv[j, pl.ds(i, 16)]
                    for l in range(16):
                        rowsv[j, i + l, :] = rowsv[j, i + l, :] * wvec[l]
            sds = [
                pltpu.async_copy(rowsv.at[j], acc_sh.at[rowv.at[j]], ssem, add=True)
                for j in range(SL)
            ]
            for d in sds:
                d.wait()
            return carry

        lax.fori_loop(0, G, group, 0)
        plsc.subcore_barrier()
        pltpu.sync_copy(
            acc_sh.at[pl.ds(s * NPS, NPS)], out_hbm.at[c, pl.ds(s * NPS, NPS)]
        )

    return sc_scatter


def kernel(pred_probs, margins, edge_index, norm_weights, injection_mask,
           raw_weights, num_iter):
    N, C = pred_probs.shape
    E = edge_index.shape[1]

    conf = jnp.where(injection_mask, jax.nn.sigmoid(raw_weights), 0.0)
    preds = jnp.argmax(pred_probs, axis=1)
    onehot = jax.nn.one_hot(preds, C, dtype=jnp.float32)
    h = onehot * (conf * margins * injection_mask.astype(jnp.float32))[:, None]

    group_edges = NW * SL * ROWS
    G = -(-E // group_edges)
    E_pad = G * group_edges
    pad = E_pad - E
    row = jnp.pad(edge_index[0], (0, pad)).reshape(-1, ROWS)
    col = jnp.pad(edge_index[1], (0, pad)).reshape(-1, ROWS)
    wgt = jnp.pad(norm_weights * ALPHA, (0, pad)).reshape(-1, ROWS)

    NPS = -(-N // (NS * 8)) * 8
    N_pad = NPS * NS
    zeros_h = jnp.zeros((NPS, C), jnp.float32)

    scat = _make_sc_scatter(N_pad, C, G)
    h_scaled = (1.0 - ALPHA) * h

    def body(_, z):
        p = scat(z, col, row, wgt, zeros_h)
        return h_scaled + p[0, :N] + p[1, :N]

    return lax.fori_loop(0, num_iter, body, h)

# --- scband reference (transcript-rebuilt; emitter-appended) ---
"""Pipeline reference for scband-learn-to-trust-83794811945385 (READ-ONLY COPY).

The authoritative reference and input builder live on the scoring server;
editing this copy changes nothing except your own understanding.
"""

import jax, jax.numpy as jnp
import numpy as np

N = 100000
C = 16
E = 3200000
ALPHA = 0.999
INIT_VALUE = 2.0


def setup_inputs(seed: int = 0) -> dict:
    key = jax.random.key(seed)
    k1, k2, k3, k4, k5 = jax.random.split(key, 5)
    pred_probs = jax.random.uniform(k1, (N, C), dtype=jnp.float32)
    margins = jax.random.uniform(k2, (N,), dtype=jnp.float32)
    edge_index = jax.random.randint(k3, (2, E), 0, N, dtype=jnp.int32)
    norm_weights = jax.random.uniform(k4, (E,), dtype=jnp.float32) * 0.1
    # Constructor state: injection mask (~10% of nodes) and learnable raw confidence weights.
    # raw_weights stored dense over N; only masked entries are ever used (matches
    # torch module where raw_weights live at injection_indices).
    injection_mask = jax.random.uniform(k5, (N,), dtype=jnp.float32) < 0.1
    raw_weights = jnp.full((N,), INIT_VALUE, dtype=jnp.float32)
    return {
        "pred_probs": pred_probs,
        "margins": margins,
        "edge_index": edge_index,
        "norm_weights": norm_weights,
        "injection_mask": injection_mask,
        "raw_weights": raw_weights,
        "num_iter": 10,
    }


def reference(pred_probs, margins, edge_index, norm_weights, injection_mask, raw_weights, num_iter):
    num_nodes, num_classes = pred_probs.shape
    # get_confidence_weights: sigmoid at injection nodes, 0 elsewhere
    confidence_weights = jnp.where(injection_mask, jax.nn.sigmoid(raw_weights), 0.0)
    preds = jnp.argmax(pred_probs, axis=1)
    pred_onehot = jax.nn.one_hot(preds, num_classes, dtype=jnp.float32)
    weights = confidence_weights * margins
    source_signal = pred_onehot * weights[:, None]
    source_signal = source_signal * injection_mask.astype(jnp.float32)[:, None]
    # propagate_labels_symmetric
    row = edge_index[0]
    col = edge_index[1]
    H = source_signal
    Z = H

    def body(_, Z):
        msg = Z[col] * norm_weights[:, None]
        Z_new = jnp.zeros_like(Z).at[row].add(msg)
        return (1.0 - ALPHA) * H + ALPHA * Z_new

    Z = jax.lax.fori_loop(0, num_iter, body, Z)
    return Z

if __name__ == "__main__":
    import jax
    _d = setup_inputs()
    print(jax.jit(kernel)(*tuple(_d.values())))

</pallas_src>

<mosaic_0001>
#map = affine_map<(d0, d1) -> (0, 0)>
#map1 = affine_map<(d0, d1) -> (0, 0, 0)>
module attributes {stable_mosaic.version = 14 : i64} {
  func.func @sc_scatter(%arg0: i32, %arg1: i32, %arg2: memref<100000x16xf32, #tpu.memory_space<hbm>>, %arg3: memref<25088x128xi32, #tpu.memory_space<hbm>>, %arg4: memref<25088x128xi32, #tpu.memory_space<hbm>>, %arg5: memref<25088x128xf32, #tpu.memory_space<hbm>>, %arg6: memref<6256x16xf32, #tpu.memory_space<hbm>>, %arg7: memref<2x100096x16xf32, #tpu.memory_space<hbm>>, %arg8: memref<100096x16xf32, #tpu.memory_space<vmem_shared>>, %arg9: memref<8x128xi32, #tpu.memory_space<vmem>>, %arg10: memref<8x128xi32, #tpu.memory_space<vmem>>, %arg11: memref<8x128xf32, #tpu.memory_space<vmem>>, %arg12: memref<8x128x16xf32, #tpu.memory_space<vmem>>, %arg13: memref<!tpu.dma_semaphore, #tpu.memory_space<semaphore_mem>>, %arg14: memref<!tpu.dma_semaphore, #tpu.memory_space<semaphore_mem>>) attributes {dimension_semantics = [#tpu.dimension_semantics<core_parallel>, #tpu.dimension_semantics<subcore_parallel>], iteration_bounds = array<i64: 2, 16>, scalar_prefetch = 0 : i64, scratch_operands = 7 : i64, tpu.core_type = #tpu.core_type<sc_vector_subcore>, window_params = [{transform_indices = #map}, {transform_indices = #map}, {transform_indices = #map}, {transform_indices = #map}, {transform_indices = #map}, {transform_indices = #map1}]} {
    %mul3A = arith.constant 2 : i32
    %mul3A_0 = arith.muli %arg1, %mul3A : i32
    %add3A = arith.addi %mul3A_0, %arg0 : i32
    %mul3A_1 = arith.constant 6256 : i32
    %mul3A_2 = arith.muli %arg1, %mul3A_1 : i32
    "tpu.region"() ({
      %run_scoped3A = tpu.sem_alloc : memref<!tpu.dma_semaphore, #tpu.memory_space<semaphore_mem>>
      %dma_start3A = arith.constant 0 : i32
      %dma_start3A_13 = tpu.memref_slice %arg8[%mul3A_2, %dma_start3A] : memref<100096x16xf32, #tpu.memory_space<vmem_shared>> -> memref<6256x16xf32, #tpu.memory_space<vmem_shared>>
      tpu.enqueue_dma source(%arg6 : memref<6256x16xf32, #tpu.memory_space<hbm>>) target(%dma_start3A_13 : memref<6256x16xf32, #tpu.memory_space<vmem_shared>>) target_semaphore(%run_scoped3A : memref<!tpu.dma_semaphore, #tpu.memory_space<semaphore_mem>>)
      %dma_wait3A = arith.constant 0 : i32
      %dma_wait3A_14 = tpu.memref_slice %arg8[%mul3A_2, %dma_wait3A] : memref<100096x16xf32, #tpu.memory_space<vmem_shared>> -> memref<6256x16xf32, #tpu.memory_space<vmem_shared>>
      tpu.wait_dma2 semaphore(%run_scoped3A : memref<!tpu.dma_semaphore, #tpu.memory_space<semaphore_mem>>) src(%arg6 : memref<6256x16xf32, #tpu.memory_space<hbm>>) dst(%dma_wait3A_14 : memref<6256x16xf32, #tpu.memory_space<vmem_shared>>)
      tpu.yield
    }) : () -> ()
    %barrier3A = arith.constant 0 : index
    tpu.barrier barrier_id(%barrier3A)
    %scan3A = arith.constant 0 : i32
    %scan3A_3 = arith.constant 0 : i32
    %scan3A_4 = arith.constant 98 : i32
    %scan3A_5 = arith.addi %scan3A_3, %scan3A_4 : i32
    %scan3A_6 = arith.constant 1 : i32
    scf.for %scan3A_13 = %scan3A_3 to %scan3A_5 step %scan3A_6  : i32 {
      %mul3A_14 = arith.constant 98 : i32
      %mul3A_15 = arith.muli %add3A, %mul3A_14 : i32
      %add3A_16 = arith.addi %mul3A_15, %scan3A_13 : i32
      %mul3A_17 = arith.constant 8 : i32
      %mul3A_18 = arith.muli %add3A_16, %mul3A_17 : i32
      "tpu.region"() ({
        %run_scoped3A = tpu.sem_alloc : memref<!tpu.dma_semaphore, #tpu.memory_space<semaphore_mem>>
        %dma_start3A_424 = arith.constant 0 : i32
        %dma_start3A_425 = tpu.memref_slice %arg3[%mul3A_18, %dma_start3A_424] : memref<25088x128xi32, #tpu.memory_space<hbm>> -> memref<8x128xi32, #tpu.memory_space<hbm>>
        %dma_start3A_426 = arith.constant 0 : i32
        %dma_start3A_427 = tpu.memref_slice %arg3[%mul3A_18, %dma_start3A_426] : memref<25088x128xi32, #tpu.memory_space<hbm>> -> memref<8x128xi32, #tpu.memory_space<hbm>>
        tpu.enqueue_dma source(%dma_start3A_427 : memref<8x128xi32, #tpu.memory_space<hbm>>) target(%arg9 : memref<8x128xi32, #tpu.memory_space<vmem>>) target_semaphore(%run_scoped3A : memref<!tpu.dma_semaphore, #tpu.memory_space<semaphore_mem>>)
        %dma_wait3A_428 = arith.constant 0 : i32
        %dma_wait3A_429 = tpu.memref_slice %arg3[%mul3A_18, %dma_wait3A_428] : memref<25088x128xi32, #tpu.memory_space<hbm>> -> memref<8x128xi32, #tpu.memory_space<hbm>>
        %dma_wait3A_430 = arith.constant 0 : i32
        %dma_wait3A_431 = tpu.memref_slice %arg3[%mul3A_18, %dma_wait3A_430] : memref<25088x128xi32, #tpu.memory_space<hbm>> -> memref<8x128xi32, #tpu.memory_space<hbm>>
        tpu.wait_dma2 semaphore(%run_scoped3A : memref<!tpu.dma_semaphore, #tpu.memory_space<semaphore_mem>>) src(%dma_wait3A_431 : memref<8x128xi32, #tpu.memory_space<hbm>>) dst(%arg9 : memref<8x128xi32, #tpu.memory_space<vmem>>)
        tpu.yield
      }) : () -> ()
      "tpu.region"() ({
        %run_scoped3A = tpu.sem_alloc : memref<!tpu.dma_semaphore, #tpu.memory_space<semaphore_mem>>
        %dma_start3A_424 = arith.constant 0 : i32
        %dma_start3A_425 = tpu.memref_slice %arg4[%mul3A_18, %dma_start3A_424] : memref<25088x128xi32, #tpu.memory_space<hbm>> -> memref<8x128xi32, #tpu.memory_space<hbm>>
        %dma_start3A_426 = arith.constant 0 : i32
        %dma_start3A_427 = tpu.memref_slice %arg4[%mul3A_18, %dma_start3A_426] : memref<25088x128xi32, #tpu.memory_space<hbm>> -> memref<8x128xi32, #tpu.memory_space<hbm>>
        tpu.enqueue_dma source(%dma_start3A_427 : memref<8x128xi32, #tpu.memory_space<hbm>>) target(%arg10 : memref<8x128xi32, #tpu.memory_space<vmem>>) target_semaphore(%run_scoped3A : memref<!tpu.dma_semaphore, #tpu.memory_space<semaphore_mem>>)
        %dma_wait3A_428 = arith.constant 0 : i32
        %dma_wait3A_429 = tpu.memref_slice %arg4[%mul3A_18, %dma_wait3A_428] : memref<25088x128xi32, #tpu.memory_space<hbm>> -> memref<8x128xi32, #tpu.memory_space<hbm>>
        %dma_wait3A_430 = arith.constant 0 : i32
        %dma_wait3A_431 = tpu.memref_slice %arg4[%mul3A_18, %dma_wait3A_430] : memref<25088x128xi32, #tpu.memory_space<hbm>> -> memref<8x128xi32, #tpu.memory_space<hbm>>
        tpu.wait_dma2 semaphore(%run_scoped3A : memref<!tpu.dma_semaphore, #tpu.memory_space<semaphore_mem>>) src(%dma_wait3A_431 : memref<8x128xi32, #tpu.memory_space<hbm>>) dst(%arg10 : memref<8x128xi32, #tpu.memory_space<vmem>>)
        tpu.yield
      }) : () -> ()
      "tpu.region"() ({
        %run_scoped3A = tpu.sem_alloc : memref<!tpu.dma_semaphore, #tpu.memory_space<semaphore_mem>>
        %dma_start3A_424 = arith.constant 0 : i32
        %dma_start3A_425 = tpu.memref_slice %arg5[%mul3A_18, %dma_start3A_424] : memref<25088x128xf32, #tpu.memory_space<hbm>> -> memref<8x128xf32, #tpu.memory_space<hbm>>
        %dma_start3A_426 = arith.constant 0 : i32
        %dma_start3A_427 = tpu.memref_slice %arg5[%mul3A_18, %dma_start3A_426] : memref<25088x128xf32, #tpu.memory_space<hbm>> -> memref<8x128xf32, #tpu.memory_space<hbm>>
        tpu.enqueue_dma source(%dma_start3A_427 : memref<8x128xf32, #tpu.memory_space<hbm>>) target(%arg11 : memref<8x128xf32, #tpu.memory_space<vmem>>) target_semaphore(%run_scoped3A : memref<!tpu.dma_semaphore, #tpu.memory_space<semaphore_mem>>)
        %dma_wait3A_428 = arith.constant 0 : i32
        %dma_wait3A_429 = tpu.memref_slice %arg5[%mul3A_18, %dma_wait3A_428] : memref<25088x128xf32, #tpu.memory_space<hbm>> -> memref<8x128xf32, #tpu.memory_space<hbm>>
        %dma_wait3A_430 = arith.constant 0 : i32
        %dma_wait3A_431 = tpu.memref_slice %arg5[%mul3A_18, %dma_wait3A_430] : memref<25088x128xf32, #tpu.memory_space<hbm>> -> memref<8x128xf32, #tpu.memory_space<hbm>>
        tpu.wait_dma2 semaphore(%run_scoped3A : memref<!tpu.dma_semaphore, #tpu.memory_space<semaphore_mem>>) src(%dma_wait3A_431 : memref<8x128xf32, #tpu.memory_space<hbm>>) dst(%arg11 : memref<8x128xf32, #tpu.memory_space<vmem>>)
        tpu.yield
      }) : () -> ()
      %dma_start3A = arith.constant 0 : i32
      %dma_start3A_19 = arith.constant 0 : i32
      %dma_start3A_20 = arith.constant 0 : i32
      %dma_start3A_21 = arith.constant 0 : i32
      %dma_start3A_22 = tpu.memref_slice %arg12[%dma_start3A_19, %dma_start3A_20, %dma_start3A_21] : memref<8x128x16xf32, #tpu.memory_space<vmem>> -> memref<1x128x16xf32, #tpu.memory_space<vmem>>
      %dma_start3A_23 = tpu.memref_squeeze %dma_start3A_22 : memref<1x128x16xf32, #tpu.memory_space<vmem>> -> memref<128x16xf32, #tpu.memory_space<vmem>>
      %dma_start3A_24 = arith.constant 0 : i32
      %dma_start3A_25 = tpu.memref_slice %arg9[%dma_start3A, %dma_start3A_24] : memref<8x128xi32, #tpu.memory_space<vmem>> -> memref<1x128xi32, #tpu.memory_space<vmem>>
      %dma_start3A_26 = tpu.memref_squeeze %dma_start3A_25 : memref<1x128xi32, #tpu.memory_space<vmem>> -> memref<128xi32, #tpu.memory_space<vmem>>
      %dma_start3A_27 = arith.constant 0 : i32
      %dma_start3A_28 = arith.constant 0 : i32
      %dma_start3A_29 = tpu.memref_slice %arg2[%dma_start3A_27, %dma_start3A_28] : memref<100000x16xf32, #tpu.memory_space<hbm>> -> memref<100000x16xf32, #tpu.memory_space<hbm>>
      tpu.enqueue_indirect_dma source(%dma_start3A_29 : memref<100000x16xf32, #tpu.memory_space<hbm>>) target(%dma_start3A_23 : memref<128x16xf32, #tpu.memory_space<vmem>>) offsets(%dma_start3A_26 : memref<128xi32, #tpu.memory_space<vmem>>) semaphore(%arg13 : memref<!tpu.dma_semaphore, #tpu.memory_space<semaphore_mem>>)
      %dma_start3A_30 = arith.constant 1 : i32
      %dma_start3A_31 = arith.constant 1 : i32
      %dma_start3A_32 = arith.constant 0 : i32
      %dma_start3A_33 = arith.constant 0 : i32
      %dma_start3A_34 = tpu.memref_slice %arg12[%dma_start3A_31, %dma_start3A_32, %dma_start3A_33] : memref<8x128x16xf32, #tpu.memory_space<vmem>> -> memref<1x128x16xf32, #tpu.memory_space<vmem>>
      %dma_start3A_35 = tpu.memref_squeeze %dma_start3A_34 : memref<1x128x16xf32, #tpu.memory_space<vmem>> -> memref<128x16xf32, #tpu.memory_space<vmem>>
      %dma_start3A_36 = arith.constant 0 : i32
      %dma_start3A_37 = tpu.memref_slice %arg9[%dma_start3A_30, %dma_start3A_36] : memref<8x128xi32, #tpu.memory_space<vmem>> -> memref<1x128xi32, #tpu.memory_space<vmem>>
      %dma_start3A_38 = tpu.memref_squeeze %dma_start3A_37 : memref<1x128xi32, #tpu.memory_space<vmem>> -> memref<128xi32, #tpu.memory_space<vmem>>
      %dma_start3A_39 = arith.constant 0 : i32
      %dma_start3A_40 = arith.constant 0 : i32
      %dma_start3A_41 = tpu.memref_slice %arg2[%dma_start3A_39, %dma_start3A_40] : memref<100000x16xf32, #tpu.memory_space<hbm>> -> memref<100000x16xf32, #tpu.memory_space<hbm>>
      tpu.enqueue_indirect_dma source(%dma_start3A_41 : memref<100000x16xf32, #tpu.memory_space<hbm>>) target(%dma_start3A_35 : memref<128x16xf32, #tpu.memory_space<vmem>>) offsets(%dma_start3A_38 : memref<128xi32, #tpu.memory_space<vmem>>) semaphore(%arg13 : memref<!tpu.dma_semaphore, #tpu.memory_space<semaphore_mem>>)
      %dma_start3A_42 = arith.constant 2 : i32
      %dma_start3A_43 = arith.constant 2 : i32
      %dma_start3A_44 = arith.constant 0 : i32
      %dma_start3A_45 = arith.constant 0 : i32
      %dma_start3A_46 = tpu.memref_slice %arg12[%dma_start3A_43, %dma_start3A_44, %dma_start3A_45] : memref<8x128x16xf32, #tpu.memory_space<vmem>> -> memref<1x128x16xf32, #tpu.memory_space<vmem>>
      %dma_start3A_47 = tpu.memref_squeeze %dma_start3A_46 : memref<1x128x16xf32, #tpu.memory_space<vmem>> -> memref<128x16xf32, #tpu.memory_space<vmem>>
      %dma_start3A_48 = arith.constant 0 : i32
      %dma_start3A_49 = tpu.memref_slice %arg9[%dma_start3A_42, %dma_start3A_48] : memref<8x128xi32, #tpu.memory_space<vmem>> -> memref<1x128xi32, #tpu.memory_space<vmem>>
      %dma_start3A_50 = tpu.memref_squeeze %dma_start3A_49 : memref<1x128xi32, #tpu.memory_space<vmem>> -> memref<128xi32, #tpu.memory_space<vmem>>
      %dma_start3A_51 = arith.constant 0 : i32
      %dma_start3A_52 = arith.constant 0 : i32
      %dma_start3A_53 = tpu.memref_slice %arg2[%dma_start3A_51, %dma_start3A_52] : memref<100000x16xf32, #tpu.memory_space<hbm>> -> memref<100000x16xf32, #tpu.memory_space<hbm>>
      tpu.enqueue_indirect_dma source(%dma_start3A_53 : memref<100000x16xf32, #tpu.memory_space<hbm>>) target(%dma_start3A_47 : memref<128x16xf32, #tpu.memory_space<vmem>>) offsets(%dma_start3A_50 : memref<128xi32, #tpu.memory_space<vmem>>) semaphore(%arg13 : memref<!tpu.dma_semaphore, #tpu.memory_space<semaphore_mem>>)
      %dma_start3A_54 = arith.constant 3 : i32
      %dma_start3A_55 = arith.constant 3 : i32
      %dma_start3A_56 = arith.constant 0 : i32
      %dma_start3A_57 = arith.constant 0 : i32
      %dma_start3A_58 = tpu.memref_slice %arg12[%dma_start3A_55, %dma_start3A_56, %dma_start3A_57] : memref<8x128x16xf32, #tpu.memory_space<vmem>> -> memref<1x128x16xf32, #tpu.memory_space<vmem>>
      %dma_start3A_59 = tpu.memref_squeeze %dma_start3A_58 : memref<1x128x16xf32, #tpu.memory_space<vmem>> -> memref<128x16xf32, #tpu.memory_space<vmem>>
      %dma_start3A_60 = arith.constant 0 : i32
      %dma_start3A_61 = tpu.memref_slice %arg9[%dma_start3A_54, %dma_start3A_60] : memref<8x128xi32, #tpu.memory_space<vmem>> -> memref<1x128xi32, #tpu.memory_space<vmem>>
      %dma_start3A_62 = tpu.memref_squeeze %dma_start3A_61 : memref<1x128xi32, #tpu.memory_space<vmem>> -> memref<128xi32, #tpu.memory_space<vmem>>
      %dma_start3A_63 = arith.constant 0 : i32
      %dma_start3A_64 = arith.constant 0 : i32
      %dma_start3A_65 = tpu.memref_slice %arg2[%dma_start3A_63, %dma_start3A_64] : memref<100000x16xf32, #tpu.memory_space<hbm>> -> memref<100000x16xf32, #tpu.memory_space<hbm>>
      tpu.enqueue_indirect_dma source(%dma_start3A_65 : memref<100000x16xf32, #tpu.memory_space<hbm>>) target(%dma_start3A_59 : memref<128x16xf32, #tpu.memory_space<vmem>>) offsets(%dma_start3A_62 : memref<128xi32, #tpu.memory_space<vmem>>) semaphore(%arg13 : memref<!tpu.dma_semaphore, #tpu.memory_space<semaphore_mem>>)
      %dma_start3A_66 = arith.constant 4 : i32
      %dma_start3A_67 = arith.constant 4 : i32
      %dma_start3A_68 = arith.constant 0 : i32
      %dma_start3A_69 = arith.constant 0 : i32
      %dma_start3A_70 = tpu.memref_slice %arg12[%dma_start3A_67, %dma_start3A_68, %dma_start3A_69] : memref<8x128x16xf32, #tpu.memory_space<vmem>> -> memref<1x128x16xf32, #tpu.memory_space<vmem>>
      %dma_start3A_71 = tpu.memref_squeeze %dma_start3A_70 : memref<1x128x16xf32, #tpu.memory_space<vmem>> -> memref<128x16xf32, #tpu.memory_space<vmem>>
      %dma_start3A_72 = arith.constant 0 : i32
      %dma_start3A_73 = tpu.memref_slice %arg9[%dma_start3A_66, %dma_start3A_72] : memref<8x128xi32, #tpu.memory_space<vmem>> -> memref<1x128xi32, #tpu.memory_space<vmem>>
      %dma_start3A_74 = tpu.memref_squeeze %dma_start3A_73 : memref<1x128xi32, #tpu.memory_space<vmem>> -> memref<128xi32, #tpu.memory_space<vmem>>
      %dma_start3A_75 = arith.constant 0 : i32
      %dma_start3A_76 = arith.constant 0 : i32
      %dma_start3A_77 = tpu.memref_slice %arg2[%dma_start3A_75, %dma_start3A_76] : memref<100000x16xf32, #tpu.memory_space<hbm>> -> memref<100000x16xf32, #tpu.memory_space<hbm>>
      tpu.enqueue_indirect_dma source(%dma_start3A_77 : memref<100000x16xf32, #tpu.memory_space<hbm>>) target(%dma_start3A_71 : memref<128x16xf32, #tpu.memory_space<vmem>>) offsets(%dma_start3A_74 : memref<128xi32, #tpu.memory_space<vmem>>) semaphore(%arg13 : memref<!tpu.dma_semaphore, #tpu.memory_space<semaphore_mem>>)
      %dma_start3A_78 = arith.constant 5 : i32
      %dma_start3A_79 = arith.constant 5 : i32
      %dma_start3A_80 = arith.constant 0 : i32
      %dma_start3A_81 = arith.constant 0 : i32
      %dma_start3A_82 = tpu.memref_slice %arg12[%dma_start3A_79, %dma_start3A_80, %dma_start3A_81] : memref<8x128x16xf32, #tpu.memory_space<vmem>> -> memref<1x128x16xf32, #tpu.memory_space<vmem>>
      %dma_start3A_83 = tpu.memref_squeeze %dma_start3A_82 : memref<1x128x16xf32, #tpu.memory_space<vmem>> -> memref<128x16xf32, #tpu.memory_space<vmem>>
      %dma_start3A_84 = arith.constant 0 : i32
      %dma_start3A_85 = tpu.memref_slice %arg9[%dma_start3A_78, %dma_start3A_84] : memref<8x128xi32, #tpu.memory_space<vmem>> -> memref<1x128xi32, #tpu.memory_space<vmem>>
      %dma_start3A_86 = tpu.memref_squeeze %dma_start3A_85 : memref<1x128xi32, #tpu.memory_space<vmem>> -> memref<128xi32, #tpu.memory_space<vmem>>
      %dma_start3A_87 = arith.constant 0 : i32
      %dma_start3A_88 = arith.constant 0 : i32
      %dma_start3A_89 = tpu.memref_slice %arg2[%dma_start3A_87, %dma_start3A_88] : memref<100000x16xf32, #tpu.memory_space<hbm>> -> memref<100000x16xf32, #tpu.memory_space<hbm>>
      tpu.enqueue_indirect_dma source(%dma_start3A_89 : memref<100000x16xf32, #tpu.memory_space<hbm>>) target(%dma_start3A_83 : memref<128x16xf32, #tpu.memory_space<vmem>>) offsets(%dma_start3A_86 : memref<128xi32, #tpu.memory_space<vmem>>) semaphore(%arg13 : memref<!tpu.dma_semaphore, #tpu.memory_space<semaphore_mem>>)
      %dma_start3A_90 = arith.constant 6 : i32
      %dma_start3A_91 = arith.constant 6 : i32
      %dma_start3A_92 = arith.constant 0 : i32
      %dma_start3A_93 = arith.constant 0 : i32
      %dma_start3A_94 = tpu.memref_slice %arg12[%dma_start3A_91, %dma_start3A_92, %dma_start3A_93] : memref<8x128x16xf32, #tpu.memory_space<vmem>> -> memref<1x128x16xf32, #tpu.memory_space<vmem>>
      %dma_start3A_95 = tpu.memref_squeeze %dma_start3A_94 : memref<1x128x16xf32, #tpu.memory_space<vmem>> -> memref<128x16xf32, #tpu.memory_space<vmem>>
      %dma_start3A_96 = arith.constant 0 : i32
      %dma_start3A_97 = tpu.memref_slice %arg9[%dma_start3A_90, %dma_start3A_96] : memref<8x128xi32, #tpu.memory_space<vmem>> -> memref<1x128xi32, #tpu.memory_space<vmem>>
      %dma_start3A_98 = tpu.memref_squeeze %dma_start3A_97 : memref<1x128xi32, #tpu.memory_space<vmem>> -> memref<128xi32, #tpu.memory_space<vmem>>
      %dma_start3A_99 = arith.constant 0 : i32
      %dma_start3A_100 = arith.constant 0 : i32
      %dma_start3A_101 = tpu.memref_slice %arg2[%dma_start3A_99, %dma_start3A_100] : memref<100000x16xf32, #tpu.memory_space<hbm>> -> memref<100000x16xf32, #tpu.memory_space<hbm>>
      tpu.enqueue_indirect_dma source(%dma_start3A_101 : memref<100000x16xf32, #tpu.memory_space<hbm>>) target(%dma_start3A_95 : memref<128x16xf32, #tpu.memory_space<vmem>>) offsets(%dma_start3A_98 : memref<128xi32, #tpu.memory_space<vmem>>) semaphore(%arg13 : memref<!tpu.dma_semaphore, #tpu.memory_space<semaphore_mem>>)
      %dma_start3A_102 = arith.constant 7 : i32
      %dma_start3A_103 = arith.constant 7 : i32
      %dma_start3A_104 = arith.constant 0 : i32
      %dma_start3A_105 = arith.constant 0 : i32
      %dma_start3A_106 = tpu.memref_slice %arg12[%dma_start3A_103, %dma_start3A_104, %dma_start3A_105] : memref<8x128x16xf32, #tpu.memory_space<vmem>> -> memref<1x128x16xf32, #tpu.memory_space<vmem>>
      %dma_start3A_107 = tpu.memref_squeeze %dma_start3A_106 : memref<1x128x16xf32, #tpu.memory_space<vmem>> -> memref<128x16xf32, #tpu.memory_space<vmem>>
      %dma_start3A_108 = arith.constant 0 : i32
      %dma_start3A_109 = tpu.memref_slice %arg9[%dma_start3A_102, %dma_start3A_108] : memref<8x128xi32, #tpu.memory_space<vmem>> -> memref<1x128xi32, #tpu.memory_space<vmem>>
      %dma_start3A_110 = tpu.memref_squeeze %dma_start3A_109 : memref<1x128xi32, #tpu.memory_space<vmem>> -> memref<128xi32, #tpu.memory_space<vmem>>
      %dma_start3A_111 = arith.constant 0 : i32
      %dma_start3A_112 = arith.constant 0 : i32
      %dma_start3A_113 = tpu.memref_slice %arg2[%dma_start3A_111, %dma_start3A_112] : memref<100000x16xf32, #tpu.memory_space<hbm>> -> memref<100000x16xf32, #tpu.memory_space<hbm>>
      tpu.enqueue_indirect_dma source(%dma_start3A_113 : memref<100000x16xf32, #tpu.memory_space<hbm>>) target(%dma_start3A_107 : memref<128x16xf32, #tpu.memory_space<vmem>>) offsets(%dma_start3A_110 : memref<128xi32, #tpu.memory_space<vmem>>) semaphore(%arg13 : memref<!tpu.dma_semaphore, #tpu.memory_space<semaphore_mem>>)
      %dma_wait3A = arith.constant 0 : i32
      %dma_wait3A_114 = arith.constant 0 : i32
      %dma_wait3A_115 = arith.constant 0 : i32
      %dma_wait3A_116 = arith.constant 0 : i32
      %dma_wait3A_117 = tpu.memref_slice %arg12[%dma_wait3A_114, %dma_wait3A_115, %dma_wait3A_116] : memref<8x128x16xf32, #tpu.memory_space<vmem>> -> memref<1x128x16xf32, #tpu.memory_space<vmem>>
      %dma_wait3A_118 = tpu.memref_squeeze %dma_wait3A_117 : memref<1x128x16xf32, #tpu.memory_space<vmem>> -> memref<128x16xf32, #tpu.memory_space<vmem>>
      %dma_wait3A_119 = arith.constant 0 : i32
      %dma_wait3A_120 = tpu.memref_slice %arg9[%dma_wait3A, %dma_wait3A_119] : memref<8x128xi32, #tpu.memory_space<vmem>> -> memref<1x128xi32, #tpu.memory_space<vmem>>
      %dma_wait3A_121 = tpu.memref_squeeze %dma_wait3A_120 : memref<1x128xi32, #tpu.memory_space<vmem>> -> memref<128xi32, #tpu.memory_space<vmem>>
      %dma_wait3A_122 = arith.constant 0 : i32
      %dma_wait3A_123 = arith.constant 0 : i32
      %dma_wait3A_124 = tpu.memref_slice %arg2[%dma_wait3A_122, %dma_wait3A_123] : memref<100000x16xf32, #tpu.memory_space<hbm>> -> memref<100000x16xf32, #tpu.memory_space<hbm>>
      tpu.wait_indirect_dma semaphore(%arg13 : memref<!tpu.dma_semaphore, #tpu.memory_space<semaphore_mem>>) src(%dma_wait3A_124 : memref<100000x16xf32, #tpu.memory_space<hbm>>) dst(%dma_wait3A_118 : memref<128x16xf32, #tpu.memory_space<vmem>>)
      %dma_wait3A_125 = arith.constant 1 : i32
      %dma_wait3A_126 = arith.constant 1 : i32
      %dma_wait3A_127 = arith.constant 0 : i32
      %dma_wait3A_128 = arith.constant 0 : i32
      %dma_wait3A_129 = tpu.memref_slice %arg12[%dma_wait3A_126, %dma_wait3A_127, %dma_wait3A_128] : memref<8x128x16xf32, #tpu.memory_space<vmem>> -> memref<1x128x16xf32, #tpu.memory_space<vmem>>
      %dma_wait3A_130 = tpu.memref_squeeze %dma_wait3A_129 : memref<1x128x16xf32, #tpu.memory_space<vmem>> -> memref<128x16xf32, #tpu.memory_space<vmem>>
      %dma_wait3A_131 = arith.constant 0 : i32
      %dma_wait3A_132 = tpu.memref_slice %arg9[%dma_wait3A_125, %dma_wait3A_131] : memref<8x128xi32, #tpu.memory_space<vmem>> -> memref<1x128xi32, #tpu.memory_space<vmem>>
      %dma_wait3A_133 = tpu.memref_squeeze %dma_wait3A_132 : memref<1x128xi32, #tpu.memory_space<vmem>> -> memref<128xi32, #tpu.memory_space<vmem>>
      %dma_wait3A_134 = arith.constant 0 : i32
      %dma_wait3A_135 = arith.constant 0 : i32
      %dma_wait3A_136 = tpu.memref_slice %arg2[%dma_wait3A_134, %dma_wait3A_135] : memref<100000x16xf32, #tpu.memory_space<hbm>> -> memref<100000x16xf32, #tpu.memory_space<hbm>>
      tpu.wait_indirect_dma semaphore(%arg13 : memref<!tpu.dma_semaphore, #tpu.memory_space<semaphore_mem>>) src(%dma_wait3A_136 : memref<100000x16xf32, #tpu.memory_space<hbm>>) dst(%dma_wait3A_130 : memref<128x16xf32, #tpu.memory_space<vmem>>)
      %dma_wait3A_137 = arith.constant 2 : i32
      %dma_wait3A_138 = arith.constant 2 : i32
      %dma_wait3A_139 = arith.constant 0 : i32
      %dma_wait3A_140 = arith.constant 0 : i32
      %dma_wait3A_141 = tpu.memref_slice %arg12[%dma_wait3A_138, %dma_wait3A_139, %dma_wait3A_140] : memref<8x128x16xf32, #tpu.memory_space<vmem>> -> memref<1x128x16xf32, #tpu.memory_space<vmem>>
      %dma_wait3A_142 = tpu.memref_squeeze %dma_wait3A_141 : memref<1x128x16xf32, #tpu.memory_space<vmem>> -> memref<128x16xf32, #tpu.memory_space<vmem>>
      %dma_wait3A_143 = arith.constant 0 : i32
      %dma_wait3A_144 = tpu.memref_slice %arg9[%dma_wait3A_137, %dma_wait3A_143] : memref<8x128xi32, #tpu.memory_space<vmem>> -> memref<1x128xi32, #tpu.memory_space<vmem>>
      %dma_wait3A_145 = tpu.memref_squeeze %dma_wait3A_144 : memref<1x128xi32, #tpu.memory_space<vmem>> -> memref<128xi32, #tpu.memory_space<vmem>>
      %dma_wait3A_146 = arith.constant 0 : i32
      %dma_wait3A_147 = arith.constant 0 : i32
      %dma_wait3A_148 = tpu.memref_slice %arg2[%dma_wait3A_146, %dma_wait3A_147] : memref<100000x16xf32, #tpu.memory_space<hbm>> -> memref<100000x16xf32, #tpu.memory_space<hbm>>
      tpu.wait_indirect_dma semaphore(%arg13 : memref<!tpu.dma_semaphore, #tpu.memory_space<semaphore_mem>>) src(%dma_wait3A_148 : memref<100000x16xf32, #tpu.memory_space<hbm>>) dst(%dma_wait3A_142 : memref<128x16xf32, #tpu.memory_space<vmem>>)
      %dma_wait3A_149 = arith.constant 3 : i32
      %dma_wait3A_150 = arith.constant 3 : i32
      %dma_wait3A_151 = arith.constant 0 : i32
      %dma_wait3A_152 = arith.constant 0 : i32
      %dma_wait3A_153 = tpu.memref_slice %arg12[%dma_wait3A_150, %dma_wait3A_151, %dma_wait3A_152] : memref<8x128x16xf32, #tpu.memory_space<vmem>> -> memref<1x128x16xf32, #tpu.memory_space<vmem>>
      %dma_wait3A_154 = tpu.memref_squeeze %dma_wait3A_153 : memref<1x128x16xf32, #tpu.memory_space<vmem>> -> memref<128x16xf32, #tpu.memory_space<vmem>>
      %dma_wait3A_155 = arith.constant 0 : i32
      %dma_wait3A_156 = tpu.memref_slice %arg9[%dma_wait3A_149, %dma_wait3A_155] : memref<8x128xi32, #tpu.memory_space<vmem>> -> memref<1x128xi32, #tpu.memory_space<vmem>>
      %dma_wait3A_157 = tpu.memref_squeeze %dma_wait3A_156 : memref<1x128xi32, #tpu.memory_space<vmem>> -> memref<128xi32, #tpu.memory_space<vmem>>
      %dma_wait3A_158 = arith.constant 0 : i32
      %dma_wait3A_159 = arith.constant 0 : i32
      %dma_wait3A_160 = tpu.memref_slice %arg2[%dma_wait3A_158, %dma_wait3A_159] : memref<100000x16xf32, #tpu.memory_space<hbm>> -> memref<100000x16xf32, #tpu.memory_space<hbm>>
      tpu.wait_indirect_dma semaphore(%arg13 : memref<!tpu.dma_semaphore, #tpu.memory_space<semaphore_mem>>) src(%dma_wait3A_160 : memref<100000x16xf32, #tpu.memory_space<hbm>>) dst(%dma_wait3A_154 : memref<128x16xf32, #tpu.memory_space<vmem>>)
      %dma_wait3A_161 = arith.constant 4 : i32
      %dma_wait3A_162 = arith.constant 4 : i32
      %dma_wait3A_163 = arith.constant 0 : i32
      %dma_wait3A_164 = arith.constant 0 : i32
      %dma_wait3A_165 = tpu.memref_slice %arg12[%dma_wait3A_162, %dma_wait3A_163, %dma_wait3A_164] : memref<8x128x16xf32, #tpu.memory_space<vmem>> -> memref<1x128x16xf32, #tpu.memory_space<vmem>>
      %dma_wait3A_166 = tpu.memref_squeeze %dma_wait3A_165 : memref<1x128x16xf32, #tpu.memory_space<vmem>> -> memref<128x16xf32, #tpu.memory_space<vmem>>
      %dma_wait3A_167 = arith.constant 0 : i32
      %dma_wait3A_168 = tpu.memref_slice %arg9[%dma_wait3A_161, %dma_wait3A_167] : memref<8x128xi32, #tpu.memory_space<vmem>> -> memref<1x128xi32, #tpu.memory_space<vmem>>
      %dma_wait3A_169 = tpu.memref_squeeze %dma_wait3A_168 : memref<1x128xi32, #tpu.memory_space<vmem>> -> memref<128xi32, #tpu.memory_space<vmem>>
      %dma_wait3A_170 = arith.constant 0 : i32
      %dma_wait3A_171 = arith.constant 0 : i32
      %dma_wait3A_172 = tpu.memref_slice %arg2[%dma_wait3A_170, %dma_wait3A_171] : memref<100000x16xf32, #tpu.memory_space<hbm>> -> memref<100000x16xf32, #tpu.memory_space<hbm>>
      tpu.wait_indirect_dma semaphore(%arg13 : memref<!tpu.dma_semaphore, #tpu.memory_space<semaphore_mem>>) src(%dma_wait3A_172 : memref<100000x16xf32, #tpu.memory_space<hbm>>) dst(%dma_wait3A_166 : memref<128x16xf32, #tpu.memory_space<vmem>>)
      %dma_wait3A_173 = arith.constant 5 : i32
      %dma_wait3A_174 = arith.constant 5 : i32
      %dma_wait3A_175 = arith.constant 0 : i32
      %dma_wait3A_176 = arith.constant 0 : i32
      %dma_wait3A_177 = tpu.memref_slice %arg12[%dma_wait3A_174, %dma_wait3A_175, %dma_wait3A_176] : memref<8x128x16xf32, #tpu.memory_space<vmem>> -> memref<1x128x16xf32, #tpu.memory_space<vmem>>
      %dma_wait3A_178 = tpu.memref_squeeze %dma_wait3A_177 : memref<1x128x16xf32, #tpu.memory_space<vmem>> -> memref<128x16xf32, #tpu.memory_space<vmem>>
      %dma_wait3A_179 = arith.constant 0 : i32
      %dma_wait3A_180 = tpu.memref_slice %arg9[%dma_wait3A_173, %dma_wait3A_179] : memref<8x128xi32, #tpu.memory_space<vmem>> -> memref<1x128xi32, #tpu.memory_space<vmem>>
      %dma_wait3A_181 = tpu.memref_squeeze %dma_wait3A_180 : memref<1x128xi32, #tpu.memory_space<vmem>> -> memref<128xi32, #tpu.memory_space<vmem>>
      %dma_wait3A_182 = arith.constant 0 : i32
      %dma_wait3A_183 = arith.constant 0 : i32
      %dma_wait3A_184 = tpu.memref_slice %arg2[%dma_wait3A_182, %dma_wait3A_183] : memref<100000x16xf32, #tpu.memory_space<hbm>> -> memref<100000x16xf32, #tpu.memory_space<hbm>>
      tpu.wait_indirect_dma semaphore(%arg13 : memref<!tpu.dma_semaphore, #tpu.memory_space<semaphore_mem>>) src(%dma_wait3A_184 : memref<100000x16xf32, #tpu.memory_space<hbm>>) dst(%dma_wait3A_178 : memref<128x16xf32, #tpu.memory_space<vmem>>)
      %dma_wait3A_185 = arith.constant 6 : i32
      %dma_wait3A_186 = arith.constant 6 : i32
      %dma_wait3A_187 = arith.constant 0 : i32
      %dma_wait3A_188 = arith.constant 0 : i32
      %dma_wait3A_189 = tpu.memref_slice %arg12[%dma_wait3A_186, %dma_wait3A_187, %dma_wait3A_188] : memref<8x128x16xf32, #tpu.memory_space<vmem>> -> memref<1x128x16xf32, #tpu.memory_space<vmem>>
      %dma_wait3A_190 = tpu.memref_squeeze %dma_wait3A_189 : memref<1x128x16xf32, #tpu.memory_space<vmem>> -> memref<128x16xf32, #tpu.memory_space<vmem>>
      %dma_wait3A_191 = arith.constant 0 : i32
      %dma_wait3A_192 = tpu.memref_slice %arg9[%dma_wait3A_185, %dma_wait3A_191] : memref<8x128xi32, #tpu.memory_space<vmem>> -> memref<1x128xi32, #tpu.memory_space<vmem>>
      %dma_wait3A_193 = tpu.memref_squeeze %dma_wait3A_192 : memref<1x128xi32, #tpu.memory_space<vmem>> -> memref<128xi32, #tpu.memory_space<vmem>>
      %dma_wait3A_194 = arith.constant 0 : i32
      %dma_wait3A_195 = arith.constant 0 : i32
      %dma_wait3A_196 = tpu.memref_slice %arg2[%dma_wait3A_194, %dma_wait3A_195] : memref<100000x16xf32, #tpu.memory_space<hbm>> -> memref<100000x16xf32, #tpu.memory_space<hbm>>
      tpu.wait_indirect_dma semaphore(%arg13 : memref<!tpu.dma_semaphore, #tpu.memory_space<semaphore_mem>>) src(%dma_wait3A_196 : memref<100000x16xf32, #tpu.memory_space<hbm>>) dst(%dma_wait3A_190 : memref<128x16xf32, #tpu.memory_space<vmem>>)
      %dma_wait3A_197 = arith.constant 7 : i32
      %dma_wait3A_198 = arith.constant 7 : i32
      %dma_wait3A_199 = arith.constant 0 : i32
      %dma_wait3A_200 = arith.constant 0 : i32
      %dma_wait3A_201 = tpu.memref_slice %arg12[%dma_wait3A_198, %dma_wait3A_199, %dma_wait3A_200] : memref<8x128x16xf32, #tpu.memory_space<vmem>> -> memref<1x128x16xf32, #tpu.memory_space<vmem>>
      %dma_wait3A_202 = tpu.memref_squeeze %dma_wait3A_201 : memref<1x128x16xf32, #tpu.memory_space<vmem>> -> memref<128x16xf32, #tpu.memory_space<vmem>>
      %dma_wait3A_203 = arith.constant 0 : i32
      %dma_wait3A_204 = tpu.memref_slice %arg9[%dma_wait3A_197, %dma_wait3A_203] : memref<8x128xi32, #tpu.memory_space<vmem>> -> memref<1x128xi32, #tpu.memory_space<vmem>>
      %dma_wait3A_205 = tpu.memref_squeeze %dma_wait3A_204 : memref<1x128xi32, #tpu.memory_space<vmem>> -> memref<128xi32, #tpu.memory_space<vmem>>
      %dma_wait3A_206 = arith.constant 0 : i32
      %dma_wait3A_207 = arith.constant 0 : i32
      %dma_wait3A_208 = tpu.memref_slice %arg2[%dma_wait3A_206, %dma_wait3A_207] : memref<100000x16xf32, #tpu.memory_space<hbm>> -> memref<100000x16xf32, #tpu.memory_space<hbm>>
      tpu.wait_indirect_dma semaphore(%arg13 : memref<!tpu.dma_semaphore, #tpu.memory_space<semaphore_mem>>) src(%dma_wait3A_208 : memref<100000x16xf32, #tpu.memory_space<hbm>>) dst(%dma_wait3A_202 : memref<128x16xf32, #tpu.memory_space<vmem>>)
      %parallel_loop3A = arith.constant 0 : i32
      %parallel_loop3A_209 = arith.constant 128 : i32
      %parallel_loop3A_210 = arith.constant 16 : i32
      scf.for %parallel_loop3A_424 = %parallel_loop3A to %parallel_loop3A_209 step %parallel_loop3A_210  : i32 {
        %parallel_loop3A_425 = arith.constant 0 : i32
        %parallel_loop3A_426 = arith.index_cast %parallel_loop3A_425 : i32 to index
        %parallel_loop3A_427 = arith.index_cast %parallel_loop3A_424 : i32 to index
        %parallel_loop3A_428 = tpu.vector_load %arg11[%parallel_loop3A_426, %parallel_loop3A_427] {strides = array<i32>} : memref<8x128xf32, #tpu.memory_space<vmem>>, vector<1x16xf32>,
        %parallel_loop3A_429 = vector.shape_cast %parallel_loop3A_428 : vector<1x16xf32> to vector<16xf32>
        %parallel_loop3A_430 = arith.constant 0 : i32
        %parallel_loop3A_431 = arith.addi %parallel_loop3A_424, %parallel_loop3A_430 : i32
        %parallel_loop3A_432 = arith.constant 0 : i32
        %parallel_loop3A_433 = arith.index_cast %parallel_loop3A_432 : i32 to index
        %parallel_loop3A_434 = arith.index_cast %parallel_loop3A_431 : i32 to index
        %parallel_loop3A_435 = arith.constant 0 : index
        %parallel_loop3A_436 = tpu.vector_load %arg12[%parallel_loop3A_433, %parallel_loop3A_434, %parallel_loop3A_435] {strides = array<i32>} : memref<8x128x16xf32, #tpu.memory_space<vmem>>, vector<1x1x16xf32>,
        %parallel_loop3A_437 = vector.shape_cast %parallel_loop3A_436 : vector<1x1x16xf32> to vector<16xf32>
        %parallel_loop3A_438 = vector.extract_strided_slice %parallel_loop3A_429 {offsets = [0], sizes = [1], strides = [1]} : vector<16xf32> to vector<1xf32>
        %parallel_loop3A_439 = vector.extract %parallel_loop3A_438[0] : f32 from vector<1xf32>
        %parallel_loop3A_440 = vector.broadcast %parallel_loop3A_439 : f32 to vector<16xf32>
        %parallel_loop3A_441 = arith.mulf %parallel_loop3A_437, %parallel_loop3A_440 : vector<16xf32>
        %parallel_loop3A_442 = arith.constant 0 : i32
        %parallel_loop3A_443 = arith.addi %parallel_loop3A_424, %parallel_loop3A_442 : i32
        %parallel_loop3A_444 = arith.constant 0 : i32
        %parallel_loop3A_445 = arith.index_cast %parallel_loop3A_444 : i32 to index
        %parallel_loop3A_446 = arith.index_cast %parallel_loop3A_443 : i32 to index
        %parallel_loop3A_447 = arith.constant 0 : index
        %parallel_loop3A_448 = tpu.vector_load %arg12[%parallel_loop3A_445, %parallel_loop3A_446, %parallel_loop3A_447] {strides = array<i32>} : memref<8x128x16xf32, #tpu.memory_space<vmem>>, vector<1x1x16xf32>,
        %parallel_loop3A_449 = vector.shape_cast %parallel_loop3A_448 : vector<1x1x16xf32> to vector<16xf32>
        %parallel_loop3A_450 = vector.shape_cast %parallel_loop3A_441 : vector<16xf32> to vector<1x1x16xf32>
        tpu.vector_store %arg12[%parallel_loop3A_445, %parallel_loop3A_446, %parallel_loop3A_447], %parallel_loop3A_450 {strides = array<i32>} : memref<8x128x16xf32, #tpu.memory_space<vmem>>, vector<1x1x16xf32>,
        %parallel_loop3A_451 = arith.constant 1 : i32
        %parallel_loop3A_452 = arith.addi %parallel_loop3A_424, %parallel_loop3A_451 : i32
        %parallel_loop3A_453 = arith.constant 0 : i32
        %parallel_loop3A_454 = arith.index_cast %parallel_loop3A_453 : i32 to index
        %parallel_loop3A_455 = arith.index_cast %parallel_loop3A_452 : i32 to index
        %parallel_loop3A_456 = arith.constant 0 : index
        %parallel_loop3A_457 = tpu.vector_load %arg12[%parallel_loop3A_454, %parallel_loop3A_455, %parallel_loop3A_456] {strides = array<i32>} : memref<8x128x16xf32, #tpu.memory_space<vmem>>, vector<1x1x16xf32>,
        %parallel_loop3A_458 = vector.shape_cast %parallel_loop3A_457 : vector<1x1x16xf32> to vector<16xf32>
        %parallel_loop3A_459 = vector.extract_strided_slice %parallel_loop3A_429 {offsets = [1], sizes = [1], strides = [1]} : vector<16xf32> to vector<1xf32>
        %parallel_loop3A_460 = vector.extract %parallel_loop3A_459[0] : f32 from vector<1xf32>
        %parallel_loop3A_461 = vector.broadcast %parallel_loop3A_460 : f32 to vector<16xf32>
        %parallel_loop3A_462 = arith.mulf %parallel_loop3A_458, %parallel_loop3A_461 : vector<16xf32>
        %parallel_loop3A_463 = arith.constant 1 : i32
        %parallel_loop3A_464 = arith.addi %parallel_loop3A_424, %parallel_loop3A_463 : i32
        %parallel_loop3A_465 = arith.constant 0 : i32
        %parallel_loop3A_466 = arith.index_cast %parallel_loop3A_465 : i32 to index
        %parallel_loop3A_467 = arith.index_cast %parallel_loop3A_464 : i32 to index
        %parallel_loop3A_468 = arith.constant 0 : index
        %parallel_loop3A_469 = tpu.vector_load %arg12[%parallel_loop3A_466, %parallel_loop3A_467, %parallel_loop3A_468] {strides = array<i32>} : memref<8x128x16xf32, #tpu.memory_space<vmem>>, vector<1x1x16xf32>,
        %parallel_loop3A_470 = vector.shape_cast %parallel_loop3A_469 : vector<1x1x16xf32> to vector<16xf32>
        %parallel_loop3A_471 = vector.shape_cast %parallel_loop3A_462 : vector<16xf32> to vector<1x1x16xf32>
        tpu.vector_store %arg12[%parallel_loop3A_466, %parallel_loop3A_467, %parallel_loop3A_468], %parallel_loop3A_471 {strides = array<i32>} : memref<8x128x16xf32, #tpu.memory_space<vmem>>, vector<1x1x16xf32>,
        %parallel_loop3A_472 = arith.constant 2 : i32
        %parallel_loop3A_473 = arith.addi %parallel_loop3A_424, %parallel_loop3A_472 : i32
        %parallel_loop3A_474 = arith.constant 0 : i32
        %parallel_loop3A_475 = arith.index_cast %parallel_loop3A_474 : i32 to index
        %parallel_loop3A_476 = arith.index_cast %parallel_loop3A_473 : i32 to index
        %parallel_loop3A_477 = arith.constant 0 : index
        %parallel_loop3A_478 = tpu.vector_load %arg12[%parallel_loop3A_475, %parallel_loop3A_476, %parallel_loop3A_477] {strides = array<i32>} : memref<8x128x16xf32, #tpu.memory_space<vmem>>, vector<1x1x16xf32>,
        %parallel_loop3A_479 = vector.shape_cast %parallel_loop3A_478 : vector<1x1x16xf32> to vector<16xf32>
        %parallel_loop3A_480 = vector.extract_strided_slice %parallel_loop3A_429 {offsets = [2], sizes = [1], strides = [1]} : vector<16xf32> to vector<1xf32>
        %parallel_loop3A_481 = vector.extract %parallel_loop3A_480[0] : f32 from vector<1xf32>
        %parallel_loop3A_482 = vector.broadcast %parallel_loop3A_481 : f32 to vector<16xf32>
        %parallel_loop3A_483 = arith.mulf %parallel_loop3A_479, %parallel_loop3A_482 : vector<16xf32>
        %parallel_loop3A_484 = arith.constant 2 : i32
        %parallel_loop3A_485 = arith.addi %parallel_loop3A_424, %parallel_loop3A_484 : i32
        %parallel_loop3A_486 = arith.constant 0 : i32
        %parallel_loop3A_487 = arith.index_cast %parallel_loop3A_486 : i32 to index
        %parallel_loop3A_488 = arith.index_cast %parallel_loop3A_485 : i32 to index
        %parallel_loop3A_489 = arith.constant 0 : index
        %parallel_loop3A_490 = tpu.vector_load %arg12[%parallel_loop3A_487, %parallel_loop3A_488, %parallel_loop3A_489] {strides = array<i32>} : memref<8x128x16xf32, #tpu.memory_space<vmem>>, vector<1x1x16xf32>,
        %parallel_loop3A_491 = vector.shape_cast %parallel_loop3A_490 : vector<1x1x16xf32> to vector<16xf32>
        %parallel_loop3A_492 = vector.shape_cast %parallel_loop3A_483 : vector<16xf32> to vector<1x1x16xf32>
        tpu.vector_store %arg12[%parallel_loop3A_487, %parallel_loop3A_488, %parallel_loop3A_489], %parallel_loop3A_492 {strides = array<i32>} : memref<8x128x16xf32, #tpu.memory_space<vmem>>, vector<1x1x16xf32>,
        %parallel_loop3A_493 = arith.constant 3 : i32
        %parallel_loop3A_494 = arith.addi %parallel_loop3A_424, %parallel_loop3A_493 : i32
        %parallel_loop3A_495 = arith.constant 0 : i32
        %parallel_loop3A_496 = arith.index_cast %parallel_loop3A_495 : i32 to index
        %parallel_loop3A_497 = arith.index_cast %parallel_loop3A_494 : i32 to index
        %parallel_loop3A_498 = arith.constant 0 : index
        %parallel_loop3A_499 = tpu.vector_load %arg12[%parallel_loop3A_496, %parallel_loop3A_497, %parallel_loop3A_498] {strides = array<i32>} : memref<8x128x16xf32, #tpu.memory_space<vmem>>, vector<1x1x16xf32>,
        %parallel_loop3A_500 = vector.shape_cast %parallel_loop3A_499 : vector<1x1x16xf32> to vector<16xf32>
        %parallel_loop3A_501 = vector.extract_strided_slice %parallel_loop3A_429 {offsets = [3], sizes = [1], strides = [1]} : vector<16xf32> to vector<1xf32>
        %parallel_loop3A_502 = vector.extract %parallel_loop3A_501[0] : f32 from vector<1xf32>
        %parallel_loop3A_503 = vector.broadcast %parallel_loop3A_502 : f32 to vector<16xf32>
        %parallel_loop3A_504 = arith.mulf %parallel_loop3A_500, %parallel_loop3A_503 : vector<16xf32>
        %parallel_loop3A_505 = arith.constant 3 : i32
        %parallel_loop3A_506 = arith.addi %parallel_loop3A_424, %parallel_loop3A_505 : i32
        %parallel_loop3A_507 = arith.constant 0 : i32
        %parallel_loop3A_508 = arith.index_cast %parallel_loop3A_507 : i32 to index
        %parallel_loop3A_509 = arith.index_cast %parallel_loop3A_506 : i32 to index
        %parallel_loop3A_510 = arith.constant 0 : index
        %parallel_loop3A_511 = tpu.vector_load %arg12[%parallel_loop3A_508, %parallel_loop3A_509, %parallel_loop3A_510] {strides = array<i32>} : memref<8x128x16xf32, #tpu.memory_space<vmem>>, vector<1x1x16xf32>,
        %parallel_loop3A_512 = vector.shape_cast %parallel_loop3A_511 : vector<1x1x16xf32> to vector<16xf32>
        %parallel_loop3A_513 = vector.shape_cast %parallel_loop3A_504 : vector<16xf32> to vector<1x1x16xf32>
        tpu.vector_store %arg12[%parallel_loop3A_508, %parallel_loop3A_509, %parallel_loop3A_510], %parallel_loop3A_513 {strides = array<i32>} : memref<8x128x16xf32, #tpu.memory_space<vmem>>, vector<1x1x16xf32>,
        %parallel_loop3A_514 = arith.constant 4 : i32
        %parallel_loop3A_515 = arith.addi %parallel_loop3A_424, %parallel_loop3A_514 : i32
        %parallel_loop3A_516 = arith.constant 0 : i32
        %parallel_loop3A_517 = arith.index_cast %parallel_loop3A_516 : i32 to index
        %parallel_loop3A_518 = arith.index_cast %parallel_loop3A_515 : i32 to index
        %parallel_loop3A_519 = arith.constant 0 : index
        %parallel_loop3A_520 = tpu.vector_load %arg12[%parallel_loop3A_517, %parallel_loop3A_518, %parallel_loop3A_519] {strides = array<i32>} : memref<8x128x16xf32, #tpu.memory_space<vmem>>, vector<1x1x16xf32>,
        %parallel_loop3A_521 = vector.shape_cast %parallel_loop3A_520 : vector<1x1x16xf32> to vector<16xf32>
        %parallel_loop3A_522 = vector.extract_strided_slice %parallel_loop3A_429 {offsets = [4], sizes = [1], strides = [1]} : vector<16xf32> to vector<1xf32>
        %parallel_loop3A_523 = vector.extract %parallel_loop3A_522[0] : f32 from vector<1xf32>
        %parallel_loop3A_524 = vector.broadcast %parallel_loop3A_523 : f32 to vector<16xf32>
        %parallel_loop3A_525 = arith.mulf %parallel_loop3A_521, %parallel_loop3A_524 : vector<16xf32>
        %parallel_loop3A_526 = arith.constant 4 : i32
        %parallel_loop3A_527 = arith.addi %parallel_loop3A_424, %parallel_loop3A_526 : i32
        %parallel_loop3A_528 = arith.constant 0 : i32
        %parallel_loop3A_529 = arith.index_cast %parallel_loop3A_528 : i32 to index
        %parallel_loop3A_530 = arith.index_cast %parallel_loop3A_527 : i32 to index
        %parallel_loop3A_531 = arith.constant 0 : index
        %parallel_loop3A_532 = tpu.vector_load %arg12[%parallel_loop3A_529, %parallel_loop3A_530, %parallel_loop3A_531] {strides = array<i32>} : memref<8x128x16xf32, #tpu.memory_space<vmem>>, vector<1x1x16xf32>,
        %parallel_loop3A_533 = vector.shape_cast %parallel_loop3A_532 : vector<1x1x16xf32> to vector<16xf32>
        %parallel_loop3A_534 = vector.shape_cast %parallel_loop3A_525 : vector<16xf32> to vector<1x1x16xf32>
        tpu.vector_store %arg12[%parallel_loop3A_529, %parallel_loop3A_530, %parallel_loop3A_531], %parallel_loop3A_534 {strides = array<i32>} : memref<8x128x16xf32, #tpu.memory_space<vmem>>, vector<1x1x16xf32>,
        %parallel_loop3A_535 = arith.constant 5 : i32
        %parallel_loop3A_536 = arith.addi %parallel_loop3A_424, %parallel_loop3A_535 : i32
        %parallel_loop3A_537 = arith.constant 0 : i32
        %parallel_loop3A_538 = arith.index_cast %parallel_loop3A_537 : i32 to index
        %parallel_loop3A_539 = arith.index_cast %parallel_loop3A_536 : i32 to index
        %parallel_loop3A_540 = arith.constant 0 : index
        %parallel_loop3A_541 = tpu.vector_load %arg12[%parallel_loop3A_538, %parallel_loop3A_539, %parallel_loop3A_540] {strides = array<i32>} : memref<8x128x16xf32, #tpu.memory_space<vmem>>, vector<1x1x16xf32>,
        %parallel_loop3A_542 = vector.shape_cast %parallel_loop3A_541 : vector<1x1x16xf32> to vector<16xf32>
        %parallel_loop3A_543 = vector.extract_strided_slice %parallel_loop3A_429 {offsets = [5], sizes = [1], strides = [1]} : vector<16xf32> to vector<1xf32>
        %parallel_loop3A_544 = vector.extract %parallel_loop3A_543[0] : f32 from vector<1xf32>
        %parallel_loop3A_545 = vector.broadcast %parallel_loop3A_544 : f32 to vector<16xf32>
        %parallel_loop3A_546 = arith.mulf %parallel_loop3A_542, %parallel_loop3A_545 : vector<16xf32>
        %parallel_loop3A_547 = arith.constant 5 : i32
        %parallel_loop3A_548 = arith.addi %parallel_loop3A_424, %parallel_loop3A_547 : i32
        %parallel_loop3A_549 = arith.constant 0 : i32
        %parallel_loop3A_550 = arith.index_cast %parallel_loop3A_549 : i32 to index
        %parallel_loop3A_551 = arith.index_cast %parallel_loop3A_548 : i32 to index
        %parallel_loop3A_552 = arith.constant 0 : index
        %parallel_loop3A_553 = tpu.vector_load %arg12[%parallel_loop3A_550, %parallel_loop3A_551, %parallel_loop3A_552] {strides = array<i32>} : memref<8x128x16xf32, #tpu.memory_space<vmem>>, vector<1x1x16xf32>,
        %parallel_loop3A_554 = vector.shape_cast %parallel_loop3A_553 : vector<1x1x16xf32> to vector<16xf32>
        %parallel_loop3A_555 = vector.shape_cast %parallel_loop3A_546 : vector<16xf32> to vector<1x1x16xf32>
        tpu.vector_store %arg12[%parallel_loop3A_550, %parallel_loop3A_551, %parallel_loop3A_552], %parallel_loop3A_555 {strides = array<i32>} : memref<8x128x16xf32, #tpu.memory_space<vmem>>, vector<1x1x16xf32>,
        %parallel_loop3A_556 = arith.constant 6 : i32
        %parallel_loop3A_557 = arith.addi %parallel_loop3A_424, %parallel_loop3A_556 : i32
        %parallel_loop3A_558 = arith.constant 0 : i32
        %parallel_loop3A_559 = arith.index_cast %parallel_loop3A_558 : i32 to index
        %parallel_loop3A_560 = arith.index_cast %parallel_loop3A_557 : i32 to index
        %parallel_loop3A_561 = arith.constant 0 : index
        %parallel_loop3A_562 = tpu.vector_load %arg12[%parallel_loop3A_559, %parallel_loop3A_560, %parallel_loop3A_561] {strides = array<i32>} : memref<8x128x16xf32, #tpu.memory_space<vmem>>, vector<1x1x16xf32>,
        %parallel_loop3A_563 = vector.shape_cast %parallel_loop3A_562 : vector<1x1x16xf32> to vector<16xf32>
        %parallel_loop3A_564 = vector.extract_strided_slice %parallel_loop3A_429 {offsets = [6], sizes = [1], strides = [1]} : vector<16xf32> to vector<1xf32>
        %parallel_loop3A_565 = vector.extract %parallel_loop3A_564[0] : f32 from vector<1xf32>
        %parallel_loop3A_566 = vector.broadcast %parallel_loop3A_565 : f32 to vector<16xf32>
        %parallel_loop3A_567 = arith.mulf %parallel_loop3A_563, %parallel_loop3A_566 : vector<16xf32>
        %parallel_loop3A_568 = arith.constant 6 : i32
        %parallel_loop3A_569 = arith.addi %parallel_loop3A_424, %parallel_loop3A_568 : i32
        %parallel_loop3A_570 = arith.constant 0 : i32
        %parallel_loop3A_571 = arith.index_cast %parallel_loop3A_570 : i32 to index
        %parallel_loop3A_572 = arith.index_cast %parallel_loop3A_569 : i32 to index
        %parallel_loop3A_573 = arith.constant 0 : index
        %parallel_loop3A_574 = tpu.vector_load %arg12[%parallel_loop3A_571, %parallel_loop3A_572, %parallel_loop3A_573] {strides = array<i32>} : memref<8x128x16xf32, #tpu.memory_space<vmem>>, vector<1x1x16xf32>,
        %parallel_loop3A_575 = vector.shape_cast %parallel_loop3A_574 : vector<1x1x16xf32> to vector<16xf32>
        %parallel_loop3A_576 = vector.shape_cast %parallel_loop3A_567 : vector<16xf32> to vector<1x1x16xf32>
        tpu.vector_store %arg12[%parallel_loop3A_571, %parallel_loop3A_572, %parallel_loop3A_573], %parallel_loop3A_576 {strides = array<i32>} : memref<8x128x16xf32, #tpu.memory_space<vmem>>, vector<1x1x16xf32>,
        %parallel_loop3A_577 = arith.constant 7 : i32
        %parallel_loop3A_578 = arith.addi %parallel_loop3A_424, %parallel_loop3A_577 : i32
        %parallel_loop3A_579 = arith.constant 0 : i32
        %parallel_loop3A_580 = arith.index_cast %parallel_loop3A_579 : i32 to index
        %parallel_loop3A_581 = arith.index_cast %parallel_loop3A_578 : i32 to index
        %parallel_loop3A_582 = arith.constant 0 : index
        %parallel_loop3A_583 = tpu.vector_load %arg12[%parallel_loop3A_580, %parallel_loop3A_581, %parallel_loop3A_582] {strides = array<i32>} : memref<8x128x16xf32, #tpu.memory_space<vmem>>, vector<1x1x16xf32>,
        %parallel_loop3A_584 = vector.shape_cast %parallel_loop3A_583 : vector<1x1x16xf32> to vector<16xf32>
        %parallel_loop3A_585 = vector.extract_strided_slice %parallel_loop3A_429 {offsets = [7], sizes = [1], strides = [1]} : vector<16xf32> to vector<1xf32>
        %parallel_loop3A_586 = vector.extract %parallel_loop3A_585[0] : f32 from vector<1xf32>
        %parallel_loop3A_587 = vector.broadcast %parallel_loop3A_586 : f32 to vector<16xf32>
        %parallel_loop3A_588 = arith.mulf %parallel_loop3A_584, %parallel_loop3A_587 : vector<16xf32>
        %parallel_loop3A_589 = arith.constant 7 : i32
        %parallel_loop3A_590 = arith.addi %parallel_loop3A_424, %parallel_loop3A_589 : i32
        %parallel_loop3A_591 = arith.constant 0 : i32
        %parallel_loop3A_592 = arith.index_cast %parallel_loop3A_591 : i32 to index
        %parallel_loop3A_593 = arith.index_cast %parallel_loop3A_590 : i32 to index
        %parallel_loop3A_594 = arith.constant 0 : index
        %parallel_loop3A_595 = tpu.vector_load %arg12[%parallel_loop3A_592, %parallel_loop3A_593, %parallel_loop3A_594] {strides = array<i32>} : memref<8x128x16xf32, #tpu.memory_space<vmem>>, vector<1x1x16xf32>,
        %parallel_loop3A_596 = vector.shape_cast %parallel_loop3A_595 : vector<1x1x16xf32> to vector<16xf32>
        %parallel_loop3A_597 = vector.shape_cast %parallel_loop3A_588 : vector<16xf32> to vector<1x1x16xf32>
        tpu.vector_store %arg12[%parallel_loop3A_592, %parallel_loop3A_593, %parallel_loop3A_594], %parallel_loop3A_597 {strides = array<i32>} : memref<8x128x16xf32, #tpu.memory_space<vmem>>, vector<1x1x16xf32>,
        %parallel_loop3A_598 = arith.constant 8 : i32
        %parallel_loop3A_599 = arith.addi %parallel_loop3A_424, %parallel_loop3A_598 : i32
        %parallel_loop3A_600 = arith.constant 0 : i32
        %parallel_loop3A_601 = arith.index_cast %parallel_loop3A_600 : i32 to index
        %parallel_loop3A_602 = arith.index_cast %parallel_loop3A_599 : i32 to index
        %parallel_loop3A_603 = arith.constant 0 : index
        %parallel_loop3A_604 = tpu.vector_load %arg12[%parallel_loop3A_601, %parallel_loop3A_602, %parallel_loop3A_603] {strides = array<i32>} : memref<8x128x16xf32, #tpu.memory_space<vmem>>, vector<1x1x16xf32>,
        %parallel_loop3A_605 = vector.shape_cast %parallel_loop3A_604 : vector<1x1x16xf32> to vector<16xf32>
        %parallel_loop3A_606 = vector.extract_strided_slice %parallel_loop3A_429 {offsets = [8], sizes = [1], strides = [1]} : vector<16xf32> to vector<1xf32>
        %parallel_loop3A_607 = vector.extract %parallel_loop3A_606[0] : f32 from vector<1xf32>
        %parallel_loop3A_608 = vector.broadcast %parallel_loop3A_607 : f32 to vector<16xf32>
        %parallel_loop3A_609 = arith.mulf %parallel_loop3A_605, %parallel_loop3A_608 : vector<16xf32>
        %parallel_loop3A_610 = arith.constant 8 : i32
        %parallel_loop3A_611 = arith.addi %parallel_loop3A_424, %parallel_loop3A_610 : i32
        %parallel_loop3A_612 = arith.constant 0 : i32
        %parallel_loop3A_613 = arith.index_cast %parallel_loop3A_612 : i32 to index
        %parallel_loop3A_614 = arith.index_cast %parallel_loop3A_611 : i32 to index
        %parallel_loop3A_615 = arith.constant 0 : index
        %parallel_loop3A_616 = tpu.vector_load %arg12[%parallel_loop3A_613, %parallel_loop3A_614, %parallel_loop3A_615] {strides = array<i32>} : memref<8x128x16xf32, #tpu.memory_space<vmem>>, vector<1x1x16xf32>,
        %parallel_loop3A_617 = vector.shape_cast %parallel_loop3A_616 : vector<1x1x16xf32> to vector<16xf32>
        %parallel_loop3A_618 = vector.shape_cast %parallel_loop3A_609 : vector<16xf32> to vector<1x1x16xf32>
        tpu.vector_store %arg12[%parallel_loop3A_613, %parallel_loop3A_614, %parallel_loop3A_615], %parallel_loop3A_618 {strides = array<i32>} : memref<8x128x16xf32, #tpu.memory_space<vmem>>, vector<1x1x16xf32>,
        %parallel_loop3A_619 = arith.constant 9 : i32
        %parallel_loop3A_620 = arith.addi %parallel_loop3A_424, %parallel_loop3A_619 : i32
        %parallel_loop3A_621 = arith.constant 0 : i32
        %parallel_loop3A_622 = arith.index_cast %parallel_loop3A_621 : i32 to index
        %parallel_loop3A_623 = arith.index_cast %parallel_loop3A_620 : i32 to index
        %parallel_loop3A_624 = arith.constant 0 : index
        %parallel_loop3A_625 = tpu.vector_load %arg12[%parallel_loop3A_622, %parallel_loop3A_623, %parallel_loop3A_624] {strides = array<i32>} : memref<8x128x16xf32, #tpu.memory_space<vmem>>, vector<1x1x16xf32>,
        %parallel_loop3A_626 = vector.shape_cast %parallel_loop3A_625 : vector<1x1x16xf32> to vector<16xf32>
        %parallel_loop3A_627 = vector.extract_strided_slice %parallel_loop3A_429 {offsets = [9], sizes = [1], strides = [1]} : vector<16xf32> to vector<1xf32>
        %parallel_loop3A_628 = vector.extract %parallel_loop3A_627[0] : f32 from vector<1xf32>
        %parallel_loop3A_629 = vector.broadcast %parallel_loop3A_628 : f32 to vector<16xf32>
        %parallel_loop3A_630 = arith.mulf %parallel_loop3A_626, %parallel_loop3A_629 : vector<16xf32>
        %parallel_loop3A_631 = arith.constant 9 : i32
        %parallel_loop3A_632 = arith.addi %parallel_loop3A_424, %parallel_loop3A_631 : i32
        %parallel_loop3A_633 = arith.constant 0 : i32
        %parallel_loop3A_634 = arith.index_cast %parallel_loop3A_633 : i32 to index
        %parallel_loop3A_635 = arith.index_cast %parallel_loop3A_632 : i32 to index
        %parallel_loop3A_636 = arith.constant 0 : index
        %parallel_loop3A_637 = tpu.vector_load %arg12[%parallel_loop3A_634, %parallel_loop3A_635, %parallel_loop3A_636] {strides = array<i32>} : memref<8x128x16xf32, #tpu.memory_space<vmem>>, vector<1x1x16xf32>,
        %parallel_loop3A_638 = vector.shape_cast %parallel_loop3A_637 : vector<1x1x16xf32> to vector<16xf32>
        %parallel_loop3A_639 = vector.shape_cast %parallel_loop3A_630 : vector<16xf32> to vector<1x1x16xf32>
        tpu.vector_store %arg12[%parallel_loop3A_634, %parallel_loop3A_635, %parallel_loop3A_636], %parallel_loop3A_639 {strides = array<i32>} : memref<8x128x16xf32, #tpu.memory_space<vmem>>, vector<1x1x16xf32>,
        %parallel_loop3A_640 = arith.constant 10 : i32
        %parallel_loop3A_641 = arith.addi %parallel_loop3A_424, %parallel_loop3A_640 : i32
        %parallel_loop3A_642 = arith.constant 0 : i32
        %parallel_loop3A_643 = arith.index_cast %parallel_loop3A_642 : i32 to index
        %parallel_loop3A_644 = arith.index_cast %parallel_loop3A_641 : i32 to index
        %parallel_loop3A_645 = arith.constant 0 : index
        %parallel_loop3A_646 = tpu.vector_load %arg12[%parallel_loop3A_643, %parallel_loop3A_644, %parallel_loop3A_645] {strides = array<i32>} : memref<8x128x16xf32, #tpu.memory_space<vmem>>, vector<1x1x16xf32>,
        %parallel_loop3A_647 = vector.shape_cast %parallel_loop3A_646 : vector<1x1x16xf32> to vector<16xf32>
        %parallel_loop3A_648 = vector.extract_strided_slice %parallel_loop3A_429 {offsets = [10], sizes = [1], strides = [1]} : vector<16xf32> to vector<1xf32>
        %parallel_loop3A_649 = vector.extract %parallel_loop3A_648[0] : f32 from vector<1xf32>
        %parallel_loop3A_650 = vector.broadcast %parallel_loop3A_649 : f32 to vector<16xf32>
        %parallel_loop3A_651 = arith.mulf %parallel_loop3A_647, %parallel_loop3A_650 : vector<16xf32>
        %parallel_loop3A_652 = arith.constant 10 : i32
        %parallel_loop3A_653 = arith.addi %parallel_loop3A_424, %parallel_loop3A_652 : i32
        %parallel_loop3A_654 = arith.constant 0 : i32
        %parallel_loop3A_655 = arith.index_cast %parallel_loop3A_654 : i32 to index
        %parallel_loop3A_656 = arith.index_cast %parallel_loop3A_653 : i32 to index
        %parallel_loop3A_657 = arith.constant 0 : index
        %parallel_loop3A_658 = tpu.vector_load %arg12[%parallel_loop3A_655, %parallel_loop3A_656, %parallel_loop3A_657] {strides = array<i32>} : memref<8x128x16xf32, #tpu.memory_space<vmem>>, vector<1x1x16xf32>,
        %parallel_loop3A_659 = vector.shape_cast %parallel_loop3A_658 : vector<1x1x16xf32> to vector<16xf32>
        %parallel_loop3A_660 = vector.shape_cast %parallel_loop3A_651 : vector<16xf32> to vector<1x1x16xf32>
        tpu.vector_store %arg12[%parallel_loop3A_655, %parallel_loop3A_656, %parallel_loop3A_657], %parallel_loop3A_660 {strides = array<i32>} : memref<8x128x16xf32, #tpu.memory_space<vmem>>, vector<1x1x16xf32>,
        %parallel_loop3A_661 = arith.constant 11 : i32
        %parallel_loop3A_662 = arith.addi %parallel_loop3A_424, %parallel_loop3A_661 : i32
        %parallel_loop3A_663 = arith.constant 0 : i32
        %parallel_loop3A_664 = arith.index_cast %parallel_loop3A_663 : i32 to index
        %parallel_loop3A_665 = arith.index_cast %parallel_loop3A_662 : i32 to index
        %parallel_loop3A_666 = arith.constant 0 : index
        %parallel_loop3A_667 = tpu.vector_load %arg12[%parallel_loop3A_664, %parallel_loop3A_665, %parallel_loop3A_666] {strides = array<i32>} : memref<8x128x16xf32, #tpu.memory_space<vmem>>, vector<1x1x16xf32>,
        %parallel_loop3A_668 = vector.shape_cast %parallel_loop3A_667 : vector<1x1x16xf32> to vector<16xf32>
        %parallel_loop3A_669 = vector.extract_strided_slice %parallel_loop3A_429 {offsets = [11], sizes = [1], strides = [1]} : vector<16xf32> to vector<1xf32>
        %parallel_loop3A_670 = vector.extract %parallel_loop3A_669[0] : f32 from vector<1xf32>
        %parallel_loop3A_671 = vector.broadcast %parallel_loop3A_670 : f32 to vector<16xf32>
        %parallel_loop3A_672 = arith.mulf %parallel_loop3A_668, %parallel_loop3A_671 : vector<16xf32>
        %parallel_loop3A_673 = arith.constant 11 : i32
        %parallel_loop3A_674 = arith.addi %parallel_loop3A_424, %parallel_loop3A_673 : i32
        %parallel_loop3A_675 = arith.constant 0 : i32
        %parallel_loop3A_676 = arith.index_cast %parallel_loop3A_675 : i32 to index
        %parallel_loop3A_677 = arith.index_cast %parallel_loop3A_674 : i32 to index
        %parallel_loop3A_678 = arith.constant 0 : index
        %parallel_loop3A_679 = tpu.vector_load %arg12[%parallel_loop3A_676, %parallel_loop3A_677, %parallel_loop3A_678] {strides = array<i32>} : memref<8x128x16xf32, #tpu.memory_space<vmem>>, vector<1x1x16xf32>,
        %parallel_loop3A_680 = vector.shape_cast %parallel_loop3A_679 : vector<1x1x16xf32> to vector<16xf32>
        %parallel_loop3A_681 = vector.shape_cast %parallel_loop3A_672 : vector<16xf32> to vector<1x1x16xf32>
        tpu.vector_store %arg12[%parallel_loop3A_676, %parallel_loop3A_677, %parallel_loop3A_678], %parallel_loop3A_681 {strides = array<i32>} : memref<8x128x16xf32, #tpu.memory_space<vmem>>, vector<1x1x16xf32>,
        %parallel_loop3A_682 = arith.constant 12 : i32
        %parallel_loop3A_683 = arith.addi %parallel_loop3A_424, %parallel_loop3A_682 : i32
        %parallel_loop3A_684 = arith.constant 0 : i32
        %parallel_loop3A_685 = arith.index_cast %parallel_loop3A_684 : i32 to index
        %parallel_loop3A_686 = arith.index_cast %parallel_loop3A_683 : i32 to index
        %parallel_loop3A_687 = arith.constant 0 : index
        %parallel_loop3A_688 = tpu.vector_load %arg12[%parallel_loop3A_685, %parallel_loop3A_686, %parallel_loop3A_687] {strides = array<i32>} : memref<8x128x16xf32, #tpu.memory_space<vmem>>, vector<1x1x16xf32>,
        %parallel_loop3A_689 = vector.shape_cast %parallel_loop3A_688 : vector<1x1x16xf32> to vector<16xf32>
        %parallel_loop3A_690 = vector.extract_strided_slice %parallel_loop3A_429 {offsets = [12], sizes = [1], strides = [1]} : vector<16xf32> to vector<1xf32>
        %parallel_loop3A_691 = vector.extract %parallel_loop3A_690[0] : f32 from vector<1xf32>
        %parallel_loop3A_692 = vector.broadcast %parallel_loop3A_691 : f32 to vector<16xf32>
        %parallel_loop3A_693 = arith.mulf %parallel_loop3A_689, %parallel_loop3A_692 : vector<16xf32>
        %parallel_loop3A_694 = arith.constant 12 : i32
        %parallel_loop3A_695 = arith.addi %parallel_loop3A_424, %parallel_loop3A_694 : i32
        %parallel_loop3A_696 = arith.constant 0 : i32
        %parallel_loop3A_697 = arith.index_cast %parallel_loop3A_696 : i32 to index
        %parallel_loop3A_698 = arith.index_cast %parallel_loop3A_695 : i32 to index
        %parallel_loop3A_699 = arith.constant 0 : index
        %parallel_loop3A_700 = tpu.vector_load %arg12[%parallel_loop3A_697, %parallel_loop3A_698, %parallel_loop3A_699] {strides = array<i32>} : memref<8x128x16xf32, #tpu.memory_space<vmem>>, vector<1x1x16xf32>,
        %parallel_loop3A_701 = vector.shape_cast %parallel_loop3A_700 : vector<1x1x16xf32> to vector<16xf32>
        %parallel_loop3A_702 = vector.shape_cast %parallel_loop3A_693 : vector<16xf32> to vector<1x1x16xf32>
        tpu.vector_store %arg12[%parallel_loop3A_697, %parallel_loop3A_698, %parallel_loop3A_699], %parallel_loop3A_702 {strides = array<i32>} : memref<8x128x16xf32, #tpu.memory_space<vmem>>, vector<1x1x16xf32>,
        %parallel_loop3A_703 = arith.constant 13 : i32
        %parallel_loop3A_704 = arith.addi %parallel_loop3A_424, %parallel_loop3A_703 : i32
        %parallel_loop3A_705 = arith.constant 0 : i32
        %parallel_loop3A_706 = arith.index_cast %parallel_loop3A_705 : i32 to index
        %parallel_loop3A_707 = arith.index_cast %parallel_loop3A_704 : i32 to index
        %parallel_loop3A_708 = arith.constant 0 : index
        %parallel_loop3A_709 = tpu.vector_load %arg12[%parallel_loop3A_706, %parallel_loop3A_707, %parallel_loop3A_708] {strides = array<i32>} : memref<8x128x16xf32, #tpu.memory_space<vmem>>, vector<1x1x16xf32>,
        %parallel_loop3A_710 = vector.shape_cast %parallel_loop3A_709 : vector<1x1x16xf32> to vector<16xf32>
        %parallel_loop3A_711 = vector.extract_strided_slice %parallel_loop3A_429 {offsets = [13], sizes = [1], strides = [1]} : vector<16xf32> to vector<1xf32>
        %parallel_loop3A_712 = vector.extract %parallel_loop3A_711[0] : f32 from vector<1xf32>
        %parallel_loop3A_713 = vector.broadcast %parallel_loop3A_712 : f32 to vector<16xf32>
        %parallel_loop3A_714 = arith.mulf %parallel_loop3A_710, %parallel_loop3A_713 : vector<16xf32>
        %parallel_loop3A_715 = arith.constant 13 : i32
        %parallel_loop3A_716 = arith.addi %parallel_loop3A_424, %parallel_loop3A_715 : i32
        %parallel_loop3A_717 = arith.constant 0 : i32
        %parallel_loop3A_718 = arith.index_cast %parallel_loop3A_717 : i32 to index
        %parallel_loop3A_719 = arith.index_cast %parallel_loop3A_716 : i32 to index
        %parallel_loop3A_720 = arith.constant 0 : index
        %parallel_loop3A_721 = tpu.vector_load %arg12[%parallel_loop3A_718, %parallel_loop3A_719, %parallel_loop3A_720] {strides = array<i32>} : memref<8x128x16xf32, #tpu.memory_space<vmem>>, vector<1x1x16xf32>,
        %parallel_loop3A_722 = vector.shape_cast %parallel_loop3A_721 : vector<1x1x16xf32> to vector<16xf32>
        %parallel_loop3A_723 = vector.shape_cast %parallel_loop3A_714 : vector<16xf32> to vector<1x1x16xf32>
        tpu.vector_store %arg12[%parallel_loop3A_718, %parallel_loop3A_719, %parallel_loop3A_720], %parallel_loop3A_723 {strides = array<i32>} : memref<8x128x16xf32, #tpu.memory_space<vmem>>, vector<1x1x16xf32>,
        %parallel_loop3A_724 = arith.constant 14 : i32
        %parallel_loop3A_725 = arith.addi %parallel_loop3A_424, %parallel_loop3A_724 : i32
        %parallel_loop3A_726 = arith.constant 0 : i32
        %parallel_loop3A_727 = arith.index_cast %parallel_loop3A_726 : i32 to index
        %parallel_loop3A_728 = arith.index_cast %parallel_loop3A_725 : i32 to index
        %parallel_loop3A_729 = arith.constant 0 : index
        %parallel_loop3A_730 = tpu.vector_load %arg12[%parallel_loop3A_727, %parallel_loop3A_728, %parallel_loop3A_729] {strides = array<i32>} : memref<8x128x16xf32, #tpu.memory_space<vmem>>, vector<1x1x16xf32>,
        %parallel_loop3A_731 = vector.shape_cast %parallel_loop3A_730 : vector<1x1x16xf32> to vector<16xf32>
        %parallel_loop3A_732 = vector.extract_strided_slice %parallel_loop3A_429 {offsets = [14], sizes = [1], strides = [1]} : vector<16xf32> to vector<1xf32>
        %parallel_loop3A_733 = vector.extract %parallel_loop3A_732[0] : f32 from vector<1xf32>
        %parallel_loop3A_734 = vector.broadcast %parallel_loop3A_733 : f32 to vector<16xf32>
        %parallel_loop3A_735 = arith.mulf %parallel_loop3A_731, %parallel_loop3A_734 : vector<16xf32>
        %parallel_loop3A_736 = arith.constant 14 : i32
        %parallel_loop3A_737 = arith.addi %parallel_loop3A_424, %parallel_loop3A_736 : i32
        %parallel_loop3A_738 = arith.constant 0 : i32
        %parallel_loop3A_739 = arith.index_cast %parallel_loop3A_738 : i32 to index
        %parallel_loop3A_740 = arith.index_cast %parallel_loop3A_737 : i32 to index
        %parallel_loop3A_741 = arith.constant 0 : index
        %parallel_loop3A_742 = tpu.vector_load %arg12[%parallel_loop3A_739, %parallel_loop3A_740, %parallel_loop3A_741] {strides = array<i32>} : memref<8x128x16xf32, #tpu.memory_space<vmem>>, vector<1x1x16xf32>,
        %parallel_loop3A_743 = vector.shape_cast %parallel_loop3A_742 : vector<1x1x16xf32> to vector<16xf32>
        %parallel_loop3A_744 = vector.shape_cast %parallel_loop3A_735 : vector<16xf32> to vector<1x1x16xf32>
        tpu.vector_store %arg12[%parallel_loop3A_739, %parallel_loop3A_740, %parallel_loop3A_741], %parallel_loop3A_744 {strides = array<i32>} : memref<8x128x16xf32, #tpu.memory_space<vmem>>, vector<1x1x16xf32>,
        %parallel_loop3A_745 = arith.constant 15 : i32
        %parallel_loop3A_746 = arith.addi %parallel_loop3A_424, %parallel_loop3A_745 : i32
        %parallel_loop3A_747 = arith.constant 0 : i32
        %parallel_loop3A_748 = arith.index_cast %parallel_loop3A_747 : i32 to index
        %parallel_loop3A_749 = arith.index_cast %parallel_loop3A_746 : i32 to index
        %parallel_loop3A_750 = arith.constant 0 : index
        %parallel_loop3A_751 = tpu.vector_load %arg12[%parallel_loop3A_748, %parallel_loop3A_749, %parallel_loop3A_750] {strides = array<i32>} : memref<8x128x16xf32, #tpu.memory_space<vmem>>, vector<1x1x16xf32>,
        %parallel_loop3A_752 = vector.shape_cast %parallel_loop3A_751 : vector<1x1x16xf32> to vector<16xf32>
        %parallel_loop3A_753 = vector.extract_strided_slice %parallel_loop3A_429 {offsets = [15], sizes = [1], strides = [1]} : vector<16xf32> to vector<1xf32>
        %parallel_loop3A_754 = vector.extract %parallel_loop3A_753[0] : f32 from vector<1xf32>
        %parallel_loop3A_755 = vector.broadcast %parallel_loop3A_754 : f32 to vector<16xf32>
        %parallel_loop3A_756 = arith.mulf %parallel_loop3A_752, %parallel_loop3A_755 : vector<16xf32>
        %parallel_loop3A_757 = arith.constant 15 : i32
        %parallel_loop3A_758 = arith.addi %parallel_loop3A_424, %parallel_loop3A_757 : i32
        %parallel_loop3A_759 = arith.constant 0 : i32
        %parallel_loop3A_760 = arith.index_cast %parallel_loop3A_759 : i32 to index
        %parallel_loop3A_761 = arith.index_cast %parallel_loop3A_758 : i32 to index
        %parallel_loop3A_762 = arith.constant 0 : index
        %parallel_loop3A_763 = tpu.vector_load %arg12[%parallel_loop3A_760, %parallel_loop3A_761, %parallel_loop3A_762] {strides = array<i32>} : memref<8x128x16xf32, #tpu.memory_space<vmem>>, vector<1x1x16xf32>,
        %parallel_loop3A_764 = vector.shape_cast %parallel_loop3A_763 : vector<1x1x16xf32> to vector<16xf32>
        %parallel_loop3A_765 = vector.shape_cast %parallel_loop3A_756 : vector<16xf32> to vector<1x1x16xf32>
        tpu.vector_store %arg12[%parallel_loop3A_760, %parallel_loop3A_761, %parallel_loop3A_762], %parallel_loop3A_765 {strides = array<i32>} : memref<8x128x16xf32, #tpu.memory_space<vmem>>, vector<1x1x16xf32>,
      } {sc.loop_unroll_factor = 2 : i64, sc.parallel_access}
      %parallel_loop3A_211 = arith.constant 0 : i32
      %parallel_loop3A_212 = arith.constant 128 : i32
      %parallel_loop3A_213 = arith.constant 16 : i32
      scf.for %parallel_loop3A_424 = %parallel_loop3A_211 to %parallel_loop3A_212 step %parallel_loop3A_213  : i32 {
        %parallel_loop3A_425 = arith.constant 1 : i32
        %parallel_loop3A_426 = arith.index_cast %parallel_loop3A_425 : i32 to index
        %parallel_loop3A_427 = arith.index_cast %parallel_loop3A_424 : i32 to index
        %parallel_loop3A_428 = tpu.vector_load %arg11[%parallel_loop3A_426, %parallel_loop3A_427] {strides = array<i32>} : memref<8x128xf32, #tpu.memory_space<vmem>>, vector<1x16xf32>,
        %parallel_loop3A_429 = vector.shape_cast %parallel_loop3A_428 : vector<1x16xf32> to vector<16xf32>
        %parallel_loop3A_430 = arith.constant 0 : i32
        %parallel_loop3A_431 = arith.addi %parallel_loop3A_424, %parallel_loop3A_430 : i32
        %parallel_loop3A_432 = arith.constant 1 : i32
        %parallel_loop3A_433 = arith.index_cast %parallel_loop3A_432 : i32 to index
        %parallel_loop3A_434 = arith.index_cast %parallel_loop3A_431 : i32 to index
        %parallel_loop3A_435 = arith.constant 0 : index
        %parallel_loop3A_436 = tpu.vector_load %arg12[%parallel_loop3A_433, %parallel_loop3A_434, %parallel_loop3A_435] {strides = array<i32>} : memref<8x128x16xf32, #tpu.memory_space<vmem>>, vector<1x1x16xf32>,
        %parallel_loop3A_437 = vector.shape_cast %parallel_loop3A_436 : vector<1x1x16xf32> to vector<16xf32>
        %parallel_loop3A_438 = vector.extract_strided_slice %parallel_loop3A_429 {offsets = [0], sizes = [1], strides = [1]} : vector<16xf32> to vector<1xf32>
        %parallel_loop3A_439 = vector.extract %parallel_loop3A_438[0] : f32 from vector<1xf32>
        %parallel_loop3A_440 = vector.broadcast %parallel_loop3A_439 : f32 to vector<16xf32>
        %parallel_loop3A_441 = arith.mulf %parallel_loop3A_437, %parallel_loop3A_440 : vector<16xf32>
        %parallel_loop3A_442 = arith.constant 0 : i32
        %parallel_loop3A_443 = arith.addi %parallel_loop3A_424, %parallel_loop3A_442 : i32
        %parallel_loop3A_444 = arith.constant 1 : i32
        %parallel_loop3A_445 = arith.index_cast %parallel_loop3A_444 : i32 to index
        %parallel_loop3A_446 = arith.index_cast %parallel_loop3A_443 : i32 to index
        %parallel_loop3A_447 = arith.constant 0 : index
        %parallel_loop3A_448 = tpu.vector_load %arg12[%parallel_loop3A_445, %parallel_loop3A_446, %parallel_loop3A_447] {strides = array<i32>} : memref<8x128x16xf32, #tpu.memory_space<vmem>>, vector<1x1x16xf32>,
        %parallel_loop3A_449 = vector.shape_cast %parallel_loop3A_448 : vector<1x1x16xf32> to vector<16xf32>
        %parallel_loop3A_450 = vector.shape_cast %parallel_loop3A_441 : vector<16xf32> to vector<1x1x16xf32>
        tpu.vector_store %arg12[%parallel_loop3A_445, %parallel_loop3A_446, %parallel_loop3A_447], %parallel_loop3A_450 {strides = array<i32>} : memref<8x128x16xf32, #tpu.memory_space<vmem>>, vector<1x1x16xf32>,
        %parallel_loop3A_451 = arith.constant 1 : i32
        %parallel_loop3A_452 = arith.addi %parallel_loop3A_424, %parallel_loop3A_451 : i32
        %parallel_loop3A_453 = arith.constant 1 : i32
        %parallel_loop3A_454 = arith.index_cast %parallel_loop3A_453 : i32 to index
        %parallel_loop3A_455 = arith.index_cast %parallel_loop3A_452 : i32 to index
        %parallel_loop3A_456 = arith.constant 0 : index
        %parallel_loop3A_457 = tpu.vector_load %arg12[%parallel_loop3A_454, %parallel_loop3A_455, %parallel_loop3A_456] {strides = array<i32>} : memref<8x128x16xf32, #tpu.memory_space<vmem>>, vector<1x1x16xf32>,
        %parallel_loop3A_458 = vector.shape_cast %parallel_loop3A_457 : vector<1x1x16xf32> to vector<16xf32>
        %parallel_loop3A_459 = vector.extract_strided_slice %parallel_loop3A_429 {offsets = [1], sizes = [1], strides = [1]} : vector<16xf32> to vector<1xf32>
        %parallel_loop3A_460 = vector.extract %parallel_loop3A_459[0] : f32 from vector<1xf32>
        %parallel_loop3A_461 = vector.broadcast %parallel_loop3A_460 : f32 to vector<16xf32>
        %parallel_loop3A_462 = arith.mulf %parallel_loop3A_458, %parallel_loop3A_461 : vector<16xf32>
        %parallel_loop3A_463 = arith.constant 1 : i32
        %parallel_loop3A_464 = arith.addi %parallel_loop3A_424, %parallel_loop3A_463 : i32
        %parallel_loop3A_465 = arith.constant 1 : i32
        %parallel_loop3A_466 = arith.index_cast %parallel_loop3A_465 : i32 to index
        %parallel_loop3A_467 = arith.index_cast %parallel_loop3A_464 : i32 to index
        %parallel_loop3A_468 = arith.constant 0 : index
        %parallel_loop3A_469 = tpu.vector_load %arg12[%parallel_loop3A_466, %parallel_loop3A_467, %parallel_loop3A_468] {strides = array<i32>} : memref<8x128x16xf32, #tpu.memory_space<vmem>>, vector<1x1x16xf32>,
        %parallel_loop3A_470 = vector.shape_cast %parallel_loop3A_469 : vector<1x1x16xf32> to vector<16xf32>
        %parallel_loop3A_471 = vector.shape_cast %parallel_loop3A_462 : vector<16xf32> to vector<1x1x16xf32>
        tpu.vector_store %arg12[%parallel_loop3A_466, %parallel_loop3A_467, %parallel_loop3A_468], %parallel_loop3A_471 {strides = array<i32>} : memref<8x128x16xf32, #tpu.memory_space<vmem>>, vector<1x1x16xf32>,
        %parallel_loop3A_472 = arith.constant 2 : i32
        %parallel_loop3A_473 = arith.addi %parallel_loop3A_424, %parallel_loop3A_472 : i32
        %parallel_loop3A_474 = arith.constant 1 : i32
        %parallel_loop3A_475 = arith.index_cast %parallel_loop3A_474 : i32 to index
        %parallel_loop3A_476 = arith.index_cast %parallel_loop3A_473 : i32 to index
        %parallel_loop3A_477 = arith.constant 0 : index
        %parallel_loop3A_478 = tpu.vector_load %arg12[%parallel_loop3A_475, %parallel_loop3A_476, %parallel_loop3A_477] {strides = array<i32>} : memref<8x128x16xf32, #tpu.memory_space<vmem>>, vector<1x1x16xf32>,
        %parallel_loop3A_479 = vector.shape_cast %parallel_loop3A_478 : vector<1x1x16xf32> to vector<16xf32>
        %parallel_loop3A_480 = vector.extract_strided_slice %parallel_loop3A_429 {offsets = [2], sizes = [1], strides = [1]} : vector<16xf32> to vector<1xf32>
        %parallel_loop3A_481 = vector.extract %parallel_loop3A_480[0] : f32 from vector<1xf32>
        %parallel_loop3A_482 = vector.broadcast %parallel_loop3A_481 : f32 to vector<16xf32>
        %parallel_loop3A_483 = arith.mulf %parallel_loop3A_479, %parallel_loop3A_482 : vector<16xf32>
        %parallel_loop3A_484 = arith.constant 2 : i32
        %parallel_loop3A_485 = arith.addi %parallel_loop3A_424, %parallel_loop3A_484 : i32
        %parallel_loop3A_486 = arith.constant 1 : i32
        %parallel_loop3A_487 = arith.index_cast %parallel_loop3A_486 : i32 to index
        %parallel_loop3A_488 = arith.index_cast %parallel_loop3A_485 : i32 to index
        %parallel_loop3A_489 = arith.constant 0 : index
        %parallel_loop3A_490 = tpu.vector_load %arg12[%parallel_loop3A_487, %parallel_loop3A_488, %parallel_loop3A_489] {strides = array<i32>} : memref<8x128x16xf32, #tpu.memory_space<vmem>>, vector<1x1x16xf32>,
        %parallel_loop3A_491 = vector.shape_cast %parallel_loop3A_490 : vector<1x1x16xf32> to vector<16xf32>
        %parallel_loop3A_492 = vector.shape_cast %parallel_loop3A_483 : vector<16xf32> to vector<1x1x16xf32>
        tpu.vector_store %arg12[%parallel_loop3A_487, %parallel_loop3A_488, %parallel_loop3A_489], %parallel_loop3A_492 {strides = array<i32>} : memref<8x128x16xf32, #tpu.memory_space<vmem>>, vector<1x1x16xf32>,
        %parallel_loop3A_493 = arith.constant 3 : i32
        %parallel_loop3A_494 = arith.addi %parallel_loop3A_424, %parallel_loop3A_493 : i32
        %parallel_loop3A_495 = arith.constant 1 : i32
        %parallel_loop3A_496 = arith.index_cast %parallel_loop3A_495 : i32 to index
        %parallel_loop3A_497 = arith.index_cast %parallel_loop3A_494 : i32 to index
        %parallel_loop3A_498 = arith.constant 0 : index
        %parallel_loop3A_499 = tpu.vector_load %arg12[%parallel_loop3A_496, %parallel_loop3A_497, %parallel_loop3A_498] {strides = array<i32>} : memref<8x128x16xf32, #tpu.memory_space<vmem>>, vector<1x1x16xf32>,
        %parallel_loop3A_500 = vector.shape_cast %parallel_loop3A_499 : vector<1x1x16xf32> to vector<16xf32>
        %parallel_loop3A_501 = vector.extract_strided_slice %parallel_loop3A_429 {offsets = [3], sizes = [1], strides = [1]} : vector<16xf32> to vector<1xf32>
        %parallel_loop3A_502 = vector.extract %parallel_loop3A_501[0] : f32 from vector<1xf32>
        %parallel_loop3A_503 = vector.broadcast %parallel_loop3A_502 : f32 to vector<16xf32>
        %parallel_loop3A_504 = arith.mulf %parallel_loop3A_500, %parallel_loop3A_503 : vector<16xf32>
        %parallel_loop3A_505 = arith.constant 3 : i32
        %parallel_loop3A_506 = arith.addi %parallel_loop3A_424, %parallel_loop3A_505 : i32
        %parallel_loop3A_507 = arith.constant 1 : i32
        %parallel_loop3A_508 = arith.index_cast %parallel_loop3A_507 : i32 to index
        %parallel_loop3A_509 = arith.index_cast %parallel_loop3A_506 : i32 to index
        %parallel_loop3A_510 = arith.constant 0 : index
        %parallel_loop3A_511 = tpu.vector_load %arg12[%parallel_loop3A_508, %parallel_loop3A_509, %parallel_loop3A_510] {strides = array<i32>} : memref<8x128x16xf32, #tpu.memory_space<vmem>>, vector<1x1x16xf32>,
        %parallel_loop3A_512 = vector.shape_cast %parallel_loop3A_511 : vector<1x1x16xf32> to vector<16xf32>
        %parallel_loop3A_513 = vector.shape_cast %parallel_loop3A_504 : vector<16xf32> to vector<1x1x16xf32>
        tpu.vector_store %arg12[%parallel_loop3A_508, %parallel_loop3A_509, %parallel_loop3A_510], %parallel_loop3A_513 {strides = array<i32>} : memref<8x128x16xf32, #tpu.memory_space<vmem>>, vector<1x1x16xf32>,
        %parallel_loop3A_514 = arith.constant 4 : i32
        %parallel_loop3A_515 = arith.addi %parallel_loop3A_424, %parallel_loop3A_514 : i32
        %parallel_loop3A_516 = arith.constant 1 : i32
        %parallel_loop3A_517 = arith.index_cast %parallel_loop3A_516 : i32 to index
        %parallel_loop3A_518 = arith.index_cast %parallel_loop3A_515 : i32 to index
        %parallel_loop3A_519 = arith.constant 0 : index
        %parallel_loop3A_520 = tpu.vector_load %arg12[%parallel_loop3A_517, %parallel_loop3A_518, %parallel_loop3A_519] {strides = array<i32>} : memref<8x128x16xf32, #tpu.memory_space<vmem>>, vector<1x1x16xf32>,
        %parallel_loop3A_521 = vector.shape_cast %parallel_loop3A_520 : vector<1x1x16xf32> to vector<16xf32>
        %parallel_loop3A_522 = vector.extract_strided_slice %parallel_loop3A_429 {offsets = [4], sizes = [1], strides = [1]} : vector<16xf32> to vector<1xf32>
        %parallel_loop3A_523 = vector.extract %parallel_loop3A_522[0] : f32 from vector<1xf32>
        %parallel_loop3A_524 = vector.broadcast %parallel_loop3A_523 : f32 to vector<16xf32>
        %parallel_loop3A_525 = arith.mulf %parallel_loop3A_521, %parallel_loop3A_524 : vector<16xf32>
        %parallel_loop3A_526 = arith.constant 4 : i32
        %parallel_loop3A_527 = arith.addi %parallel_loop3A_424, %parallel_loop3A_526 : i32
        %parallel_loop3A_528 = arith.constant 1 : i32
        %parallel_loop3A_529 = arith.index_cast %parallel_loop3A_528 : i32 to index
        %parallel_loop3A_530 = arith.index_cast %parallel_loop3A_527 : i32 to index
        %parallel_loop3A_531 = arith.constant 0 : index
        %parallel_loop3A_532 = tpu.vector_load %arg12[%parallel_loop3A_529, %parallel_loop3A_530, %parallel_loop3A_531] {strides = array<i32>} : memref<8x128x16xf32, #tpu.memory_space<vmem>>, vector<1x1x16xf32>,
        %parallel_loop3A_533 = vector.shape_cast %parallel_loop3A_532 : vector<1x1x16xf32> to vector<16xf32>
        %parallel_loop3A_534 = vector.shape_cast %parallel_loop3A_525 : vector<16xf32> to vector<1x1x16xf32>
        tpu.vector_store %arg12[%parallel_loop3A_529, %parallel_loop3A_530, %parallel_loop3A_531], %parallel_loop3A_534 {strides = array<i32>} : memref<8x128x16xf32, #tpu.memory_space<vmem>>, vector<1x1x16xf32>,
        %parallel_loop3A_535 = arith.constant 5 : i32
        %parallel_loop3A_536 = arith.addi %parallel_loop3A_424, %parallel_loop3A_535 : i32
        %parallel_loop3A_537 = arith.constant 1 : i32
        %parallel_loop3A_538 = arith.index_cast %parallel_loop3A_537 : i32 to index
        %parallel_loop3A_539 = arith.index_cast %parallel_loop3A_536 : i32 to index
        %parallel_loop3A_540 = arith.constant 0 : index
        %parallel_loop3A_541 = tpu.vector_load %arg12[%parallel_loop3A_538, %parallel_loop3A_539, %parallel_loop3A_540] {strides = array<i32>} : memref<8x128x16xf32, #tpu.memory_space<vmem>>, vector<1x1x16xf32>,
        %parallel_loop3A_542 = vector.shape_cast %parallel_loop3A_541 : vector<1x1x16xf32> to vector<16xf32>
        %parallel_loop3A_543 = vector.extract_strided_slice %parallel_loop3A_429 {offsets = [5], sizes = [1], strides = [1]} : vector<16xf32> to vector<1xf32>
        %parallel_loop3A_544 = vector.extract %parallel_loop3A_543[0] : f32 from vector<1xf32>
        %parallel_loop3A_545 = vector.broadcast %parallel_loop3A_544 : f32 to vector<16xf32>
        %parallel_loop3A_546 = arith.mulf %parallel_loop3A_542, %parallel_loop3A_545 : vector<16xf32>
        %parallel_loop3A_547 = arith.constant 5 : i32
        %parallel_loop3A_548 = arith.addi %parallel_loop3A_424, %parallel_loop3A_547 : i32
        %parallel_loop3A_549 = arith.constant 1 : i32
        %parallel_loop3A_550 = arith.index_cast %parallel_loop3A_549 : i32 to index
        %parallel_loop3A_551 = arith.index_cast %parallel_loop3A_548 : i32 to index
        %parallel_loop3A_552 = arith.constant 0 : index
        %parallel_loop3A_553 = tpu.vector_load %arg12[%parallel_loop3A_550, %parallel_loop3A_551, %parallel_loop3A_552] {strides = array<i32>} : memref<8x128x16xf32, #tpu.memory_space<vmem>>, vector<1x1x16xf32>,
        %parallel_loop3A_554 = vector.shape_cast %parallel_loop3A_553 : vector<1x1x16xf32> to vector<16xf32>
        %parallel_loop3A_555 = vector.shape_cast %parallel_loop3A_546 : vector<16xf32> to vector<1x1x16xf32>
        tpu.vector_store %arg12[%parallel_loop3A_550, %parallel_loop3A_551, %parallel_loop3A_552], %parallel_loop3A_555 {strides = array<i32>} : memref<8x128x16xf32, #tpu.memory_space<vmem>>, vector<1x1x16xf32>,
        %parallel_loop3A_556 = arith.constant 6 : i32
        %parallel_loop3A_557 = arith.addi %parallel_loop3A_424, %parallel_loop3A_556 : i32
        %parallel_loop3A_558 = arith.constant 1 : i32
        %parallel_loop3A_559 = arith.index_cast %parallel_loop3A_558 : i32 to index
        %parallel_loop3A_560 = arith.index_cast %parallel_loop3A_557 : i32 to index
        %parallel_loop3A_561 = arith.constant 0 : index
        %parallel_loop3A_562 = tpu.vector_load %arg12[%parallel_loop3A_559, %parallel_loop3A_560, %parallel_loop3A_561] {strides = array<i32>} : memref<8x128x16xf32, #tpu.memory_space<vmem>>, vector<1x1x16xf32>,
        %parallel_loop3A_563 = vector.shape_cast %parallel_loop3A_562 : vector<1x1x16xf32> to vector<16xf32>
        %parallel_loop3A_564 = vector.extract_strided_slice %parallel_loop3A_429 {offsets = [6], sizes = [1], strides = [1]} : vector<16xf32> to vector<1xf32>
        %parallel_loop3A_565 = vector.extract %parallel_loop3A_564[0] : f32 from vector<1xf32>
        %parallel_loop3A_566 = vector.broadcast %parallel_loop3A_565 : f32 to vector<16xf32>
        %parallel_loop3A_567 = arith.mulf %parallel_loop3A_563, %parallel_loop3A_566 : vector<16xf32>
        %parallel_loop3A_568 = arith.constant 6 : i32
        %parallel_loop3A_569 = arith.addi %parallel_loop3A_424, %parallel_loop3A_568 : i32
        %parallel_loop3A_570 = arith.constant 1 : i32
        %parallel_loop3A_571 = arith.index_cast %parallel_loop3A_570 : i32 to index
        %parallel_loop3A_572 = arith.index_cast %parallel_loop3A_569 : i32 to index
        %parallel_loop3A_573 = arith.constant 0 : index
        %parallel_loop3A_574 = tpu.vector_load %arg12[%parallel_loop3A_571, %parallel_loop3A_572, %parallel_loop3A_573] {strides = array<i32>} : memref<8x128x16xf32, #tpu.memory_space<vmem>>, vector<1x1x16xf32>,
        %parallel_loop3A_575 = vector.shape_cast %parallel_loop3A_574 : vector<1x1x16xf32> to vector<16xf32>
        %parallel_loop3A_576 = vector.shape_cast %parallel_loop3A_567 : vector<16xf32> to vector<1x1x16xf32>
        tpu.vector_store %arg12[%parallel_loop3A_571, %parallel_loop3A_572, %parallel_loop3A_573], %parallel_loop3A_576 {strides = array<i32>} : memref<8x128x16xf32, #tpu.memory_space<vmem>>, vector<1x1x16xf32>,
        %parallel_loop3A_577 = arith.constant 7 : i32
        %parallel_loop3A_578 = arith.addi %parallel_loop3A_424, %parallel_loop3A_577 : i32
        %parallel_loop3A_579 = arith.constant 1 : i32
        %parallel_loop3A_580 = arith.index_cast %parallel_loop3A_579 : i32 to index
        %parallel_loop3A_581 = arith.index_cast %parallel_loop3A_578 : i32 to index
        %parallel_loop3A_582 = arith.constant 0 : index
        %parallel_loop3A_583 = tpu.vector_load %arg12[%parallel_loop3A_580, %parallel_loop3A_581, %parallel_loop3A_582] {strides = array<i32>} : memref<8x128x16xf32, #tpu.memory_space<vmem>>, vector<1x1x16xf32>,
        %parallel_loop3A_584 = vector.shape_cast %parallel_loop3A_583 : vector<1x1x16xf32> to vector<16xf32>
        %parallel_loop3A_585 = vector.extract_strided_slice %parallel_loop3A_429 {offsets = [7], sizes = [1], strides = [1]} : vector<16xf32> to vector<1xf32>
        %parallel_loop3A_586 = vector.extract %parallel_loop3A_585[0] : f32 from vector<1xf32>
        %parallel_loop3A_587 = vector.broadcast %parallel_loop3A_586 : f32 to vector<16xf32>
        %parallel_loop3A_588 = arith.mulf %parallel_loop3A_584, %parallel_loop3A_587 : vector<16xf32>
        %parallel_loop3A_589 = arith.constant 7 : i32
        %parallel_loop3A_590 = arith.addi %parallel_loop3A_424, %parallel_loop3A_589 : i32
        %parallel_loop3A_591 = arith.constant 1 : i32
        %parallel_loop3A_592 = arith.index_cast %parallel_loop3A_591 : i32 to index
        %parallel_loop3A_593 = arith.index_cast %parallel_loop3A_590 : i32 to index
        %parallel_loop3A_594 = arith.constant 0 : index
        %parallel_loop3A_595 = tpu.vector_load %arg12[%parallel_loop3A_592, %parallel_loop3A_593, %parallel_loop3A_594] {strides = array<i32>} : memref<8x128x16xf32, #tpu.memory_space<vmem>>, vector<1x1x16xf32>,
        %parallel_loop3A_596 = vector.shape_cast %parallel_loop3A_595 : vector<1x1x16xf32> to vector<16xf32>
        %parallel_loop3A_597 = vector.shape_cast %parallel_loop3A_588 : vector<16xf32> to vector<1x1x16xf32>
        tpu.vector_store %arg12[%parallel_loop3A_592, %parallel_loop3A_593, %parallel_loop3A_594], %parallel_loop3A_597 {strides = array<i32>} : memref<8x128x16xf32, #tpu.memory_space<vmem>>, vector<1x1x16xf32>,
        %parallel_loop3A_598 = arith.constant 8 : i32
        %parallel_loop3A_599 = arith.addi %parallel_loop3A_424, %parallel_loop3A_598 : i32
        %parallel_loop3A_600 = arith.constant 1 : i32
        %parallel_loop3A_601 = arith.index_cast %parallel_loop3A_600 : i32 to index
        %parallel_loop3A_602 = arith.index_cast %parallel_loop3A_599 : i32 to index
        %parallel_loop3A_603 = arith.constant 0 : index
        %parallel_loop3A_604 = tpu.vector_load %arg12[%parallel_loop3A_601, %parallel_loop3A_602, %parallel_loop3A_603] {strides = array<i32>} : memref<8x128x16xf32, #tpu.memory_space<vmem>>, vector<1x1x16xf32>,
        %parallel_loop3A_605 = vector.shape_cast %parallel_loop3A_604 : vector<1x1x16xf32> to vector<16xf32>
        %parallel_loop3A_606 = vector.extract_strided_slice %parallel_loop3A_429 {offsets = [8], sizes = [1], strides = [1]} : vector<16xf32> to vector<1xf32>
        %parallel_loop3A_607 = vector.extract %parallel_loop3A_606[0] : f32 from vector<1xf32>
        %parallel_loop3A_608 = vector.broadcast %parallel_loop3A_607 : f32 to vector<16xf32>
        %parallel_loop3A_609 = arith.mulf %parallel_loop3A_605, %parallel_loop3A_608 : vector<16xf32>
        %parallel_loop3A_610 = arith.constant 8 : i32
        %parallel_loop3A_611 = arith.addi %parallel_loop3A_424, %parallel_loop3A_610 : i32
        %parallel_loop3A_612 = arith.constant 1 : i32
        %parallel_loop3A_613 = arith.index_cast %parallel_loop3A_612 : i32 to index
        %parallel_loop3A_614 = arith.index_cast %parallel_loop3A_611 : i32 to index
        %parallel_loop3A_615 = arith.constant 0 : index
        %parallel_loop3A_616 = tpu.vector_load %arg12[%parallel_loop3A_613, %parallel_loop3A_614, %parallel_loop3A_615] {strides = array<i32>} : memref<8x128x16xf32, #tpu.memory_space<vmem>>, vector<1x1x16xf32>,
        %parallel_loop3A_617 = vector.shape_cast %parallel_loop3A_616 : vector<1x1x16xf32> to vector<16xf32>
        %parallel_loop3A_618 = vector.shape_cast %parallel_loop3A_609 : vector<16xf32> to vector<1x1x16xf32>
        tpu.vector_store %arg12[%parallel_loop3A_613, %parallel_loop3A_614, %parallel_loop3A_615], %parallel_loop3A_618 {strides = array<i32>} : memref<8x128x16xf32, #tpu.memory_space<vmem>>, vector<1x1x16xf32>,
        %parallel_loop3A_619 = arith.constant 9 : i32
        %parallel_loop3A_620 = arith.addi %parallel_loop3A_424, %parallel_loop3A_619 : i32
        %parallel_loop3A_621 = arith.constant 1 : i32
        %parallel_loop3A_622 = arith.index_cast %parallel_loop3A_621 : i32 to index
        %parallel_loop3A_623 = arith.index_cast %parallel_loop3A_620 : i32 to index
        %parallel_loop3A_624 = arith.constant 0 : index
        %parallel_loop3A_625 = tpu.vector_load %arg12[%parallel_loop3A_622, %parallel_loop3A_623, %parallel_loop3A_624] {strides = array<i32>} : memref<8x128x16xf32, #tpu.memory_space<vmem>>, vector<1x1x16xf32>,
        %parallel_loop3A_626 = vector.shape_cast %parallel_loop3A_625 : vector<1x1x16xf32> to vector<16xf32>
        %parallel_loop3A_627 = vector.extract_strided_slice %parallel_loop3A_429 {offsets = [9], sizes = [1], strides = [1]} : vector<16xf32> to vector<1xf32>
        %parallel_loop3A_628 = vector.extract %parallel_loop3A_627[0] : f32 from vector<1xf32>
        %parallel_loop3A_629 = vector.broadcast %parallel_loop3A_628 : f32 to vector<16xf32>
        %parallel_loop3A_630 = arith.mulf %parallel_loop3A_626, %parallel_loop3A_629 : vector<16xf32>
        %parallel_loop3A_631 = arith.constant 9 : i32
        %parallel_loop3A_632 = arith.addi %parallel_loop3A_424, %parallel_loop3A_631 : i32
        %parallel_loop3A_633 = arith.constant 1 : i32
        %parallel_loop3A_634 = arith.index_cast %parallel_loop3A_633 : i32 to index
        %parallel_loop3A_635 = arith.index_cast %parallel_loop3A_632 : i32 to index
        %parallel_loop3A_636 = arith.constant 0 : index
        %parallel_loop3A_637 = tpu.vector_load %arg12[%parallel_loop3A_634, %parallel_loop3A_635, %parallel_loop3A_636] {strides = array<i32>} : memref<8x128x16xf32, #tpu.memory_space<vmem>>, vector<1x1x16xf32>,
        %parallel_loop3A_638 = vector.shape_cast %parallel_loop3A_637 : vector<1x1x16xf32> to vector<16xf32>
        %parallel_loop3A_639 = vector.shape_cast %parallel_loop3A_630 : vector<16xf32> to vector<1x1x16xf32>
        tpu.vector_store %arg12[%parallel_loop3A_634, %parallel_loop3A_635, %parallel_loop3A_636], %parallel_loop3A_639 {strides = array<i32>} : memref<8x128x16xf32, #tpu.memory_space<vmem>>, vector<1x1x16xf32>,
        %parallel_loop3A_640 = arith.constant 10 : i32
        %parallel_loop3A_641 = arith.addi %parallel_loop3A_424, %parallel_loop3A_640 : i32
        %parallel_loop3A_642 = arith.constant 1 : i32
        %parallel_loop3A_643 = arith.index_cast %parallel_loop3A_642 : i32 to index
        %parallel_loop3A_644 = arith.index_cast %parallel_loop3A_641 : i32 to index
        %parallel_loop3A_645 = arith.constant 0 : index
        %parallel_loop3A_646 = tpu.vector_load %arg12[%parallel_loop3A_643, %parallel_loop3A_644, %parallel_loop3A_645] {strides = array<i32>} : memref<8x128x16xf32, #tpu.memory_space<vmem>>, vector<1x1x16xf32>,
        %parallel_loop3A_647 = vector.shape_cast %parallel_loop3A_646 : vector<1x1x16xf32> to vector<16xf32>
        %parallel_loop3A_648 = vector.extract_strided_slice %parallel_loop3A_429 {offsets = [10], sizes = [1], strides = [1]} : vector<16xf32> to vector<1xf32>
        %parallel_loop3A_649 = vector.extract %parallel_loop3A_648[0] : f32 from vector<1xf32>
        %parallel_loop3A_650 = vector.broadcast %parallel_loop3A_649 : f32 to vector<16xf32>
        %parallel_loop3A_651 = arith.mulf %parallel_loop3A_647, %parallel_loop3A_650 : vector<16xf32>
        %parallel_loop3A_652 = arith.constant 10 : i32
        %parallel_loop3A_653 = arith.addi %parallel_loop3A_424, %parallel_loop3A_652 : i32
        %parallel_loop3A_654 = arith.constant 1 : i32
        %parallel_loop3A_655 = arith.index_cast %parallel_loop3A_654 : i32 to index
        %parallel_loop3A_656 = arith.index_cast %parallel_loop3A_653 : i32 to index
        %parallel_loop3A_657 = arith.constant 0 : index
        %parallel_loop3A_658 = tpu.vector_load %arg12[%parallel_loop3A_655, %parallel_loop3A_656, %parallel_loop3A_657] {strides = array<i32>} : memref<8x128x16xf32, #tpu.memory_space<vmem>>, vector<1x1x16xf32>,
        %parallel_loop3A_659 = vector.shape_cast %parallel_loop3A_658 : vector<1x1x16xf32> to vector<16xf32>
        %parallel_loop3A_660 = vector.shape_cast %parallel_loop3A_651 : vector<16xf32> to vector<1x1x16xf32>
        tpu.vector_store %arg12[%parallel_loop3A_655, %parallel_loop3A_656, %parallel_loop3A_657], %parallel_loop3A_660 {strides = array<i32>} : memref<8x128x16xf32, #tpu.memory_space<vmem>>, vector<1x1x16xf32>,
        %parallel_loop3A_661 = arith.constant 11 : i32
        %parallel_loop3A_662 = arith.addi %parallel_loop3A_424, %parallel_loop3A_661 : i32
        %parallel_loop3A_663 = arith.constant 1 : i32
        %parallel_loop3A_664 = arith.index_cast %parallel_loop3A_663 : i32 to index
        %parallel_loop3A_665 = arith.index_cast %parallel_loop3A_662 : i32 to index
        %parallel_loop3A_666 = arith.constant 0 : index
        %parallel_loop3A_667 = tpu.vector_load %arg12[%parallel_loop3A_664, %parallel_loop3A_665, %parallel_loop3A_666] {strides = array<i32>} : memref<8x128x16xf32, #tpu.memory_space<vmem>>, vector<1x1x16xf32>,
        %parallel_loop3A_668 = vector.shape_cast %parallel_loop3A_667 : vector<1x1x16xf32> to vector<16xf32>
        %parallel_loop3A_669 = vector.extract_strided_slice %parallel_loop3A_429 {offsets = [11], sizes = [1], strides = [1]} : vector<16xf32> to vector<1xf32>
        %parallel_loop3A_670 = vector.extract %parallel_loop3A_669[0] : f32 from vector<1xf32>
        %parallel_loop3A_671 = vector.broadcast %parallel_loop3A_670 : f32 to vector<16xf32>
        %parallel_loop3A_672 = arith.mulf %parallel_loop3A_668, %parallel_loop3A_671 : vector<16xf32>
        %parallel_loop3A_673 = arith.constant 11 : i32
        %parallel_loop3A_674 = arith.addi %parallel_loop3A_424, %parallel_loop3A_673 : i32
        %parallel_loop3A_675 = arith.constant 1 : i32
        %parallel_loop3A_676 = arith.index_cast %parallel_loop3A_675 : i32 to index
        %parallel_loop3A_677 = arith.index_cast %parallel_loop3A_674 : i32 to index
        %parallel_loop3A_678 = arith.constant 0 : index
        %parallel_loop3A_679 = tpu.vector_load %arg12[%parallel_loop3A_676, %parallel_loop3A_677, %parallel_loop3A_678] {strides = array<i32>} : memref<8x128x16xf32, #tpu.memory_space<vmem>>, vector<1x1x16xf32>,
        %parallel_loop3A_680 = vector.shape_cast %parallel_loop3A_679 : vector<1x1x16xf32> to vector<16xf32>
        %parallel_loop3A_681 = vector.shape_cast %parallel_loop3A_672 : vector<16xf32> to vector<1x1x16xf32>
        tpu.vector_store %arg12[%parallel_loop3A_676, %parallel_loop3A_677, %parallel_loop3A_678], %parallel_loop3A_681 {strides = array<i32>} : memref<8x128x16xf32, #tpu.memory_space<vmem>>, vector<1x1x16xf32>,
        %parallel_loop3A_682 = arith.constant 12 : i32
        %parallel_loop3A_683 = arith.addi %parallel_loop3A_424, %parallel_loop3A_682 : i32
        %parallel_loop3A_684 = arith.constant 1 : i32
        %parallel_loop3A_685 = arith.index_cast %parallel_loop3A_684 : i32 to index
        %parallel_loop3A_686 = arith.index_cast %parallel_loop3A_683 : i32 to index
        %parallel_loop3A_687 = arith.constant 0 : index
        %parallel_loop3A_688 = tpu.vector_load %arg12[%parallel_loop3A_685, %parallel_loop3A_686, %parallel_loop3A_687] {strides = array<i32>} : memref<8x128x16xf32, #tpu.memory_space<vmem>>, vector<1x1x16xf32>,
        %parallel_loop3A_689 = vector.shape_cast %parallel_loop3A_688 : vector<1x1x16xf32> to vector<16xf32>
        %parallel_loop3A_690 = vector.extract_strided_slice %parallel_loop3A_429 {offsets = [12], sizes = [1], strides = [1]} : vector<16xf32> to vector<1xf32>
        %parallel_loop3A_691 = vector.extract %parallel_loop3A_690[0] : f32 from vector<1xf32>
        %parallel_loop3A_692 = vector.broadcast %parallel_loop3A_691 : f32 to vector<16xf32>
        %parallel_loop3A_693 = arith.mulf %parallel_loop3A_689, %parallel_loop3A_692 : vector<16xf32>
        %parallel_loop3A_694 = arith.constant 12 : i32
        %parallel_loop3A_695 = arith.addi %parallel_loop3A_424, %parallel_loop3A_694 : i32
        %parallel_loop3A_696 = arith.constant 1 : i32
        %parallel_loop3A_697 = arith.index_cast %parallel_loop3A_696 : i32 to index
        %parallel_loop3A_698 = arith.index_cast %parallel_loop3A_695 : i32 to index
        %parallel_loop3A_699 = arith.constant 0 : index
        %parallel_loop3A_700 = tpu.vector_load %arg12[%parallel_loop3A_697, %parallel_loop3A_698, %parallel_loop3A_699] {strides = array<i32>} : memref<8x128x16xf32, #tpu.memory_space<vmem>>, vector<1x1x16xf32>,
        %parallel_loop3A_701 = vector.shape_cast %parallel_loop3A_700 : vector<1x1x16xf32> to vector<16xf32>
        %parallel_loop3A_702 = vector.shape_cast %parallel_loop3A_693 : vector<16xf32> to vector<1x1x16xf32>
        tpu.vector_store %arg12[%parallel_loop3A_697, %parallel_loop3A_698, %parallel_loop3A_699], %parallel_loop3A_702 {strides = array<i32>} : memref<8x128x16xf32, #tpu.memory_space<vmem>>, vector<1x1x16xf32>,
        %parallel_loop3A_703 = arith.constant 13 : i32
        %parallel_loop3A_704 = arith.addi %parallel_loop3A_424, %parallel_loop3A_703 : i32
        %parallel_loop3A_705 = arith.constant 1 : i32
        %parallel_loop3A_706 = arith.index_cast %parallel_loop3A_705 : i32 to index
        %parallel_loop3A_707 = arith.index_cast %parallel_loop3A_704 : i32 to index
        %parallel_loop3A_708 = arith.constant 0 : index
        %parallel_loop3A_709 = tpu.vector_load %arg12[%parallel_loop3A_706, %parallel_loop3A_707, %parallel_loop3A_708] {strides = array<i32>} : memref<8x128x16xf32, #tpu.memory_space<vmem>>, vector<1x1x16xf32>,
        %parallel_loop3A_710 = vector.shape_cast %parallel_loop3A_709 : vector<1x1x16xf32> to vector<16xf32>
        %parallel_loop3A_711 = vector.extract_strided_slice %parallel_loop3A_429 {offsets = [13], sizes = [1], strides = [1]} : vector<16xf32> to vector<1xf32>
        %parallel_loop3A_712 = vector.extract %parallel_loop3A_711[0] : f32 from vector<1xf32>
        %parallel_loop3A_713 = vector.broadcast %parallel_loop3A_712 : f32 to vector<16xf32>
        %parallel_loop3A_714 = arith.mulf %parallel_loop3A_710, %parallel_loop3A_713 : vector<16xf32>
        %parallel_loop3A_715 = arith.constant 13 : i32
        %parallel_loop3A_716 = arith.addi %parallel_loop3A_424, %parallel_loop3A_715 : i32
        %parallel_loop3A_717 = arith.constant 1 : i32
        %parallel_loop3A_718 = arith.index_cast %parallel_loop3A_717 : i32 to index
        %parallel_loop3A_719 = arith.index_cast %parallel_loop3A_716 : i32 to index
        %parallel_loop3A_720 = arith.constant 0 : index
        %parallel_loop3A_721 = tpu.vector_load %arg12[%parallel_loop3A_718, %parallel_loop3A_719, %parallel_loop3A_720] {strides = array<i32>} : memref<8x128x16xf32, #tpu.memory_space<vmem>>, vector<1x1x16xf32>,
        %parallel_loop3A_722 = vector.shape_cast %parallel_loop3A_721 : vector<1x1x16xf32> to vector<16xf32>
        %parallel_loop3A_723 = vector.shape_cast %parallel_loop3A_714 : vector<16xf32> to vector<1x1x16xf32>
        tpu.vector_store %arg12[%parallel_loop3A_718, %parallel_loop3A_719, %parallel_loop3A_720], %parallel_loop3A_723 {strides = array<i32>} : memref<8x128x16xf32, #tpu.memory_space<vmem>>, vector<1x1x16xf32>,
        %parallel_loop3A_724 = arith.constant 14 : i32
        %parallel_loop3A_725 = arith.addi %parallel_loop3A_424, %parallel_loop3A_724 : i32
        %parallel_loop3A_726 = arith.constant 1 : i32
        %parallel_loop3A_727 = arith.index_cast %parallel_loop3A_726 : i32 to index
        %parallel_loop3A_728 = arith.index_cast %parallel_loop3A_725 : i32 to index
        %parallel_loop3A_729 = arith.constant 0 : index
        %parallel_loop3A_730 = tpu.vector_load %arg12[%parallel_loop3A_727, %parallel_loop3A_728, %parallel_loop3A_729] {strides = array<i32>} : memref<8x128x16xf32, #tpu.memory_space<vmem>>, vector<1x1x16xf32>,
        %parallel_loop3A_731 = vector.shape_cast %parallel_loop3A_730 : vector<1x1x16xf32> to vector<16xf32>
        %parallel_loop3A_732 = vector.extract_strided_slice %parallel_loop3A_429 {offsets = [14], sizes = [1], strides = [1]} : vector<16xf32> to vector<1xf32>
        %parallel_loop3A_733 = vector.extract %parallel_loop3A_732[0] : f32 from vector<1xf32>
        %parallel_loop3A_734 = vector.broadcast %parallel_loop3A_733 : f32 to vector<16xf32>
        %parallel_loop3A_735 = arith.mulf %parallel_loop3A_731, %parallel_loop3A_734 : vector<16xf32>
        %parallel_loop3A_736 = arith.constant 14 : i32
        %parallel_loop3A_737 = arith.addi %parallel_loop3A_424, %parallel_loop3A_736 : i32
        %parallel_loop3A_738 = arith.constant 1 : i32
        %parallel_loop3A_739 = arith.index_cast %parallel_loop3A_738 : i32 to index
        %parallel_loop3A_740 = arith.index_cast %parallel_loop3A_737 : i32 to index
        %parallel_loop3A_741 = arith.constant 0 : index
        %parallel_loop3A_742 = tpu.vector_load %arg12[%parallel_loop3A_739, %parallel_loop3A_740, %parallel_loop3A_741] {strides = array<i32>} : memref<8x128x16xf32, #tpu.memory_space<vmem>>, vector<1x1x16xf32>,
        %parallel_loop3A_743 = vector.shape_cast %parallel_loop3A_742 : vector<1x1x16xf32> to vector<16xf32>
        %parallel_loop3A_744 = vector.shape_cast %parallel_loop3A_735 : vector<16xf32> to vector<1x1x16xf32>
        tpu.vector_store %arg12[%parallel_loop3A_739, %parallel_loop3A_740, %parallel_loop3A_741], %parallel_loop3A_744 {strides = array<i32>} : memref<8x128x16xf32, #tpu.memory_space<vmem>>, vector<1x1x16xf32>,
        %parallel_loop3A_745 = arith.constant 15 : i32
        %parallel_loop3A_746 = arith.addi %parallel_loop3A_424, %parallel_loop3A_745 : i32
        %parallel_loop3A_747 = arith.constant 1 : i32
        %parallel_loop3A_748 = arith.index_cast %parallel_loop3A_747 : i32 to index
        %parallel_loop3A_749 = arith.index_cast %parallel_loop3A_746 : i32 to index
        %parallel_loop3A_750 = arith.constant 0 : index
        %parallel_loop3A_751 = tpu.vector_load %arg12[%parallel_loop3A_748, %parallel_loop3A_749, %parallel_loop3A_750] {strides = array<i32>} : memref<8x128x16xf32, #tpu.memory_space<vmem>>, vector<1x1x16xf32>,
        %parallel_loop3A_752 = vector.shape_cast %parallel_loop3A_751 : vector<1x1x16xf32> to vector<16xf32>
        %parallel_loop3A_753 = vector.extract_strided_slice %parallel_loop3A_429 {offsets = [15], sizes = [1], strides = [1]} : vector<16xf32> to vector<1xf32>
        %parallel_loop3A_754 = vector.extract %parallel_loop3A_753[0] : f32 from vector<1xf32>
        %parallel_loop3A_755 = vector.broadcast %parallel_loop3A_754 : f32 to vector<16xf32>
        %parallel_loop3A_756 = arith.mulf %parallel_loop3A_752, %parallel_loop3A_755 : vector<16xf32>
        %parallel_loop3A_757 = arith.constant 15 : i32
        %parallel_loop3A_758 = arith.addi %parallel_loop3A_424, %parallel_loop3A_757 : i32
        %parallel_loop3A_759 = arith.constant 1 : i32
        %parallel_loop3A_760 = arith.index_cast %parallel_loop3A_759 : i32 to index
        %parallel_loop3A_761 = arith.index_cast %parallel_loop3A_758 : i32 to index
        %parallel_loop3A_762 = arith.constant 0 : index
        %parallel_loop3A_763 = tpu.vector_load %arg12[%parallel_loop3A_760, %parallel_loop3A_761, %parallel_loop3A_762] {strides = array<i32>} : memref<8x128x16xf32, #tpu.memory_space<vmem>>, vector<1x1x16xf32>,
        %parallel_loop3A_764 = vector.shape_cast %parallel_loop3A_763 : vector<1x1x16xf32> to vector<16xf32>
        %parallel_loop3A_765 = vector.shape_cast %parallel_loop3A_756 : vector<16xf32> to vector<1x1x16xf32>
        tpu.vector_store %arg12[%parallel_loop3A_760, %parallel_loop3A_761, %parallel_loop3A_762], %parallel_loop3A_765 {strides = array<i32>} : memref<8x128x16xf32, #tpu.memory_space<vmem>>, vector<1x1x16xf32>,
      } {sc.loop_unroll_factor = 2 : i64, sc.parallel_access}
      %parallel_loop3A_214 = arith.constant 0 : i32
      %parallel_loop3A_215 = arith.constant 128 : i32
      %parallel_loop3A_216 = arith.constant 16 : i32
      scf.for %parallel_loop3A_424 = %parallel_loop3A_214 to %parallel_loop3A_215 step %parallel_loop3A_216  : i32 {
        %parallel_loop3A_425 = arith.constant 2 : i32
        %parallel_loop3A_426 = arith.index_cast %parallel_loop3A_425 : i32 to index
        %parallel_loop3A_427 = arith.index_cast %parallel_loop3A_424 : i32 to index
        %parallel_loop3A_428 = tpu.vector_load %arg11[%parallel_loop3A_426, %parallel_loop3A_427] {strides = array<i32>} : memref<8x128xf32, #tpu.memory_space<vmem>>, vector<1x16xf32>,
        %parallel_loop3A_429 = vector.shape_cast %parallel_loop3A_428 : vector<1x16xf32> to vector<16xf32>
        %parallel_loop3A_430 = arith.constant 0 : i32
        %parallel_loop3A_431 = arith.addi %parallel_loop3A_424, %parallel_loop3A_430 : i32
        %parallel_loop3A_432 = arith.constant 2 : i32
        %parallel_loop3A_433 = arith.index_cast %parallel_loop3A_432 : i32 to index
        %parallel_loop3A_434 = arith.index_cast %parallel_loop3A_431 : i32 to index
        %parallel_loop3A_435 = arith.constant 0 : index
        %parallel_loop3A_436 = tpu.vector_load %arg12[%parallel_loop3A_433, %parallel_loop3A_434, %parallel_loop3A_435] {strides = array<i32>} : memref<8x128x16xf32, #tpu.memory_space<vmem>>, vector<1x1x16xf32>,
        %parallel_loop3A_437 = vector.shape_cast %parallel_loop3A_436 : vector<1x1x16xf32> to vector<16xf32>
        %parallel_loop3A_438 = vector.extract_strided_slice %parallel_loop3A_429 {offsets = [0], sizes = [1], strides = [1]} : vector<16xf32> to vector<1xf32>
        %parallel_loop3A_439 = vector.extract %parallel_loop3A_438[0] : f32 from vector<1xf32>
        %parallel_loop3A_440 = vector.broadcast %parallel_loop3A_439 : f32 to vector<16xf32>
        %parallel_loop3A_441 = arith.mulf %parallel_loop3A_437, %parallel_loop3A_440 : vector<16xf32>
        %parallel_loop3A_442 = arith.constant 0 : i32
        %parallel_loop3A_443 = arith.addi %parallel_loop3A_424, %parallel_loop3A_442 : i32
        %parallel_loop3A_444 = arith.constant 2 : i32
        %parallel_loop3A_445 = arith.index_cast %parallel_loop3A_444 : i32 to index
        %parallel_loop3A_446 = arith.index_cast %parallel_loop3A_443 : i32 to index
        %parallel_loop3A_447 = arith.constant 0 : index
        %parallel_loop3A_448 = tpu.vector_load %arg12[%parallel_loop3A_445, %parallel_loop3A_446, %parallel_loop3A_447] {strides = array<i32>} : memref<8x128x16xf32, #tpu.memory_space<vmem>>, vector<1x1x16xf32>,
        %parallel_loop3A_449 = vector.shape_cast %parallel_loop3A_448 : vector<1x1x16xf32> to vector<16xf32>
        %parallel_loop3A_450 = vector.shape_cast %parallel_loop3A_441 : vector<16xf32> to vector<1x1x16xf32>
        tpu.vector_store %arg12[%parallel_loop3A_445, %parallel_loop3A_446, %parallel_loop3A_447], %parallel_loop3A_450 {strides = array<i32>} : memref<8x128x16xf32, #tpu.memory_space<vmem>>, vector<1x1x16xf32>,
        %parallel_loop3A_451 = arith.constant 1 : i32
        %parallel_loop3A_452 = arith.addi %parallel_loop3A_424, %parallel_loop3A_451 : i32
        %parallel_loop3A_453 = arith.constant 2 : i32
        %parallel_loop3A_454 = arith.index_cast %parallel_loop3A_453 : i32 to index
        %parallel_loop3A_455 = arith.index_cast %parallel_loop3A_452 : i32 to index
        %parallel_loop3A_456 = arith.constant 0 : index
        %parallel_loop3A_457 = tpu.vector_load %arg12[%parallel_loop3A_454, %parallel_loop3A_455, %parallel_loop3A_456] {strides = array<i32>} : memref<8x128x16xf32, #tpu.memory_space<vmem>>, vector<1x1x16xf32>,
        %parallel_loop3A_458 = vector.shape_cast %parallel_loop3A_457 : vector<1x1x16xf32> to vector<16xf32>
        %parallel_loop3A_459 = vector.extract_strided_slice %parallel_loop3A_429 {offsets = [1], sizes = [1], strides = [1]} : vector<16xf32> to vector<1xf32>
        %parallel_loop3A_460 = vector.extract %parallel_loop3A_459[0] : f32 from vector<1xf32>
        %parallel_loop3A_461 = vector.broadcast %parallel_loop3A_460 : f32 to vector<16xf32>
        %parallel_loop3A_462 = arith.mulf %parallel_loop3A_458, %parallel_loop3A_461 : vector<16xf32>
        %parallel_loop3A_463 = arith.constant 1 : i32
        %parallel_loop3A_464 = arith.addi %parallel_loop3A_424, %parallel_loop3A_463 : i32
        %parallel_loop3A_465 = arith.constant 2 : i32
        %parallel_loop3A_466 = arith.index_cast %parallel_loop3A_465 : i32 to index
        %parallel_loop3A_467 = arith.index_cast %parallel_loop3A_464 : i32 to index
        %parallel_loop3A_468 = arith.constant 0 : index
        %parallel_loop3A_469 = tpu.vector_load %arg12[%parallel_loop3A_466, %parallel_loop3A_467, %parallel_loop3A_468] {strides = array<i32>} : memref<8x128x16xf32, #tpu.memory_space<vmem>>, vector<1x1x16xf32>,
        %parallel_loop3A_470 = vector.shape_cast %parallel_loop3A_469 : vector<1x1x16xf32> to vector<16xf32>
        %parallel_loop3A_471 = vector.shape_cast %parallel_loop3A_462 : vector<16xf32> to vector<1x1x16xf32>
        tpu.vector_store %arg12[%parallel_loop3A_466, %parallel_loop3A_467, %parallel_loop3A_468], %parallel_loop3A_471 {strides = array<i32>} : memref<8x128x16xf32, #tpu.memory_space<vmem>>, vector<1x1x16xf32>,
        %parallel_loop3A_472 = arith.constant 2 : i32
        %parallel_loop3A_473 = arith.addi %parallel_loop3A_424, %parallel_loop3A_472 : i32
        %parallel_loop3A_474 = arith.constant 2 : i32
        %parallel_loop3A_475 = arith.index_cast %parallel_loop3A_474 : i32 to index
        %parallel_loop3A_476 = arith.index_cast %parallel_loop3A_473 : i32 to index
        %parallel_loop3A_477 = arith.constant 0 : index
        %parallel_loop3A_478 = tpu.vector_load %arg12[%parallel_loop3A_475, %parallel_loop3A_476, %parallel_loop3A_477] {strides = array<i32>} : memref<8x128x16xf32, #tpu.memory_space<vmem>>, vector<1x1x16xf32>,
        %parallel_loop3A_479 = vector.shape_cast %parallel_loop3A_478 : vector<1x1x16xf32> to vector<16xf32>
        %parallel_loop3A_480 = vector.extract_strided_slice %parallel_loop3A_429 {offsets = [2], sizes = [1], strides = [1]} : vector<16xf32> to vector<1xf32>
        %parallel_loop3A_481 = vector.extract %parallel_loop3A_480[0] : f32 from vector<1xf32>
        %parallel_loop3A_482 = vector.broadcast %parallel_loop3A_481 : f32 to vector<16xf32>
        %parallel_loop3A_483 = arith.mulf %parallel_loop3A_479, %parallel_loop3A_482 : vector<16xf32>
        %parallel_loop3A_484 = arith.constant 2 : i32
        %parallel_loop3A_485 = arith.addi %parallel_loop3A_424, %parallel_loop3A_484 : i32
        %parallel_loop3A_486 = arith.constant 2 : i32
        %parallel_loop3A_487 = arith.index_cast %parallel_loop3A_486 : i32 to index
        %parallel_loop3A_488 = arith.index_cast %parallel_loop3A_485 : i32 to index
        %parallel_loop3A_489 = arith.constant 0 : index
        %parallel_loop3A_490 = tpu.vector_load %arg12[%parallel_loop3A_487, %parallel_loop3A_488, %parallel_loop3A_489] {strides = array<i32>} : memref<8x128x16xf32, #tpu.memory_space<vmem>>, vector<1x1x16xf32>,
        %parallel_loop3A_491 = vector.shape_cast %parallel_loop3A_490 : vector<1x1x16xf32> to vector<16xf32>
        %parallel_loop3A_492 = vector.shape_cast %parallel_loop3A_483 : vector<16xf32> to vector<1x1x16xf32>
        tpu.vector_store %arg12[%parallel_loop3A_487, %parallel_loop3A_488, %parallel_loop3A_489], %parallel_loop3A_492 {strides = array<i32>} : memref<8x128x16xf32, #tpu.memory_space<vmem>>, vector<1x1x16xf32>,
        %parallel_loop3A_493 = arith.constant 3 : i32
        %parallel_loop3A_494 = arith.addi %parallel_loop3A_424, %parallel_loop3A_493 : i32
        %parallel_loop3A_495 = arith.constant 2 : i32
        %parallel_loop3A_496 = arith.index_cast %parallel_loop3A_495 : i32 to index
        %parallel_loop3A_497 = arith.index_cast %parallel_loop3A_494 : i32 to index
        %parallel_loop3A_498 = arith.constant 0 : index
        %parallel_loop3A_499 = tpu.vector_load %arg12[%parallel_loop3A_496, %parallel_loop3A_497, %parallel_loop3A_498] {strides = array<i32>} : memref<8x128x16xf32, #tpu.memory_space<vmem>>, vector<1x1x16xf32>,
        %parallel_loop3A_500 = vector.shape_cast %parallel_loop3A_499 : vector<1x1x16xf32> to vector<16xf32>
        %parallel_loop3A_501 = vector.extract_strided_slice %parallel_loop3A_429 {offsets = [3], sizes = [1], strides = [1]} : vector<16xf32> to vector<1xf32>
        %parallel_loop3A_502 = vector.extract %parallel_loop3A_501[0] : f32 from vector<1xf32>
        %parallel_loop3A_503 = vector.broadcast %parallel_loop3A_502 : f32 to vector<16xf32>
        %parallel_loop3A_504 = arith.mulf %parallel_loop3A_500, %parallel_loop3A_503 : vector<16xf32>
        %parallel_loop3A_505 = arith.constant 3 : i32
        %parallel_loop3A_506 = arith.addi %parallel_loop3A_424, %parallel_loop3A_505 : i32
        %parallel_loop3A_507 = arith.constant 2 : i32
        %parallel_loop3A_508 = arith.index_cast %parallel_loop3A_507 : i32 to index
        %parallel_loop3A_509 = arith.index_cast %parallel_loop3A_506 : i32 to index
        %parallel_loop3A_510 = arith.constant 0 : index
        %parallel_loop3A_511 = tpu.vector_load %arg12[%parallel_loop3A_508, %parallel_loop3A_509, %parallel_loop3A_510] {strides = array<i32>} : memref<8x128x16xf32, #tpu.memory_space<vmem>>, vector<1x1x16xf32>,
        %parallel_loop3A_512 = vector.shape_cast %parallel_loop3A_511 : vector<1x1x16xf32> to vector<16xf32>
        %parallel_loop3A_513 = vector.shape_cast %parallel_loop3A_504 : vector<16xf32> to vector<1x1x16xf32>
        tpu.vector_store %arg12[%parallel_loop3A_508, %parallel_loop3A_509, %parallel_loop3A_510], %parallel_loop3A_513 {strides = array<i32>} : memref<8x128x16xf32, #tpu.memory_space<vmem>>, vector<1x1x16xf32>,
        %parallel_loop3A_514 = arith.constant 4 : i32
        %parallel_loop3A_515 = arith.addi %parallel_loop3A_424, %parallel_loop3A_514 : i32
        %parallel_loop3A_516 = arith.constant 2 : i32
        %parallel_loop3A_517 = arith.index_cast %parallel_loop3A_516 : i32 to index
        %parallel_loop3A_518 = arith.index_cast %parallel_loop3A_515 : i32 to index
        %parallel_loop3A_519 = arith.constant 0 : index
        %parallel_loop3A_520 = tpu.vector_load %arg12[%parallel_loop3A_517, %parallel_loop3A_518, %parallel_loop3A_519] {strides = array<i32>} : memref<8x128x16xf32, #tpu.memory_space<vmem>>, vector<1x1x16xf32>,
        %parallel_loop3A_521 = vector.shape_cast %parallel_loop3A_520 : vector<1x1x16xf32> to vector<16xf32>
        %parallel_loop3A_522 = vector.extract_strided_slice %parallel_loop3A_429 {offsets = [4], sizes = [1], strides = [1]} : vector<16xf32> to vector<1xf32>
        %parallel_loop3A_523 = vector.extract %parallel_loop3A_522[0] : f32 from vector<1xf32>
        %parallel_loop3A_524 = vector.broadcast %parallel_loop3A_523 : f32 to vector<16xf32>
        %parallel_loop3A_525 = arith.mulf %parallel_loop3A_521, %parallel_loop3A_524 : vector<16xf32>
        %parallel_loop3A_526 = arith.constant 4 : i32
        %parallel_loop3A_527 = arith.addi %parallel_loop3A_424, %parallel_loop3A_526 : i32
        %parallel_loop3A_528 = arith.constant 2 : i32
        %parallel_loop3A_529 = arith.index_cast %parallel_loop3A_528 : i32 to index
        %parallel_loop3A_530 = arith.index_cast %parallel_loop3A_527 : i32 to index
        %parallel_loop3A_531 = arith.constant 0 : index
        %parallel_loop3A_532 = tpu.vector_load %arg12[%parallel_loop3A_529, %parallel_loop3A_530, %parallel_loop3A_531] {strides = array<i32>} : memref<8x128x16xf32, #tpu.memory_space<vmem>>, vector<1x1x16xf32>,
        %parallel_loop3A_533 = vector.shape_cast %parallel_loop3A_532 : vector<1x1x16xf32> to vector<16xf32>
        %parallel_loop3A_534 = vector.shape_cast %parallel_loop3A_525 : vector<16xf32> to vector<1x1x16xf32>
        tpu.vector_store %arg12[%parallel_loop3A_529, %parallel_loop3A_530, %parallel_loop3A_531], %parallel_loop3A_534 {strides = array<i32>} : memref<8x128x16xf32, #tpu.memory_space<vmem>>, vector<1x1x16xf32>,
        %parallel_loop3A_535 = arith.constant 5 : i32
        %parallel_loop3A_536 = arith.addi %parallel_loop3A_424, %parallel_loop3A_535 : i32
        %parallel_loop3A_537 = arith.constant 2 : i32
        %parallel_loop3A_538 = arith.index_cast %parallel_loop3A_537 : i32 to index
        %parallel_loop3A_539 = arith.index_cast %parallel_loop3A_536 : i32 to index
        %parallel_loop3A_540 = arith.constant 0 : index
        %parallel_loop3A_541 = tpu.vector_load %arg12[%parallel_loop3A_538, %parallel_loop3A_539, %parallel_loop3A_540] {strides = array<i32>} : memref<8x128x16xf32, #tpu.memory_space<vmem>>, vector<1x1x16xf32>,
        %parallel_loop3A_542 = vector.shape_cast %parallel_loop3A_541 : vector<1x1x16xf32> to vector<16xf32>
        %parallel_loop3A_543 = vector.extract_strided_slice %parallel_loop3A_429 {offsets = [5], sizes = [1], strides = [1]} : vector<16xf32> to vector<1xf32>
        %parallel_loop3A_544 = vector.extract %parallel_loop3A_543[0] : f32 from vector<1xf32>
        %parallel_loop3A_545 = vector.broadcast %parallel_loop3A_544 : f32 to vector<16xf32>
        %parallel_loop3A_546 = arith.mulf %parallel_loop3A_542, %parallel_loop3A_545 : vector<16xf32>
        %parallel_loop3A_547 = arith.constant 5 : i32
        %parallel_loop3A_548 = arith.addi %parallel_loop3A_424, %parallel_loop3A_547 : i32
        %parallel_loop3A_549 = arith.constant 2 : i32
        %parallel_loop3A_550 = arith.index_cast %parallel_loop3A_549 : i32 to index
        %parallel_loop3A_551 = arith.index_cast %parallel_loop3A_548 : i32 to index
        %parallel_loop3A_552 = arith.constant 0 : index
        %parallel_loop3A_553 = tpu.vector_load %arg12[%parallel_loop3A_550, %parallel_loop3A_551, %parallel_loop3A_552] {strides = array<i32>} : memref<8x128x16xf32, #tpu.memory_space<vmem>>, vector<1x1x16xf32>,
        %parallel_loop3A_554 = vector.shape_cast %parallel_loop3A_553 : vector<1x1x16xf32> to vector<16xf32>
        %parallel_loop3A_555 = vector.shape_cast %parallel_loop3A_546 : vector<16xf32> to vector<1x1x16xf32>
        tpu.vector_store %arg12[%parallel_loop3A_550, %parallel_loop3A_551, %parallel_loop3A_552], %parallel_loop3A_555 {strides = array<i32>} : memref<8x128x16xf32, #tpu.memory_space<vmem>>, vector<1x1x16xf32>,
        %parallel_loop3A_556 = arith.constant 6 : i32
        %parallel_loop3A_557 = arith.addi %parallel_loop3A_424, %parallel_loop3A_556 : i32
        %parallel_loop3A_558 = arith.constant 2 : i32
        %parallel_loop3A_559 = arith.index_cast %parallel_loop3A_558 : i32 to index
        %parallel_loop3A_560 = arith.index_cast %parallel_loop3A_557 : i32 to index
        %parallel_loop3A_561 = arith.constant 0 : index
        %parallel_loop3A_562 = tpu.vector_load %arg12[%parallel_loop3A_559, %parallel_loop3A_560, %parallel_loop3A_561] {strides = array<i32>} : memref<8x128x16xf32, #tpu.memory_space<vmem>>, vector<1x1x16xf32>,
        %parallel_loop3A_563 = vector.shape_cast %parallel_loop3A_562 : vector<1x1x16xf32> to vector<16xf32>
        %parallel_loop3A_564 = vector.extract_strided_slice %parallel_loop3A_429 {offsets = [6], sizes = [1], strides = [1]} : vector<16xf32> to vector<1xf32>
        %parallel_loop3A_565 = vector.extract %parallel_loop3A_564[0] : f32 from vector<1xf32>
        %parallel_loop3A_566 = vector.broadcast %parallel_loop3A_565 : f32 to vector<16xf32>
        %parallel_loop3A_567 = arith.mulf %parallel_loop3A_563, %parallel_loop3A_566 : vector<16xf32>
        %parallel_loop3A_568 = arith.constant 6 : i32
        %parallel_loop3A_569 = arith.addi %parallel_loop3A_424, %parallel_loop3A_568 : i32
        %parallel_loop3A_570 = arith.constant 2 : i32
        %parallel_loop3A_571 = arith.index_cast %parallel_loop3A_570 : i32 to index
        %parallel_loop3A_572 = arith.index_cast %parallel_loop3A_569 : i32 to index
        %parallel_loop3A_573 = arith.constant 0 : index
        %parallel_loop3A_574 = tpu.vector_load %arg12[%parallel_loop3A_571, %parallel_loop3A_572, %parallel_loop3A_573] {strides = array<i32>} : memref<8x128x16xf32, #tpu.memory_space<vmem>>, vector<1x1x16xf32>,
        %parallel_loop3A_575 = vector.shape_cast %parallel_loop3A_574 : vector<1x1x16xf32> to vector<16xf32>
        %parallel_loop3A_576 = vector.shape_cast %parallel_loop3A_567 : vector<16xf32> to vector<1x1x16xf32>
        tpu.vector_store %arg12[%parallel_loop3A_571, %parallel_loop3A_572, %parallel_loop3A_573], %parallel_loop3A_576 {strides = array<i32>} : memref<8x128x16xf32, #tpu.memory_space<vmem>>, vector<1x1x16xf32>,
        %parallel_loop3A_577 = arith.constant 7 : i32
        %parallel_loop3A_578 = arith.addi %parallel_loop3A_424, %parallel_loop3A_577 : i32
        %parallel_loop3A_579 = arith.constant 2 : i32
        %parallel_loop3A_580 = arith.index_cast %parallel_loop3A_579 : i32 to index
        %parallel_loop3A_581 = arith.index_cast %parallel_loop3A_578 : i32 to index
        %parallel_loop3A_582 = arith.constant 0 : index
        %parallel_loop3A_583 = tpu.vector_load %arg12[%parallel_loop3A_580, %parallel_loop3A_581, %parallel_loop3A_582] {strides = array<i32>} : memref<8x128x16xf32, #tpu.memory_space<vmem>>, vector<1x1x16xf32>,
        %parallel_loop3A_584 = vector.shape_cast %parallel_loop3A_583 : vector<1x1x16xf32> to vector<16xf32>
        %parallel_loop3A_585 = vector.extract_strided_slice %parallel_loop3A_429 {offsets = [7], sizes = [1], strides = [1]} : vector<16xf32> to vector<1xf32>
        %parallel_loop3A_586 = vector.extract %parallel_loop3A_585[0] : f32 from vector<1xf32>
        %parallel_loop3A_587 = vector.broadcast %parallel_loop3A_586 : f32 to vector<16xf32>
        %parallel_loop3A_588 = arith.mulf %parallel_loop3A_584, %parallel_loop3A_587 : vector<16xf32>
        %parallel_loop3A_589 = arith.constant 7 : i32
        %parallel_loop3A_590 = arith.addi %parallel_loop3A_424, %parallel_loop3A_589 : i32
        %parallel_loop3A_591 = arith.constant 2 : i32
        %parallel_loop3A_592 = arith.index_cast %parallel_loop3A_591 : i32 to index
        %parallel_loop3A_593 = arith.index_cast %parallel_loop3A_590 : i32 to index
        %parallel_loop3A_594 = arith.constant 0 : index
        %parallel_loop3A_595 = tpu.vector_load %arg12[%parallel_loop3A_592, %parallel_loop3A_593, %parallel_loop3A_594] {strides = array<i32>} : memref<8x128x16xf32, #tpu.memory_space<vmem>>, vector<1x1x16xf32>,
        %parallel_loop3A_596 = vector.shape_cast %parallel_loop3A_595 : vector<1x1x16xf32> to vector<16xf32>
        %parallel_loop3A_597 = vector.shape_cast %parallel_loop3A_588 : vector<16xf32> to vector<1x1x16xf32>
        tpu.vector_store %arg12[%parallel_loop3A_592, %parallel_loop3A_593, %parallel_loop3A_594], %parallel_loop3A_597 {strides = array<i32>} : memref<8x128x16xf32, #tpu.memory_space<vmem>>, vector<1x1x16xf32>,
        %parallel_loop3A_598 = arith.constant 8 : i32
        %parallel_loop3A_599 = arith.addi %parallel_loop3A_424, %parallel_loop3A_598 : i32
        %parallel_loop3A_600 = arith.constant 2 : i32
        %parallel_loop3A_601 = arith.index_cast %parallel_loop3A_600 : i32 to index
        %parallel_loop3A_602 = arith.index_cast %parallel_loop3A_599 : i32 to index
        %parallel_loop3A_603 = arith.constant 0 : index
        %parallel_loop3A_604 = tpu.vector_load %arg12[%parallel_loop3A_601, %parallel_loop3A_602, %parallel_loop3A_603] {strides = array<i32>} : memref<8x128x16xf32, #tpu.memory_space<vmem>>, vector<1x1x16xf32>,
        %parallel_loop3A_605 = vector.shape_cast %parallel_loop3A_604 : vector<1x1x16xf32> to vector<16xf32>
        %parallel_loop3A_606 = vector.extract_strided_slice %parallel_loop3A_429 {offsets = [8], sizes = [1], strides = [1]} : vector<16xf32> to vector<1xf32>
        %parallel_loop3A_607 = vector.extract %parallel_loop3A_606[0] : f32 from vector<1xf32>
        %parallel_loop3A_608 = vector.broadcast %parallel_loop3A_607 : f32 to vector<16xf32>
        %parallel_loop3A_609 = arith.mulf %parallel_loop3A_605, %parallel_loop3A_608 : vector<16xf32>
        %parallel_loop3A_610 = arith.constant 8 : i32
        %parallel_loop3A_611 = arith.addi %parallel_loop3A_424, %parallel_loop3A_610 : i32
        %parallel_loop3A_612 = arith.constant 2 : i32
        %parallel_loop3A_613 = arith.index_cast %parallel_loop3A_612 : i32 to index
        %parallel_loop3A_614 = arith.index_cast %parallel_loop3A_611 : i32 to index
        %parallel_loop3A_615 = arith.constant 0 : index
        %parallel_loop3A_616 = tpu.vector_load %arg12[%parallel_loop3A_613, %parallel_loop3A_614, %parallel_loop3A_615] {strides = array<i32>} : memref<8x128x16xf32, #tpu.memory_space<vmem>>, vector<1x1x16xf32>,
        %parallel_loop3A_617 = vector.shape_cast %parallel_loop3A_616 : vector<1x1x16xf32> to vector<16xf32>
        %parallel_loop3A_618 = vector.shape_cast %parallel_loop3A_609 : vector<16xf32> to vector<1x1x16xf32>
        tpu.vector_store %arg12[%parallel_loop3A_613, %parallel_loop3A_614, %parallel_loop3A_615], %parallel_loop3A_618 {strides = array<i32>} : memref<8x128x16xf32, #tpu.memory_space<vmem>>, vector<1x1x16xf32>,
        %parallel_loop3A_619 = arith.constant 9 : i32
        %parallel_loop3A_620 = arith.addi %parallel_loop3A_424, %parallel_loop3A_619 : i32
        %parallel_loop3A_621 = arith.constant 2 : i32
        %parallel_loop3A_622 = arith.index_cast %parallel_loop3A_621 : i32 to index
        %parallel_loop3A_623 = arith.index_cast %parallel_loop3A_620 : i32 to index
        %parallel_loop3A_624 = arith.constant 0 : index
        %parallel_loop3A_625 = tpu.vector_load %arg12[%parallel_loop3A_622, %parallel_loop3A_623, %parallel_loop3A_624] {strides = array<i32>} : memref<8x128x16xf32, #tpu.memory_space<vmem>>, vector<1x1x16xf32>,
        %parallel_loop3A_626 = vector.shape_cast %parallel_loop3A_625 : vector<1x1x16xf32> to vector<16xf32>
        %parallel_loop3A_627 = vector.extract_strided_slice %parallel_loop3A_429 {offsets = [9], sizes = [1], strides = [1]} : vector<16xf32> to vector<1xf32>
        %parallel_loop3A_628 = vector.extract %parallel_loop3A_627[0] : f32 from vector<1xf32>
        %parallel_loop3A_629 = vector.broadcast %parallel_loop3A_628 : f32 to vector<16xf32>
        %parallel_loop3A_630 = arith.mulf %parallel_loop3A_626, %parallel_loop3A_629 : vector<16xf32>
        %parallel_loop3A_631 = arith.constant 9 : i32
        %parallel_loop3A_632 = arith.addi %parallel_loop3A_424, %parallel_loop3A_631 : i32
        %parallel_loop3A_633 = arith.constant 2 : i32
        %parallel_loop3A_634 = arith.index_cast %parallel_loop3A_633 : i32 to index
        %parallel_loop3A_635 = arith.index_cast %parallel_loop3A_632 : i32 to index
        %parallel_loop3A_636 = arith.constant 0 : index
        %parallel_loop3A_637 = tpu.vector_load %arg12[%parallel_loop3A_634, %parallel_loop3A_635, %parallel_loop3A_636] {strides = array<i32>} : memref<8x128x16xf32, #tpu.memory_space<vmem>>, vector<1x1x16xf32>,
        %parallel_loop3A_638 = vector.shape_cast %parallel_loop3A_637 : vector<1x1x16xf32> to vector<16xf32>
        %parallel_loop3A_639 = vector.shape_cast %parallel_loop3A_630 : vector<16xf32> to vector<1x1x16xf32>
        tpu.vector_store %arg12[%parallel_loop3A_634, %parallel_loop3A_635, %parallel_loop3A_636], %parallel_loop3A_639 {strides = array<i32>} : memref<8x128x16xf32, #tpu.memory_space<vmem>>, vector<1x1x16xf32>,
        %parallel_loop3A_640 = arith.constant 10 : i32
        %parallel_loop3A_641 = arith.addi %parallel_loop3A_424, %parallel_loop3A_640 : i32
        %parallel_loop3A_642 = arith.constant 2 : i32
        %parallel_loop3A_643 = arith.index_cast %parallel_loop3A_642 : i32 to index
        %parallel_loop3A_644 = arith.index_cast %parallel_loop3A_641 : i32 to index
        %parallel_loop3A_645 = arith.constant 0 : index
        %parallel_loop3A_646 = tpu.vector_load %arg12[%parallel_loop3A_643, %parallel_loop3A_644, %parallel_loop3A_645] {strides = array<i32>} : memref<8x128x16xf32, #tpu.memory_space<vmem>>, vector<1x1x16xf32>,
        %parallel_loop3A_647 = vector.shape_cast %parallel_loop3A_646 : vector<1x1x16xf32> to vector<16xf32>
        %parallel_loop3A_648 = vector.extract_strided_slice %parallel_loop3A_429 {offsets = [10], sizes = [1], strides = [1]} : vector<16xf32> to vector<1xf32>
        %parallel_loop3A_649 = vector.extract %parallel_loop3A_648[0] : f32 from vector<1xf32>
        %parallel_loop3A_650 = vector.broadcast %parallel_loop3A_649 : f32 to vector<16xf32>
        %parallel_loop3A_651 = arith.mulf %parallel_loop3A_647, %parallel_loop3A_650 : vector<16xf32>
        %parallel_loop3A_652 = arith.constant 10 : i32
        %parallel_loop3A_653 = arith.addi %parallel_loop3A_424, %parallel_loop3A_652 : i32
        %parallel_loop3A_654 = arith.constant 2 : i32
        %parallel_loop3A_655 = arith.index_cast %parallel_loop3A_654 : i32 to index
        %parallel_loop3A_656 = arith.index_cast %parallel_loop3A_653 : i32 to index
        %parallel_loop3A_657 = arith.constant 0 : index
        %parallel_loop3A_658 = tpu.vector_load %arg12[%parallel_loop3A_655, %parallel_loop3A_656, %parallel_loop3A_657] {strides = array<i32>} : memref<8x128x16xf32, #tpu.memory_space<vmem>>, vector<1x1x16xf32>,
        %parallel_loop3A_659 = vector.shape_cast %parallel_loop3A_658 : vector<1x1x16xf32> to vector<16xf32>
        %parallel_loop3A_660 = vector.shape_cast %parallel_loop3A_651 : vector<16xf32> to vector<1x1x16xf32>
        tpu.vector_store %arg12[%parallel_loop3A_655, %parallel_loop3A_656, %parallel_loop3A_657], %parallel_loop3A_660 {strides = array<i32>} : memref<8x128x16xf32, #tpu.memory_space<vmem>>, vector<1x1x16xf32>,
        %parallel_loop3A_661 = arith.constant 11 : i32
        %parallel_loop3A_662 = arith.addi %parallel_loop3A_424, %parallel_loop3A_661 : i32
        %parallel_loop3A_663 = arith.constant 2 : i32
        %parallel_loop3A_664 = arith.index_cast %parallel_loop3A_663 : i32 to index
        %parallel_loop3A_665 = arith.index_cast %parallel_loop3A_662 : i32 to index
        %parallel_loop3A_666 = arith.constant 0 : index
        %parallel_loop3A_667 = tpu.vector_load %arg12[%parallel_loop3A_664, %parallel_loop3A_665, %parallel_loop3A_666] {strides = array<i32>} : memref<8x128x16xf32, #tpu.memory_space<vmem>>, vector<1x1x16xf32>,
        %parallel_loop3A_668 = vector.shape_cast %parallel_loop3A_667 : vector<1x1x16xf32> to vector<16xf32>
        %parallel_loop3A_669 = vector.extract_strided_slice %parallel_loop3A_429 {offsets = [11], sizes = [1], strides = [1]} : vector<16xf32> to vector<1xf32>
        %parallel_loop3A_670 = vector.extract %parallel_loop3A_669[0] : f32 from vector<1xf32>
        %parallel_loop3A_671 = vector.broadcast %parallel_loop3A_670 : f32 to vector<16xf32>
        %parallel_loop3A_672 = arith.mulf %parallel_loop3A_668, %parallel_loop3A_671 : vector<16xf32>
        %parallel_loop3A_673 = arith.constant 11 : i32
        %parallel_loop3A_674 = arith.addi %parallel_loop3A_424, %parallel_loop3A_673 : i32
        %parallel_loop3A_675 = arith.constant 2 : i32
        %parallel_loop3A_676 = arith.index_cast %parallel_loop3A_675 : i32 to index
        %parallel_loop3A_677 = arith.index_cast %parallel_loop3A_674 : i32 to index
        %parallel_loop3A_678 = arith.constant 0 : index
        %parallel_loop3A_679 = tpu.vector_load %arg12[%parallel_loop3A_676, %parallel_loop3A_677, %parallel_loop3A_678] {strides = array<i32>} : memref<8x128x16xf32, #tpu.memory_space<vmem>>, vector<1x1x16xf32>,
        %parallel_loop3A_680 = vector.shape_cast %parallel_loop3A_679 : vector<1x1x16xf32> to vector<16xf32>
        %parallel_loop3A_681 = vector.shape_cast %parallel_loop3A_672 : vector<16xf32> to vector<1x1x16xf32>
        tpu.vector_store %arg12[%parallel_loop3A_676, %parallel_loop3A_677, %parallel_loop3A_678], %parallel_loop3A_681 {strides = array<i32>} : memref<8x128x16xf32, #tpu.memory_space<vmem>>, vector<1x1x16xf32>,
        %parallel_loop3A_682 = arith.constant 12 : i32
        %parallel_loop3A_683 = arith.addi %parallel_loop3A_424, %parallel_loop3A_682 : i32
        %parallel_loop3A_684 = arith.constant 2 : i32
        %parallel_loop3A_685 = arith.index_cast %parallel_loop3A_684 : i32 to index
        %parallel_loop3A_686 = arith.index_cast %parallel_loop3A_683 : i32 to index
        %parallel_loop3A_687 = arith.constant 0 : index
        %parallel_loop3A_688 = tpu.vector_load %arg12[%parallel_loop3A_685, %parallel_loop3A_686, %parallel_loop3A_687] {strides = array<i32>} : memref<8x128x16xf32, #tpu.memory_space<vmem>>, vector<1x1x16xf32>,
        %parallel_loop3A_689 = vector.shape_cast %parallel_loop3A_688 : vector<1x1x16xf32> to vector<16xf32>
        %parallel_loop3A_690 = vector.extract_strided_slice %parallel_loop3A_429 {offsets = [12], sizes = [1], strides = [1]} : vector<16xf32> to vector<1xf32>
        %parallel_loop3A_691 = vector.extract %parallel_loop3A_690[0] : f32 from vector<1xf32>
        %parallel_loop3A_692 = vector.broadcast %parallel_loop3A_691 : f32 to vector<16xf32>
        %parallel_loop3A_693 = arith.mulf %parallel_loop3A_689, %parallel_loop3A_692 : vector<16xf32>
        %parallel_loop3A_694 = arith.constant 12 : i32
        %parallel_loop3A_695 = arith.addi %parallel_loop3A_424, %parallel_loop3A_694 : i32
        %parallel_loop3A_696 = arith.constant 2 : i32
        %parallel_loop3A_697 = arith.index_cast %parallel_loop3A_696 : i32 to index
        %parallel_loop3A_698 = arith.index_cast %parallel_loop3A_695 : i32 to index
        %parallel_loop3A_699 = arith.constant 0 : index
        %parallel_loop3A_700 = tpu.vector_load %arg12[%parallel_loop3A_697, %parallel_loop3A_698, %parallel_loop3A_699] {strides = array<i32>} : memref<8x128x16xf32, #tpu.memory_space<vmem>>, vector<1x1x16xf32>,
        %parallel_loop3A_701 = vector.shape_cast %parallel_loop3A_700 : vector<1x1x16xf32> to vector<16xf32>
        %parallel_loop3A_702 = vector.shape_cast %parallel_loop3A_693 : vector<16xf32> to vector<1x1x16xf32>
        tpu.vector_store %arg12[%parallel_loop3A_697, %parallel_loop3A_698, %parallel_loop3A_699], %parallel_loop3A_702 {strides = array<i32>} : memref<8x128x16xf32, #tpu.memory_space<vmem>>, vector<1x1x16xf32>,
        %parallel_loop3A_703 = arith.constant 13 : i32
        %parallel_loop3A_704 = arith.addi %parallel_loop3A_424, %parallel_loop3A_703 : i32
        %parallel_loop3A_705 = arith.constant 2 : i32
        %parallel_loop3A_706 = arith.index_cast %parallel_loop3A_705 : i32 to index
        %parallel_loop3A_707 = arith.index_cast %parallel_loop3A_704 : i32 to index
        %parallel_loop3A_708 = arith.constant 0 : index
        %parallel_loop3A_709 = tpu.vector_load %arg12[%parallel_loop3A_706, %parallel_loop3A_707, %parallel_loop3A_708] {strides = array<i32>} : memref<8x128x16xf32, #tpu.memory_space<vmem>>, vector<1x1x16xf32>,
        %parallel_loop3A_710 = vector.shape_cast %parallel_loop3A_709 : vector<1x1x16xf32> to vector<16xf32>
        %parallel_loop3A_711 = vector.extract_strided_slice %parallel_loop3A_429 {offsets = [13], sizes = [1], strides = [1]} : vector<16xf32> to vector<1xf32>
        %parallel_loop3A_712 = vector.extract %parallel_loop3A_711[0] : f32 from vector<1xf32>
        %parallel_loop3A_713 = vector.broadcast %parallel_loop3A_712 : f32 to vector<16xf32>
        %parallel_loop3A_714 = arith.mulf %parallel_loop3A_710, %parallel_loop3A_713 : vector<16xf32>
        %parallel_loop3A_715 = arith.constant 13 : i32
        %parallel_loop3A_716 = arith.addi %parallel_loop3A_424, %parallel_loop3A_715 : i32
        %parallel_loop3A_717 = arith.constant 2 : i32
        %parallel_loop3A_718 = arith.index_cast %parallel_loop3A_717 : i32 to index
        %parallel_loop3A_719 = arith.index_cast %parallel_loop3A_716 : i32 to index
        %parallel_loop3A_720 = arith.constant 0 : index
        %parallel_loop3A_721 = tpu.vector_load %arg12[%parallel_loop3A_718, %parallel_loop3A_719, %parallel_loop3A_720] {strides = array<i32>} : memref<8x128x16xf32, #tpu.memory_space<vmem>>, vector<1x1x16xf32>,
        %parallel_loop3A_722 = vector.shape_cast %parallel_loop3A_721 : vector<1x1x16xf32> to vector<16xf32>
        %parallel_loop3A_723 = vector.shape_cast %parallel_loop3A_714 : vector<16xf32> to vector<1x1x16xf32>
        tpu.vector_store %arg12[%parallel_loop3A_718, %parallel_loop3A_719, %parallel_loop3A_720], %parallel_loop3A_723 {strides = array<i32>} : memref<8x128x16xf32, #tpu.memory_space<vmem>>, vector<1x1x16xf32>,
        %parallel_loop3A_724 = arith.constant 14 : i32
        %parallel_loop3A_725 = arith.addi %parallel_loop3A_424, %parallel_loop3A_724 : i32
        %parallel_loop3A_726 = arith.constant 2 : i32
        %parallel_loop3A_727 = arith.index_cast %parallel_loop3A_726 : i32 to index
        %parallel_loop3A_728 = arith.index_cast %parallel_loop3A_725 : i32 to index
        %parallel_loop3A_729 = arith.constant 0 : index
        %parallel_loop3A_730 = tpu.vector_load %arg12[%parallel_loop3A_727, %parallel_loop3A_728, %parallel_loop3A_729] {strides = array<i32>} : memref<8x128x16xf32, #tpu.memory_space<vmem>>, vector<1x1x16xf32>,
        %parallel_loop3A_731 = vector.shape_cast %parallel_loop3A_730 : vector<1x1x16xf32> to vector<16xf32>
        %parallel_loop3A_732 = vector.extract_strided_slice %parallel_loop3A_429 {offsets = [14], sizes = [1], strides = [1]} : vector<16xf32> to vector<1xf32>
        %parallel_loop3A_733 = vector.extract %parallel_loop3A_732[0] : f32 from vector<1xf32>
        %parallel_loop3A_734 = vector.broadcast %parallel_loop3A_733 : f32 to vector<16xf32>
        %parallel_loop3A_735 = arith.mulf %parallel_loop3A_731, %parallel_loop3A_734 : vector<16xf32>
        %parallel_loop3A_736 = arith.constant 14 : i32
        %parallel_loop3A_737 = arith.addi %parallel_loop3A_424, %parallel_loop3A_736 : i32
        %parallel_loop3A_738 = arith.constant 2 : i32
        %parallel_loop3A_739 = arith.index_cast %parallel_loop3A_738 : i32 to index
        %parallel_loop3A_740 = arith.index_cast %parallel_loop3A_737 : i32 to index
        %parallel_loop3A_741 = arith.constant 0 : index
        %parallel_loop3A_742 = tpu.vector_load %arg12[%parallel_loop3A_739, %parallel_loop3A_740, %parallel_loop3A_741] {strides = array<i32>} : memref<8x128x16xf32, #tpu.memory_space<vmem>>, vector<1x1x16xf32>,
        %parallel_loop3A_743 = vector.shape_cast %parallel_loop3A_742 : vector<1x1x16xf32> to vector<16xf32>
        %parallel_loop3A_744 = vector.shape_cast %parallel_loop3A_735 : vector<16xf32> to vector<1x1x16xf32>
        tpu.vector_store %arg12[%parallel_loop3A_739, %parallel_loop3A_740, %parallel_loop3A_741], %parallel_loop3A_744 {strides = array<i32>} : memref<8x128x16xf32, #tpu.memory_space<vmem>>, vector<1x1x16xf32>,
        %parallel_loop3A_745 = arith.constant 15 : i32
        %parallel_loop3A_746 = arith.addi %parallel_loop3A_424, %parallel_loop3A_745 : i32
        %parallel_loop3A_747 = arith.constant 2 : i32
        %parallel_loop3A_748 = arith.index_cast %parallel_loop3A_747 : i32 to index
        %parallel_loop3A_749 = arith.index_cast %parallel_loop3A_746 : i32 to index
        %parallel_loop3A_750 = arith.constant 0 : index
        %parallel_loop3A_751 = tpu.vector_load %arg12[%parallel_loop3A_748, %parallel_loop3A_749, %parallel_loop3A_750] {strides = array<i32>} : memref<8x128x16xf32, #tpu.memory_space<vmem>>, vector<1x1x16xf32>,
        %parallel_loop3A_752 = vector.shape_cast %parallel_loop3A_751 : vector<1x1x16xf32> to vector<16xf32>
        %parallel_loop3A_753 = vector.extract_strided_slice %parallel_loop3A_429 {offsets = [15], sizes = [1], strides = [1]} : vector<16xf32> to vector<1xf32>
        %parallel_loop3A_754 = vector.extract %parallel_loop3A_753[0] : f32 from vector<1xf32>
        %parallel_loop3A_755 = vector.broadcast %parallel_loop3A_754 : f32 to vector<16xf32>
        %parallel_loop3A_756 = arith.mulf %parallel_loop3A_752, %parallel_loop3A_755 : vector<16xf32>
        %parallel_loop3A_757 = arith.constant 15 : i32
        %parallel_loop3A_758 = arith.addi %parallel_loop3A_424, %parallel_loop3A_757 : i32
        %parallel_loop3A_759 = arith.constant 2 : i32
        %parallel_loop3A_760 = arith.index_cast %parallel_loop3A_759 : i32 to index
        %parallel_loop3A_761 = arith.index_cast %parallel_loop3A_758 : i32 to index
        %parallel_loop3A_762 = arith.constant 0 : index
        %parallel_loop3A_763 = tpu.vector_load %arg12[%parallel_loop3A_760, %parallel_loop3A_761, %parallel_loop3A_762] {strides = array<i32>} : memref<8x128x16xf32, #tpu.memory_space<vmem>>, vector<1x1x16xf32>,
        %parallel_loop3A_764 = vector.shape_cast %parallel_loop3A_763 : vector<1x1x16xf32> to vector<16xf32>
        %parallel_loop3A_765 = vector.shape_cast %parallel_loop3A_756 : vector<16xf32> to vector<1x1x16xf32>
        tpu.vector_store %arg12[%parallel_loop3A_760, %parallel_loop3A_761, %parallel_loop3A_762], %parallel_loop3A_765 {strides = array<i32>} : memref<8x128x16xf32, #tpu.memory_space<vmem>>, vector<1x1x16xf32>,
      } {sc.loop_unroll_factor = 2 : i64, sc.parallel_access}
      %parallel_loop3A_217 = arith.constant 0 : i32
      %parallel_loop3A_218 = arith.constant 128 : i32
      %parallel_loop3A_219 = arith.constant 16 : i32
      scf.for %parallel_loop3A_424 = %parallel_loop3A_217 to %parallel_loop3A_218 step %parallel_loop3A_219  : i32 {
        %parallel_loop3A_425 = arith.constant 3 : i32
        %parallel_loop3A_426 = arith.index_cast %parallel_loop3A_425 : i32 to index
        %parallel_loop3A_427 = arith.index_cast %parallel_loop3A_424 : i32 to index
        %parallel_loop3A_428 = tpu.vector_load %arg11[%parallel_loop3A_426, %parallel_loop3A_427] {strides = array<i32>} : memref<8x128xf32, #tpu.memory_space<vmem>>, vector<1x16xf32>,
        %parallel_loop3A_429 = vector.shape_cast %parallel_loop3A_428 : vector<1x16xf32> to vector<16xf32>
        %parallel_loop3A_430 = arith.constant 0 : i32
        %parallel_loop3A_431 = arith.addi %parallel_loop3A_424, %parallel_loop3A_430 : i32
        %parallel_loop3A_432 = arith.constant 3 : i32
        %parallel_loop3A_433 = arith.index_cast %parallel_loop3A_432 : i32 to index
        %parallel_loop3A_434 = arith.index_cast %parallel_loop3A_431 : i32 to index
        %parallel_loop3A_435 = arith.constant 0 : index
        %parallel_loop3A_436 = tpu.vector_load %arg12[%parallel_loop3A_433, %parallel_loop3A_434, %parallel_loop3A_435] {strides = array<i32>} : memref<8x128x16xf32, #tpu.memory_space<vmem>>, vector<1x1x16xf32>,
        %parallel_loop3A_437 = vector.shape_cast %parallel_loop3A_436 : vector<1x1x16xf32> to vector<16xf32>
        %parallel_loop3A_438 = vector.extract_strided_slice %parallel_loop3A_429 {offsets = [0], sizes = [1], strides = [1]} : vector<16xf32> to vector<1xf32>
        %parallel_loop3A_439 = vector.extract %parallel_loop3A_438[0] : f32 from vector<1xf32>
        %parallel_loop3A_440 = vector.broadcast %parallel_loop3A_439 : f32 to vector<16xf32>
        %parallel_loop3A_441 = arith.mulf %parallel_loop3A_437, %parallel_loop3A_440 : vector<16xf32>
        %parallel_loop3A_442 = arith.constant 0 : i32
        %parallel_loop3A_443 = arith.addi %parallel_loop3A_424, %parallel_loop3A_442 : i32
        %parallel_loop3A_444 = arith.constant 3 : i32
        %parallel_loop3A_445 = arith.index_cast %parallel_loop3A_444 : i32 to index
        %parallel_loop3A_446 = arith.index_cast %parallel_loop3A_443 : i32 to index
        %parallel_loop3A_447 = arith.constant 0 : index
        %parallel_loop3A_448 = tpu.vector_load %arg12[%parallel_loop3A_445, %parallel_loop3A_446, %parallel_loop3A_447] {strides = array<i32>} : memref<8x128x16xf32, #tpu.memory_space<vmem>>, vector<1x1x16xf32>,
        %parallel_loop3A_449 = vector.shape_cast %parallel_loop3A_448 : vector<1x1x16xf32> to vector<16xf32>
        %parallel_loop3A_450 = vector.shape_cast %parallel_loop3A_441 : vector<16xf32> to vector<1x1x16xf32>
        tpu.vector_store %arg12[%parallel_loop3A_445, %parallel_loop3A_446, %parallel_loop3A_447], %parallel_loop3A_450 {strides = array<i32>} : memref<8x128x16xf32, #tpu.memory_space<vmem>>, vector<1x1x16xf32>,
        %parallel_loop3A_451 = arith.constant 1 : i32
        %parallel_loop3A_452 = arith.addi %parallel_loop3A_424, %parallel_loop3A_451 : i32
        %parallel_loop3A_453 = arith.constant 3 : i32
        %parallel_loop3A_454 = arith.index_cast %parallel_loop3A_453 : i32 to index
        %parallel_loop3A_455 = arith.index_cast %parallel_loop3A_452 : i32 to index
        %parallel_loop3A_456 = arith.constant 0 : index
        %parallel_loop3A_457 = tpu.vector_load %arg12[%parallel_loop3A_454, %parallel_loop3A_455, %parallel_loop3A_456] {strides = array<i32>} : memref<8x128x16xf32, #tpu.memory_space<vmem>>, vector<1x1x16xf32>,
        %parallel_loop3A_458 = vector.shape_cast %parallel_loop3A_457 : vector<1x1x16xf32> to vector<16xf32>
        %parallel_loop3A_459 = vector.extract_strided_slice %parallel_loop3A_429 {offsets = [1], sizes = [1], strides = [1]} : vector<16xf32> to vector<1xf32>
        %parallel_loop3A_460 = vector.extract %parallel_loop3A_459[0] : f32 from vector<1xf32>
        %parallel_loop3A_461 = vector.broadcast %parallel_loop3A_460 : f32 to vector<16xf32>
        %parallel_loop3A_462 = arith.mulf %parallel_loop3A_458, %parallel_loop3A_461 : vector<16xf32>
        %parallel_loop3A_463 = arith.constant 1 : i32
        %parallel_loop3A_464 = arith.addi %parallel_loop3A_424, %parallel_loop3A_463 : i32
        %parallel_loop3A_465 = arith.constant 3 : i32
        %parallel_loop3A_466 = arith.index_cast %parallel_loop3A_465 : i32 to index
        %parallel_loop3A_467 = arith.index_cast %parallel_loop3A_464 : i32 to index
        %parallel_loop3A_468 = arith.constant 0 : index
        %parallel_loop3A_469 = tpu.vector_load %arg12[%parallel_loop3A_466, %parallel_loop3A_467, %parallel_loop3A_468] {strides = array<i32>} : memref<8x128x16xf32, #tpu.memory_space<vmem>>, vector<1x1x16xf32>,
        %parallel_loop3A_470 = vector.shape_cast %parallel_loop3A_469 : vector<1x1x16xf32> to vector<16xf32>
        %parallel_loop3A_471 = vector.shape_cast %parallel_loop3A_462 : vector<16xf32> to vector<1x1x16xf32>
        tpu.vector_store %arg12[%parallel_loop3A_466, %parallel_loop3A_467, %parallel_loop3A_468], %parallel_loop3A_471 {strides = array<i32>} : memref<8x128x16xf32, #tpu.memory_space<vmem>>, vector<1x1x16xf32>,
        %parallel_loop3A_472 = arith.constant 2 : i32
        %parallel_loop3A_473 = arith.addi %parallel_loop3A_424, %parallel_loop3A_472 : i32
        %parallel_loop3A_474 = arith.constant 3 : i32
        %parallel_loop3A_475 = arith.index_cast %parallel_loop3A_474 : i32 to index
        %parallel_loop3A_476 = arith.index_cast %parallel_loop3A_473 : i32 to index
        %parallel_loop3A_477 = arith.constant 0 : index
        %parallel_loop3A_478 = tpu.vector_load %arg12[%parallel_loop3A_475, %parallel_loop3A_476, %parallel_loop3A_477] {strides = array<i32>} : memref<8x128x16xf32, #tpu.memory_space<vmem>>, vector<1x1x16xf32>,
        %parallel_loop3A_479 = vector.shape_cast %parallel_loop3A_478 : vector<1x1x16xf32> to vector<16xf32>
        %parallel_loop3A_480 = vector.extract_strided_slice %parallel_loop3A_429 {offsets = [2], sizes = [1], strides = [1]} : vector<16xf32> to vector<1xf32>
        %parallel_loop3A_481 = vector.extract %parallel_loop3A_480[0] : f32 from vector<1xf32>
        %parallel_loop3A_482 = vector.broadcast %parallel_loop3A_481 : f32 to vector<16xf32>
        %parallel_loop3A_483 = arith.mulf %parallel_loop3A_479, %parallel_loop3A_482 : vector<16xf32>
        %parallel_loop3A_484 = arith.constant 2 : i32
        %parallel_loop3A_485 = arith.addi %parallel_loop3A_424, %parallel_loop3A_484 : i32
        %parallel_loop3A_486 = arith.constant 3 : i32
        %parallel_loop3A_487 = arith.index_cast %parallel_loop3A_486 : i32 to index
        %parallel_loop3A_488 = arith.index_cast %parallel_loop3A_485 : i32 to index
        %parallel_loop3A_489 = arith.constant 0 : index
        %parallel_loop3A_490 = tpu.vector_load %arg12[%parallel_loop3A_487, %parallel_loop3A_488, %parallel_loop3A_489] {strides = array<i32>} : memref<8x128x16xf32, #tpu.memory_space<vmem>>, vector<1x1x16xf32>,
        %parallel_loop3A_491 = vector.shape_cast %parallel_loop3A_490 : vector<1x1x16xf32> to vector<16xf32>
        %parallel_loop3A_492 = vector.shape_cast %parallel_loop3A_483 : vector<16xf32> to vector<1x1x16xf32>
        tpu.vector_store %arg12[%parallel_loop3A_487, %parallel_loop3A_488, %parallel_loop3A_489], %parallel_loop3A_492 {strides = array<i32>} : memref<8x128x16xf32, #tpu.memory_space<vmem>>, vector<1x1x16xf32>,
        %parallel_loop3A_493 = arith.constant 3 : i32
        %parallel_loop3A_494 = arith.addi %parallel_loop3A_424, %parallel_loop3A_493 : i32
        %parallel_loop3A_495 = arith.constant 3 : i32
        %parallel_loop3A_496 = arith.index_cast %parallel_loop3A_495 : i32 to index
        %parallel_loop3A_497 = arith.index_cast %parallel_loop3A_494 : i32 to index
        %parallel_loop3A_498 = arith.constant 0 : index
        %parallel_loop3A_499 = tpu.vector_load %arg12[%parallel_loop3A_496, %parallel_loop3A_497, %parallel_loop3A_498] {strides = array<i32>} : memref<8x128x16xf32, #tpu.memory_space<vmem>>, vector<1x1x16xf32>,
        %parallel_loop3A_500 = vector.shape_cast %parallel_loop3A_499 : vector<1x1x16xf32> to vector<16xf32>
        %parallel_loop3A_501 = vector.extract_strided_slice %parallel_loop3A_429 {offsets = [3], sizes = [1], strides = [1]} : vector<16xf32> to vector<1xf32>
        %parallel_loop3A_502 = vector.extract %parallel_loop3A_501[0] : f32 from vector<1xf32>
        %parallel_loop3A_503 = vector.broadcast %parallel_loop3A_502 : f32 to vector<16xf32>
        %parallel_loop3A_504 = arith.mulf %parallel_loop3A_500, %parallel_loop3A_503 : vector<16xf32>
        %parallel_loop3A_505 = arith.constant 3 : i32
        %parallel_loop3A_506 = arith.addi %parallel_loop3A_424, %parallel_loop3A_505 : i32
        %parallel_loop3A_507 = arith.constant 3 : i32
        %parallel_loop3A_508 = arith.index_cast %parallel_loop3A_507 : i32 to index
        %parallel_loop3A_509 = arith.index_cast %parallel_loop3A_506 : i32 to index
        %parallel_loop3A_510 = arith.constant 0 : index
        %parallel_loop3A_511 = tpu.vector_load %arg12[%parallel_loop3A_508, %parallel_loop3A_509, %parallel_loop3A_510] {strides = array<i32>} : memref<8x128x16xf32, #tpu.memory_space<vmem>>, vector<1x1x16xf32>,
        %parallel_loop3A_512 = vector.shape_cast %parallel_loop3A_511 : vector<1x1x16xf32> to vector<16xf32>
        %parallel_loop3A_513 = vector.shape_cast %parallel_loop3A_504 : vector<16xf32> to vector<1x1x16xf32>
        tpu.vector_store %arg12[%parallel_loop3A_508, %parallel_loop3A_509, %parallel_loop3A_510], %parallel_loop3A_513 {strides = array<i32>} : memref<8x128x16xf32, #tpu.memory_space<vmem>>, vector<1x1x16xf32>,
        %parallel_loop3A_514 = arith.constant 4 : i32
        %parallel_loop3A_515 = arith.addi %parallel_loop3A_424, %parallel_loop3A_514 : i32
        %parallel_loop3A_516 = arith.constant 3 : i32
        %parallel_loop3A_517 = arith.index_cast %parallel_loop3A_516 : i32 to index
        %parallel_loop3A_518 = arith.index_cast %parallel_loop3A_515 : i32 to index
        %parallel_loop3A_519 = arith.constant 0 : index
        %parallel_loop3A_520 = tpu.vector_load %arg12[%parallel_loop3A_517, %parallel_loop3A_518, %parallel_loop3A_519] {strides = array<i32>} : memref<8x128x16xf32, #tpu.memory_space<vmem>>, vector<1x1x16xf32>,
        %parallel_loop3A_521 = vector.shape_cast %parallel_loop3A_520 : vector<1x1x16xf32> to vector<16xf32>
        %parallel_loop3A_522 = vector.extract_strided_slice %parallel_loop3A_429 {offsets = [4], sizes = [1], strides = [1]} : vector<16xf32> to vector<1xf32>
        %parallel_loop3A_523 = vector.extract %parallel_loop3A_522[0] : f32 from vector<1xf32>
        %parallel_loop3A_524 = vector.broadcast %parallel_loop3A_523 : f32 to vector<16xf32>
        %parallel_loop3A_525 = arith.mulf %parallel_loop3A_521, %parallel_loop3A_524 : vector<16xf32>
        %parallel_loop3A_526 = arith.constant 4 : i32
        %parallel_loop3A_527 = arith.addi %parallel_loop3A_424, %parallel_loop3A_526 : i32
        %parallel_loop3A_528 = arith.constant 3 : i32
        %parallel_loop3A_529 = arith.index_cast %parallel_loop3A_528 : i32 to index
        %parallel_loop3A_530 = arith.index_cast %parallel_loop3A_527 : i32 to index
        %parallel_loop3A_531 = arith.constant 0 : index
        %parallel_loop3A_532 = tpu.vector_load %arg12[%parallel_loop3A_529, %parallel_loop3A_530, %parallel_loop3A_531] {strides = array<i32>} : memref<8x128x16xf32, #tpu.memory_space<vmem>>, vector<1x1x16xf32>,
        %parallel_loop3A_533 = vector.shape_cast %parallel_loop3A_532 : vector<1x1x16xf32> to vector<16xf32>
        %parallel_loop3A_534 = vector.shape_cast %parallel_loop3A_525 : vector<16xf32> to vector<1x1x16xf32>
        tpu.vector_store %arg12[%parallel_loop3A_529, %parallel_loop3A_530, %parallel_loop3A_531], %parallel_loop3A_534 {strides = array<i32>} : memref<8x128x16xf32, #tpu.memory_space<vmem>>, vector<1x1x16xf32>,
        %parallel_loop3A_535 = arith.constant 5 : i32
        %parallel_loop3A_536 = arith.addi %parallel_loop3A_424, %parallel_loop3A_535 : i32
        %parallel_loop3A_537 = arith.constant 3 : i32
        %parallel_loop3A_538 = arith.index_cast %parallel_loop3A_537 : i32 to index
        %parallel_loop3A_539 = arith.index_cast %parallel_loop3A_536 : i32 to index
        %parallel_loop3A_540 = arith.constant 0 : index
        %parallel_loop3A_541 = tpu.vector_load %arg12[%parallel_loop3A_538, %parallel_loop3A_539, %parallel_loop3A_540] {strides = array<i32>} : memref<8x128x16xf32, #tpu.memory_space<vmem>>, vector<1x1x16xf32>,
        %parallel_loop3A_542 = vector.shape_cast %parallel_loop3A_541 : vector<1x1x16xf32> to vector<16xf32>
        %parallel_loop3A_543 = vector.extract_strided_slice %parallel_loop3A_429 {offsets = [5], sizes = [1], strides = [1]} : vector<16xf32> to vector<1xf32>
        %parallel_loop3A_544 = vector.extract %parallel_loop3A_543[0] : f32 from vector<1xf32>
        %parallel_loop3A_545 = vector.broadcast %parallel_loop3A_544 : f32 to vector<16xf32>
        %parallel_loop3A_546 = arith.mulf %parallel_loop3A_542, %parallel_loop3A_545 : vector<16xf32>
        %parallel_loop3A_547 = arith.constant 5 : i32
        %parallel_loop3A_548 = arith.addi %parallel_loop3A_424, %parallel_loop3A_547 : i32
        %parallel_loop3A_549 = arith.constant 3 : i32
        %parallel_loop3A_550 = arith.index_cast %parallel_loop3A_549 : i32 to index
        %parallel_loop3A_551 = arith.index_cast %parallel_loop3A_548 : i32 to index
        %parallel_loop3A_552 = arith.constant 0 : index
        %parallel_loop3A_553 = tpu.vector_load %arg12[%parallel_loop3A_550, %parallel_loop3A_551, %parallel_loop3A_552] {strides = array<i32>} : memref<8x128x16xf32, #tpu.memory_space<vmem>>, vector<1x1x16xf32>,
        %parallel_loop3A_554 = vector.shape_cast %parallel_loop3A_553 : vector<1x1x16xf32> to vector<16xf32>
        %parallel_loop3A_555 = vector.shape_cast %parallel_loop3A_546 : vector<16xf32> to vector<1x1x16xf32>
        tpu.vector_store %arg12[%parallel_loop3A_550, %parallel_loop3A_551, %parallel_loop3A_552], %parallel_loop3A_555 {strides = array<i32>} : memref<8x128x16xf32, #tpu.memory_space<vmem>>, vector<1x1x16xf32>,
        %parallel_loop3A_556 = arith.constant 6 : i32
        %parallel_loop3A_557 = arith.addi %parallel_loop3A_424, %parallel_loop3A_556 : i32
        %parallel_loop3A_558 = arith.constant 3 : i32
        %parallel_loop3A_559 = arith.index_cast %parallel_loop3A_558 : i32 to index
        %parallel_loop3A_560 = arith.index_cast %parallel_loop3A_557 : i32 to index
        %parallel_loop3A_561 = arith.constant 0 : index
        %parallel_loop3A_562 = tpu.vector_load %arg12[%parallel_loop3A_559, %parallel_loop3A_560, %parallel_loop3A_561] {strides = array<i32>} : memref<8x128x16xf32, #tpu.memory_space<vmem>>, vector<1x1x16xf32>,
        %parallel_loop3A_563 = vector.shape_cast %parallel_loop3A_562 : vector<1x1x16xf32> to vector<16xf32>
        %parallel_loop3A_564 = vector.extract_strided_slice %parallel_loop3A_429 {offsets = [6], sizes = [1], strides = [1]} : vector<16xf32> to vector<1xf32>
        %parallel_loop3A_565 = vector.extract %parallel_loop3A_564[0] : f32 from vector<1xf32>
        %parallel_loop3A_566 = vector.broadcast %parallel_loop3A_565 : f32 to vector<16xf32>
        %parallel_loop3A_567 = arith.mulf %parallel_loop3A_563, %parallel_loop3A_566 : vector<16xf32>
        %parallel_loop3A_568 = arith.constant 6 : i32
        %parallel_loop3A_569 = arith.addi %parallel_loop3A_424, %parallel_loop3A_568 : i32
        %parallel_loop3A_570 = arith.constant 3 : i32
        %parallel_loop3A_571 = arith.index_cast %parallel_loop3A_570 : i32 to index
        %parallel_loop3A_572 = arith.index_cast %parallel_loop3A_569 : i32 to index
        %parallel_loop3A_573 = arith.constant 0 : index
        %parallel_loop3A_574 = tpu.vector_load %arg12[%parallel_loop3A_571, %parallel_loop3A_572, %parallel_loop3A_573] {strides = array<i32>} : memref<8x128x16xf32, #tpu.memory_space<vmem>>, vector<1x1x16xf32>,
        %parallel_loop3A_575 = vector.shape_cast %parallel_loop3A_574 : vector<1x1x16xf32> to vector<16xf32>
        %parallel_loop3A_576 = vector.shape_cast %parallel_loop3A_567 : vector<16xf32> to vector<1x1x16xf32>
        tpu.vector_store %arg12[%parallel_loop3A_571, %parallel_loop3A_572, %parallel_loop3A_573], %parallel_loop3A_576 {strides = array<i32>} : memref<8x128x16xf32, #tpu.memory_space<vmem>>, vector<1x1x16xf32>,
        %parallel_loop3A_577 = arith.constant 7 : i32
        %parallel_loop3A_578 = arith.addi %parallel_loop3A_424, %parallel_loop3A_577 : i32
        %parallel_loop3A_579 = arith.constant 3 : i32
        %parallel_loop3A_580 = arith.index_cast %parallel_loop3A_579 : i32 to index
        %parallel_loop3A_581 = arith.index_cast %parallel_loop3A_578 : i32 to index
        %parallel_loop3A_582 = arith.constant 0 : index
        %parallel_loop3A_583 = tpu.vector_load %arg12[%parallel_loop3A_580, %parallel_loop3A_581, %parallel_loop3A_582] {strides = array<i32>} : memref<8x128x16xf32, #tpu.memory_space<vmem>>, vector<1x1x16xf32>,
        %parallel_loop3A_584 = vector.shape_cast %parallel_loop3A_583 : vector<1x1x16xf32> to vector<16xf32>
        %parallel_loop3A_585 = vector.extract_strided_slice %parallel_loop3A_429 {offsets = [7], sizes = [1], strides = [1]} : vector<16xf32> to vector<1xf32>
        %parallel_loop3A_586 = vector.extract %parallel_loop3A_585[0] : f32 from vector<1xf32>
        %parallel_loop3A_587 = vector.broadcast %parallel_loop3A_586 : f32 to vector<16xf32>
        %parallel_loop3A_588 = arith.mulf %parallel_loop3A_584, %parallel_loop3A_587 : vector<16xf32>
        %parallel_loop3A_589 = arith.constant 7 : i32
        %parallel_loop3A_590 = arith.addi %parallel_loop3A_424, %parallel_loop3A_589 : i32
        %parallel_loop3A_591 = arith.constant 3 : i32
        %parallel_loop3A_592 = arith.index_cast %parallel_loop3A_591 : i32 to index
        %parallel_loop3A_593 = arith.index_cast %parallel_loop3A_590 : i32 to index
        %parallel_loop3A_594 = arith.constant 0 : index
        %parallel_loop3A_595 = tpu.vector_load %arg12[%parallel_loop3A_592, %parallel_loop3A_593, %parallel_loop3A_594] {strides = array<i32>} : memref<8x128x16xf32, #tpu.memory_space<vmem>>, vector<1x1x16xf32>,
        %parallel_loop3A_596 = vector.shape_cast %parallel_loop3A_595 : vector<1x1x16xf32> to vector<16xf32>
        %parallel_loop3A_597 = vector.shape_cast %parallel_loop3A_588 : vector<16xf32> to vector<1x1x16xf32>
        tpu.vector_store %arg12[%parallel_loop3A_592, %parallel_loop3A_593, %parallel_loop3A_594], %parallel_loop3A_597 {strides = array<i32>} : memref<8x128x16xf32, #tpu.memory_space<vmem>>, vector<1x1x16xf32>,
        %parallel_loop3A_598 = arith.constant 8 : i32
        %parallel_loop3A_599 = arith.addi %parallel_loop3A_424, %parallel_loop3A_598 : i32
        %parallel_loop3A_600 = arith.constant 3 : i32
        %parallel_loop3A_601 = arith.index_cast %parallel_loop3A_600 : i32 to index
        %parallel_loop3A_602 = arith.index_cast %parallel_loop3A_599 : i32 to index
        %parallel_loop3A_603 = arith.constant 0 : index
        %parallel_loop3A_604 = tpu.vector_load %arg12[%parallel_loop3A_601, %parallel_loop3A_602, %parallel_loop3A_603] {strides = array<i32>} : memref<8x128x16xf32, #tpu.memory_space<vmem>>, vector<1x1x16xf32>,
        %parallel_loop3A_605 = vector.shape_cast %parallel_loop3A_604 : vector<1x1x16xf32> to vector<16xf32>
        %parallel_loop3A_606 = vector.extract_strided_slice %parallel_loop3A_429 {offsets = [8], sizes = [1], strides = [1]} : vector<16xf32> to vector<1xf32>
        %parallel_loop3A_607 = vector.extract %parallel_loop3A_606[0] : f32 from vector<1xf32>
        %parallel_loop3A_608 = vector.broadcast %parallel_loop3A_607 : f32 to vector<16xf32>
        %parallel_loop3A_609 = arith.mulf %parallel_loop3A_605, %parallel_loop3A_608 : vector<16xf32>
        %parallel_loop3A_610 = arith.constant 8 : i32
        %parallel_loop3A_611 = arith.addi %parallel_loop3A_424, %parallel_loop3A_610 : i32
        %parallel_loop3A_612 = arith.constant 3 : i32
        %parallel_loop3A_613 = arith.index_cast %parallel_loop3A_612 : i32 to index
        %parallel_loop3A_614 = arith.index_cast %parallel_loop3A_611 : i32 to index
        %parallel_loop3A_615 = arith.constant 0 : index
        %parallel_loop3A_616 = tpu.vector_load %arg12[%parallel_loop3A_613, %parallel_loop3A_614, %parallel_loop3A_615] {strides = array<i32>} : memref<8x128x16xf32, #tpu.memory_space<vmem>>, vector<1x1x16xf32>,
        %parallel_loop3A_617 = vector.shape_cast %parallel_loop3A_616 : vector<1x1x16xf32> to vector<16xf32>
        %parallel_loop3A_618 = vector.shape_cast %parallel_loop3A_609 : vector<16xf32> to vector<1x1x16xf32>
        tpu.vector_store %arg12[%parallel_loop3A_613, %parallel_loop3A_614, %parallel_loop3A_615], %parallel_loop3A_618 {strides = array<i32>} : memref<8x128x16xf32, #tpu.memory_space<vmem>>, vector<1x1x16xf32>,
        %parallel_loop3A_619 = arith.constant 9 : i32
        %parallel_loop3A_620 = arith.addi %parallel_loop3A_424, %parallel_loop3A_619 : i32
        %parallel_loop3A_621 = arith.constant 3 : i32
        %parallel_loop3A_622 = arith.index_cast %parallel_loop3A_621 : i32 to index
        %parallel_loop3A_623 = arith.index_cast %parallel_loop3A_620 : i32 to index
        %parallel_loop3A_624 = arith.constant 0 : index
        %parallel_loop3A_625 = tpu.vector_load %arg12[%parallel_loop3A_622, %parallel_loop3A_623, %parallel_loop3A_624] {strides = array<i32>} : memref<8x128x16xf32, #tpu.memory_space<vmem>>, vector<1x1x16xf32>,
        %parallel_loop3A_626 = vector.shape_cast %parallel_loop3A_625 : vector<1x1x16xf32> to vector<16xf32>
        %parallel_loop3A_627 = vector.extract_strided_slice %parallel_loop3A_429 {offsets = [9], sizes = [1], strides = [1]} : vector<16xf32> to vector<1xf32>
        %parallel_loop3A_628 = vector.extract %parallel_loop3A_627[0] : f32 from vector<1xf32>
        %parallel_loop3A_629 = vector.broadcast %parallel_loop3A_628 : f32 to vector<16xf32>
        %parallel_loop3A_630 = arith.mulf %parallel_loop3A_626, %parallel_loop3A_629 : vector<16xf32>
        %parallel_loop3A_631 = arith.constant 9 : i32
        %parallel_loop3A_632 = arith.addi %parallel_loop3A_424, %parallel_loop3A_631 : i32
        %parallel_loop3A_633 = arith.constant 3 : i32
        %parallel_loop3A_634 = arith.index_cast %parallel_loop3A_633 : i32 to index
        %parallel_loop3A_635 = arith.index_cast %parallel_loop3A_632 : i32 to index
        %parallel_loop3A_636 = arith.constant 0 : index
        %parallel_loop3A_637 = tpu.vector_load %arg12[%parallel_loop3A_634, %parallel_loop3A_635, %parallel_loop3A_636] {strides = array<i32>} : memref<8x128x16xf32, #tpu.memory_space<vmem>>, vector<1x1x16xf32>,
        %parallel_loop3A_638 = vector.shape_cast %parallel_loop3A_637 : vector<1x1x16xf32> to vector<16xf32>
        %parallel_loop3A_639 = vector.shape_cast %parallel_loop3A_630 : vector<16xf32> to vector<1x1x16xf32>
        tpu.vector_store %arg12[%parallel_loop3A_634, %parallel_loop3A_635, %parallel_loop3A_636], %parallel_loop3A_639 {strides = array<i32>} : memref<8x128x16xf32, #tpu.memory_space<vmem>>, vector<1x1x16xf32>,
        %parallel_loop3A_640 = arith.constant 10 : i32
        %parallel_loop3A_641 = arith.addi %parallel_loop3A_424, %parallel_loop3A_640 : i32
        %parallel_loop3A_642 = arith.constant 3 : i32
        %parallel_loop3A_643 = arith.index_cast %parallel_loop3A_642 : i32 to index
        %parallel_loop3A_644 = arith.index_cast %parallel_loop3A_641 : i32 to index
        %parallel_loop3A_645 = arith.constant 0 : index
        %parallel_loop3A_646 = tpu.vector_load %arg12[%parallel_loop3A_643, %parallel_loop3A_644, %parallel_loop3A_645] {strides = array<i32>} : memref<8x128x16xf32, #tpu.memory_space<vmem>>, vector<1x1x16xf32>,
        %parallel_loop3A_647 = vector.shape_cast %parallel_loop3A_646 : vector<1x1x16xf32> to vector<16xf32>
        %parallel_loop3A_648 = vector.extract_strided_slice %parallel_loop3A_429 {offsets = [10], sizes = [1], strides = [1]} : vector<16xf32> to vector<1xf32>
        %parallel_loop3A_649 = vector.extract %parallel_loop3A_648[0] : f32 from vector<1xf32>
        %parallel_loop3A_650 = vector.broadcast %parallel_loop3A_649 : f32 to vector<16xf32>
        %parallel_loop3A_651 = arith.mulf %parallel_loop3A_647, %parallel_loop3A_650 : vector<16xf32>
        %parallel_loop3A_652 = arith.constant 10 : i32
        %parallel_loop3A_653 = arith.addi %parallel_loop3A_424, %parallel_loop3A_652 : i32
        %parallel_loop3A_654 = arith.constant 3 : i32
        %parallel_loop3A_655 = arith.index_cast %parallel_loop3A_654 : i32 to index
        %parallel_loop3A_656 = arith.index_cast %parallel_loop3A_653 : i32 to index
        %parallel_loop3A_657 = arith.constant 0 : index
        %parallel_loop3A_658 = tpu.vector_load %arg12[%parallel_loop3A_655, %parallel_loop3A_656, %parallel_loop3A_657] {strides = array<i32>} : memref<8x128x16xf32, #tpu.memory_space<vmem>>, vector<1x1x16xf32>,
        %parallel_loop3A_659 = vector.shape_cast %parallel_loop3A_658 : vector<1x1x16xf32> to vector<16xf32>
        %parallel_loop3A_660 = vector.shape_cast %parallel_loop3A_651 : vector<16xf32> to vector<1x1x16xf32>
        tpu.vector_store %arg12[%parallel_loop3A_655, %parallel_loop3A_656, %parallel_loop3A_657], %parallel_loop3A_660 {strides = array<i32>} : memref<8x128x16xf32, #tpu.memory_space<vmem>>, vector<1x1x16xf32>,
        %parallel_loop3A_661 = arith.constant 11 : i32
        %parallel_loop3A_662 = arith.addi %parallel_loop3A_424, %parallel_loop3A_661 : i32
        %parallel_loop3A_663 = arith.constant 3 : i32
        %parallel_loop3A_664 = arith.index_cast %parallel_loop3A_663 : i32 to index
        %parallel_loop3A_665 = arith.index_cast %parallel_loop3A_662 : i32 to index
        %parallel_loop3A_666 = arith.constant 0 : index
        %parallel_loop3A_667 = tpu.vector_load %arg12[%parallel_loop3A_664, %parallel_loop3A_665, %parallel_loop3A_666] {strides = array<i32>} : memref<8x128x16xf32, #tpu.memory_space<vmem>>, vector<1x1x16xf32>,
        %parallel_loop3A_668 = vector.shape_cast %parallel_loop3A_667 : vector<1x1x16xf32> to vector<16xf32>
        %parallel_loop3A_669 = vector.extract_strided_slice %parallel_loop3A_429 {offsets = [11], sizes = [1], strides = [1]} : vector<16xf32> to vector<1xf32>
        %parallel_loop3A_670 = vector.extract %parallel_loop3A_669[0] : f32 from vector<1xf32>
        %parallel_loop3A_671 = vector.broadcast %parallel_loop3A_670 : f32 to vector<16xf32>
        %parallel_loop3A_672 = arith.mulf %parallel_loop3A_668, %parallel_loop3A_671 : vector<16xf32>
        %parallel_loop3A_673 = arith.constant 11 : i32
        %parallel_loop3A_674 = arith.addi %parallel_loop3A_424, %parallel_loop3A_673 : i32
        %parallel_loop3A_675 = arith.constant 3 : i32
        %parallel_loop3A_676 = arith.index_cast %parallel_loop3A_675 : i32 to index
        %parallel_loop3A_677 = arith.index_cast %parallel_loop3A_674 : i32 to index
        %parallel_loop3A_678 = arith.constant 0 : index
        %parallel_loop3A_679 = tpu.vector_load %arg12[%parallel_loop3A_676, %parallel_loop3A_677, %parallel_loop3A_678] {strides = array<i32>} : memref<8x128x16xf32, #tpu.memory_space<vmem>>, vector<1x1x16xf32>,
        %parallel_loop3A_680 = vector.shape_cast %parallel_loop3A_679 : vector<1x1x16xf32> to vector<16xf32>
        %parallel_loop3A_681 = vector.shape_cast %parallel_loop3A_672 : vector<16xf32> to vector<1x1x16xf32>
        tpu.vector_store %arg12[%parallel_loop3A_676, %parallel_loop3A_677, %parallel_loop3A_678], %parallel_loop3A_681 {strides = array<i32>} : memref<8x128x16xf32, #tpu.memory_space<vmem>>, vector<1x1x16xf32>,
        %parallel_loop3A_682 = arith.constant 12 : i32
        %parallel_loop3A_683 = arith.addi %parallel_loop3A_424, %parallel_loop3A_682 : i32
        %parallel_loop3A_684 = arith.constant 3 : i32
        %parallel_loop3A_685 = arith.index_cast %parallel_loop3A_684 : i32 to index
        %parallel_loop3A_686 = arith.index_cast %parallel_loop3A_683 : i32 to index
        %parallel_loop3A_687 = arith.constant 0 : index
        %parallel_loop3A_688 = tpu.vector_load %arg12[%parallel_loop3A_685, %parallel_loop3A_686, %parallel_loop3A_687] {strides = array<i32>} : memref<8x128x16xf32, #tpu.memory_space<vmem>>, vector<1x1x16xf32>,
        %parallel_loop3A_689 = vector.shape_cast %parallel_loop3A_688 : vector<1x1x16xf32> to vector<16xf32>
        %parallel_loop3A_690 = vector.extract_strided_slice %parallel_loop3A_429 {offsets = [12], sizes = [1], strides = [1]} : vector<16xf32> to vector<1xf32>
        %parallel_loop3A_691 = vector.extract %parallel_loop3A_690[0] : f32 from vector<1xf32>
        %parallel_loop3A_692 = vector.broadcast %parallel_loop3A_691 : f32 to vector<16xf32>
        %parallel_loop3A_693 = arith.mulf %parallel_loop3A_689, %parallel_loop3A_692 : vector<16xf32>
        %parallel_loop3A_694 = arith.constant 12 : i32
        %parallel_loop3A_695 = arith.addi %parallel_loop3A_424, %parallel_loop3A_694 : i32
        %parallel_loop3A_696 = arith.constant 3 : i32
        %parallel_loop3A_697 = arith.index_cast %parallel_loop3A_696 : i32 to index
        %parallel_loop3A_698 = arith.index_cast %parallel_loop3A_695 : i32 to index
        %parallel_loop3A_699 = arith.constant 0 : index
        %parallel_loop3A_700 = tpu.vector_load %arg12[%parallel_loop3A_697, %parallel_loop3A_698, %parallel_loop3A_699] {strides = array<i32>} : memref<8x128x16xf32, #tpu.memory_space<vmem>>, vector<1x1x16xf32>,
        %parallel_loop3A_701 = vector.shape_cast %parallel_loop3A_700 : vector<1x1x16xf32> to vector<16xf32>
        %parallel_loop3A_702 = vector.shape_cast %parallel_loop3A_693 : vector<16xf32> to vector<1x1x16xf32>
        tpu.vector_store %arg12[%parallel_loop3A_697, %parallel_loop3A_698, %parallel_loop3A_699], %parallel_loop3A_702 {strides = array<i32>} : memref<8x128x16xf32, #tpu.memory_space<vmem>>, vector<1x1x16xf32>,
        %parallel_loop3A_703 = arith.constant 13 : i32
        %parallel_loop3A_704 = arith.addi %parallel_loop3A_424, %parallel_loop3A_703 : i32
        %parallel_loop3A_705 = arith.constant 3 : i32
        %parallel_loop3A_706 = arith.index_cast %parallel_loop3A_705 : i32 to index
        %parallel_loop3A_707 = arith.index_cast %parallel_loop3A_704 : i32 to index
        %parallel_loop3A_708 = arith.constant 0 : index
        %parallel_loop3A_709 = tpu.vector_load %arg12[%parallel_loop3A_706, %parallel_loop3A_707, %parallel_loop3A_708] {strides = array<i32>} : memref<8x128x16xf32, #tpu.memory_space<vmem>>, vector<1x1x16xf32>,
        %parallel_loop3A_710 = vector.shape_cast %parallel_loop3A_709 : vector<1x1x16xf32> to vector<16xf32>
        %parallel_loop3A_711 = vector.extract_strided_slice %parallel_loop3A_429 {offsets = [13], sizes = [1], strides = [1]} : vector<16xf32> to vector<1xf32>
        %parallel_loop3A_712 = vector.extract %parallel_loop3A_711[0] : f32 from vector<1xf32>
        %parallel_loop3A_713 = vector.broadcast %parallel_loop3A_712 : f32 to vector<16xf32>
        %parallel_loop3A_714 = arith.mulf %parallel_loop3A_710, %parallel_loop3A_713 : vector<16xf32>
        %parallel_loop3A_715 = arith.constant 13 : i32
        %parallel_loop3A_716 = arith.addi %parallel_loop3A_424, %parallel_loop3A_715 : i32
        %parallel_loop3A_717 = arith.constant 3 : i32
        %parallel_loop3A_718 = arith.index_cast %parallel_loop3A_717 : i32 to index
        %parallel_loop3A_719 = arith.index_cast %parallel_loop3A_716 : i32 to index
        %parallel_loop3A_720 = arith.constant 0 : index
        %parallel_loop3A_721 = tpu.vector_load %arg12[%parallel_loop3A_718, %parallel_loop3A_719, %parallel_loop3A_720] {strides = array<i32>} : memref<8x128x16xf32, #tpu.memory_space<vmem>>, vector<1x1x16xf32>,
        %parallel_loop3A_722 = vector.shape_cast %parallel_loop3A_721 : vector<1x1x16xf32> to vector<16xf32>
        %parallel_loop3A_723 = vector.shape_cast %parallel_loop3A_714 : vector<16xf32> to vector<1x1x16xf32>
        tpu.vector_store %arg12[%parallel_loop3A_718, %parallel_loop3A_719, %parallel_loop3A_720], %parallel_loop3A_723 {strides = array<i32>} : memref<8x128x16xf32, #tpu.memory_space<vmem>>, vector<1x1x16xf32>,
        %parallel_loop3A_724 = arith.constant 14 : i32
        %parallel_loop3A_725 = arith.addi %parallel_loop3A_424, %parallel_loop3A_724 : i32
        %parallel_loop3A_726 = arith.constant 3 : i32
        %parallel_loop3A_727 = arith.index_cast %parallel_loop3A_726 : i32 to index
        %parallel_loop3A_728 = arith.index_cast %parallel_loop3A_725 : i32 to index
        %parallel_loop3A_729 = arith.constant 0 : index
        %parallel_loop3A_730 = tpu.vector_load %arg12[%parallel_loop3A_727, %parallel_loop3A_728, %parallel_loop3A_729] {strides = array<i32>} : memref<8x128x16xf32, #tpu.memory_space<vmem>>, vector<1x1x16xf32>,
        %parallel_loop3A_731 = vector.shape_cast %parallel_loop3A_730 : vector<1x1x16xf32> to vector<16xf32>
        %parallel_loop3A_732 = vector.extract_strided_slice %parallel_loop3A_429 {offsets = [14], sizes = [1], strides = [1]} : vector<16xf32> to vector<1xf32>
        %parallel_loop3A_733 = vector.extract %parallel_loop3A_732[0] : f32 from vector<1xf32>
        %parallel_loop3A_734 = vector.broadcast %parallel_loop3A_733 : f32 to vector<16xf32>
        %parallel_loop3A_735 = arith.mulf %parallel_loop3A_731, %parallel_loop3A_734 : vector<16xf32>
        %parallel_loop3A_736 = arith.constant 14 : i32
        %parallel_loop3A_737 = arith.addi %parallel_loop3A_424, %parallel_loop3A_736 : i32
        %parallel_loop3A_738 = arith.constant 3 : i32
        %parallel_loop3A_739 = arith.index_cast %parallel_loop3A_738 : i32 to index
        %parallel_loop3A_740 = arith.index_cast %parallel_loop3A_737 : i32 to index
        %parallel_loop3A_741 = arith.constant 0 : index
        %parallel_loop3A_742 = tpu.vector_load %arg12[%parallel_loop3A_739, %parallel_loop3A_740, %parallel_loop3A_741] {strides = array<i32>} : memref<8x128x16xf32, #tpu.memory_space<vmem>>, vector<1x1x16xf32>,
        %parallel_loop3A_743 = vector.shape_cast %parallel_loop3A_742 : vector<1x1x16xf32> to vector<16xf32>
        %parallel_loop3A_744 = vector.shape_cast %parallel_loop3A_735 : vector<16xf32> to vector<1x1x16xf32>
        tpu.vector_store %arg12[%parallel_loop3A_739, %parallel_loop3A_740, %parallel_loop3A_741], %parallel_loop3A_744 {strides = array<i32>} : memref<8x128x16xf32, #tpu.memory_space<vmem>>, vector<1x1x16xf32>,
        %parallel_loop3A_745 = arith.constant 15 : i32
        %parallel_loop3A_746 = arith.addi %parallel_loop3A_424, %parallel_loop3A_745 : i32
        %parallel_loop3A_747 = arith.constant 3 : i32
        %parallel_loop3A_748 = arith.index_cast %parallel_loop3A_747 : i32 to index
        %parallel_loop3A_749 = arith.index_cast %parallel_loop3A_746 : i32 to index
        %parallel_loop3A_750 = arith.constant 0 : index
        %parallel_loop3A_751 = tpu.vector_load %arg12[%parallel_loop3A_748, %parallel_loop3A_749, %parallel_loop3A_750] {strides = array<i32>} : memref<8x128x16xf32, #tpu.memory_space<vmem>>, vector<1x1x16xf32>,
        %parallel_loop3A_752 = vector.shape_cast %parallel_loop3A_751 : vector<1x1x16xf32> to vector<16xf32>
        %parallel_loop3A_753 = vector.extract_strided_slice %parallel_loop3A_429 {offsets = [15], sizes = [1], strides = [1]} : vector<16xf32> to vector<1xf32>
        %parallel_loop3A_754 = vector.extract %parallel_loop3A_753[0] : f32 from vector<1xf32>
        %parallel_loop3A_755 = vector.broadcast %parallel_loop3A_754 : f32 to vector<16xf32>
        %parallel_loop3A_756 = arith.mulf %parallel_loop3A_752, %parallel_loop3A_755 : vector<16xf32>
        %parallel_loop3A_757 = arith.constant 15 : i32
        %parallel_loop3A_758 = arith.addi %parallel_loop3A_424, %parallel_loop3A_757 : i32
        %parallel_loop3A_759 = arith.constant 3 : i32
        %parallel_loop3A_760 = arith.index_cast %parallel_loop3A_759 : i32 to index
        %parallel_loop3A_761 = arith.index_cast %parallel_loop3A_758 : i32 to index
        %parallel_loop3A_762 = arith.constant 0 : index
        %parallel_loop3A_763 = tpu.vector_load %arg12[%parallel_loop3A_760, %parallel_loop3A_761, %parallel_loop3A_762] {strides = array<i32>} : memref<8x128x16xf32, #tpu.memory_space<vmem>>, vector<1x1x16xf32>,
        %parallel_loop3A_764 = vector.shape_cast %parallel_loop3A_763 : vector<1x1x16xf32> to vector<16xf32>
        %parallel_loop3A_765 = vector.shape_cast %parallel_loop3A_756 : vector<16xf32> to vector<1x1x16xf32>
        tpu.vector_store %arg12[%parallel_loop3A_760, %parallel_loop3A_761, %parallel_loop3A_762], %parallel_loop3A_765 {strides = array<i32>} : memref<8x128x16xf32, #tpu.memory_space<vmem>>, vector<1x1x16xf32>,
      } {sc.loop_unroll_factor = 2 : i64, sc.parallel_access}
      %parallel_loop3A_220 = arith.constant 0 : i32
      %parallel_loop3A_221 = arith.constant 128 : i32
      %parallel_loop3A_222 = arith.constant 16 : i32
      scf.for %parallel_loop3A_424 = %parallel_loop3A_220 to %parallel_loop3A_221 step %parallel_loop3A_222  : i32 {
        %parallel_loop3A_425 = arith.constant 4 : i32
        %parallel_loop3A_426 = arith.index_cast %parallel_loop3A_425 : i32 to index
        %parallel_loop3A_427 = arith.index_cast %parallel_loop3A_424 : i32 to index
        %parallel_loop3A_428 = tpu.vector_load %arg11[%parallel_loop3A_426, %parallel_loop3A_427] {strides = array<i32>} : memref<8x128xf32, #tpu.memory_space<vmem>>, vector<1x16xf32>,
        %parallel_loop3A_429 = vector.shape_cast %parallel_loop3A_428 : vector<1x16xf32> to vector<16xf32>
        %parallel_loop3A_430 = arith.constant 0 : i32
        %parallel_loop3A_431 = arith.addi %parallel_loop3A_424, %parallel_loop3A_430 : i32
        %parallel_loop3A_432 = arith.constant 4 : i32
        %parallel_loop3A_433 = arith.index_cast %parallel_loop3A_432 : i32 to index
        %parallel_loop3A_434 = arith.index_cast %parallel_loop3A_431 : i32 to index
        %parallel_loop3A_435 = arith.constant 0 : index
        %parallel_loop3A_436 = tpu.vector_load %arg12[%parallel_loop3A_433, %parallel_loop3A_434, %parallel_loop3A_435] {strides = array<i32>} : memref<8x128x16xf32, #tpu.memory_space<vmem>>, vector<1x1x16xf32>,
        %parallel_loop3A_437 = vector.shape_cast %parallel_loop3A_436 : vector<1x1x16xf32> to vector<16xf32>
        %parallel_loop3A_438 = vector.extract_strided_slice %parallel_loop3A_429 {offsets = [0], sizes = [1], strides = [1]} : vector<16xf32> to vector<1xf32>
        %parallel_loop3A_439 = vector.extract %parallel_loop3A_438[0] : f32 from vector<1xf32>
        %parallel_loop3A_440 = vector.broadcast %parallel_loop3A_439 : f32 to vector<16xf32>
        %parallel_loop3A_441 = arith.mulf %parallel_loop3A_437, %parallel_loop3A_440 : vector<16xf32>
        %parallel_loop3A_442 = arith.constant 0 : i32
        %parallel_loop3A_443 = arith.addi %parallel_loop3A_424, %parallel_loop3A_442 : i32
        %parallel_loop3A_444 = arith.constant 4 : i32
        %parallel_loop3A_445 = arith.index_cast %parallel_loop3A_444 : i32 to index
        %parallel_loop3A_446 = arith.index_cast %parallel_loop3A_443 : i32 to index
        %parallel_loop3A_447 = arith.constant 0 : index
        %parallel_loop3A_448 = tpu.vector_load %arg12[%parallel_loop3A_445, %parallel_loop3A_446, %parallel_loop3A_447] {strides = array<i32>} : memref<8x128x16xf32, #tpu.memory_space<vmem>>, vector<1x1x16xf32>,
        %parallel_loop3A_449 = vector.shape_cast %parallel_loop3A_448 : vector<1x1x16xf32> to vector<16xf32>
        %parallel_loop3A_450 = vector.shape_cast %parallel_loop3A_441 : vector<16xf32> to vector<1x1x16xf32>
        tpu.vector_store %arg12[%parallel_loop3A_445, %parallel_loop3A_446, %parallel_loop3A_447], %parallel_loop3A_450 {strides = array<i32>} : memref<8x128x16xf32, #tpu.memory_space<vmem>>, vector<1x1x16xf32>,
        %parallel_loop3A_451 = arith.constant 1 : i32
        %parallel_loop3A_452 = arith.addi %parallel_loop3A_424, %parallel_loop3A_451 : i32
        %parallel_loop3A_453 = arith.constant 4 : i32
        %parallel_loop3A_454 = arith.index_cast %parallel_loop3A_453 : i32 to index
        %parallel_loop3A_455 = arith.index_cast %parallel_loop3A_452 : i32 to index
        %parallel_loop3A_456 = arith.constant 0 : index
        %parallel_loop3A_457 = tpu.vector_load %arg12[%parallel_loop3A_454, %parallel_loop3A_455, %parallel_loop3A_456] {strides = array<i32>} : memref<8x128x16xf32, #tpu.memory_space<vmem>>, vector<1x1x16xf32>,
        %parallel_loop3A_458 = vector.shape_cast %parallel_loop3A_457 : vector<1x1x16xf32> to vector<16xf32>
        %parallel_loop3A_459 = vector.extract_strided_slice %parallel_loop3A_429 {offsets = [1], sizes = [1], strides = [1]} : vector<16xf32> to vector<1xf32>
        %parallel_loop3A_460 = vector.extract %parallel_loop3A_459[0] : f32 from vector<1xf32>
        %parallel_loop3A_461 = vector.broadcast %parallel_loop3A_460 : f32 to vector<16xf32>
        %parallel_loop3A_462 = arith.mulf %parallel_loop3A_458, %parallel_loop3A_461 : vector<16xf32>
        %parallel_loop3A_463 = arith.constant 1 : i32
        %parallel_loop3A_464 = arith.addi %parallel_loop3A_424, %parallel_loop3A_463 : i32
        %parallel_loop3A_465 = arith.constant 4 : i32
        %parallel_loop3A_466 = arith.index_cast %parallel_loop3A_465 : i32 to index
        %parallel_loop3A_467 = arith.index_cast %parallel_loop3A_464 : i32 to index
        %parallel_loop3A_468 = arith.constant 0 : index
        %parallel_loop3A_469 = tpu.vector_load %arg12[%parallel_loop3A_466, %parallel_loop3A_467, %parallel_loop3A_468] {strides = array<i32>} : memref<8x128x16xf32, #tpu.memory_space<vmem>>, vector<1x1x16xf32>,
        %parallel_loop3A_470 = vector.shape_cast %parallel_loop3A_469 : vector<1x1x16xf32> to vector<16xf32>
        %parallel_loop3A_471 = vector.shape_cast %parallel_loop3A_462 : vector<16xf32> to vector<1x1x16xf32>
        tpu.vector_store %arg12[%parallel_loop3A_466, %parallel_loop3A_467, %parallel_loop3A_468], %parallel_loop3A_471 {strides = array<i32>} : memref<8x128x16xf32, #tpu.memory_space<vmem>>, vector<1x1x16xf32>,
        %parallel_loop3A_472 = arith.constant 2 : i32
        %parallel_loop3A_473 = arith.addi %parallel_loop3A_424, %parallel_loop3A_472 : i32
        %parallel_loop3A_474 = arith.constant 4 : i32
        %parallel_loop3A_475 = arith.index_cast %parallel_loop3A_474 : i32 to index
        %parallel_loop3A_476 = arith.index_cast %parallel_loop3A_473 : i32 to index
        %parallel_loop3A_477 = arith.constant 0 : index
        %parallel_loop3A_478 = tpu.vector_load %arg12[%parallel_loop3A_475, %parallel_loop3A_476, %parallel_loop3A_477] {strides = array<i32>} : memref<8x128x16xf32, #tpu.memory_space<vmem>>, vector<1x1x16xf32>,
        %parallel_loop3A_479 = vector.shape_cast %parallel_loop3A_478 : vector<1x1x16xf32> to vector<16xf32>
        %parallel_loop3A_480 = vector.extract_strided_slice %parallel_loop3A_429 {offsets = [2], sizes = [1], strides = [1]} : vector<16xf32> to vector<1xf32>
        %parallel_loop3A_481 = vector.extract %parallel_loop3A_480[0] : f32 from vector<1xf32>
        %parallel_loop3A_482 = vector.broadcast %parallel_loop3A_481 : f32 to vector<16xf32>
        %parallel_loop3A_483 = arith.mulf %parallel_loop3A_479, %parallel_loop3A_482 : vector<16xf32>
        %parallel_loop3A_484 = arith.constant 2 : i32
        %parallel_loop3A_485 = arith.addi %parallel_loop3A_424, %parallel_loop3A_484 : i32
        %parallel_loop3A_486 = arith.constant 4 : i32
        %parallel_loop3A_487 = arith.index_cast %parallel_loop3A_486 : i32 to index
        %parallel_loop3A_488 = arith.index_cast %parallel_loop3A_485 : i32 to index
        %parallel_loop3A_489 = arith.constant 0 : index
        %parallel_loop3A_490 = tpu.vector_load %arg12[%parallel_loop3A_487, %parallel_loop3A_488, %parallel_loop3A_489] {strides = array<i32>} : memref<8x128x16xf32, #tpu.memory_space<vmem>>, vector<1x1x16xf32>,
        %parallel_loop3A_491 = vector.shape_cast %parallel_loop3A_490 : vector<1x1x16xf32> to vector<16xf32>
        %parallel_loop3A_492 = vector.shape_cast %parallel_loop3A_483 : vector<16xf32> to vector<1x1x16xf32>
        tpu.vector_store %arg12[%parallel_loop3A_487, %parallel_loop3A_488, %parallel_loop3A_489], %parallel_loop3A_492 {strides = array<i32>} : memref<8x128x16xf32, #tpu.memory_space<vmem>>, vector<1x1x16xf32>,
        %parallel_loop3A_493 = arith.constant 3 : i32
        %parallel_loop3A_494 = arith.addi %parallel_loop3A_424, %parallel_loop3A_493 : i32
        %parallel_loop3A_495 = arith.constant 4 : i32
        %parallel_loop3A_496 = arith.index_cast %parallel_loop3A_495 : i32 to index
        %parallel_loop3A_497 = arith.index_cast %parallel_loop3A_494 : i32 to index
        %parallel_loop3A_498 = arith.constant 0 : index
        %parallel_loop3A_499 = tpu.vector_load %arg12[%parallel_loop3A_496, %parallel_loop3A_497, %parallel_loop3A_498] {strides = array<i32>} : memref<8x128x16xf32, #tpu.memory_space<vmem>>, vector<1x1x16xf32>,
        %parallel_loop3A_500 = vector.shape_cast %parallel_loop3A_499 : vector<1x1x16xf32> to vector<16xf32>
        %parallel_loop3A_501 = vector.extract_strided_slice %parallel_loop3A_429 {offsets = [3], sizes = [1], strides = [1]} : vector<16xf32> to vector<1xf32>
        %parallel_loop3A_502 = vector.extract %parallel_loop3A_501[0] : f32 from vector<1xf32>
        %parallel_loop3A_503 = vector.broadcast %parallel_loop3A_502 : f32 to vector<16xf32>
        %parallel_loop3A_504 = arith.mulf %parallel_loop3A_500, %parallel_loop3A_503 : vector<16xf32>
        %parallel_loop3A_505 = arith.constant 3 : i32
        %parallel_loop3A_506 = arith.addi %parallel_loop3A_424, %parallel_loop3A_505 : i32
        %parallel_loop3A_507 = arith.constant 4 : i32
        %parallel_loop3A_508 = arith.index_cast %parallel_loop3A_507 : i32 to index
        %parallel_loop3A_509 = arith.index_cast %parallel_loop3A_506 : i32 to index
        %parallel_loop3A_510 = arith.constant 0 : index
        %parallel_loop3A_511 = tpu.vector_load %arg12[%parallel_loop3A_508, %parallel_loop3A_509, %parallel_loop3A_510] {strides = array<i32>} : memref<8x128x16xf32, #tpu.memory_space<vmem>>, vector<1x1x16xf32>,
        %parallel_loop3A_512 = vector.shape_cast %parallel_loop3A_511 : vector<1x1x16xf32> to vector<16xf32>
        %parallel_loop3A_513 = vector.shape_cast %parallel_loop3A_504 : vector<16xf32> to vector<1x1x16xf32>
        tpu.vector_store %arg12[%parallel_loop3A_508, %parallel_loop3A_509, %parallel_loop3A_510], %parallel_loop3A_513 {strides = array<i32>} : memref<8x128x16xf32, #tpu.memory_space<vmem>>, vector<1x1x16xf32>,
        %parallel_loop3A_514 = arith.constant 4 : i32
        %parallel_loop3A_515 = arith.addi %parallel_loop3A_424, %parallel_loop3A_514 : i32
        %parallel_loop3A_516 = arith.constant 4 : i32
        %parallel_loop3A_517 = arith.index_cast %parallel_loop3A_516 : i32 to index
        %parallel_loop3A_518 = arith.index_cast %parallel_loop3A_515 : i32 to index
        %parallel_loop3A_519 = arith.constant 0 : index
        %parallel_loop3A_520 = tpu.vector_load %arg12[%parallel_loop3A_517, %parallel_loop3A_518, %parallel_loop3A_519] {strides = array<i32>} : memref<8x128x16xf32, #tpu.memory_space<vmem>>, vector<1x1x16xf32>,
        %parallel_loop3A_521 = vector.shape_cast %parallel_loop3A_520 : vector<1x1x16xf32> to vector<16xf32>
        %parallel_loop3A_522 = vector.extract_strided_slice %parallel_loop3A_429 {offsets = [4], sizes = [1], strides = [1]} : vector<16xf32> to vector<1xf32>
        %parallel_loop3A_523 = vector.extract %parallel_loop3A_522[0] : f32 from vector<1xf32>
        %parallel_loop3A_524 = vector.broadcast %parallel_loop3A_523 : f32 to vector<16xf32>
        %parallel_loop3A_525 = arith.mulf %parallel_loop3A_521, %parallel_loop3A_524 : vector<16xf32>
        %parallel_loop3A_526 = arith.constant 4 : i32
        %parallel_loop3A_527 = arith.addi %parallel_loop3A_424, %parallel_loop3A_526 : i32
        %parallel_loop3A_528 = arith.constant 4 : i32
        %parallel_loop3A_529 = arith.index_cast %parallel_loop3A_528 : i32 to index
        %parallel_loop3A_530 = arith.index_cast %parallel_loop3A_527 : i32 to index
        %parallel_loop3A_531 = arith.constant 0 : index
        %parallel_loop3A_532 = tpu.vector_load %arg12[%parallel_loop3A_529, %parallel_loop3A_530, %parallel_loop3A_531] {strides = array<i32>} : memref<8x128x16xf32, #tpu.memory_space<vmem>>, vector<1x1x16xf32>,
        %parallel_loop3A_533 = vector.shape_cast %parallel_loop3A_532 : vector<1x1x16xf32> to vector<16xf32>
        %parallel_loop3A_534 = vector.shape_cast %parallel_loop3A_525 : vector<16xf32> to vector<1x1x16xf32>
        tpu.vector_store %arg12[%parallel_loop3A_529, %parallel_loop3A_530, %parallel_loop3A_531], %parallel_loop3A_534 {strides = array<i32>} : memref<8x128x16xf32, #tpu.memory_space<vmem>>, vector<1x1x16xf32>,
        %parallel_loop3A_535 = arith.constant 5 : i32
        %parallel_loop3A_536 = arith.addi %parallel_loop3A_424, %parallel_loop3A_535 : i32
        %parallel_loop3A_537 = arith.constant 4 : i32
        %parallel_loop3A_538 = arith.index_cast %parallel_loop3A_537 : i32 to index
        %parallel_loop3A_539 = arith.index_cast %parallel_loop3A_536 : i32 to index
        %parallel_loop3A_540 = arith.constant 0 : index
        %parallel_loop3A_541 = tpu.vector_load %arg12[%parallel_loop3A_538, %parallel_loop3A_539, %parallel_loop3A_540] {strides = array<i32>} : memref<8x128x16xf32, #tpu.memory_space<vmem>>, vector<1x1x16xf32>,
        %parallel_loop3A_542 = vector.shape_cast %parallel_loop3A_541 : vector<1x1x16xf32> to vector<16xf32>
        %parallel_loop3A_543 = vector.extract_strided_slice %parallel_loop3A_429 {offsets = [5], sizes = [1], strides = [1]} : vector<16xf32> to vector<1xf32>
        %parallel_loop3A_544 = vector.extract %parallel_loop3A_543[0] : f32 from vector<1xf32>
        %parallel_loop3A_545 = vector.broadcast %parallel_loop3A_544 : f32 to vector<16xf32>
        %parallel_loop3A_546 = arith.mulf %parallel_loop3A_542, %parallel_loop3A_545 : vector<16xf32>
        %parallel_loop3A_547 = arith.constant 5 : i32
        %parallel_loop3A_548 = arith.addi %parallel_loop3A_424, %parallel_loop3A_547 : i32
        %parallel_loop3A_549 = arith.constant 4 : i32
        %parallel_loop3A_550 = arith.index_cast %parallel_loop3A_549 : i32 to index
        %parallel_loop3A_551 = arith.index_cast %parallel_loop3A_548 : i32 to index
        %parallel_loop3A_552 = arith.constant 0 : index
        %parallel_loop3A_553 = tpu.vector_load %arg12[%parallel_loop3A_550, %parallel_loop3A_551, %parallel_loop3A_552] {strides = array<i32>} : memref<8x128x16xf32, #tpu.memory_space<vmem>>, vector<1x1x16xf32>,
        %parallel_loop3A_554 = vector.shape_cast %parallel_loop3A_553 : vector<1x1x16xf32> to vector<16xf32>
        %parallel_loop3A_555 = vector.shape_cast %parallel_loop3A_546 : vector<16xf32> to vector<1x1x16xf32>
        tpu.vector_store %arg12[%parallel_loop3A_550, %parallel_loop3A_551, %parallel_loop3A_552], %parallel_loop3A_555 {strides = array<i32>} : memref<8x128x16xf32, #tpu.memory_space<vmem>>, vector<1x1x16xf32>,
        %parallel_loop3A_556 = arith.constant 6 : i32
        %parallel_loop3A_557 = arith.addi %parallel_loop3A_424, %parallel_loop3A_556 : i32
        %parallel_loop3A_558 = arith.constant 4 : i32
        %parallel_loop3A_559 = arith.index_cast %parallel_loop3A_558 : i32 to index
        %parallel_loop3A_560 = arith.index_cast %parallel_loop3A_557 : i32 to index
        %parallel_loop3A_561 = arith.constant 0 : index
        %parallel_loop3A_562 = tpu.vector_load %arg12[%parallel_loop3A_559, %parallel_loop3A_560, %parallel_loop3A_561] {strides = array<i32>} : memref<8x128x16xf32, #tpu.memory_space<vmem>>, vector<1x1x16xf32>,
        %parallel_loop3A_563 = vector.shape_cast %parallel_loop3A_562 : vector<1x1x16xf32> to vector<16xf32>
        %parallel_loop3A_564 = vector.extract_strided_slice %parallel_loop3A_429 {offsets = [6], sizes = [1], strides = [1]} : vector<16xf32> to vector<1xf32>
        %parallel_loop3A_565 = vector.extract %parallel_loop3A_564[0] : f32 from vector<1xf32>
        %parallel_loop3A_566 = vector.broadcast %parallel_loop3A_565 : f32 to vector<16xf32>
        %parallel_loop3A_567 = arith.mulf %parallel_loop3A_563, %parallel_loop3A_566 : vector<16xf32>
        %parallel_loop3A_568 = arith.constant 6 : i32
        %parallel_loop3A_569 = arith.addi %parallel_loop3A_424, %parallel_loop3A_568 : i32
        %parallel_loop3A_570 = arith.constant 4 : i32
        %parallel_loop3A_571 = arith.index_cast %parallel_loop3A_570 : i32 to index
        %parallel_loop3A_572 = arith.index_cast %parallel_loop3A_569 : i32 to index
        %parallel_loop3A_573 = arith.constant 0 : index
        %parallel_loop3A_574 = tpu.vector_load %arg12[%parallel_loop3A_571, %parallel_loop3A_572, %parallel_loop3A_573] {strides = array<i32>} : memref<8x128x16xf32, #tpu.memory_space<vmem>>, vector<1x1x16xf32>,
        %parallel_loop3A_575 = vector.shape_cast %parallel_loop3A_574 : vector<1x1x16xf32> to vector<16xf32>
        %parallel_loop3A_576 = vector.shape_cast %parallel_loop3A_567 : vector<16xf32> to vector<1x1x16xf32>
        tpu.vector_store %arg12[%parallel_loop3A_571, %parallel_loop3A_572, %parallel_loop3A_573], %parallel_loop3A_576 {strides = array<i32>} : memref<8x128x16xf32, #tpu.memory_space<vmem>>, vector<1x1x16xf32>,
        %parallel_loop3A_577 = arith.constant 7 : i32
        %parallel_loop3A_578 = arith.addi %parallel_loop3A_424, %parallel_loop3A_577 : i32
        %parallel_loop3A_579 = arith.constant 4 : i32
        %parallel_loop3A_580 = arith.index_cast %parallel_loop3A_579 : i32 to index
        %parallel_loop3A_581 = arith.index_cast %parallel_loop3A_578 : i32 to index
        %parallel_loop3A_582 = arith.constant 0 : index
        %parallel_loop3A_583 = tpu.vector_load %arg12[%parallel_loop3A_580, %parallel_loop3A_581, %parallel_loop3A_582] {strides = array<i32>} : memref<8x128x16xf32, #tpu.memory_space<vmem>>, vector<1x1x16xf32>,
        %parallel_loop3A_584 = vector.shape_cast %parallel_loop3A_583 : vector<1x1x16xf32> to vector<16xf32>
        %parallel_loop3A_585 = vector.extract_strided_slice %parallel_loop3A_429 {offsets = [7], sizes = [1], strides = [1]} : vector<16xf32> to vector<1xf32>
        %parallel_loop3A_586 = vector.extract %parallel_loop3A_585[0] : f32 from vector<1xf32>
        %parallel_loop3A_587 = vector.broadcast %parallel_loop3A_586 : f32 to vector<16xf32>
        %parallel_loop3A_588 = arith.mulf %parallel_loop3A_584, %parallel_loop3A_587 : vector<16xf32>
        %parallel_loop3A_589 = arith.constant 7 : i32
        %parallel_loop3A_590 = arith.addi %parallel_loop3A_424, %parallel_loop3A_589 : i32
        %parallel_loop3A_591 = arith.constant 4 : i32
        %parallel_loop3A_592 = arith.index_cast %parallel_loop3A_591 : i32 to index
        %parallel_loop3A_593 = arith.index_cast %parallel_loop3A_590 : i32 to index
        %parallel_loop3A_594 = arith.constant 0 : index
        %parallel_loop3A_595 = tpu.vector_load %arg12[%parallel_loop3A_592, %parallel_loop3A_593, %parallel_loop3A_594] {strides = array<i32>} : memref<8x128x16xf32, #tpu.memory_space<vmem>>, vector<1x1x16xf32>,
        %parallel_loop3A_596 = vector.shape_cast %parallel_loop3A_595 : vector<1x1x16xf32> to vector<16xf32>
        %parallel_loop3A_597 = vector.shape_cast %parallel_loop3A_588 : vector<16xf32> to vector<1x1x16xf32>
        tpu.vector_store %arg12[%parallel_loop3A_592, %parallel_loop3A_593, %parallel_loop3A_594], %parallel_loop3A_597 {strides = array<i32>} : memref<8x128x16xf32, #tpu.memory_space<vmem>>, vector<1x1x16xf32>,
        %parallel_loop3A_598 = arith.constant 8 : i32
        %parallel_loop3A_599 = arith.addi %parallel_loop3A_424, %parallel_loop3A_598 : i32
        %parallel_loop3A_600 = arith.constant 4 : i32
        %parallel_loop3A_601 = arith.index_cast %parallel_loop3A_600 : i32 to index
        %parallel_loop3A_602 = arith.index_cast %parallel_loop3A_599 : i32 to index
        %parallel_loop3A_603 = arith.constant 0 : index
        %parallel_loop3A_604 = tpu.vector_load %arg12[%parallel_loop3A_601, %parallel_loop3A_602, %parallel_loop3A_603] {strides = array<i32>} : memref<8x128x16xf32, #tpu.memory_space<vmem>>, vector<1x1x16xf32>,
        %parallel_loop3A_605 = vector.shape_cast %parallel_loop3A_604 : vector<1x1x16xf32> to vector<16xf32>
        %parallel_loop3A_606 = vector.extract_strided_slice %parallel_loop3A_429 {offsets = [8], sizes = [1], strides = [1]} : vector<16xf32> to vector<1xf32>
        %parallel_loop3A_607 = vector.extract %parallel_loop3A_606[0] : f32 from vector<1xf32>
        %parallel_loop3A_608 = vector.broadcast %parallel_loop3A_607 : f32 to vector<16xf32>
        %parallel_loop3A_609 = arith.mulf %parallel_loop3A_605, %parallel_loop3A_608 : vector<16xf32>
        %parallel_loop3A_610 = arith.constant 8 : i32
        %parallel_loop3A_611 = arith.addi %parallel_loop3A_424, %parallel_loop3A_610 : i32
        %parallel_loop3A_612 = arith.constant 4 : i32
        %parallel_loop3A_613 = arith.index_cast %parallel_loop3A_612 : i32 to index
        %parallel_loop3A_614 = arith.index_cast %parallel_loop3A_611 : i32 to index
        %parallel_loop3A_615 = arith.constant 0 : index
        %parallel_loop3A_616 = tpu.vector_load %arg12[%parallel_loop3A_613, %parallel_loop3A_614, %parallel_loop3A_615] {strides = array<i32>} : memref<8x128x16xf32, #tpu.memory_space<vmem>>, vector<1x1x16xf32>,
        %parallel_loop3A_617 = vector.shape_cast %parallel_loop3A_616 : vector<1x1x16xf32> to vector<16xf32>
        %parallel_loop3A_618 = vector.shape_cast %parallel_loop3A_609 : vector<16xf32> to vector<1x1x16xf32>
        tpu.vector_store %arg12[%parallel_loop3A_613, %parallel_loop3A_614, %parallel_loop3A_615], %parallel_loop3A_618 {strides = array<i32>} : memref<8x128x16xf32, #tpu.memory_space<vmem>>, vector<1x1x16xf32>,
        %parallel_loop3A_619 = arith.constant 9 : i32
        %parallel_loop3A_620 = arith.addi %parallel_loop3A_424, %parallel_loop3A_619 : i32
        %parallel_loop3A_621 = arith.constant 4 : i32
        %parallel_loop3A_622 = arith.index_cast %parallel_loop3A_621 : i32 to index
        %parallel_loop3A_623 = arith.index_cast %parallel_loop3A_620 : i32 to index
        %parallel_loop3A_624 = arith.constant 0 : index
        %parallel_loop3A_625 = tpu.vector_load %arg12[%parallel_loop3A_622, %parallel_loop3A_623, %parallel_loop3A_624] {strides = array<i32>} : memref<8x128x16xf32, #tpu.memory_space<vmem>>, vector<1x1x16xf32>,
        %parallel_loop3A_626 = vector.shape_cast %parallel_loop3A_625 : vector<1x1x16xf32> to vector<16xf32>
        %parallel_loop3A_627 = vector.extract_strided_slice %parallel_loop3A_429 {offsets = [9], sizes = [1], strides = [1]} : vector<16xf32> to vector<1xf32>
        %parallel_loop3A_628 = vector.extract %parallel_loop3A_627[0] : f32 from vector<1xf32>
        %parallel_loop3A_629 = vector.broadcast %parallel_loop3A_628 : f32 to vector<16xf32>
        %parallel_loop3A_630 = arith.mulf %parallel_loop3A_626, %parallel_loop3A_629 : vector<16xf32>
        %parallel_loop3A_631 = arith.constant 9 : i32
        %parallel_loop3A_632 = arith.addi %parallel_loop3A_424, %parallel_loop3A_631 : i32
        %parallel_loop3A_633 = arith.constant 4 : i32
        %parallel_loop3A_634 = arith.index_cast %parallel_loop3A_633 : i32 to index
        %parallel_loop3A_635 = arith.index_cast %parallel_loop3A_632 : i32 to index
        %parallel_loop3A_636 = arith.constant 0 : index
        %parallel_loop3A_637 = tpu.vector_load %arg12[%parallel_loop3A_634, %parallel_loop3A_635, %parallel_loop3A_636] {strides = array<i32>} : memref<8x128x16xf32, #tpu.memory_space<vmem>>, vector<1x1x16xf32>,
        %parallel_loop3A_638 = vector.shape_cast %parallel_loop3A_637 : vector<1x1x16xf32> to vector<16xf32>
        %parallel_loop3A_639 = vector.shape_cast %parallel_loop3A_630 : vector<16xf32> to vector<1x1x16xf32>
        tpu.vector_store %arg12[%parallel_loop3A_634, %parallel_loop3A_635, %parallel_loop3A_636], %parallel_loop3A_639 {strides = array<i32>} : memref<8x128x16xf32, #tpu.memory_space<vmem>>, vector<1x1x16xf32>,
        %parallel_loop3A_640 = arith.constant 10 : i32
        %parallel_loop3A_641 = arith.addi %parallel_loop3A_424, %parallel_loop3A_640 : i32
        %parallel_loop3A_642 = arith.constant 4 : i32
        %parallel_loop3A_643 = arith.index_cast %parallel_loop3A_642 : i32 to index
        %parallel_loop3A_644 = arith.index_cast %parallel_loop3A_641 : i32 to index
        %parallel_loop3A_645 = arith.constant 0 : index
        %parallel_loop3A_646 = tpu.vector_load %arg12[%parallel_loop3A_643, %parallel_loop3A_644, %parallel_loop3A_645] {strides = array<i32>} : memref<8x128x16xf32, #tpu.memory_space<vmem>>, vector<1x1x16xf32>,
        %parallel_loop3A_647 = vector.shape_cast %parallel_loop3A_646 : vector<1x1x16xf32> to vector<16xf32>
        %parallel_loop3A_648 = vector.extract_strided_slice %parallel_loop3A_429 {offsets = [10], sizes = [1], strides = [1]} : vector<16xf32> to vector<1xf32>
        %parallel_loop3A_649 = vector.extract %parallel_loop3A_648[0] : f32 from vector<1xf32>
        %parallel_loop3A_650 = vector.broadcast %parallel_loop3A_649 : f32 to vector<16xf32>
        %parallel_loop3A_651 = arith.mulf %parallel_loop3A_647, %parallel_loop3A_650 : vector<16xf32>
        %parallel_loop3A_652 = arith.constant 10 : i32
        %parallel_loop3A_653 = arith.addi %parallel_loop3A_424, %parallel_loop3A_652 : i32
        %parallel_loop3A_654 = arith.constant 4 : i32
        %parallel_loop3A_655 = arith.index_cast %parallel_loop3A_654 : i32 to index
        %parallel_loop3A_656 = arith.index_cast %parallel_loop3A_653 : i32 to index
        %parallel_loop3A_657 = arith.constant 0 : index
        %parallel_loop3A_658 = tpu.vector_load %arg12[%parallel_loop3A_655, %parallel_loop3A_656, %parallel_loop3A_657] {strides = array<i32>} : memref<8x128x16xf32, #tpu.memory_space<vmem>>, vector<1x1x16xf32>,
        %parallel_loop3A_659 = vector.shape_cast %parallel_loop3A_658 : vector<1x1x16xf32> to vector<16xf32>
        %parallel_loop3A_660 = vector.shape_cast %parallel_loop3A_651 : vector<16xf32> to vector<1x1x16xf32>
        tpu.vector_store %arg12[%parallel_loop3A_655, %parallel_loop3A_656, %parallel_loop3A_657], %parallel_loop3A_660 {strides = array<i32>} : memref<8x128x16xf32, #tpu.memory_space<vmem>>, vector<1x1x16xf32>,
        %parallel_loop3A_661 = arith.constant 11 : i32
        %parallel_loop3A_662 = arith.addi %parallel_loop3A_424, %parallel_loop3A_661 : i32
        %parallel_loop3A_663 = arith.constant 4 : i32
        %parallel_loop3A_664 = arith.index_cast %parallel_loop3A_663 : i32 to index
        %parallel_loop3A_665 = arith.index_cast %parallel_loop3A_662 : i32 to index
        %parallel_loop3A_666 = arith.constant 0 : index
        %parallel_loop3A_667 = tpu.vector_load %arg12[%parallel_loop3A_664, %parallel_loop3A_665, %parallel_loop3A_666] {strides = array<i32>} : memref<8x128x16xf32, #tpu.memory_space<vmem>>, vector<1x1x16xf32>,
        %parallel_loop3A_668 = vector.shape_cast %parallel_loop3A_667 : vector<1x1x16xf32> to vector<16xf32>
        %parallel_loop3A_669 = vector.extract_strided_slice %parallel_loop3A_429 {offsets = [11], sizes = [1], strides = [1]} : vector<16xf32> to vector<1xf32>
        %parallel_loop3A_670 = vector.extract %parallel_loop3A_669[0] : f32 from vector<1xf32>
        %parallel_loop3A_671 = vector.broadcast %parallel_loop3A_670 : f32 to vector<16xf32>
        %parallel_loop3A_672 = arith.mulf %parallel_loop3A_668, %parallel_loop3A_671 : vector<16xf32>
        %parallel_loop3A_673 = arith.constant 11 : i32
        %parallel_loop3A_674 = arith.addi %parallel_loop3A_424, %parallel_loop3A_673 : i32
        %parallel_loop3A_675 = arith.constant 4 : i32
        %parallel_loop3A_676 = arith.index_cast %parallel_loop3A_675 : i32 to index
        %parallel_loop3A_677 = arith.index_cast %parallel_loop3A_674 : i32 to index
        %parallel_loop3A_678 = arith.constant 0 : index
        %parallel_loop3A_679 = tpu.vector_load %arg12[%parallel_loop3A_676, %parallel_loop3A_677, %parallel_loop3A_678] {strides = array<i32>} : memref<8x128x16xf32, #tpu.memory_space<vmem>>, vector<1x1x16xf32>,
        %parallel_loop3A_680 = vector.shape_cast %parallel_loop3A_679 : vector<1x1x16xf32> to vector<16xf32>
        %parallel_loop3A_681 = vector.shape_cast %parallel_loop3A_672 : vector<16xf32> to vector<1x1x16xf32>
        tpu.vector_store %arg12[%parallel_loop3A_676, %parallel_loop3A_677, %parallel_loop3A_678], %parallel_loop3A_681 {strides = array<i32>} : memref<8x128x16xf32, #tpu.memory_space<vmem>>, vector<1x1x16xf32>,
        %parallel_loop3A_682 = arith.constant 12 : i32
        %parallel_loop3A_683 = arith.addi %parallel_loop3A_424, %parallel_loop3A_682 : i32
        %parallel_loop3A_684 = arith.constant 4 : i32
        %parallel_loop3A_685 = arith.index_cast %parallel_loop3A_684 : i32 to index
        %parallel_loop3A_686 = arith.index_cast %parallel_loop3A_683 : i32 to index
        %parallel_loop3A_687 = arith.constant 0 : index
        %parallel_loop3A_688 = tpu.vector_load %arg12[%parallel_loop3A_685, %parallel_loop3A_686, %parallel_loop3A_687] {strides = array<i32>} : memref<8x128x16xf32, #tpu.memory_space<vmem>>, vector<1x1x16xf32>,
        %parallel_loop3A_689 = vector.shape_cast %parallel_loop3A_688 : vector<1x1x16xf32> to vector<16xf32>
        %parallel_loop3A_690 = vector.extract_strided_slice %parallel_loop3A_429 {offsets = [12], sizes = [1], strides = [1]} : vector<16xf32> to vector<1xf32>
        %parallel_loop3A_691 = vector.extract %parallel_loop3A_690[0] : f32 from vector<1xf32>
        %parallel_loop3A_692 = vector.broadcast %parallel_loop3A_691 : f32 to vector<16xf32>
        %parallel_loop3A_693 = arith.mulf %parallel_loop3A_689, %parallel_loop3A_692 : vector<16xf32>
        %parallel_loop3A_694 = arith.constant 12 : i32
        %parallel_loop3A_695 = arith.addi %parallel_loop3A_424, %parallel_loop3A_694 : i32
        %parallel_loop3A_696 = arith.constant 4 : i32
        %parallel_loop3A_697 = arith.index_cast %parallel_loop3A_696 : i32 to index
        %parallel_loop3A_698 = arith.index_cast %parallel_loop3A_695 : i32 to index
        %parallel_loop3A_699 = arith.constant 0 : index
        %parallel_loop3A_700 = tpu.vector_load %arg12[%parallel_loop3A_697, %parallel_loop3A_698, %parallel_loop3A_699] {strides = array<i32>} : memref<8x128x16xf32, #tpu.memory_space<vmem>>, vector<1x1x16xf32>,
        %parallel_loop3A_701 = vector.shape_cast %parallel_loop3A_700 : vector<1x1x16xf32> to vector<16xf32>
        %parallel_loop3A_702 = vector.shape_cast %parallel_loop3A_693 : vector<16xf32> to vector<1x1x16xf32>
        tpu.vector_store %arg12[%parallel_loop3A_697, %parallel_loop3A_698, %parallel_loop3A_699], %parallel_loop3A_702 {strides = array<i32>} : memref<8x128x16xf32, #tpu.memory_space<vmem>>, vector<1x1x16xf32>,
        %parallel_loop3A_703 = arith.constant 13 : i32
        %parallel_loop3A_704 = arith.addi %parallel_loop3A_424, %parallel_loop3A_703 : i32
        %parallel_loop3A_705 = arith.constant 4 : i32
        %parallel_loop3A_706 = arith.index_cast %parallel_loop3A_705 : i32 to index
        %parallel_loop3A_707 = arith.index_cast %parallel_loop3A_704 : i32 to index
        %parallel_loop3A_708 = arith.constant 0 : index
        %parallel_loop3A_709 = tpu.vector_load %arg12[%parallel_loop3A_706, %parallel_loop3A_707, %parallel_loop3A_708] {strides = array<i32>} : memref<8x128x16xf32, #tpu.memory_space<vmem>>, vector<1x1x16xf32>,
        %parallel_loop3A_710 = vector.shape_cast %parallel_loop3A_709 : vector<1x1x16xf32> to vector<16xf32>
        %parallel_loop3A_711 = vector.extract_strided_slice %parallel_loop3A_429 {offsets = [13], sizes = [1], strides = [1]} : vector<16xf32> to vector<1xf32>
        %parallel_loop3A_712 = vector.extract %parallel_loop3A_711[0] : f32 from vector<1xf32>
        %parallel_loop3A_713 = vector.broadcast %parallel_loop3A_712 : f32 to vector<16xf32>
        %parallel_loop3A_714 = arith.mulf %parallel_loop3A_710, %parallel_loop3A_713 : vector<16xf32>
        %parallel_loop3A_715 = arith.constant 13 : i32
        %parallel_loop3A_716 = arith.addi %parallel_loop3A_424, %parallel_loop3A_715 : i32
        %parallel_loop3A_717 = arith.constant 4 : i32
        %parallel_loop3A_718 = arith.index_cast %parallel_loop3A_717 : i32 to index
        %parallel_loop3A_719 = arith.index_cast %parallel_loop3A_716 : i32 to index
        %parallel_loop3A_720 = arith.constant 0 : index
        %parallel_loop3A_721 = tpu.vector_load %arg12[%parallel_loop3A_718, %parallel_loop3A_719, %parallel_loop3A_720] {strides = array<i32>} : memref<8x128x16xf32, #tpu.memory_space<vmem>>, vector<1x1x16xf32>,
        %parallel_loop3A_722 = vector.shape_cast %parallel_loop3A_721 : vector<1x1x16xf32> to vector<16xf32>
        %parallel_loop3A_723 = vector.shape_cast %parallel_loop3A_714 : vector<16xf32> to vector<1x1x16xf32>
        tpu.vector_store %arg12[%parallel_loop3A_718, %parallel_loop3A_719, %parallel_loop3A_720], %parallel_loop3A_723 {strides = array<i32>} : memref<8x128x16xf32, #tpu.memory_space<vmem>>, vector<1x1x16xf32>,
        %parallel_loop3A_724 = arith.constant 14 : i32
        %parallel_loop3A_725 = arith.addi %parallel_loop3A_424, %parallel_loop3A_724 : i32
        %parallel_loop3A_726 = arith.constant 4 : i32
        %parallel_loop3A_727 = arith.index_cast %parallel_loop3A_726 : i32 to index
        %parallel_loop3A_728 = arith.index_cast %parallel_loop3A_725 : i32 to index
        %parallel_loop3A_729 = arith.constant 0 : index
        %parallel_loop3A_730 = tpu.vector_load %arg12[%parallel_loop3A_727, %parallel_loop3A_728, %parallel_loop3A_729] {strides = array<i32>} : memref<8x128x16xf32, #tpu.memory_space<vmem>>, vector<1x1x16xf32>,
        %parallel_loop3A_731 = vector.shape_cast %parallel_loop3A_730 : vector<1x1x16xf32> to vector<16xf32>
        %parallel_loop3A_732 = vector.extract_strided_slice %parallel_loop3A_429 {offsets = [14], sizes = [1], strides = [1]} : vector<16xf32> to vector<1xf32>
        %parallel_loop3A_733 = vector.extract %parallel_loop3A_732[0] : f32 from vector<1xf32>
        %parallel_loop3A_734 = vector.broadcast %parallel_loop3A_733 : f32 to vector<16xf32>
        %parallel_loop3A_735 = arith.mulf %parallel_loop3A_731, %parallel_loop3A_734 : vector<16xf32>
        %parallel_loop3A_736 = arith.constant 14 : i32
        %parallel_loop3A_737 = arith.addi %parallel_loop3A_424, %parallel_loop3A_736 : i32
        %parallel_loop3A_738 = arith.constant 4 : i32
        %parallel_loop3A_739 = arith.index_cast %parallel_loop3A_738 : i32 to index
        %parallel_loop3A_740 = arith.index_cast %parallel_loop3A_737 : i32 to index
        %parallel_loop3A_741 = arith.constant 0 : index
        %parallel_loop3A_742 = tpu.vector_load %arg12[%parallel_loop3A_739, %parallel_loop3A_740, %parallel_loop3A_741] {strides = array<i32>} : memref<8x128x16xf32, #tpu.memory_space<vmem>>, vector<1x1x16xf32>,
        %parallel_loop3A_743 = vector.shape_cast %parallel_loop3A_742 : vector<1x1x16xf32> to vector<16xf32>
        %parallel_loop3A_744 = vector.shape_cast %parallel_loop3A_735 : vector<16xf32> to vector<1x1x16xf32>
        tpu.vector_store %arg12[%parallel_loop3A_739, %parallel_loop3A_740, %parallel_loop3A_741], %parallel_loop3A_744 {strides = array<i32>} : memref<8x128x16xf32, #tpu.memory_space<vmem>>, vector<1x1x16xf32>,
        %parallel_loop3A_745 = arith.constant 15 : i32
        %parallel_loop3A_746 = arith.addi %parallel_loop3A_424, %parallel_loop3A_745 : i32
        %parallel_loop3A_747 = arith.constant 4 : i32
        %parallel_loop3A_748 = arith.index_cast %parallel_loop3A_747 : i32 to index
        %parallel_loop3A_749 = arith.index_cast %parallel_loop3A_746 : i32 to index
        %parallel_loop3A_750 = arith.constant 0 : index
        %parallel_loop3A_751 = tpu.vector_load %arg12[%parallel_loop3A_748, %parallel_loop3A_749, %parallel_loop3A_750] {strides = array<i32>} : memref<8x128x16xf32, #tpu.memory_space<vmem>>, vector<1x1x16xf32>,
        %parallel_loop3A_752 = vector.shape_cast %parallel_loop3A_751 : vector<1x1x16xf32> to vector<16xf32>
        %parallel_loop3A_753 = vector.extract_strided_slice %parallel_loop3A_429 {offsets = [15], sizes = [1], strides = [1]} : vector<16xf32> to vector<1xf32>
        %parallel_loop3A_754 = vector.extract %parallel_loop3A_753[0] : f32 from vector<1xf32>
        %parallel_loop3A_755 = vector.broadcast %parallel_loop3A_754 : f32 to vector<16xf32>
        %parallel_loop3A_756 = arith.mulf %parallel_loop3A_752, %parallel_loop3A_755 : vector<16xf32>
        %parallel_loop3A_757 = arith.constant 15 : i32
        %parallel_loop3A_758 = arith.addi %parallel_loop3A_424, %parallel_loop3A_757 : i32
        %parallel_loop3A_759 = arith.constant 4 : i32
        %parallel_loop3A_760 = arith.index_cast %parallel_loop3A_759 : i32 to index
        %parallel_loop3A_761 = arith.index_cast %parallel_loop3A_758 : i32 to index
        %parallel_loop3A_762 = arith.constant 0 : index
        %parallel_loop3A_763 = tpu.vector_load %arg12[%parallel_loop3A_760, %parallel_loop3A_761, %parallel_loop3A_762] {strides = array<i32>} : memref<8x128x16xf32, #tpu.memory_space<vmem>>, vector<1x1x16xf32>,
        %parallel_loop3A_764 = vector.shape_cast %parallel_loop3A_763 : vector<1x1x16xf32> to vector<16xf32>
        %parallel_loop3A_765 = vector.shape_cast %parallel_loop3A_756 : vector<16xf32> to vector<1x1x16xf32>
        tpu.vector_store %arg12[%parallel_loop3A_760, %parallel_loop3A_761, %parallel_loop3A_762], %parallel_loop3A_765 {strides = array<i32>} : memref<8x128x16xf32, #tpu.memory_space<vmem>>, vector<1x1x16xf32>,
      } {sc.loop_unroll_factor = 2 : i64, sc.parallel_access}
      %parallel_loop3A_223 = arith.constant 0 : i32
      %parallel_loop3A_224 = arith.constant 128 : i32
      %parallel_loop3A_225 = arith.constant 16 : i32
      scf.for %parallel_loop3A_424 = %parallel_loop3A_223 to %parallel_loop3A_224 step %parallel_loop3A_225  : i32 {
        %parallel_loop3A_425 = arith.constant 5 : i32
        %parallel_loop3A_426 = arith.index_cast %parallel_loop3A_425 : i32 to index
        %parallel_loop3A_427 = arith.index_cast %parallel_loop3A_424 : i32 to index
        %parallel_loop3A_428 = tpu.vector_load %arg11[%parallel_loop3A_426, %parallel_loop3A_427] {strides = array<i32>} : memref<8x128xf32, #tpu.memory_space<vmem>>, vector<1x16xf32>,
        %parallel_loop3A_429 = vector.shape_cast %parallel_loop3A_428 : vector<1x16xf32> to vector<16xf32>
        %parallel_loop3A_430 = arith.constant 0 : i32
        %parallel_loop3A_431 = arith.addi %parallel_loop3A_424, %parallel_loop3A_430 : i32
        %parallel_loop3A_432 = arith.constant 5 : i32
        %parallel_loop3A_433 = arith.index_cast %parallel_loop3A_432 : i32 to index
        %parallel_loop3A_434 = arith.index_cast %parallel_loop3A_431 : i32 to index
        %parallel_loop3A_435 = arith.constant 0 : index
        %parallel_loop3A_436 = tpu.vector_load %arg12[%parallel_loop3A_433, %parallel_loop3A_434, %parallel_loop3A_435] {strides = array<i32>} : memref<8x128x16xf32, #tpu.memory_space<vmem>>, vector<1x1x16xf32>,
        %parallel_loop3A_437 = vector.shape_cast %parallel_loop3A_436 : vector<1x1x16xf32> to vector<16xf32>
        %parallel_loop3A_438 = vector.extract_strided_slice %parallel_loop3A_429 {offsets = [0], sizes = [1], strides = [1]} : vector<16xf32> to vector<1xf32>
        %parallel_loop3A_439 = vector.extract %parallel_loop3A_438[0] : f32 from vector<1xf32>
        %parallel_loop3A_440 = vector.broadcast %parallel_loop3A_439 : f32 to vector<16xf32>
        %parallel_loop3A_441 = arith.mulf %parallel_loop3A_437, %parallel_loop3A_440 : vector<16xf32>
        %parallel_loop3A_442 = arith.constant 0 : i32
        %parallel_loop3A_443 = arith.addi %parallel_loop3A_424, %parallel_loop3A_442 : i32
        %parallel_loop3A_444 = arith.constant 5 : i32
        %parallel_loop3A_445 = arith.index_cast %parallel_loop3A_444 : i32 to index
        %parallel_loop3A_446 = arith.index_cast %parallel_loop3A_443 : i32 to index
        %parallel_loop3A_447 = arith.constant 0 : index
        %parallel_loop3A_448 = tpu.vector_load %arg12[%parallel_loop3A_445, %parallel_loop3A_446, %parallel_loop3A_447] {strides = array<i32>} : memref<8x128x16xf32, #tpu.memory_space<vmem>>, vector<1x1x16xf32>,
        %parallel_loop3A_449 = vector.shape_cast %parallel_loop3A_448 : vector<1x1x16xf32> to vector<16xf32>
        %parallel_loop3A_450 = vector.shape_cast %parallel_loop3A_441 : vector<16xf32> to vector<1x1x16xf32>
        tpu.vector_store %arg12[%parallel_loop3A_445, %parallel_loop3A_446, %parallel_loop3A_447], %parallel_loop3A_450 {strides = array<i32>} : memref<8x128x16xf32, #tpu.memory_space<vmem>>, vector<1x1x16xf32>,
        %parallel_loop3A_451 = arith.constant 1 : i32
        %parallel_loop3A_452 = arith.addi %parallel_loop3A_424, %parallel_loop3A_451 : i32
        %parallel_loop3A_453 = arith.constant 5 : i32
        %parallel_loop3A_454 = arith.index_cast %parallel_loop3A_453 : i32 to index
        %parallel_loop3A_455 = arith.index_cast %parallel_loop3A_452 : i32 to index
        %parallel_loop3A_456 = arith.constant 0 : index
        %parallel_loop3A_457 = tpu.vector_load %arg12[%parallel_loop3A_454, %parallel_loop3A_455, %parallel_loop3A_456] {strides = array<i32>} : memref<8x128x16xf32, #tpu.memory_space<vmem>>, vector<1x1x16xf32>,
        %parallel_loop3A_458 = vector.shape_cast %parallel_loop3A_457 : vector<1x1x16xf32> to vector<16xf32>
        %parallel_loop3A_459 = vector.extract_strided_slice %parallel_loop3A_429 {offsets = [1], sizes = [1], strides = [1]} : vector<16xf32> to vector<1xf32>
        %parallel_loop3A_460 = vector.extract %parallel_loop3A_459[0] : f32 from vector<1xf32>
        %parallel_loop3A_461 = vector.broadcast %parallel_loop3A_460 : f32 to vector<16xf32>
        %parallel_loop3A_462 = arith.mulf %parallel_loop3A_458, %parallel_loop3A_461 : vector<16xf32>
        %parallel_loop3A_463 = arith.constant 1 : i32
        %parallel_loop3A_464 = arith.addi %parallel_loop3A_424, %parallel_loop3A_463 : i32
        %parallel_loop3A_465 = arith.constant 5 : i32
        %parallel_loop3A_466 = arith.index_cast %parallel_loop3A_465 : i32 to index
        %parallel_loop3A_467 = arith.index_cast %parallel_loop3A_464 : i32 to index
        %parallel_loop3A_468 = arith.constant 0 : index
        %parallel_loop3A_469 = tpu.vector_load %arg12[%parallel_loop3A_466, %parallel_loop3A_467, %parallel_loop3A_468] {strides = array<i32>} : memref<8x128x16xf32, #tpu.memory_space<vmem>>, vector<1x1x16xf32>,
        %parallel_loop3A_470 = vector.shape_cast %parallel_loop3A_469 : vector<1x1x16xf32> to vector<16xf32>
        %parallel_loop3A_471 = vector.shape_cast %parallel_loop3A_462 : vector<16xf32> to vector<1x1x16xf32>
        tpu.vector_store %arg12[%parallel_loop3A_466, %parallel_loop3A_467, %parallel_loop3A_468], %parallel_loop3A_471 {strides = array<i32>} : memref<8x128x16xf32, #tpu.memory_space<vmem>>, vector<1x1x16xf32>,
        %parallel_loop3A_472 = arith.constant 2 : i32
        %parallel_loop3A_473 = arith.addi %parallel_loop3A_424, %parallel_loop3A_472 : i32
        %parallel_loop3A_474 = arith.constant 5 : i32
        %parallel_loop3A_475 = arith.index_cast %parallel_loop3A_474 : i32 to index
        %parallel_loop3A_476 = arith.index_cast %parallel_loop3A_473 : i32 to index
        %parallel_loop3A_477 = arith.constant 0 : index
        %parallel_loop3A_478 = tpu.vector_load %arg12[%parallel_loop3A_475, %parallel_loop3A_476, %parallel_loop3A_477] {strides = array<i32>} : memref<8x128x16xf32, #tpu.memory_space<vmem>>, vector<1x1x16xf32>,
        %parallel_loop3A_479 = vector.shape_cast %parallel_loop3A_478 : vector<1x1x16xf32> to vector<16xf32>
        %parallel_loop3A_480 = vector.extract_strided_slice %parallel_loop3A_429 {offsets = [2], sizes = [1], strides = [1]} : vector<16xf32> to vector<1xf32>
        %parallel_loop3A_481 = vector.extract %parallel_loop3A_480[0] : f32 from vector<1xf32>
        %parallel_loop3A_482 = vector.broadcast %parallel_loop3A_481 : f32 to vector<16xf32>
        %parallel_loop3A_483 = arith.mulf %parallel_loop3A_479, %parallel_loop3A_482 : vector<16xf32>
        %parallel_loop3A_484 = arith.constant 2 : i32
        %parallel_loop3A_485 = arith.addi %parallel_loop3A_424, %parallel_loop3A_484 : i32
        %parallel_loop3A_486 = arith.constant 5 : i32
        %parallel_loop3A_487 = arith.index_cast %parallel_loop3A_486 : i32 to index
        %parallel_loop3A_488 = arith.index_cast %parallel_loop3A_485 : i32 to index
        %parallel_loop3A_489 = arith.constant 0 : index
        %parallel_loop3A_490 = tpu.vector_load %arg12[%parallel_loop3A_487, %parallel_loop3A_488, %parallel_loop3A_489] {strides = array<i32>} : memref<8x128x16xf32, #tpu.memory_space<vmem>>, vector<1x1x16xf32>,
        %parallel_loop3A_491 = vector.shape_cast %parallel_loop3A_490 : vector<1x1x16xf32> to vector<16xf32>
        %parallel_loop3A_492 = vector.shape_cast %parallel_loop3A_483 : vector<16xf32> to vector<1x1x16xf32>
        tpu.vector_store %arg12[%parallel_loop3A_487, %parallel_loop3A_488, %parallel_loop3A_489], %parallel_loop3A_492 {strides = array<i32>} : memref<8x128x16xf32, #tpu.memory_space<vmem>>, vector<1x1x16xf32>,
        %parallel_loop3A_493 = arith.constant 3 : i32
        %parallel_loop3A_494 = arith.addi %parallel_loop3A_424, %parallel_loop3A_493 : i32
        %parallel_loop3A_495 = arith.constant 5 : i32
        %parallel_loop3A_496 = arith.index_cast %parallel_loop3A_495 : i32 to index
        %parallel_loop3A_497 = arith.index_cast %parallel_loop3A_494 : i32 to index
        %parallel_loop3A_498 = arith.constant 0 : index
        %parallel_loop3A_499 = tpu.vector_load %arg12[%parallel_loop3A_496, %parallel_loop3A_497, %parallel_loop3A_498] {strides = array<i32>} : memref<8x128x16xf32, #tpu.memory_space<vmem>>, vector<1x1x16xf32>,
        %parallel_loop3A_500 = vector.shape_cast %parallel_loop3A_499 : vector<1x1x16xf32> to vector<16xf32>
        %parallel_loop3A_501 = vector.extract_strided_slice %parallel_loop3A_429 {offsets = [3], sizes = [1], strides = [1]} : vector<16xf32> to vector<1xf32>
        %parallel_loop3A_502 = vector.extract %parallel_loop3A_501[0] : f32 from vector<1xf32>
        %parallel_loop3A_503 = vector.broadcast %parallel_loop3A_502 : f32 to vector<16xf32>
        %parallel_loop3A_504 = arith.mulf %parallel_loop3A_500, %parallel_loop3A_503 : vector<16xf32>
        %parallel_loop3A_505 = arith.constant 3 : i32
        %parallel_loop3A_506 = arith.addi %parallel_loop3A_424, %parallel_loop3A_505 : i32
        %parallel_loop3A_507 = arith.constant 5 : i32
        %parallel_loop3A_508 = arith.index_cast %parallel_loop3A_507 : i32 to index
        %parallel_loop3A_509 = arith.index_cast %parallel_loop3A_506 : i32 to index
        %parallel_loop3A_510 = arith.constant 0 : index
        %parallel_loop3A_511 = tpu.vector_load %arg12[%parallel_loop3A_508, %parallel_loop3A_509, %parallel_loop3A_510] {strides = array<i32>} : memref<8x128x16xf32, #tpu.memory_space<vmem>>, vector<1x1x16xf32>,
        %parallel_loop3A_512 = vector.shape_cast %parallel_loop3A_511 : vector<1x1x16xf32> to vector<16xf32>
        %parallel_loop3A_513 = vector.shape_cast %parallel_loop3A_504 : vector<16xf32> to vector<1x1x16xf32>
        tpu.vector_store %arg12[%parallel_loop3A_508, %parallel_loop3A_509, %parallel_loop3A_510], %parallel_loop3A_513 {strides = array<i32>} : memref<8x128x16xf32, #tpu.memory_space<vmem>>, vector<1x1x16xf32>,
        %parallel_loop3A_514 = arith.constant 4 : i32
        %parallel_loop3A_515 = arith.addi %parallel_loop3A_424, %parallel_loop3A_514 : i32
        %parallel_loop3A_516 = arith.constant 5 : i32
        %parallel_loop3A_517 = arith.index_cast %parallel_loop3A_516 : i32 to index
        %parallel_loop3A_518 = arith.index_cast %parallel_loop3A_515 : i32 to index
        %parallel_loop3A_519 = arith.constant 0 : index
        %parallel_loop3A_520 = tpu.vector_load %arg12[%parallel_loop3A_517, %parallel_loop3A_518, %parallel_loop3A_519] {strides = array<i32>} : memref<8x128x16xf32, #tpu.memory_space<vmem>>, vector<1x1x16xf32>,
        %parallel_loop3A_521 = vector.shape_cast %parallel_loop3A_520 : vector<1x1x16xf32> to vector<16xf32>
        %parallel_loop3A_522 = vector.extract_strided_slice %parallel_loop3A_429 {offsets = [4], sizes = [1], strides = [1]} : vector<16xf32> to vector<1xf32>
        %parallel_loop3A_523 = vector.extract %parallel_loop3A_522[0] : f32 from vector<1xf32>
        %parallel_loop3A_524 = vector.broadcast %parallel_loop3A_523 : f32 to vector<16xf32>
        %parallel_loop3A_525 = arith.mulf %parallel_loop3A_521, %parallel_loop3A_524 : vector<16xf32>
        %parallel_loop3A_526 = arith.constant 4 : i32
        %parallel_loop3A_527 = arith.addi %parallel_loop3A_424, %parallel_loop3A_526 : i32
        %parallel_loop3A_528 = arith.constant 5 : i32
        %parallel_loop3A_529 = arith.index_cast %parallel_loop3A_528 : i32 to index
        %parallel_loop3A_530 = arith.index_cast %parallel_loop3A_527 : i32 to index
        %parallel_loop3A_531 = arith.constant 0 : index
        %parallel_loop3A_532 = tpu.vector_load %arg12[%parallel_loop3A_529, %parallel_loop3A_530, %parallel_loop3A_531] {strides = array<i32>} : memref<8x128x16xf32, #tpu.memory_space<vmem>>, vector<1x1x16xf32>,
        %parallel_loop3A_533 = vector.shape_cast %parallel_loop3A_532 : vector<1x1x16xf32> to vector<16xf32>
        %parallel_loop3A_534 = vector.shape_cast %parallel_loop3A_525 : vector<16xf32> to vector<1x1x16xf32>
        tpu.vector_store %arg12[%parallel_loop3A_529, %parallel_loop3A_530, %parallel_loop3A_531], %parallel_loop3A_534 {strides = array<i32>} : memref<8x128x16xf32, #tpu.memory_space<vmem>>, vector<1x1x16xf32>,
        %parallel_loop3A_535 = arith.constant 5 : i32
        %parallel_loop3A_536 = arith.addi %parallel_loop3A_424, %parallel_loop3A_535 : i32
        %parallel_loop3A_537 = arith.constant 5 : i32
        %parallel_loop3A_538 = arith.index_cast %parallel_loop3A_537 : i32 to index
        %parallel_loop3A_539 = arith.index_cast %parallel_loop3A_536 : i32 to index
        %parallel_loop3A_540 = arith.constant 0 : index
        %parallel_loop3A_541 = tpu.vector_load %arg12[%parallel_loop3A_538, %parallel_loop3A_539, %parallel_loop3A_540] {strides = array<i32>} : memref<8x128x16xf32, #tpu.memory_space<vmem>>, vector<1x1x16xf32>,
        %parallel_loop3A_542 = vector.shape_cast %parallel_loop3A_541 : vector<1x1x16xf32> to vector<16xf32>
        %parallel_loop3A_543 = vector.extract_strided_slice %parallel_loop3A_429 {offsets = [5], sizes = [1], strides = [1]} : vector<16xf32> to vector<1xf32>
        %parallel_loop3A_544 = vector.extract %parallel_loop3A_543[0] : f32 from vector<1xf32>
        %parallel_loop3A_545 = vector.broadcast %parallel_loop3A_544 : f32 to vector<16xf32>
        %parallel_loop3A_546 = arith.mulf %parallel_loop3A_542, %parallel_loop3A_545 : vector<16xf32>
        %parallel_loop3A_547 = arith.constant 5 : i32
        %parallel_loop3A_548 = arith.addi %parallel_loop3A_424, %parallel_loop3A_547 : i32
        %parallel_loop3A_549 = arith.constant 5 : i32
        %parallel_loop3A_550 = arith.index_cast %parallel_loop3A_549 : i32 to index
        %parallel_loop3A_551 = arith.index_cast %parallel_loop3A_548 : i32 to index
        %parallel_loop3A_552 = arith.constant 0 : index
        %parallel_loop3A_553 = tpu.vector_load %arg12[%parallel_loop3A_550, %parallel_loop3A_551, %parallel_loop3A_552] {strides = array<i32>} : memref<8x128x16xf32, #tpu.memory_space<vmem>>, vector<1x1x16xf32>,
        %parallel_loop3A_554 = vector.shape_cast %parallel_loop3A_553 : vector<1x1x16xf32> to vector<16xf32>
        %parallel_loop3A_555 = vector.shape_cast %parallel_loop3A_546 : vector<16xf32> to vector<1x1x16xf32>
        tpu.vector_store %arg12[%parallel_loop3A_550, %parallel_loop3A_551, %parallel_loop3A_552], %parallel_loop3A_555 {strides = array<i32>} : memref<8x128x16xf32, #tpu.memory_space<vmem>>, vector<1x1x16xf32>,
        %parallel_loop3A_556 = arith.constant 6 : i32
        %parallel_loop3A_557 = arith.addi %parallel_loop3A_424, %parallel_loop3A_556 : i32
        %parallel_loop3A_558 = arith.constant 5 : i32
        %parallel_loop3A_559 = arith.index_cast %parallel_loop3A_558 : i32 to index
        %parallel_loop3A_560 = arith.index_cast %parallel_loop3A_557 : i32 to index
        %parallel_loop3A_561 = arith.constant 0 : index
        %parallel_loop3A_562 = tpu.vector_load %arg12[%parallel_loop3A_559, %parallel_loop3A_560, %parallel_loop3A_561] {strides = array<i32>} : memref<8x128x16xf32, #tpu.memory_space<vmem>>, vector<1x1x16xf32>,
        %parallel_loop3A_563 = vector.shape_cast %parallel_loop3A_562 : vector<1x1x16xf32> to vector<16xf32>
        %parallel_loop3A_564 = vector.extract_strided_slice %parallel_loop3A_429 {offsets = [6], sizes = [1], strides = [1]} : vector<16xf32> to vector<1xf32>
        %parallel_loop3A_565 = vector.extract %parallel_loop3A_564[0] : f32 from vector<1xf32>
        %parallel_loop3A_566 = vector.broadcast %parallel_loop3A_565 : f32 to vector<16xf32>
        %parallel_loop3A_567 = arith.mulf %parallel_loop3A_563, %parallel_loop3A_566 : vector<16xf32>
        %parallel_loop3A_568 = arith.constant 6 : i32
        %parallel_loop3A_569 = arith.addi %parallel_loop3A_424, %parallel_loop3A_568 : i32
        %parallel_loop3A_570 = arith.constant 5 : i32
        %parallel_loop3A_571 = arith.index_cast %parallel_loop3A_570 : i32 to index
        %parallel_loop3A_572 = arith.index_cast %parallel_loop3A_569 : i32 to index
        %parallel_loop3A_573 = arith.constant 0 : index
        %parallel_loop3A_574 = tpu.vector_load %arg12[%parallel_loop3A_571, %parallel_loop3A_572, %parallel_loop3A_573] {strides = array<i32>} : memref<8x128x16xf32, #tpu.memory_space<vmem>>, vector<1x1x16xf32>,
        %parallel_loop3A_575 = vector.shape_cast %parallel_loop3A_574 : vector<1x1x16xf32> to vector<16xf32>
        %parallel_loop3A_576 = vector.shape_cast %parallel_loop3A_567 : vector<16xf32> to vector<1x1x16xf32>
        tpu.vector_store %arg12[%parallel_loop3A_571, %parallel_loop3A_572, %parallel_loop3A_573], %parallel_loop3A_576 {strides = array<i32>} : memref<8x128x16xf32, #tpu.memory_space<vmem>>, vector<1x1x16xf32>,
        %parallel_loop3A_577 = arith.constant 7 : i32
        %parallel_loop3A_578 = arith.addi %parallel_loop3A_424, %parallel_loop3A_577 : i32
        %parallel_loop3A_579 = arith.constant 5 : i32
        %parallel_loop3A_580 = arith.index_cast %parallel_loop3A_579 : i32 to index
        %parallel_loop3A_581 = arith.index_cast %parallel_loop3A_578 : i32 to index
        %parallel_loop3A_582 = arith.constant 0 : index
        %parallel_loop3A_583 = tpu.vector_load %arg12[%parallel_loop3A_580, %parallel_loop3A_581, %parallel_loop3A_582] {strides = array<i32>} : memref<8x128x16xf32, #tpu.memory_space<vmem>>, vector<1x1x16xf32>,
        %parallel_loop3A_584 = vector.shape_cast %parallel_loop3A_583 : vector<1x1x16xf32> to vector<16xf32>
        %parallel_loop3A_585 = vector.extract_strided_slice %parallel_loop3A_429 {offsets = [7], sizes = [1], strides = [1]} : vector<16xf32> to vector<1xf32>
        %parallel_loop3A_586 = vector.extract %parallel_loop3A_585[0] : f32 from vector<1xf32>
        %parallel_loop3A_587 = vector.broadcast %parallel_loop3A_586 : f32 to vector<16xf32>
        %parallel_loop3A_588 = arith.mulf %parallel_loop3A_584, %parallel_loop3A_587 : vector<16xf32>
        %parallel_loop3A_589 = arith.constant 7 : i32
        %parallel_loop3A_590 = arith.addi %parallel_loop3A_424, %parallel_loop3A_589 : i32
        %parallel_loop3A_591 = arith.constant 5 : i32
        %parallel_loop3A_592 = arith.index_cast %parallel_loop3A_591 : i32 to index
        %parallel_loop3A_593 = arith.index_cast %parallel_loop3A_590 : i32 to index
        %parallel_loop3A_594 = arith.constant 0 : index
        %parallel_loop3A_595 = tpu.vector_load %arg12[%parallel_loop3A_592, %parallel_loop3A_593, %parallel_loop3A_594] {strides = array<i32>} : memref<8x128x16xf32, #tpu.memory_space<vmem>>, vector<1x1x16xf32>,
        %parallel_loop3A_596 = vector.shape_cast %parallel_loop3A_595 : vector<1x1x16xf32> to vector<16xf32>
        %parallel_loop3A_597 = vector.shape_cast %parallel_loop3A_588 : vector<16xf32> to vector<1x1x16xf32>
        tpu.vector_store %arg12[%parallel_loop3A_592, %parallel_loop3A_593, %parallel_loop3A_594], %parallel_loop3A_597 {strides = array<i32>} : memref<8x128x16xf32, #tpu.memory_space<vmem>>, vector<1x1x16xf32>,
        %parallel_loop3A_598 = arith.constant 8 : i32
        %parallel_loop3A_599 = arith.addi %parallel_loop3A_424, %parallel_loop3A_598 : i32
        %parallel_loop3A_600 = arith.constant 5 : i32
        %parallel_loop3A_601 = arith.index_cast %parallel_loop3A_600 : i32 to index
        %parallel_loop3A_602 = arith.index_cast %parallel_loop3A_599 : i32 to index
        %parallel_loop3A_603 = arith.constant 0 : index
        %parallel_loop3A_604 = tpu.vector_load %arg12[%parallel_loop3A_601, %parallel_loop3A_602, %parallel_loop3A_603] {strides = array<i32>} : memref<8x128x16xf32, #tpu.memory_space<vmem>>, vector<1x1x16xf32>,
        %parallel_loop3A_605 = vector.shape_cast %parallel_loop3A_604 : vector<1x1x16xf32> to vector<16xf32>
        %parallel_loop3A_606 = vector.extract_strided_slice %parallel_loop3A_429 {offsets = [8], sizes = [1], strides = [1]} : vector<16xf32> to vector<1xf32>
        %parallel_loop3A_607 = vector.extract %parallel_loop3A_606[0] : f32 from vector<1xf32>
        %parallel_loop3A_608 = vector.broadcast %parallel_loop3A_607 : f32 to vector<16xf32>
        %parallel_loop3A_609 = arith.mulf %parallel_loop3A_605, %parallel_loop3A_608 : vector<16xf32>
        %parallel_loop3A_610 = arith.constant 8 : i32
        %parallel_loop3A_611 = arith.addi %parallel_loop3A_424, %parallel_loop3A_610 : i32
        %parallel_loop3A_612 = arith.constant 5 : i32
        %parallel_loop3A_613 = arith.index_cast %parallel_loop3A_612 : i32 to index
        %parallel_loop3A_614 = arith.index_cast %parallel_loop3A_611 : i32 to index
        %parallel_loop3A_615 = arith.constant 0 : index
        %parallel_loop3A_616 = tpu.vector_load %arg12[%parallel_loop3A_613, %parallel_loop3A_614, %parallel_loop3A_615] {strides = array<i32>} : memref<8x128x16xf32, #tpu.memory_space<vmem>>, vector<1x1x16xf32>,
        %parallel_loop3A_617 = vector.shape_cast %parallel_loop3A_616 : vector<1x1x16xf32> to vector<16xf32>
        %parallel_loop3A_618 = vector.shape_cast %parallel_loop3A_609 : vector<16xf32> to vector<1x1x16xf32>
        tpu.vector_store %arg12[%parallel_loop3A_613, %parallel_loop3A_614, %parallel_loop3A_615], %parallel_loop3A_618 {strides = array<i32>} : memref<8x128x16xf32, #tpu.memory_space<vmem>>, vector<1x1x16xf32>,
        %parallel_loop3A_619 = arith.constant 9 : i32
        %parallel_loop3A_620 = arith.addi %parallel_loop3A_424, %parallel_loop3A_619 : i32
        %parallel_loop3A_621 = arith.constant 5 : i32
        %parallel_loop3A_622 = arith.index_cast %parallel_loop3A_621 : i32 to index
        %parallel_loop3A_623 = arith.index_cast %parallel_loop3A_620 : i32 to index
        %parallel_loop3A_624 = arith.constant 0 : index
        %parallel_loop3A_625 = tpu.vector_load %arg12[%parallel_loop3A_622, %parallel_loop3A_623, %parallel_loop3A_624] {strides = array<i32>} : memref<8x128x16xf32, #tpu.memory_space<vmem>>, vector<1x1x16xf32>,
        %parallel_loop3A_626 = vector.shape_cast %parallel_loop3A_625 : vector<1x1x16xf32> to vector<16xf32>
        %parallel_loop3A_627 = vector.extract_strided_slice %parallel_loop3A_429 {offsets = [9], sizes = [1], strides = [1]} : vector<16xf32> to vector<1xf32>
        %parallel_loop3A_628 = vector.extract %parallel_loop3A_627[0] : f32 from vector<1xf32>
        %parallel_loop3A_629 = vector.broadcast %parallel_loop3A_628 : f32 to vector<16xf32>
        %parallel_loop3A_630 = arith.mulf %parallel_loop3A_626, %parallel_loop3A_629 : vector<16xf32>
        %parallel_loop3A_631 = arith.constant 9 : i32
        %parallel_loop3A_632 = arith.addi %parallel_loop3A_424, %parallel_loop3A_631 : i32
        %parallel_loop3A_633 = arith.constant 5 : i32
        %parallel_loop3A_634 = arith.index_cast %parallel_loop3A_633 : i32 to index
        %parallel_loop3A_635 = arith.index_cast %parallel_loop3A_632 : i32 to index
        %parallel_loop3A_636 = arith.constant 0 : index
        %parallel_loop3A_637 = tpu.vector_load %arg12[%parallel_loop3A_634, %parallel_loop3A_635, %parallel_loop3A_636] {strides = array<i32>} : memref<8x128x16xf32, #tpu.memory_space<vmem>>, vector<1x1x16xf32>,
        %parallel_loop3A_638 = vector.shape_cast %parallel_loop3A_637 : vector<1x1x16xf32> to vector<16xf32>
        %parallel_loop3A_639 = vector.shape_cast %parallel_loop3A_630 : vector<16xf32> to vector<1x1x16xf32>
        tpu.vector_store %arg12[%parallel_loop3A_634, %parallel_loop3A_635, %parallel_loop3A_636], %parallel_loop3A_639 {strides = array<i32>} : memref<8x128x16xf32, #tpu.memory_space<vmem>>, vector<1x1x16xf32>,
        %parallel_loop3A_640 = arith.constant 10 : i32
        %parallel_loop3A_641 = arith.addi %parallel_loop3A_424, %parallel_loop3A_640 : i32
        %parallel_loop3A_642 = arith.constant 5 : i32
        %parallel_loop3A_643 = arith.index_cast %parallel_loop3A_642 : i32 to index
        %parallel_loop3A_644 = arith.index_cast %parallel_loop3A_641 : i32 to index
        %parallel_loop3A_645 = arith.constant 0 : index
        %parallel_loop3A_646 = tpu.vector_load %arg12[%parallel_loop3A_643, %parallel_loop3A_644, %parallel_loop3A_645] {strides = array<i32>} : memref<8x128x16xf32, #tpu.memory_space<vmem>>, vector<1x1x16xf32>,
        %parallel_loop3A_647 = vector.shape_cast %parallel_loop3A_646 : vector<1x1x16xf32> to vector<16xf32>
        %parallel_loop3A_648 = vector.extract_strided_slice %parallel_loop3A_429 {offsets = [10], sizes = [1], strides = [1]} : vector<16xf32> to vector<1xf32>
        %parallel_loop3A_649 = vector.extract %parallel_loop3A_648[0] : f32 from vector<1xf32>
        %parallel_loop3A_650 = vector.broadcast %parallel_loop3A_649 : f32 to vector<16xf32>
        %parallel_loop3A_651 = arith.mulf %parallel_loop3A_647, %parallel_loop3A_650 : vector<16xf32>
        %parallel_loop3A_652 = arith.constant 10 : i32
        %parallel_loop3A_653 = arith.addi %parallel_loop3A_424, %parallel_loop3A_652 : i32
        %parallel_loop3A_654 = arith.constant 5 : i32
        %parallel_loop3A_655 = arith.index_cast %parallel_loop3A_654 : i32 to index
        %parallel_loop3A_656 = arith.index_cast %parallel_loop3A_653 : i32 to index
        %parallel_loop3A_657 = arith.constant 0 : index
        %parallel_loop3A_658 = tpu.vector_load %arg12[%parallel_loop3A_655, %parallel_loop3A_656, %parallel_loop3A_657] {strides = array<i32>} : memref<8x128x16xf32, #tpu.memory_space<vmem>>, vector<1x1x16xf32>,
        %parallel_loop3A_659 = vector.shape_cast %parallel_loop3A_658 : vector<1x1x16xf32> to vector<16xf32>
        %parallel_loop3A_660 = vector.shape_cast %parallel_loop3A_651 : vector<16xf32> to vector<1x1x16xf32>
        tpu.vector_store %arg12[%parallel_loop3A_655, %parallel_loop3A_656, %parallel_loop3A_657], %parallel_loop3A_660 {strides = array<i32>} : memref<8x128x16xf32, #tpu.memory_space<vmem>>, vector<1x1x16xf32>,
        %parallel_loop3A_661 = arith.constant 11 : i32
        %parallel_loop3A_662 = arith.addi %parallel_loop3A_424, %parallel_loop3A_661 : i32
        %parallel_loop3A_663 = arith.constant 5 : i32
        %parallel_loop3A_664 = arith.index_cast %parallel_loop3A_663 : i32 to index
        %parallel_loop3A_665 = arith.index_cast %parallel_loop3A_662 : i32 to index
        %parallel_loop3A_666 = arith.constant 0 : index
        %parallel_loop3A_667 = tpu.vector_load %arg12[%parallel_loop3A_664, %parallel_loop3A_665, %parallel_loop3A_666] {strides = array<i32>} : memref<8x128x16xf32, #tpu.memory_space<vmem>>, vector<1x1x16xf32>,
        %parallel_loop3A_668 = vector.shape_cast %parallel_loop3A_667 : vector<1x1x16xf32> to vector<16xf32>
        %parallel_loop3A_669 = vector.extract_strided_slice %parallel_loop3A_429 {offsets = [11], sizes = [1], strides = [1]} : vector<16xf32> to vector<1xf32>
        %parallel_loop3A_670 = vector.extract %parallel_loop3A_669[0] : f32 from vector<1xf32>
        %parallel_loop3A_671 = vector.broadcast %parallel_loop3A_670 : f32 to vector<16xf32>
        %parallel_loop3A_672 = arith.mulf %parallel_loop3A_668, %parallel_loop3A_671 : vector<16xf32>
        %parallel_loop3A_673 = arith.constant 11 : i32
        %parallel_loop3A_674 = arith.addi %parallel_loop3A_424, %parallel_loop3A_673 : i32
        %parallel_loop3A_675 = arith.constant 5 : i32
        %parallel_loop3A_676 = arith.index_cast %parallel_loop3A_675 : i32 to index
        %parallel_loop3A_677 = arith.index_cast %parallel_loop3A_674 : i32 to index
        %parallel_loop3A_678 = arith.constant 0 : index
        %parallel_loop3A_679 = tpu.vector_load %arg12[%parallel_loop3A_676, %parallel_loop3A_677, %parallel_loop3A_678] {strides = array<i32>} : memref<8x128x16xf32, #tpu.memory_space<vmem>>, vector<1x1x16xf32>,
        %parallel_loop3A_680 = vector.shape_cast %parallel_loop3A_679 : vector<1x1x16xf32> to vector<16xf32>
        %parallel_loop3A_681 = vector.shape_cast %parallel_loop3A_672 : vector<16xf32> to vector<1x1x16xf32>
        tpu.vector_store %arg12[%parallel_loop3A_676, %parallel_loop3A_677, %parallel_loop3A_678], %parallel_loop3A_681 {strides = array<i32>} : memref<8x128x16xf32, #tpu.memory_space<vmem>>, vector<1x1x16xf32>,
        %parallel_loop3A_682 = arith.constant 12 : i32
        %parallel_loop3A_683 = arith.addi %parallel_loop3A_424, %parallel_loop3A_682 : i32
        %parallel_loop3A_684 = arith.constant 5 : i32
        %parallel_loop3A_685 = arith.index_cast %parallel_loop3A_684 : i32 to index
        %parallel_loop3A_686 = arith.index_cast %parallel_loop3A_683 : i32 to index
        %parallel_loop3A_687 = arith.constant 0 : index
        %parallel_loop3A_688 = tpu.vector_load %arg12[%parallel_loop3A_685, %parallel_loop3A_686, %parallel_loop3A_687] {strides = array<i32>} : memref<8x128x16xf32, #tpu.memory_space<vmem>>, vector<1x1x16xf32>,
        %parallel_loop3A_689 = vector.shape_cast %parallel_loop3A_688 : vector<1x1x16xf32> to vector<16xf32>
        %parallel_loop3A_690 = vector.extract_strided_slice %parallel_loop3A_429 {offsets = [12], sizes = [1], strides = [1]} : vector<16xf32> to vector<1xf32>
        %parallel_loop3A_691 = vector.extract %parallel_loop3A_690[0] : f32 from vector<1xf32>
        %parallel_loop3A_692 = vector.broadcast %parallel_loop3A_691 : f32 to vector<16xf32>
        %parallel_loop3A_693 = arith.mulf %parallel_loop3A_689, %parallel_loop3A_692 : vector<16xf32>
        %parallel_loop3A_694 = arith.constant 12 : i32
        %parallel_loop3A_695 = arith.addi %parallel_loop3A_424, %parallel_loop3A_694 : i32
        %parallel_loop3A_696 = arith.constant 5 : i32
        %parallel_loop3A_697 = arith.index_cast %parallel_loop3A_696 : i32 to index
        %parallel_loop3A_698 = arith.index_cast %parallel_loop3A_695 : i32 to index
        %parallel_loop3A_699 = arith.constant 0 : index
        %parallel_loop3A_700 = tpu.vector_load %arg12[%parallel_loop3A_697, %parallel_loop3A_698, %parallel_loop3A_699] {strides = array<i32>} : memref<8x128x16xf32, #tpu.memory_space<vmem>>, vector<1x1x16xf32>,
        %parallel_loop3A_701 = vector.shape_cast %parallel_loop3A_700 : vector<1x1x16xf32> to vector<16xf32>
        %parallel_loop3A_702 = vector.shape_cast %parallel_loop3A_693 : vector<16xf32> to vector<1x1x16xf32>
        tpu.vector_store %arg12[%parallel_loop3A_697, %parallel_loop3A_698, %parallel_loop3A_699], %parallel_loop3A_702 {strides = array<i32>} : memref<8x128x16xf32, #tpu.memory_space<vmem>>, vector<1x1x16xf32>,
        %parallel_loop3A_703 = arith.constant 13 : i32
        %parallel_loop3A_704 = arith.addi %parallel_loop3A_424, %parallel_loop3A_703 : i32
        %parallel_loop3A_705 = arith.constant 5 : i32
        %parallel_loop3A_706 = arith.index_cast %parallel_loop3A_705 : i32 to index
        %parallel_loop3A_707 = arith.index_cast %parallel_loop3A_704 : i32 to index
        %parallel_loop3A_708 = arith.constant 0 : index
        %parallel_loop3A_709 = tpu.vector_load %arg12[%parallel_loop3A_706, %parallel_loop3A_707, %parallel_loop3A_708] {strides = array<i32>} : memref<8x128x16xf32, #tpu.memory_space<vmem>>, vector<1x1x16xf32>,
        %parallel_loop3A_710 = vector.shape_cast %parallel_loop3A_709 : vector<1x1x16xf32> to vector<16xf32>
        %parallel_loop3A_711 = vector.extract_strided_slice %parallel_loop3A_429 {offsets = [13], sizes = [1], strides = [1]} : vector<16xf32> to vector<1xf32>
        %parallel_loop3A_712 = vector.extract %parallel_loop3A_711[0] : f32 from vector<1xf32>
        %parallel_loop3A_713 = vector.broadcast %parallel_loop3A_712 : f32 to vector<16xf32>
        %parallel_loop3A_714 = arith.mulf %parallel_loop3A_710, %parallel_loop3A_713 : vector<16xf32>
        %parallel_loop3A_715 = arith.constant 13 : i32
        %parallel_loop3A_716 = arith.addi %parallel_loop3A_424, %parallel_loop3A_715 : i32
        %parallel_loop3A_717 = arith.constant 5 : i32
        %parallel_loop3A_718 = arith.index_cast %parallel_loop3A_717 : i32 to index
        %parallel_loop3A_719 = arith.index_cast %parallel_loop3A_716 : i32 to index
        %parallel_loop3A_720 = arith.constant 0 : index
        %parallel_loop3A_721 = tpu.vector_load %arg12[%parallel_loop3A_718, %parallel_loop3A_719, %parallel_loop3A_720] {strides = array<i32>} : memref<8x128x16xf32, #tpu.memory_space<vmem>>, vector<1x1x16xf32>,
        %parallel_loop3A_722 = vector.shape_cast %parallel_loop3A_721 : vector<1x1x16xf32> to vector<16xf32>
        %parallel_loop3A_723 = vector.shape_cast %parallel_loop3A_714 : vector<16xf32> to vector<1x1x16xf32>
        tpu.vector_store %arg12[%parallel_loop3A_718, %parallel_loop3A_719, %parallel_loop3A_720], %parallel_loop3A_723 {strides = array<i32>} : memref<8x128x16xf32, #tpu.memory_space<vmem>>, vector<1x1x16xf32>,
        %parallel_loop3A_724 = arith.constant 14 : i32
        %parallel_loop3A_725 = arith.addi %parallel_loop3A_424, %parallel_loop3A_724 : i32
        %parallel_loop3A_726 = arith.constant 5 : i32
        %parallel_loop3A_727 = arith.index_cast %parallel_loop3A_726 : i32 to index
        %parallel_loop3A_728 = arith.index_cast %parallel_loop3A_725 : i32 to index
        %parallel_loop3A_729 = arith.constant 0 : index
        %parallel_loop3A_730 = tpu.vector_load %arg12[%parallel_loop3A_727, %parallel_loop3A_728, %parallel_loop3A_729] {strides = array<i32>} : memref<8x128x16xf32, #tpu.memory_space<vmem>>, vector<1x1x16xf32>,
        %parallel_loop3A_731 = vector.shape_cast %parallel_loop3A_730 : vector<1x1x16xf32> to vector<16xf32>
        %parallel_loop3A_732 = vector.extract_strided_slice %parallel_loop3A_429 {offsets = [14], sizes = [1], strides = [1]} : vector<16xf32> to vector<1xf32>
        %parallel_loop3A_733 = vector.extract %parallel_loop3A_732[0] : f32 from vector<1xf32>
        %parallel_loop3A_734 = vector.broadcast %parallel_loop3A_733 : f32 to vector<16xf32>
        %parallel_loop3A_735 = arith.mulf %parallel_loop3A_731, %parallel_loop3A_734 : vector<16xf32>
        %parallel_loop3A_736 = arith.constant 14 : i32
        %parallel_loop3A_737 = arith.addi %parallel_loop3A_424, %parallel_loop3A_736 : i32
        %parallel_loop3A_738 = arith.constant 5 : i32
        %parallel_loop3A_739 = arith.index_cast %parallel_loop3A_738 : i32 to index
        %parallel_loop3A_740 = arith.index_cast %parallel_loop3A_737 : i32 to index
        %parallel_loop3A_741 = arith.constant 0 : index
        %parallel_loop3A_742 = tpu.vector_load %arg12[%parallel_loop3A_739, %parallel_loop3A_740, %parallel_loop3A_741] {strides = array<i32>} : memref<8x128x16xf32, #tpu.memory_space<vmem>>, vector<1x1x16xf32>,
        %parallel_loop3A_743 = vector.shape_cast %parallel_loop3A_742 : vector<1x1x16xf32> to vector<16xf32>
        %parallel_loop3A_744 = vector.shape_cast %parallel_loop3A_735 : vector<16xf32> to vector<1x1x16xf32>
        tpu.vector_store %arg12[%parallel_loop3A_739, %parallel_loop3A_740, %parallel_loop3A_741], %parallel_loop3A_744 {strides = array<i32>} : memref<8x128x16xf32, #tpu.memory_space<vmem>>, vector<1x1x16xf32>,
        %parallel_loop3A_745 = arith.constant 15 : i32
        %parallel_loop3A_746 = arith.addi %parallel_loop3A_424, %parallel_loop3A_745 : i32
        %parallel_loop3A_747 = arith.constant 5 : i32
        %parallel_loop3A_748 = arith.index_cast %parallel_loop3A_747 : i32 to index
        %parallel_loop3A_749 = arith.index_cast %parallel_loop3A_746 : i32 to index
        %parallel_loop3A_750 = arith.constant 0 : index
        %parallel_loop3A_751 = tpu.vector_load %arg12[%parallel_loop3A_748, %parallel_loop3A_749, %parallel_loop3A_750] {strides = array<i32>} : memref<8x128x16xf32, #tpu.memory_space<vmem>>, vector<1x1x16xf32>,
        %parallel_loop3A_752 = vector.shape_cast %parallel_loop3A_751 : vector<1x1x16xf32> to vector<16xf32>
        %parallel_loop3A_753 = vector.extract_strided_slice %parallel_loop3A_429 {offsets = [15], sizes = [1], strides = [1]} : vector<16xf32> to vector<1xf32>
        %parallel_loop3A_754 = vector.extract %parallel_loop3A_753[0] : f32 from vector<1xf32>
        %parallel_loop3A_755 = vector.broadcast %parallel_loop3A_754 : f32 to vector<16xf32>
        %parallel_loop3A_756 = arith.mulf %parallel_loop3A_752, %parallel_loop3A_755 : vector<16xf32>
        %parallel_loop3A_757 = arith.constant 15 : i32
        %parallel_loop3A_758 = arith.addi %parallel_loop3A_424, %parallel_loop3A_757 : i32
        %parallel_loop3A_759 = arith.constant 5 : i32
        %parallel_loop3A_760 = arith.index_cast %parallel_loop3A_759 : i32 to index
        %parallel_loop3A_761 = arith.index_cast %parallel_loop3A_758 : i32 to index
        %parallel_loop3A_762 = arith.constant 0 : index
        %parallel_loop3A_763 = tpu.vector_load %arg12[%parallel_loop3A_760, %parallel_loop3A_761, %parallel_loop3A_762] {strides = array<i32>} : memref<8x128x16xf32, #tpu.memory_space<vmem>>, vector<1x1x16xf32>,
        %parallel_loop3A_764 = vector.shape_cast %parallel_loop3A_763 : vector<1x1x16xf32> to vector<16xf32>
        %parallel_loop3A_765 = vector.shape_cast %parallel_loop3A_756 : vector<16xf32> to vector<1x1x16xf32>
        tpu.vector_store %arg12[%parallel_loop3A_760, %parallel_loop3A_761, %parallel_loop3A_762], %parallel_loop3A_765 {strides = array<i32>} : memref<8x128x16xf32, #tpu.memory_space<vmem>>, vector<1x1x16xf32>,
      } {sc.loop_unroll_factor = 2 : i64, sc.parallel_access}
      %parallel_loop3A_226 = arith.constant 0 : i32
      %parallel_loop3A_227 = arith.constant 128 : i32
      %parallel_loop3A_228 = arith.constant 16 : i32
      scf.for %parallel_loop3A_424 = %parallel_loop3A_226 to %parallel_loop3A_227 step %parallel_loop3A_228  : i32 {
        %parallel_loop3A_425 = arith.constant 6 : i32
        %parallel_loop3A_426 = arith.index_cast %parallel_loop3A_425 : i32 to index
        %parallel_loop3A_427 = arith.index_cast %parallel_loop3A_424 : i32 to index
        %parallel_loop3A_428 = tpu.vector_load %arg11[%parallel_loop3A_426, %parallel_loop3A_427] {strides = array<i32>} : memref<8x128xf32, #tpu.memory_space<vmem>>, vector<1x16xf32>,
        %parallel_loop3A_429 = vector.shape_cast %parallel_loop3A_428 : vector<1x16xf32> to vector<16xf32>
        %parallel_loop3A_430 = arith.constant 0 : i32
        %parallel_loop3A_431 = arith.addi %parallel_loop3A_424, %parallel_loop3A_430 : i32
        %parallel_loop3A_432 = arith.constant 6 : i32
        %parallel_loop3A_433 = arith.index_cast %parallel_loop3A_432 : i32 to index
        %parallel_loop3A_434 = arith.index_cast %parallel_loop3A_431 : i32 to index
        %parallel_loop3A_435 = arith.constant 0 : index
        %parallel_loop3A_436 = tpu.vector_load %arg12[%parallel_loop3A_433, %parallel_loop3A_434, %parallel_loop3A_435] {strides = array<i32>} : memref<8x128x16xf32, #tpu.memory_space<vmem>>, vector<1x1x16xf32>,
        %parallel_loop3A_437 = vector.shape_cast %parallel_loop3A_436 : vector<1x1x16xf32> to vector<16xf32>
        %parallel_loop3A_438 = vector.extract_strided_slice %parallel_loop3A_429 {offsets = [0], sizes = [1], strides = [1]} : vector<16xf32> to vector<1xf32>
        %parallel_loop3A_439 = vector.extract %parallel_loop3A_438[0] : f32 from vector<1xf32>
        %parallel_loop3A_440 = vector.broadcast %parallel_loop3A_439 : f32 to vector<16xf32>
        %parallel_loop3A_441 = arith.mulf %parallel_loop3A_437, %parallel_loop3A_440 : vector<16xf32>
        %parallel_loop3A_442 = arith.constant 0 : i32
        %parallel_loop3A_443 = arith.addi %parallel_loop3A_424, %parallel_loop3A_442 : i32
        %parallel_loop3A_444 = arith.constant 6 : i32
        %parallel_loop3A_445 = arith.index_cast %parallel_loop3A_444 : i32 to index
        %parallel_loop3A_446 = arith.index_cast %parallel_loop3A_443 : i32 to index
        %parallel_loop3A_447 = arith.constant 0 : index
        %parallel_loop3A_448 = tpu.vector_load %arg12[%parallel_loop3A_445, %parallel_loop3A_446, %parallel_loop3A_447] {strides = array<i32>} : memref<8x128x16xf32, #tpu.memory_space<vmem>>, vector<1x1x16xf32>,
        %parallel_loop3A_449 = vector.shape_cast %parallel_loop3A_448 : vector<1x1x16xf32> to vector<16xf32>
        %parallel_loop3A_450 = vector.shape_cast %parallel_loop3A_441 : vector<16xf32> to vector<1x1x16xf32>
        tpu.vector_store %arg12[%parallel_loop3A_445, %parallel_loop3A_446, %parallel_loop3A_447], %parallel_loop3A_450 {strides = array<i32>} : memref<8x128x16xf32, #tpu.memory_space<vmem>>, vector<1x1x16xf32>,
        %parallel_loop3A_451 = arith.constant 1 : i32
        %parallel_loop3A_452 = arith.addi %parallel_loop3A_424, %parallel_loop3A_451 : i32
        %parallel_loop3A_453 = arith.constant 6 : i32
        %parallel_loop3A_454 = arith.index_cast %parallel_loop3A_453 : i32 to index
        %parallel_loop3A_455 = arith.index_cast %parallel_loop3A_452 : i32 to index
        %parallel_loop3A_456 = arith.constant 0 : index
        %parallel_loop3A_457 = tpu.vector_load %arg12[%parallel_loop3A_454, %parallel_loop3A_455, %parallel_loop3A_456] {strides = array<i32>} : memref<8x128x16xf32, #tpu.memory_space<vmem>>, vector<1x1x16xf32>,
        %parallel_loop3A_458 = vector.shape_cast %parallel_loop3A_457 : vector<1x1x16xf32> to vector<16xf32>
        %parallel_loop3A_459 = vector.extract_strided_slice %parallel_loop3A_429 {offsets = [1], sizes = [1], strides = [1]} : vector<16xf32> to vector<1xf32>
        %parallel_loop3A_460 = vector.extract %parallel_loop3A_459[0] : f32 from vector<1xf32>
        %parallel_loop3A_461 = vector.broadcast %parallel_loop3A_460 : f32 to vector<16xf32>
        %parallel_loop3A_462 = arith.mulf %parallel_loop3A_458, %parallel_loop3A_461 : vector<16xf32>
        %parallel_loop3A_463 = arith.constant 1 : i32
        %parallel_loop3A_464 = arith.addi %parallel_loop3A_424, %parallel_loop3A_463 : i32
        %parallel_loop3A_465 = arith.constant 6 : i32
        %parallel_loop3A_466 = arith.index_cast %parallel_loop3A_465 : i32 to index
        %parallel_loop3A_467 = arith.index_cast %parallel_loop3A_464 : i32 to index
        %parallel_loop3A_468 = arith.constant 0 : index
        %parallel_loop3A_469 = tpu.vector_load %arg12[%parallel_loop3A_466, %parallel_loop3A_467, %parallel_loop3A_468] {strides = array<i32>} : memref<8x128x16xf32, #tpu.memory_space<vmem>>, vector<1x1x16xf32>,
        %parallel_loop3A_470 = vector.shape_cast %parallel_loop3A_469 : vector<1x1x16xf32> to vector<16xf32>
        %parallel_loop3A_471 = vector.shape_cast %parallel_loop3A_462 : vector<16xf32> to vector<1x1x16xf32>
        tpu.vector_store %arg12[%parallel_loop3A_466, %parallel_loop3A_467, %parallel_loop3A_468], %parallel_loop3A_471 {strides = array<i32>} : memref<8x128x16xf32, #tpu.memory_space<vmem>>, vector<1x1x16xf32>,
        %parallel_loop3A_472 = arith.constant 2 : i32
        %parallel_loop3A_473 = arith.addi %parallel_loop3A_424, %parallel_loop3A_472 : i32
        %parallel_loop3A_474 = arith.constant 6 : i32
        %parallel_loop3A_475 = arith.index_cast %parallel_loop3A_474 : i32 to index
        %parallel_loop3A_476 = arith.index_cast %parallel_loop3A_473 : i32 to index
        %parallel_loop3A_477 = arith.constant 0 : index
        %parallel_loop3A_478 = tpu.vector_load %arg12[%parallel_loop3A_475, %parallel_loop3A_476, %parallel_loop3A_477] {strides = array<i32>} : memref<8x128x16xf32, #tpu.memory_space<vmem>>, vector<1x1x16xf32>,
        %parallel_loop3A_479 = vector.shape_cast %parallel_loop3A_478 : vector<1x1x16xf32> to vector<16xf32>
        %parallel_loop3A_480 = vector.extract_strided_slice %parallel_loop3A_429 {offsets = [2], sizes = [1], strides = [1]} : vector<16xf32> to vector<1xf32>
        %parallel_loop3A_481 = vector.extract %parallel_loop3A_480[0] : f32 from vector<1xf32>
        %parallel_loop3A_482 = vector.broadcast %parallel_loop3A_481 : f32 to vector<16xf32>
        %parallel_loop3A_483 = arith.mulf %parallel_loop3A_479, %parallel_loop3A_482 : vector<16xf32>
        %parallel_loop3A_484 = arith.constant 2 : i32
        %parallel_loop3A_485 = arith.addi %parallel_loop3A_424, %parallel_loop3A_484 : i32
        %parallel_loop3A_486 = arith.constant 6 : i32
        %parallel_loop3A_487 = arith.index_cast %parallel_loop3A_486 : i32 to index
        %parallel_loop3A_488 = arith.index_cast %parallel_loop3A_485 : i32 to index
        %parallel_loop3A_489 = arith.constant 0 : index
        %parallel_loop3A_490 = tpu.vector_load %arg12[%parallel_loop3A_487, %parallel_loop3A_488, %parallel_loop3A_489] {strides = array<i32>} : memref<8x128x16xf32, #tpu.memory_space<vmem>>, vector<1x1x16xf32>,
        %parallel_loop3A_491 = vector.shape_cast %parallel_loop3A_490 : vector<1x1x16xf32> to vector<16xf32>
        %parallel_loop3A_492 = vector.shape_cast %parallel_loop3A_483 : vector<16xf32> to vector<1x1x16xf32>
        tpu.vector_store %arg12[%parallel_loop3A_487, %parallel_loop3A_488, %parallel_loop3A_489], %parallel_loop3A_492 {strides = array<i32>} : memref<8x128x16xf32, #tpu.memory_space<vmem>>, vector<1x1x16xf32>,
        %parallel_loop3A_493 = arith.constant 3 : i32
        %parallel_loop3A_494 = arith.addi %parallel_loop3A_424, %parallel_loop3A_493 : i32
        %parallel_loop3A_495 = arith.constant 6 : i32
        %parallel_loop3A_496 = arith.index_cast %parallel_loop3A_495 : i32 to index
        %parallel_loop3A_497 = arith.index_cast %parallel_loop3A_494 : i32 to index
        %parallel_loop3A_498 = arith.constant 0 : index
        %parallel_loop3A_499 = tpu.vector_load %arg12[%parallel_loop3A_496, %parallel_loop3A_497, %parallel_loop3A_498] {strides = array<i32>} : memref<8x128x16xf32, #tpu.memory_space<vmem>>, vector<1x1x16xf32>,
        %parallel_loop3A_500 = vector.shape_cast %parallel_loop3A_499 : vector<1x1x16xf32> to vector<16xf32>
        %parallel_loop3A_501 = vector.extract_strided_slice %parallel_loop3A_429 {offsets = [3], sizes = [1], strides = [1]} : vector<16xf32> to vector<1xf32>
        %parallel_loop3A_502 = vector.extract %parallel_loop3A_501[0] : f32 from vector<1xf32>
        %parallel_loop3A_503 = vector.broadcast %parallel_loop3A_502 : f32 to vector<16xf32>
        %parallel_loop3A_504 = arith.mulf %parallel_loop3A_500, %parallel_loop3A_503 : vector<16xf32>
        %parallel_loop3A_505 = arith.constant 3 : i32
        %parallel_loop3A_506 = arith.addi %parallel_loop3A_424, %parallel_loop3A_505 : i32
        %parallel_loop3A_507 = arith.constant 6 : i32
        %parallel_loop3A_508 = arith.index_cast %parallel_loop3A_507 : i32 to index
        %parallel_loop3A_509 = arith.index_cast %parallel_loop3A_506 : i32 to index
        %parallel_loop3A_510 = arith.constant 0 : index
        %parallel_loop3A_511 = tpu.vector_load %arg12[%parallel_loop3A_508, %parallel_loop3A_509, %parallel_loop3A_510] {strides = array<i32>} : memref<8x128x16xf32, #tpu.memory_space<vmem>>, vector<1x1x16xf32>,
        %parallel_loop3A_512 = vector.shape_cast %parallel_loop3A_511 : vector<1x1x16xf32> to vector<16xf32>
        %parallel_loop3A_513 = vector.shape_cast %parallel_loop3A_504 : vector<16xf32> to vector<1x1x16xf32>
        tpu.vector_store %arg12[%parallel_loop3A_508, %parallel_loop3A_509, %parallel_loop3A_510], %parallel_loop3A_513 {strides = array<i32>} : memref<8x128x16xf32, #tpu.memory_space<vmem>>, vector<1x1x16xf32>,
        %parallel_loop3A_514 = arith.constant 4 : i32
        %parallel_loop3A_515 = arith.addi %parallel_loop3A_424, %parallel_loop3A_514 : i32
        %parallel_loop3A_516 = arith.constant 6 : i32
        %parallel_loop3A_517 = arith.index_cast %parallel_loop3A_516 : i32 to index
        %parallel_loop3A_518 = arith.index_cast %parallel_loop3A_515 : i32 to index
        %parallel_loop3A_519 = arith.constant 0 : index
        %parallel_loop3A_520 = tpu.vector_load %arg12[%parallel_loop3A_517, %parallel_loop3A_518, %parallel_loop3A_519] {strides = array<i32>} : memref<8x128x16xf32, #tpu.memory_space<vmem>>, vector<1x1x16xf32>,
        %parallel_loop3A_521 = vector.shape_cast %parallel_loop3A_520 : vector<1x1x16xf32> to vector<16xf32>
        %parallel_loop3A_522 = vector.extract_strided_slice %parallel_loop3A_429 {offsets = [4], sizes = [1], strides = [1]} : vector<16xf32> to vector<1xf32>
        %parallel_loop3A_523 = vector.extract %parallel_loop3A_522[0] : f32 from vector<1xf32>
        %parallel_loop3A_524 = vector.broadcast %parallel_loop3A_523 : f32 to vector<16xf32>
        %parallel_loop3A_525 = arith.mulf %parallel_loop3A_521, %parallel_loop3A_524 : vector<16xf32>
        %parallel_loop3A_526 = arith.constant 4 : i32
        %parallel_loop3A_527 = arith.addi %parallel_loop3A_424, %parallel_loop3A_526 : i32
        %parallel_loop3A_528 = arith.constant 6 : i32
        %parallel_loop3A_529 = arith.index_cast %parallel_loop3A_528 : i32 to index
        %parallel_loop3A_530 = arith.index_cast %parallel_loop3A_527 : i32 to index
        %parallel_loop3A_531 = arith.constant 0 : index
        %parallel_loop3A_532 = tpu.vector_load %arg12[%parallel_loop3A_529, %parallel_loop3A_530, %parallel_loop3A_531] {strides = array<i32>} : memref<8x128x16xf32, #tpu.memory_space<vmem>>, vector<1x1x16xf32>,
        %parallel_loop3A_533 = vector.shape_cast %parallel_loop3A_532 : vector<1x1x16xf32> to vector<16xf32>
        %parallel_loop3A_534 = vector.shape_cast %parallel_loop3A_525 : vector<16xf32> to vector<1x1x16xf32>
        tpu.vector_store %arg12[%parallel_loop3A_529, %parallel_loop3A_530, %parallel_loop3A_531], %parallel_loop3A_534 {strides = array<i32>} : memref<8x128x16xf32, #tpu.memory_space<vmem>>, vector<1x1x16xf32>,
        %parallel_loop3A_535 = arith.constant 5 : i32
        %parallel_loop3A_536 = arith.addi %parallel_loop3A_424, %parallel_loop3A_535 : i32
        %parallel_loop3A_537 = arith.constant 6 : i32
        %parallel_loop3A_538 = arith.index_cast %parallel_loop3A_537 : i32 to index
        %parallel_loop3A_539 = arith.index_cast %parallel_loop3A_536 : i32 to index
        %parallel_loop3A_540 = arith.constant 0 : index
        %parallel_loop3A_541 = tpu.vector_load %arg12[%parallel_loop3A_538, %parallel_loop3A_539, %parallel_loop3A_540] {strides = array<i32>} : memref<8x128x16xf32, #tpu.memory_space<vmem>>, vector<1x1x16xf32>,
        %parallel_loop3A_542 = vector.shape_cast %parallel_loop3A_541 : vector<1x1x16xf32> to vector<16xf32>
        %parallel_loop3A_543 = vector.extract_strided_slice %parallel_loop3A_429 {offsets = [5], sizes = [1], strides = [1]} : vector<16xf32> to vector<1xf32>
        %parallel_loop3A_544 = vector.extract %parallel_loop3A_543[0] : f32 from vector<1xf32>
        %parallel_loop3A_545 = vector.broadcast %parallel_loop3A_544 : f32 to vector<16xf32>
        %parallel_loop3A_546 = arith.mulf %parallel_loop3A_542, %parallel_loop3A_545 : vector<16xf32>
        %parallel_loop3A_547 = arith.constant 5 : i32
        %parallel_loop3A_548 = arith.addi %parallel_loop3A_424, %parallel_loop3A_547 : i32
        %parallel_loop3A_549 = arith.constant 6 : i32
        %parallel_loop3A_550 = arith.index_cast %parallel_loop3A_549 : i32 to index
        %parallel_loop3A_551 = arith.index_cast %parallel_loop3A_548 : i32 to index
        %parallel_loop3A_552 = arith.constant 0 : index
        %parallel_loop3A_553 = tpu.vector_load %arg12[%parallel_loop3A_550, %parallel_loop3A_551, %parallel_loop3A_552] {strides = array<i32>} : memref<8x128x16xf32, #tpu.memory_space<vmem>>, vector<1x1x16xf32>,
        %parallel_loop3A_554 = vector.shape_cast %parallel_loop3A_553 : vector<1x1x16xf32> to vector<16xf32>
        %parallel_loop3A_555 = vector.shape_cast %parallel_loop3A_546 : vector<16xf32> to vector<1x1x16xf32>
        tpu.vector_store %arg12[%parallel_loop3A_550, %parallel_loop3A_551, %parallel_loop3A_552], %parallel_loop3A_555 {strides = array<i32>} : memref<8x128x16xf32, #tpu.memory_space<vmem>>, vector<1x1x16xf32>,
        %parallel_loop3A_556 = arith.constant 6 : i32
        %parallel_loop3A_557 = arith.addi %parallel_loop3A_424, %parallel_loop3A_556 : i32
        %parallel_loop3A_558 = arith.constant 6 : i32
        %parallel_loop3A_559 = arith.index_cast %parallel_loop3A_558 : i32 to index
        %parallel_loop3A_560 = arith.index_cast %parallel_loop3A_557 : i32 to index
        %parallel_loop3A_561 = arith.constant 0 : index
        %parallel_loop3A_562 = tpu.vector_load %arg12[%parallel_loop3A_559, %parallel_loop3A_560, %parallel_loop3A_561] {strides = array<i32>} : memref<8x128x16xf32, #tpu.memory_space<vmem>>, vector<1x1x16xf32>,
        %parallel_loop3A_563 = vector.shape_cast %parallel_loop3A_562 : vector<1x1x16xf32> to vector<16xf32>
        %parallel_loop3A_564 = vector.extract_strided_slice %parallel_loop3A_429 {offsets = [6], sizes = [1], strides = [1]} : vector<16xf32> to vector<1xf32>
        %parallel_loop3A_565 = vector.extract %parallel_loop3A_564[0] : f32 from vector<1xf32>
        %parallel_loop3A_566 = vector.broadcast %parallel_loop3A_565 : f32 to vector<16xf32>
        %parallel_loop3A_567 = arith.mulf %parallel_loop3A_563, %parallel_loop3A_566 : vector<16xf32>
        %parallel_loop3A_568 = arith.constant 6 : i32
        %parallel_loop3A_569 = arith.addi %parallel_loop3A_424, %parallel_loop3A_568 : i32
        %parallel_loop3A_570 = arith.constant 6 : i32
        %parallel_loop3A_571 = arith.index_cast %parallel_loop3A_570 : i32 to index
        %parallel_loop3A_572 = arith.index_cast %parallel_loop3A_569 : i32 to index
        %parallel_loop3A_573 = arith.constant 0 : index
        %parallel_loop3A_574 = tpu.vector_load %arg12[%parallel_loop3A_571, %parallel_loop3A_572, %parallel_loop3A_573] {strides = array<i32>} : memref<8x128x16xf32, #tpu.memory_space<vmem>>, vector<1x1x16xf32>,
        %parallel_loop3A_575 = vector.shape_cast %parallel_loop3A_574 : vector<1x1x16xf32> to vector<16xf32>
        %parallel_loop3A_576 = vector.shape_cast %parallel_loop3A_567 : vector<16xf32> to vector<1x1x16xf32>
        tpu.vector_store %arg12[%parallel_loop3A_571, %parallel_loop3A_572, %parallel_loop3A_573], %parallel_loop3A_576 {strides = array<i32>} : memref<8x128x16xf32, #tpu.memory_space<vmem>>, vector<1x1x16xf32>,
        %parallel_loop3A_577 = arith.constant 7 : i32
        %parallel_loop3A_578 = arith.addi %parallel_loop3A_424, %parallel_loop3A_577 : i32
        %parallel_loop3A_579 = arith.constant 6 : i32
        %parallel_loop3A_580 = arith.index_cast %parallel_loop3A_579 : i32 to index
        %parallel_loop3A_581 = arith.index_cast %parallel_loop3A_578 : i32 to index
        %parallel_loop3A_582 = arith.constant 0 : index
        %parallel_loop3A_583 = tpu.vector_load %arg12[%parallel_loop3A_580, %parallel_loop3A_581, %parallel_loop3A_582] {strides = array<i32>} : memref<8x128x16xf32, #tpu.memory_space<vmem>>, vector<1x1x16xf32>,
        %parallel_loop3A_584 = vector.shape_cast %parallel_loop3A_583 : vector<1x1x16xf32> to vector<16xf32>
        %parallel_loop3A_585 = vector.extract_strided_slice %parallel_loop3A_429 {offsets = [7], sizes = [1], strides = [1]} : vector<16xf32> to vector<1xf32>
        %parallel_loop3A_586 = vector.extract %parallel_loop3A_585[0] : f32 from vector<1xf32>
        %parallel_loop3A_587 = vector.broadcast %parallel_loop3A_586 : f32 to vector<16xf32>
        %parallel_loop3A_588 = arith.mulf %parallel_loop3A_584, %parallel_loop3A_587 : vector<16xf32>
        %parallel_loop3A_589 = arith.constant 7 : i32
        %parallel_loop3A_590 = arith.addi %parallel_loop3A_424, %parallel_loop3A_589 : i32
        %parallel_loop3A_591 = arith.constant 6 : i32
        %parallel_loop3A_592 = arith.index_cast %parallel_loop3A_591 : i32 to index
        %parallel_loop3A_593 = arith.index_cast %parallel_loop3A_590 : i32 to index
        %parallel_loop3A_594 = arith.constant 0 : index
        %parallel_loop3A_595 = tpu.vector_load %arg12[%parallel_loop3A_592, %parallel_loop3A_593, %parallel_loop3A_594] {strides = array<i32>} : memref<8x128x16xf32, #tpu.memory_space<vmem>>, vector<1x1x16xf32>,
        %parallel_loop3A_596 = vector.shape_cast %parallel_loop3A_595 : vector<1x1x16xf32> to vector<16xf32>
        %parallel_loop3A_597 = vector.shape_cast %parallel_loop3A_588 : vector<16xf32> to vector<1x1x16xf32>
        tpu.vector_store %arg12[%parallel_loop3A_592, %parallel_loop3A_593, %parallel_loop3A_594], %parallel_loop3A_597 {strides = array<i32>} : memref<8x128x16xf32, #tpu.memory_space<vmem>>, vector<1x1x16xf32>,
        %parallel_loop3A_598 = arith.constant 8 : i32
        %parallel_loop3A_599 = arith.addi %parallel_loop3A_424, %parallel_loop3A_598 : i32
        %parallel_loop3A_600 = arith.constant 6 : i32
        %parallel_loop3A_601 = arith.index_cast %parallel_loop3A_600 : i32 to index
        %parallel_loop3A_602 = arith.index_cast %parallel_loop3A_599 : i32 to index
        %parallel_loop3A_603 = arith.constant 0 : index
        %parallel_loop3A_604 = tpu.vector_load %arg12[%parallel_loop3A_601, %parallel_loop3A_602, %parallel_loop3A_603] {strides = array<i32>} : memref<8x128x16xf32, #tpu.memory_space<vmem>>, vector<1x1x16xf32>,
        %parallel_loop3A_605 = vector.shape_cast %parallel_loop3A_604 : vector<1x1x16xf32> to vector<16xf32>
        %parallel_loop3A_606 = vector.extract_strided_slice %parallel_loop3A_429 {offsets = [8], sizes = [1], strides = [1]} : vector<16xf32> to vector<1xf32>
        %parallel_loop3A_607 = vector.extract %parallel_loop3A_606[0] : f32 from vector<1xf32>
        %parallel_loop3A_608 = vector.broadcast %parallel_loop3A_607 : f32 to vector<16xf32>
        %parallel_loop3A_609 = arith.mulf %parallel_loop3A_605, %parallel_loop3A_608 : vector<16xf32>
        %parallel_loop3A_610 = arith.constant 8 : i32
        %parallel_loop3A_611 = arith.addi %parallel_loop3A_424, %parallel_loop3A_610 : i32
        %parallel_loop3A_612 = arith.constant 6 : i32
        %parallel_loop3A_613 = arith.index_cast %parallel_loop3A_612 : i32 to index
        %parallel_loop3A_614 = arith.index_cast %parallel_loop3A_611 : i32 to index
        %parallel_loop3A_615 = arith.constant 0 : index
        %parallel_loop3A_616 = tpu.vector_load %arg12[%parallel_loop3A_613, %parallel_loop3A_614, %parallel_loop3A_615] {strides = array<i32>} : memref<8x128x16xf32, #tpu.memory_space<vmem>>, vector<1x1x16xf32>,
        %parallel_loop3A_617 = vector.shape_cast %parallel_loop3A_616 : vector<1x1x16xf32> to vector<16xf32>
        %parallel_loop3A_618 = vector.shape_cast %parallel_loop3A_609 : vector<16xf32> to vector<1x1x16xf32>
        tpu.vector_store %arg12[%parallel_loop3A_613, %parallel_loop3A_614, %parallel_loop3A_615], %parallel_loop3A_618 {strides = array<i32>} : memref<8x128x16xf32, #tpu.memory_space<vmem>>, vector<1x1x16xf32>,
        %parallel_loop3A_619 = arith.constant 9 : i32
        %parallel_loop3A_620 = arith.addi %parallel_loop3A_424, %parallel_loop3A_619 : i32
        %parallel_loop3A_621 = arith.constant 6 : i32
        %parallel_loop3A_622 = arith.index_cast %parallel_loop3A_621 : i32 to index
        %parallel_loop3A_623 = arith.index_cast %parallel_loop3A_620 : i32 to index
        %parallel_loop3A_624 = arith.constant 0 : index
        %parallel_loop3A_625 = tpu.vector_load %arg12[%parallel_loop3A_622, %parallel_loop3A_623, %parallel_loop3A_624] {strides = array<i32>} : memref<8x128x16xf32, #tpu.memory_space<vmem>>, vector<1x1x16xf32>,
        %parallel_loop3A_626 = vector.shape_cast %parallel_loop3A_625 : vector<1x1x16xf32> to vector<16xf32>
        %parallel_loop3A_627 = vector.extract_strided_slice %parallel_loop3A_429 {offsets = [9], sizes = [1], strides = [1]} : vector<16xf32> to vector<1xf32>
        %parallel_loop3A_628 = vector.extract %parallel_loop3A_627[0] : f32 from vector<1xf32>
        %parallel_loop3A_629 = vector.broadcast %parallel_loop3A_628 : f32 to vector<16xf32>
        %parallel_loop3A_630 = arith.mulf %parallel_loop3A_626, %parallel_loop3A_629 : vector<16xf32>
        %parallel_loop3A_631 = arith.constant 9 : i32
        %parallel_loop3A_632 = arith.addi %parallel_loop3A_424, %parallel_loop3A_631 : i32
        %parallel_loop3A_633 = arith.constant 6 : i32
        %parallel_loop3A_634 = arith.index_cast %parallel_loop3A_633 : i32 to index
        %parallel_loop3A_635 = arith.index_cast %parallel_loop3A_632 : i32 to index
        %parallel_loop3A_636 = arith.constant 0 : index
        %parallel_loop3A_637 = tpu.vector_load %arg12[%parallel_loop3A_634, %parallel_loop3A_635, %parallel_loop3A_636] {strides = array<i32>} : memref<8x128x16xf32, #tpu.memory_space<vmem>>, vector<1x1x16xf32>,
        %parallel_loop3A_638 = vector.shape_cast %parallel_loop3A_637 : vector<1x1x16xf32> to vector<16xf32>
        %parallel_loop3A_639 = vector.shape_cast %parallel_loop3A_630 : vector<16xf32> to vector<1x1x16xf32>
        tpu.vector_store %arg12[%parallel_loop3A_634, %parallel_loop3A_635, %parallel_loop3A_636], %parallel_loop3A_639 {strides = array<i32>} : memref<8x128x16xf32, #tpu.memory_space<vmem>>, vector<1x1x16xf32>,
        %parallel_loop3A_640 = arith.constant 10 : i32
        %parallel_loop3A_641 = arith.addi %parallel_loop3A_424, %parallel_loop3A_640 : i32
        %parallel_loop3A_642 = arith.constant 6 : i32
        %parallel_loop3A_643 = arith.index_cast %parallel_loop3A_642 : i32 to index
        %parallel_loop3A_644 = arith.index_cast %parallel_loop3A_641 : i32 to index
        %parallel_loop3A_645 = arith.constant 0 : index
        %parallel_loop3A_646 = tpu.vector_load %arg12[%parallel_loop3A_643, %parallel_loop3A_644, %parallel_loop3A_645] {strides = array<i32>} : memref<8x128x16xf32, #tpu.memory_space<vmem>>, vector<1x1x16xf32>,
        %parallel_loop3A_647 = vector.shape_cast %parallel_loop3A_646 : vector<1x1x16xf32> to vector<16xf32>
        %parallel_loop3A_648 = vector.extract_strided_slice %parallel_loop3A_429 {offsets = [10], sizes = [1], strides = [1]} : vector<16xf32> to vector<1xf32>
        %parallel_loop3A_649 = vector.extract %parallel_loop3A_648[0] : f32 from vector<1xf32>
        %parallel_loop3A_650 = vector.broadcast %parallel_loop3A_649 : f32 to vector<16xf32>
        %parallel_loop3A_651 = arith.mulf %parallel_loop3A_647, %parallel_loop3A_650 : vector<16xf32>
        %parallel_loop3A_652 = arith.constant 10 : i32
        %parallel_loop3A_653 = arith.addi %parallel_loop3A_424, %parallel_loop3A_652 : i32
        %parallel_loop3A_654 = arith.constant 6 : i32
        %parallel_loop3A_655 = arith.index_cast %parallel_loop3A_654 : i32 to index
        %parallel_loop3A_656 = arith.index_cast %parallel_loop3A_653 : i32 to index
        %parallel_loop3A_657 = arith.constant 0 : index
        %parallel_loop3A_658 = tpu.vector_load %arg12[%parallel_loop3A_655, %parallel_loop3A_656, %parallel_loop3A_657] {strides = array<i32>} : memref<8x128x16xf32, #tpu.memory_space<vmem>>, vector<1x1x16xf32>,
        %parallel_loop3A_659 = vector.shape_cast %parallel_loop3A_658 : vector<1x1x16xf32> to vector<16xf32>
        %parallel_loop3A_660 = vector.shape_cast %parallel_loop3A_651 : vector<16xf32> to vector<1x1x16xf32>
        tpu.vector_store %arg12[%parallel_loop3A_655, %parallel_loop3A_656, %parallel_loop3A_657], %parallel_loop3A_660 {strides = array<i32>} : memref<8x128x16xf32, #tpu.memory_space<vmem>>, vector<1x1x16xf32>,
        %parallel_loop3A_661 = arith.constant 11 : i32
        %parallel_loop3A_662 = arith.addi %parallel_loop3A_424, %parallel_loop3A_661 : i32
        %parallel_loop3A_663 = arith.constant 6 : i32
        %parallel_loop3A_664 = arith.index_cast %parallel_loop3A_663 : i32 to index
        %parallel_loop3A_665 = arith.index_cast %parallel_loop3A_662 : i32 to index
        %parallel_loop3A_666 = arith.constant 0 : index
        %parallel_loop3A_667 = tpu.vector_load %arg12[%parallel_loop3A_664, %parallel_loop3A_665, %parallel_loop3A_666] {strides = array<i32>} : memref<8x128x16xf32, #tpu.memory_space<vmem>>, vector<1x1x16xf32>,
        %parallel_loop3A_668 = vector.shape_cast %parallel_loop3A_667 : vector<1x1x16xf32> to vector<16xf32>
        %parallel_loop3A_669 = vector.extract_strided_slice %parallel_loop3A_429 {offsets = [11], sizes = [1], strides = [1]} : vector<16xf32> to vector<1xf32>
        %parallel_loop3A_670 = vector.extract %parallel_loop3A_669[0] : f32 from vector<1xf32>
        %parallel_loop3A_671 = vector.broadcast %parallel_loop3A_670 : f32 to vector<16xf32>
        %parallel_loop3A_672 = arith.mulf %parallel_loop3A_668, %parallel_loop3A_671 : vector<16xf32>
        %parallel_loop3A_673 = arith.constant 11 : i32
        %parallel_loop3A_674 = arith.addi %parallel_loop3A_424, %parallel_loop3A_673 : i32
        %parallel_loop3A_675 = arith.constant 6 : i32
        %parallel_loop3A_676 = arith.index_cast %parallel_loop3A_675 : i32 to index
        %parallel_loop3A_677 = arith.index_cast %parallel_loop3A_674 : i32 to index
        %parallel_loop3A_678 = arith.constant 0 : index
        %parallel_loop3A_679 = tpu.vector_load %arg12[%parallel_loop3A_676, %parallel_loop3A_677, %parallel_loop3A_678] {strides = array<i32>} : memref<8x128x16xf32, #tpu.memory_space<vmem>>, vector<1x1x16xf32>,
        %parallel_loop3A_680 = vector.shape_cast %parallel_loop3A_679 : vector<1x1x16xf32> to vector<16xf32>
        %parallel_loop3A_681 = vector.shape_cast %parallel_loop3A_672 : vector<16xf32> to vector<1x1x16xf32>
        tpu.vector_store %arg12[%parallel_loop3A_676, %parallel_loop3A_677, %parallel_loop3A_678], %parallel_loop3A_681 {strides = array<i32>} : memref<8x128x16xf32, #tpu.memory_space<vmem>>, vector<1x1x16xf32>,
        %parallel_loop3A_682 = arith.constant 12 : i32
        %parallel_loop3A_683 = arith.addi %parallel_loop3A_424, %parallel_loop3A_682 : i32
        %parallel_loop3A_684 = arith.constant 6 : i32
        %parallel_loop3A_685 = arith.index_cast %parallel_loop3A_684 : i32 to index
        %parallel_loop3A_686 = arith.index_cast %parallel_loop3A_683 : i32 to index
        %parallel_loop3A_687 = arith.constant 0 : index
        %parallel_loop3A_688 = tpu.vector_load %arg12[%parallel_loop3A_685, %parallel_loop3A_686, %parallel_loop3A_687] {strides = array<i32>} : memref<8x128x16xf32, #tpu.memory_space<vmem>>, vector<1x1x16xf32>,
        %parallel_loop3A_689 = vector.shape_cast %parallel_loop3A_688 : vector<1x1x16xf32> to vector<16xf32>
        %parallel_loop3A_690 = vector.extract_strided_slice %parallel_loop3A_429 {offsets = [12], sizes = [1], strides = [1]} : vector<16xf32> to vector<1xf32>
        %parallel_loop3A_691 = vector.extract %parallel_loop3A_690[0] : f32 from vector<1xf32>
        %parallel_loop3A_692 = vector.broadcast %parallel_loop3A_691 : f32 to vector<16xf32>
        %parallel_loop3A_693 = arith.mulf %parallel_loop3A_689, %parallel_loop3A_692 : vector<16xf32>
        %parallel_loop3A_694 = arith.constant 12 : i32
        %parallel_loop3A_695 = arith.addi %parallel_loop3A_424, %parallel_loop3A_694 : i32
        %parallel_loop3A_696 = arith.constant 6 : i32
        %parallel_loop3A_697 = arith.index_cast %parallel_loop3A_696 : i32 to index
        %parallel_loop3A_698 = arith.index_cast %parallel_loop3A_695 : i32 to index
        %parallel_loop3A_699 = arith.constant 0 : index
        %parallel_loop3A_700 = tpu.vector_load %arg12[%parallel_loop3A_697, %parallel_loop3A_698, %parallel_loop3A_699] {strides = array<i32>} : memref<8x128x16xf32, #tpu.memory_space<vmem>>, vector<1x1x16xf32>,
        %parallel_loop3A_701 = vector.shape_cast %parallel_loop3A_700 : vector<1x1x16xf32> to vector<16xf32>
        %parallel_loop3A_702 = vector.shape_cast %parallel_loop3A_693 : vector<16xf32> to vector<1x1x16xf32>
        tpu.vector_store %arg12[%parallel_loop3A_697, %parallel_loop3A_698, %parallel_loop3A_699], %parallel_loop3A_702 {strides = array<i32>} : memref<8x128x16xf32, #tpu.memory_space<vmem>>, vector<1x1x16xf32>,
        %parallel_loop3A_703 = arith.constant 13 : i32
        %parallel_loop3A_704 = arith.addi %parallel_loop3A_424, %parallel_loop3A_703 : i32
        %parallel_loop3A_705 = arith.constant 6 : i32
        %parallel_loop3A_706 = arith.index_cast %parallel_loop3A_705 : i32 to index
        %parallel_loop3A_707 = arith.index_cast %parallel_loop3A_704 : i32 to index
        %parallel_loop3A_708 = arith.constant 0 : index
        %parallel_loop3A_709 = tpu.vector_load %arg12[%parallel_loop3A_706, %parallel_loop3A_707, %parallel_loop3A_708] {strides = array<i32>} : memref<8x128x16xf32, #tpu.memory_space<vmem>>, vector<1x1x16xf32>,
        %parallel_loop3A_710 = vector.shape_cast %parallel_loop3A_709 : vector<1x1x16xf32> to vector<16xf32>
        %parallel_loop3A_711 = vector.extract_strided_slice %parallel_loop3A_429 {offsets = [13], sizes = [1], strides = [1]} : vector<16xf32> to vector<1xf32>
        %parallel_loop3A_712 = vector.extract %parallel_loop3A_711[0] : f32 from vector<1xf32>
        %parallel_loop3A_713 = vector.broadcast %parallel_loop3A_712 : f32 to vector<16xf32>
        %parallel_loop3A_714 = arith.mulf %parallel_loop3A_710, %parallel_loop3A_713 : vector<16xf32>
        %parallel_loop3A_715 = arith.constant 13 : i32
        %parallel_loop3A_716 = arith.addi %parallel_loop3A_424, %parallel_loop3A_715 : i32
        %parallel_loop3A_717 = arith.constant 6 : i32
        %parallel_loop3A_718 = arith.index_cast %parallel_loop3A_717 : i32 to index
        %parallel_loop3A_719 = arith.index_cast %parallel_loop3A_716 : i32 to index
        %parallel_loop3A_720 = arith.constant 0 : index
        %parallel_loop3A_721 = tpu.vector_load %arg12[%parallel_loop3A_718, %parallel_loop3A_719, %parallel_loop3A_720] {strides = array<i32>} : memref<8x128x16xf32, #tpu.memory_space<vmem>>, vector<1x1x16xf32>,
        %parallel_loop3A_722 = vector.shape_cast %parallel_loop3A_721 : vector<1x1x16xf32> to vector<16xf32>
        %parallel_loop3A_723 = vector.shape_cast %parallel_loop3A_714 : vector<16xf32> to vector<1x1x16xf32>
        tpu.vector_store %arg12[%parallel_loop3A_718, %parallel_loop3A_719, %parallel_loop3A_720], %parallel_loop3A_723 {strides = array<i32>} : memref<8x128x16xf32, #tpu.memory_space<vmem>>, vector<1x1x16xf32>,
        %parallel_loop3A_724 = arith.constant 14 : i32
        %parallel_loop3A_725 = arith.addi %parallel_loop3A_424, %parallel_loop3A_724 : i32
        %parallel_loop3A_726 = arith.constant 6 : i32
        %parallel_loop3A_727 = arith.index_cast %parallel_loop3A_726 : i32 to index
        %parallel_loop3A_728 = arith.index_cast %parallel_loop3A_725 : i32 to index
        %parallel_loop3A_729 = arith.constant 0 : index
        %parallel_loop3A_730 = tpu.vector_load %arg12[%parallel_loop3A_727, %parallel_loop3A_728, %parallel_loop3A_729] {strides = array<i32>} : memref<8x128x16xf32, #tpu.memory_space<vmem>>, vector<1x1x16xf32>,
        %parallel_loop3A_731 = vector.shape_cast %parallel_loop3A_730 : vector<1x1x16xf32> to vector<16xf32>
        %parallel_loop3A_732 = vector.extract_strided_slice %parallel_loop3A_429 {offsets = [14], sizes = [1], strides = [1]} : vector<16xf32> to vector<1xf32>
        %parallel_loop3A_733 = vector.extract %parallel_loop3A_732[0] : f32 from vector<1xf32>
        %parallel_loop3A_734 = vector.broadcast %parallel_loop3A_733 : f32 to vector<16xf32>
        %parallel_loop3A_735 = arith.mulf %parallel_loop3A_731, %parallel_loop3A_734 : vector<16xf32>
        %parallel_loop3A_736 = arith.constant 14 : i32
        %parallel_loop3A_737 = arith.addi %parallel_loop3A_424, %parallel_loop3A_736 : i32
        %parallel_loop3A_738 = arith.constant 6 : i32
        %parallel_loop3A_739 = arith.index_cast %parallel_loop3A_738 : i32 to index
        %parallel_loop3A_740 = arith.index_cast %parallel_loop3A_737 : i32 to index
        %parallel_loop3A_741 = arith.constant 0 : index
        %parallel_loop3A_742 = tpu.vector_load %arg12[%parallel_loop3A_739, %parallel_loop3A_740, %parallel_loop3A_741] {strides = array<i32>} : memref<8x128x16xf32, #tpu.memory_space<vmem>>, vector<1x1x16xf32>,
        %parallel_loop3A_743 = vector.shape_cast %parallel_loop3A_742 : vector<1x1x16xf32> to vector<16xf32>
        %parallel_loop3A_744 = vector.shape_cast %parallel_loop3A_735 : vector<16xf32> to vector<1x1x16xf32>
        tpu.vector_store %arg12[%parallel_loop3A_739, %parallel_loop3A_740, %parallel_loop3A_741], %parallel_loop3A_744 {strides = array<i32>} : memref<8x128x16xf32, #tpu.memory_space<vmem>>, vector<1x1x16xf32>,
        %parallel_loop3A_745 = arith.constant 15 : i32
        %parallel_loop3A_746 = arith.addi %parallel_loop3A_424, %parallel_loop3A_745 : i32
        %parallel_loop3A_747 = arith.constant 6 : i32
        %parallel_loop3A_748 = arith.index_cast %parallel_loop3A_747 : i32 to index
        %parallel_loop3A_749 = arith.index_cast %parallel_loop3A_746 : i32 to index
        %parallel_loop3A_750 = arith.constant 0 : index
        %parallel_loop3A_751 = tpu.vector_load %arg12[%parallel_loop3A_748, %parallel_loop3A_749, %parallel_loop3A_750] {strides = array<i32>} : memref<8x128x16xf32, #tpu.memory_space<vmem>>, vector<1x1x16xf32>,
        %parallel_loop3A_752 = vector.shape_cast %parallel_loop3A_751 : vector<1x1x16xf32> to vector<16xf32>
        %parallel_loop3A_753 = vector.extract_strided_slice %parallel_loop3A_429 {offsets = [15], sizes = [1], strides = [1]} : vector<16xf32> to vector<1xf32>
        %parallel_loop3A_754 = vector.extract %parallel_loop3A_753[0] : f32 from vector<1xf32>
        %parallel_loop3A_755 = vector.broadcast %parallel_loop3A_754 : f32 to vector<16xf32>
        %parallel_loop3A_756 = arith.mulf %parallel_loop3A_752, %parallel_loop3A_755 : vector<16xf32>
        %parallel_loop3A_757 = arith.constant 15 : i32
        %parallel_loop3A_758 = arith.addi %parallel_loop3A_424, %parallel_loop3A_757 : i32
        %parallel_loop3A_759 = arith.constant 6 : i32
        %parallel_loop3A_760 = arith.index_cast %parallel_loop3A_759 : i32 to index
        %parallel_loop3A_761 = arith.index_cast %parallel_loop3A_758 : i32 to index
        %parallel_loop3A_762 = arith.constant 0 : index
        %parallel_loop3A_763 = tpu.vector_load %arg12[%parallel_loop3A_760, %parallel_loop3A_761, %parallel_loop3A_762] {strides = array<i32>} : memref<8x128x16xf32, #tpu.memory_space<vmem>>, vector<1x1x16xf32>,
        %parallel_loop3A_764 = vector.shape_cast %parallel_loop3A_763 : vector<1x1x16xf32> to vector<16xf32>
        %parallel_loop3A_765 = vector.shape_cast %parallel_loop3A_756 : vector<16xf32> to vector<1x1x16xf32>
        tpu.vector_store %arg12[%parallel_loop3A_760, %parallel_loop3A_761, %parallel_loop3A_762], %parallel_loop3A_765 {strides = array<i32>} : memref<8x128x16xf32, #tpu.memory_space<vmem>>, vector<1x1x16xf32>,
      } {sc.loop_unroll_factor = 2 : i64, sc.parallel_access}
      %parallel_loop3A_229 = arith.constant 0 : i32
      %parallel_loop3A_230 = arith.constant 128 : i32
      %parallel_loop3A_231 = arith.constant 16 : i32
      scf.for %parallel_loop3A_424 = %parallel_loop3A_229 to %parallel_loop3A_230 step %parallel_loop3A_231  : i32 {
        %parallel_loop3A_425 = arith.constant 7 : i32
        %parallel_loop3A_426 = arith.index_cast %parallel_loop3A_425 : i32 to index
        %parallel_loop3A_427 = arith.index_cast %parallel_loop3A_424 : i32 to index
        %parallel_loop3A_428 = tpu.vector_load %arg11[%parallel_loop3A_426, %parallel_loop3A_427] {strides = array<i32>} : memref<8x128xf32, #tpu.memory_space<vmem>>, vector<1x16xf32>,
        %parallel_loop3A_429 = vector.shape_cast %parallel_loop3A_428 : vector<1x16xf32> to vector<16xf32>
        %parallel_loop3A_430 = arith.constant 0 : i32
        %parallel_loop3A_431 = arith.addi %parallel_loop3A_424, %parallel_loop3A_430 : i32
        %parallel_loop3A_432 = arith.constant 7 : i32
        %parallel_loop3A_433 = arith.index_cast %parallel_loop3A_432 : i32 to index
        %parallel_loop3A_434 = arith.index_cast %parallel_loop3A_431 : i32 to index
        %parallel_loop3A_435 = arith.constant 0 : index
        %parallel_loop3A_436 = tpu.vector_load %arg12[%parallel_loop3A_433, %parallel_loop3A_434, %parallel_loop3A_435] {strides = array<i32>} : memref<8x128x16xf32, #tpu.memory_space<vmem>>, vector<1x1x16xf32>,
        %parallel_loop3A_437 = vector.shape_cast %parallel_loop3A_436 : vector<1x1x16xf32> to vector<16xf32>
        %parallel_loop3A_438 = vector.extract_strided_slice %parallel_loop3A_429 {offsets = [0], sizes = [1], strides = [1]} : vector<16xf32> to vector<1xf32>
        %parallel_loop3A_439 = vector.extract %parallel_loop3A_438[0] : f32 from vector<1xf32>
        %parallel_loop3A_440 = vector.broadcast %parallel_loop3A_439 : f32 to vector<16xf32>
        %parallel_loop3A_441 = arith.mulf %parallel_loop3A_437, %parallel_loop3A_440 : vector<16xf32>
        %parallel_loop3A_442 = arith.constant 0 : i32
        %parallel_loop3A_443 = arith.addi %parallel_loop3A_424, %parallel_loop3A_442 : i32
        %parallel_loop3A_444 = arith.constant 7 : i32
        %parallel_loop3A_445 = arith.index_cast %parallel_loop3A_444 : i32 to index
        %parallel_loop3A_446 = arith.index_cast %parallel_loop3A_443 : i32 to index
        %parallel_loop3A_447 = arith.constant 0 : index
        %parallel_loop3A_448 = tpu.vector_load %arg12[%parallel_loop3A_445, %parallel_loop3A_446, %parallel_loop3A_447] {strides = array<i32>} : memref<8x128x16xf32, #tpu.memory_space<vmem>>, vector<1x1x16xf32>,
        %parallel_loop3A_449 = vector.shape_cast %parallel_loop3A_448 : vector<1x1x16xf32> to vector<16xf32>
        %parallel_loop3A_450 = vector.shape_cast %parallel_loop3A_441 : vector<16xf32> to vector<1x1x16xf32>
        tpu.vector_store %arg12[%parallel_loop3A_445, %parallel_loop3A_446, %parallel_loop3A_447], %parallel_loop3A_450 {strides = array<i32>} : memref<8x128x16xf32, #tpu.memory_space<vmem>>, vector<1x1x16xf32>,
        %parallel_loop3A_451 = arith.constant 1 : i32
        %parallel_loop3A_452 = arith.addi %parallel_loop3A_424, %parallel_loop3A_451 : i32
        %parallel_loop3A_453 = arith.constant 7 : i32
        %parallel_loop3A_454 = arith.index_cast %parallel_loop3A_453 : i32 to index
        %parallel_loop3A_455 = arith.index_cast %parallel_loop3A_452 : i32 to index
        %parallel_loop3A_456 = arith.constant 0 : index
        %parallel_loop3A_457 = tpu.vector_load %arg12[%parallel_loop3A_454, %parallel_loop3A_455, %parallel_loop3A_456] {strides = array<i32>} : memref<8x128x16xf32, #tpu.memory_space<vmem>>, vector<1x1x16xf32>,
        %parallel_loop3A_458 = vector.shape_cast %parallel_loop3A_457 : vector<1x1x16xf32> to vector<16xf32>
        %parallel_loop3A_459 = vector.extract_strided_slice %parallel_loop3A_429 {offsets = [1], sizes = [1], strides = [1]} : vector<16xf32> to vector<1xf32>
        %parallel_loop3A_460 = vector.extract %parallel_loop3A_459[0] : f32 from vector<1xf32>
        %parallel_loop3A_461 = vector.broadcast %parallel_loop3A_460 : f32 to vector<16xf32>
        %parallel_loop3A_462 = arith.mulf %parallel_loop3A_458, %parallel_loop3A_461 : vector<16xf32>
        %parallel_loop3A_463 = arith.constant 1 : i32
        %parallel_loop3A_464 = arith.addi %parallel_loop3A_424, %parallel_loop3A_463 : i32
        %parallel_loop3A_465 = arith.constant 7 : i32
        %parallel_loop3A_466 = arith.index_cast %parallel_loop3A_465 : i32 to index
        %parallel_loop3A_467 = arith.index_cast %parallel_loop3A_464 : i32 to index
        %parallel_loop3A_468 = arith.constant 0 : index
        %parallel_loop3A_469 = tpu.vector_load %arg12[%parallel_loop3A_466, %parallel_loop3A_467, %parallel_loop3A_468] {strides = array<i32>} : memref<8x128x16xf32, #tpu.memory_space<vmem>>, vector<1x1x16xf32>,
        %parallel_loop3A_470 = vector.shape_cast %parallel_loop3A_469 : vector<1x1x16xf32> to vector<16xf32>
        %parallel_loop3A_471 = vector.shape_cast %parallel_loop3A_462 : vector<16xf32> to vector<1x1x16xf32>
        tpu.vector_store %arg12[%parallel_loop3A_466, %parallel_loop3A_467, %parallel_loop3A_468], %parallel_loop3A_471 {strides = array<i32>} : memref<8x128x16xf32, #tpu.memory_space<vmem>>, vector<1x1x16xf32>,
        %parallel_loop3A_472 = arith.constant 2 : i32
        %parallel_loop3A_473 = arith.addi %parallel_loop3A_424, %parallel_loop3A_472 : i32
        %parallel_loop3A_474 = arith.constant 7 : i32
        %parallel_loop3A_475 = arith.index_cast %parallel_loop3A_474 : i32 to index
        %parallel_loop3A_476 = arith.index_cast %parallel_loop3A_473 : i32 to index
        %parallel_loop3A_477 = arith.constant 0 : index
        %parallel_loop3A_478 = tpu.vector_load %arg12[%parallel_loop3A_475, %parallel_loop3A_476, %parallel_loop3A_477] {strides = array<i32>} : memref<8x128x16xf32, #tpu.memory_space<vmem>>, vector<1x1x16xf32>,
        %parallel_loop3A_479 = vector.shape_cast %parallel_loop3A_478 : vector<1x1x16xf32> to vector<16xf32>
        %parallel_loop3A_480 = vector.extract_strided_slice %parallel_loop3A_429 {offsets = [2], sizes = [1], strides = [1]} : vector<16xf32> to vector<1xf32>
        %parallel_loop3A_481 = vector.extract %parallel_loop3A_480[0] : f32 from vector<1xf32>
        %parallel_loop3A_482 = vector.broadcast %parallel_loop3A_481 : f32 to vector<16xf32>
        %parallel_loop3A_483 = arith.mulf %parallel_loop3A_479, %parallel_loop3A_482 : vector<16xf32>
        %parallel_loop3A_484 = arith.constant 2 : i32
        %parallel_loop3A_485 = arith.addi %parallel_loop3A_424, %parallel_loop3A_484 : i32
        %parallel_loop3A_486 = arith.constant 7 : i32
        %parallel_loop3A_487 = arith.index_cast %parallel_loop3A_486 : i32 to index
        %parallel_loop3A_488 = arith.index_cast %parallel_loop3A_485 : i32 to index
        %parallel_loop3A_489 = arith.constant 0 : index
        %parallel_loop3A_490 = tpu.vector_load %arg12[%parallel_loop3A_487, %parallel_loop3A_488, %parallel_loop3A_489] {strides = array<i32>} : memref<8x128x16xf32, #tpu.memory_space<vmem>>, vector<1x1x16xf32>,
        %parallel_loop3A_491 = vector.shape_cast %parallel_loop3A_490 : vector<1x1x16xf32> to vector<16xf32>
        %parallel_loop3A_492 = vector.shape_cast %parallel_loop3A_483 : vector<16xf32> to vector<1x1x16xf32>
        tpu.vector_store %arg12[%parallel_loop3A_487, %parallel_loop3A_488, %parallel_loop3A_489], %parallel_loop3A_492 {strides = array<i32>} : memref<8x128x16xf32, #tpu.memory_space<vmem>>, vector<1x1x16xf32>,
        %parallel_loop3A_493 = arith.constant 3 : i32
        %parallel_loop3A_494 = arith.addi %parallel_loop3A_424, %parallel_loop3A_493 : i32
        %parallel_loop3A_495 = arith.constant 7 : i32
        %parallel_loop3A_496 = arith.index_cast %parallel_loop3A_495 : i32 to index
        %parallel_loop3A_497 = arith.index_cast %parallel_loop3A_494 : i32 to index
        %parallel_loop3A_498 = arith.constant 0 : index
        %parallel_loop3A_499 = tpu.vector_load %arg12[%parallel_loop3A_496, %parallel_loop3A_497, %parallel_loop3A_498] {strides = array<i32>} : memref<8x128x16xf32, #tpu.memory_space<vmem>>, vector<1x1x16xf32>,
        %parallel_loop3A_500 = vector.shape_cast %parallel_loop3A_499 : vector<1x1x16xf32> to vector<16xf32>
        %parallel_loop3A_501 = vector.extract_strided_slice %parallel_loop3A_429 {offsets = [3], sizes = [1], strides = [1]} : vector<16xf32> to vector<1xf32>
        %parallel_loop3A_502 = vector.extract %parallel_loop3A_501[0] : f32 from vector<1xf32>
        %parallel_loop3A_503 = vector.broadcast %parallel_loop3A_502 : f32 to vector<16xf32>
        %parallel_loop3A_504 = arith.mulf %parallel_loop3A_500, %parallel_loop3A_503 : vector<16xf32>
        %parallel_loop3A_505 = arith.constant 3 : i32
        %parallel_loop3A_506 = arith.addi %parallel_loop3A_424, %parallel_loop3A_505 : i32
        %parallel_loop3A_507 = arith.constant 7 : i32
        %parallel_loop3A_508 = arith.index_cast %parallel_loop3A_507 : i32 to index
        %parallel_loop3A_509 = arith.index_cast %parallel_loop3A_506 : i32 to index
        %parallel_loop3A_510 = arith.constant 0 : index
        %parallel_loop3A_511 = tpu.vector_load %arg12[%parallel_loop3A_508, %parallel_loop3A_509, %parallel_loop3A_510] {strides = array<i32>} : memref<8x128x16xf32, #tpu.memory_space<vmem>>, vector<1x1x16xf32>,
        %parallel_loop3A_512 = vector.shape_cast %parallel_loop3A_511 : vector<1x1x16xf32> to vector<16xf32>
        %parallel_loop3A_513 = vector.shape_cast %parallel_loop3A_504 : vector<16xf32> to vector<1x1x16xf32>
        tpu.vector_store %arg12[%parallel_loop3A_508, %parallel_loop3A_509, %parallel_loop3A_510], %parallel_loop3A_513 {strides = array<i32>} : memref<8x128x16xf32, #tpu.memory_space<vmem>>, vector<1x1x16xf32>,
        %parallel_loop3A_514 = arith.constant 4 : i32
        %parallel_loop3A_515 = arith.addi %parallel_loop3A_424, %parallel_loop3A_514 : i32
        %parallel_loop3A_516 = arith.constant 7 : i32
        %parallel_loop3A_517 = arith.index_cast %parallel_loop3A_516 : i32 to index
        %parallel_loop3A_518 = arith.index_cast %parallel_loop3A_515 : i32 to index
        %parallel_loop3A_519 = arith.constant 0 : index
        %parallel_loop3A_520 = tpu.vector_load %arg12[%parallel_loop3A_517, %parallel_loop3A_518, %parallel_loop3A_519] {strides = array<i32>} : memref<8x128x16xf32, #tpu.memory_space<vmem>>, vector<1x1x16xf32>,
        %parallel_loop3A_521 = vector.shape_cast %parallel_loop3A_520 : vector<1x1x16xf32> to vector<16xf32>
        %parallel_loop3A_522 = vector.extract_strided_slice %parallel_loop3A_429 {offsets = [4], sizes = [1], strides = [1]} : vector<16xf32> to vector<1xf32>
        %parallel_loop3A_523 = vector.extract %parallel_loop3A_522[0] : f32 from vector<1xf32>
        %parallel_loop3A_524 = vector.broadcast %parallel_loop3A_523 : f32 to vector<16xf32>
        %parallel_loop3A_525 = arith.mulf %parallel_loop3A_521, %parallel_loop3A_524 : vector<16xf32>
        %parallel_loop3A_526 = arith.constant 4 : i32
        %parallel_loop3A_527 = arith.addi %parallel_loop3A_424, %parallel_loop3A_526 : i32
        %parallel_loop3A_528 = arith.constant 7 : i32
        %parallel_loop3A_529 = arith.index_cast %parallel_loop3A_528 : i32 to index
        %parallel_loop3A_530 = arith.index_cast %parallel_loop3A_527 : i32 to index
        %parallel_loop3A_531 = arith.constant 0 : index
        %parallel_loop3A_532 = tpu.vector_load %arg12[%parallel_loop3A_529, %parallel_loop3A_530, %parallel_loop3A_531] {strides = array<i32>} : memref<8x128x16xf32, #tpu.memory_space<vmem>>, vector<1x1x16xf32>,
        %parallel_loop3A_533 = vector.shape_cast %parallel_loop3A_532 : vector<1x1x16xf32> to vector<16xf32>
        %parallel_loop3A_534 = vector.shape_cast %parallel_loop3A_525 : vector<16xf32> to vector<1x1x16xf32>
        tpu.vector_store %arg12[%parallel_loop3A_529, %parallel_loop3A_530, %parallel_loop3A_531], %parallel_loop3A_534 {strides = array<i32>} : memref<8x128x16xf32, #tpu.memory_space<vmem>>, vector<1x1x16xf32>,
        %parallel_loop3A_535 = arith.constant 5 : i32
        %parallel_loop3A_536 = arith.addi %parallel_loop3A_424, %parallel_loop3A_535 : i32
        %parallel_loop3A_537 = arith.constant 7 : i32
        %parallel_loop3A_538 = arith.index_cast %parallel_loop3A_537 : i32 to index
        %parallel_loop3A_539 = arith.index_cast %parallel_loop3A_536 : i32 to index
        %parallel_loop3A_540 = arith.constant 0 : index
        %parallel_loop3A_541 = tpu.vector_load %arg12[%parallel_loop3A_538, %parallel_loop3A_539, %parallel_loop3A_540] {strides = array<i32>} : memref<8x128x16xf32, #tpu.memory_space<vmem>>, vector<1x1x16xf32>,
        %parallel_loop3A_542 = vector.shape_cast %parallel_loop3A_541 : vector<1x1x16xf32> to vector<16xf32>
        %parallel_loop3A_543 = vector.extract_strided_slice %parallel_loop3A_429 {offsets = [5], sizes = [1], strides = [1]} : vector<16xf32> to vector<1xf32>
        %parallel_loop3A_544 = vector.extract %parallel_loop3A_543[0] : f32 from vector<1xf32>
        %parallel_loop3A_545 = vector.broadcast %parallel_loop3A_544 : f32 to vector<16xf32>
        %parallel_loop3A_546 = arith.mulf %parallel_loop3A_542, %parallel_loop3A_545 : vector<16xf32>
        %parallel_loop3A_547 = arith.constant 5 : i32
        %parallel_loop3A_548 = arith.addi %parallel_loop3A_424, %parallel_loop3A_547 : i32
        %parallel_loop3A_549 = arith.constant 7 : i32
        %parallel_loop3A_550 = arith.index_cast %parallel_loop3A_549 : i32 to index
        %parallel_loop3A_551 = arith.index_cast %parallel_loop3A_548 : i32 to index
        %parallel_loop3A_552 = arith.constant 0 : index
        %parallel_loop3A_553 = tpu.vector_load %arg12[%parallel_loop3A_550, %parallel_loop3A_551, %parallel_loop3A_552] {strides = array<i32>} : memref<8x128x16xf32, #tpu.memory_space<vmem>>, vector<1x1x16xf32>,
        %parallel_loop3A_554 = vector.shape_cast %parallel_loop3A_553 : vector<1x1x16xf32> to vector<16xf32>
        %parallel_loop3A_555 = vector.shape_cast %parallel_loop3A_546 : vector<16xf32> to vector<1x1x16xf32>
        tpu.vector_store %arg12[%parallel_loop3A_550, %parallel_loop3A_551, %parallel_loop3A_552], %parallel_loop3A_555 {strides = array<i32>} : memref<8x128x16xf32, #tpu.memory_space<vmem>>, vector<1x1x16xf32>,
        %parallel_loop3A_556 = arith.constant 6 : i32
        %parallel_loop3A_557 = arith.addi %parallel_loop3A_424, %parallel_loop3A_556 : i32
        %parallel_loop3A_558 = arith.constant 7 : i32
        %parallel_loop3A_559 = arith.index_cast %parallel_loop3A_558 : i32 to index
        %parallel_loop3A_560 = arith.index_cast %parallel_loop3A_557 : i32 to index
        %parallel_loop3A_561 = arith.constant 0 : index
        %parallel_loop3A_562 = tpu.vector_load %arg12[%parallel_loop3A_559, %parallel_loop3A_560, %parallel_loop3A_561] {strides = array<i32>} : memref<8x128x16xf32, #tpu.memory_space<vmem>>, vector<1x1x16xf32>,
        %parallel_loop3A_563 = vector.shape_cast %parallel_loop3A_562 : vector<1x1x16xf32> to vector<16xf32>
        %parallel_loop3A_564 = vector.extract_strided_slice %parallel_loop3A_429 {offsets = [6], sizes = [1], strides = [1]} : vector<16xf32> to vector<1xf32>
        %parallel_loop3A_565 = vector.extract %parallel_loop3A_564[0] : f32 from vector<1xf32>
        %parallel_loop3A_566 = vector.broadcast %parallel_loop3A_565 : f32 to vector<16xf32>
        %parallel_loop3A_567 = arith.mulf %parallel_loop3A_563, %parallel_loop3A_566 : vector<16xf32>
        %parallel_loop3A_568 = arith.constant 6 : i32
        %parallel_loop3A_569 = arith.addi %parallel_loop3A_424, %parallel_loop3A_568 : i32
        %parallel_loop3A_570 = arith.constant 7 : i32
        %parallel_loop3A_571 = arith.index_cast %parallel_loop3A_570 : i32 to index
        %parallel_loop3A_572 = arith.index_cast %parallel_loop3A_569 : i32 to index
        %parallel_loop3A_573 = arith.constant 0 : index
        %parallel_loop3A_574 = tpu.vector_load %arg12[%parallel_loop3A_571, %parallel_loop3A_572, %parallel_loop3A_573] {strides = array<i32>} : memref<8x128x16xf32, #tpu.memory_space<vmem>>, vector<1x1x16xf32>,
        %parallel_loop3A_575 = vector.shape_cast %parallel_loop3A_574 : vector<1x1x16xf32> to vector<16xf32>
        %parallel_loop3A_576 = vector.shape_cast %parallel_loop3A_567 : vector<16xf32> to vector<1x1x16xf32>
        tpu.vector_store %arg12[%parallel_loop3A_571, %parallel_loop3A_572, %parallel_loop3A_573], %parallel_loop3A_576 {strides = array<i32>} : memref<8x128x16xf32, #tpu.memory_space<vmem>>, vector<1x1x16xf32>,
        %parallel_loop3A_577 = arith.constant 7 : i32
        %parallel_loop3A_578 = arith.addi %parallel_loop3A_424, %parallel_loop3A_577 : i32
        %parallel_loop3A_579 = arith.constant 7 : i32
        %parallel_loop3A_580 = arith.index_cast %parallel_loop3A_579 : i32 to index
        %parallel_loop3A_581 = arith.index_cast %parallel_loop3A_578 : i32 to index
        %parallel_loop3A_582 = arith.constant 0 : index
        %parallel_loop3A_583 = tpu.vector_load %arg12[%parallel_loop3A_580, %parallel_loop3A_581, %parallel_loop3A_582] {strides = array<i32>} : memref<8x128x16xf32, #tpu.memory_space<vmem>>, vector<1x1x16xf32>,
        %parallel_loop3A_584 = vector.shape_cast %parallel_loop3A_583 : vector<1x1x16xf32> to vector<16xf32>
        %parallel_loop3A_585 = vector.extract_strided_slice %parallel_loop3A_429 {offsets = [7], sizes = [1], strides = [1]} : vector<16xf32> to vector<1xf32>
        %parallel_loop3A_586 = vector.extract %parallel_loop3A_585[0] : f32 from vector<1xf32>
        %parallel_loop3A_587 = vector.broadcast %parallel_loop3A_586 : f32 to vector<16xf32>
        %parallel_loop3A_588 = arith.mulf %parallel_loop3A_584, %parallel_loop3A_587 : vector<16xf32>
        %parallel_loop3A_589 = arith.constant 7 : i32
        %parallel_loop3A_590 = arith.addi %parallel_loop3A_424, %parallel_loop3A_589 : i32
        %parallel_loop3A_591 = arith.constant 7 : i32
        %parallel_loop3A_592 = arith.index_cast %parallel_loop3A_591 : i32 to index
        %parallel_loop3A_593 = arith.index_cast %parallel_loop3A_590 : i32 to index
        %parallel_loop3A_594 = arith.constant 0 : index
        %parallel_loop3A_595 = tpu.vector_load %arg12[%parallel_loop3A_592, %parallel_loop3A_593, %parallel_loop3A_594] {strides = array<i32>} : memref<8x128x16xf32, #tpu.memory_space<vmem>>, vector<1x1x16xf32>,
        %parallel_loop3A_596 = vector.shape_cast %parallel_loop3A_595 : vector<1x1x16xf32> to vector<16xf32>
        %parallel_loop3A_597 = vector.shape_cast %parallel_loop3A_588 : vector<16xf32> to vector<1x1x16xf32>
        tpu.vector_store %arg12[%parallel_loop3A_592, %parallel_loop3A_593, %parallel_loop3A_594], %parallel_loop3A_597 {strides = array<i32>} : memref<8x128x16xf32, #tpu.memory_space<vmem>>, vector<1x1x16xf32>,
        %parallel_loop3A_598 = arith.constant 8 : i32
        %parallel_loop3A_599 = arith.addi %parallel_loop3A_424, %parallel_loop3A_598 : i32
        %parallel_loop3A_600 = arith.constant 7 : i32
        %parallel_loop3A_601 = arith.index_cast %parallel_loop3A_600 : i32 to index
        %parallel_loop3A_602 = arith.index_cast %parallel_loop3A_599 : i32 to index
        %parallel_loop3A_603 = arith.constant 0 : index
        %parallel_loop3A_604 = tpu.vector_load %arg12[%parallel_loop3A_601, %parallel_loop3A_602, %parallel_loop3A_603] {strides = array<i32>} : memref<8x128x16xf32, #tpu.memory_space<vmem>>, vector<1x1x16xf32>,
        %parallel_loop3A_605 = vector.shape_cast %parallel_loop3A_604 : vector<1x1x16xf32> to vector<16xf32>
        %parallel_loop3A_606 = vector.extract_strided_slice %parallel_loop3A_429 {offsets = [8], sizes = [1], strides = [1]} : vector<16xf32> to vector<1xf32>
        %parallel_loop3A_607 = vector.extract %parallel_loop3A_606[0] : f32 from vector<1xf32>
        %parallel_loop3A_608 = vector.broadcast %parallel_loop3A_607 : f32 to vector<16xf32>
        %parallel_loop3A_609 = arith.mulf %parallel_loop3A_605, %parallel_loop3A_608 : vector<16xf32>
        %parallel_loop3A_610 = arith.constant 8 : i32
        %parallel_loop3A_611 = arith.addi %parallel_loop3A_424, %parallel_loop3A_610 : i32
        %parallel_loop3A_612 = arith.constant 7 : i32
        %parallel_loop3A_613 = arith.index_cast %parallel_loop3A_612 : i32 to index
        %parallel_loop3A_614 = arith.index_cast %parallel_loop3A_611 : i32 to index
        %parallel_loop3A_615 = arith.constant 0 : index
        %parallel_loop3A_616 = tpu.vector_load %arg12[%parallel_loop3A_613, %parallel_loop3A_614, %parallel_loop3A_615] {strides = array<i32>} : memref<8x128x16xf32, #tpu.memory_space<vmem>>, vector<1x1x16xf32>,
        %parallel_loop3A_617 = vector.shape_cast %parallel_loop3A_616 : vector<1x1x16xf32> to vector<16xf32>
        %parallel_loop3A_618 = vector.shape_cast %parallel_loop3A_609 : vector<16xf32> to vector<1x1x16xf32>
        tpu.vector_store %arg12[%parallel_loop3A_613, %parallel_loop3A_614, %parallel_loop3A_615], %parallel_loop3A_618 {strides = array<i32>} : memref<8x128x16xf32, #tpu.memory_space<vmem>>, vector<1x1x16xf32>,
        %parallel_loop3A_619 = arith.constant 9 : i32
        %parallel_loop3A_620 = arith.addi %parallel_loop3A_424, %parallel_loop3A_619 : i32
        %parallel_loop3A_621 = arith.constant 7 : i32
        %parallel_loop3A_622 = arith.index_cast %parallel_loop3A_621 : i32 to index
        %parallel_loop3A_623 = arith.index_cast %parallel_loop3A_620 : i32 to index
        %parallel_loop3A_624 = arith.constant 0 : index
        %parallel_loop3A_625 = tpu.vector_load %arg12[%parallel_loop3A_622, %parallel_loop3A_623, %parallel_loop3A_624] {strides = array<i32>} : memref<8x128x16xf32, #tpu.memory_space<vmem>>, vector<1x1x16xf32>,
        %parallel_loop3A_626 = vector.shape_cast %parallel_loop3A_625 : vector<1x1x16xf32> to vector<16xf32>
        %parallel_loop3A_627 = vector.extract_strided_slice %parallel_loop3A_429 {offsets = [9], sizes = [1], strides = [1]} : vector<16xf32> to vector<1xf32>
        %parallel_loop3A_628 = vector.extract %parallel_loop3A_627[0] : f32 from vector<1xf32>
        %parallel_loop3A_629 = vector.broadcast %parallel_loop3A_628 : f32 to vector<16xf32>
        %parallel_loop3A_630 = arith.mulf %parallel_loop3A_626, %parallel_loop3A_629 : vector<16xf32>
        %parallel_loop3A_631 = arith.constant 9 : i32
        %parallel_loop3A_632 = arith.addi %parallel_loop3A_424, %parallel_loop3A_631 : i32
        %parallel_loop3A_633 = arith.constant 7 : i32
        %parallel_loop3A_634 = arith.index_cast %parallel_loop3A_633 : i32 to index
        %parallel_loop3A_635 = arith.index_cast %parallel_loop3A_632 : i32 to index
        %parallel_loop3A_636 = arith.constant 0 : index
        %parallel_loop3A_637 = tpu.vector_load %arg12[%parallel_loop3A_634, %parallel_loop3A_635, %parallel_loop3A_636] {strides = array<i32>} : memref<8x128x16xf32, #tpu.memory_space<vmem>>, vector<1x1x16xf32>,
        %parallel_loop3A_638 = vector.shape_cast %parallel_loop3A_637 : vector<1x1x16xf32> to vector<16xf32>
        %parallel_loop3A_639 = vector.shape_cast %parallel_loop3A_630 : vector<16xf32> to vector<1x1x16xf32>
        tpu.vector_store %arg12[%parallel_loop3A_634, %parallel_loop3A_635, %parallel_loop3A_636], %parallel_loop3A_639 {strides = array<i32>} : memref<8x128x16xf32, #tpu.memory_space<vmem>>, vector<1x1x16xf32>,
        %parallel_loop3A_640 = arith.constant 10 : i32
        %parallel_loop3A_641 = arith.addi %parallel_loop3A_424, %parallel_loop3A_640 : i32
        %parallel_loop3A_642 = arith.constant 7 : i32
        %parallel_loop3A_643 = arith.index_cast %parallel_loop3A_642 : i32 to index
        %parallel_loop3A_644 = arith.index_cast %parallel_loop3A_641 : i32 to index
        %parallel_loop3A_645 = arith.constant 0 : index
        %parallel_loop3A_646 = tpu.vector_load %arg12[%parallel_loop3A_643, %parallel_loop3A_644, %parallel_loop3A_645] {strides = array<i32>} : memref<8x128x16xf32, #tpu.memory_space<vmem>>, vector<1x1x16xf32>,
        %parallel_loop3A_647 = vector.shape_cast %parallel_loop3A_646 : vector<1x1x16xf32> to vector<16xf32>
        %parallel_loop3A_648 = vector.extract_strided_slice %parallel_loop3A_429 {offsets = [10], sizes = [1], strides = [1]} : vector<16xf32> to vector<1xf32>
        %parallel_loop3A_649 = vector.extract %parallel_loop3A_648[0] : f32 from vector<1xf32>
        %parallel_loop3A_650 = vector.broadcast %parallel_loop3A_649 : f32 to vector<16xf32>
        %parallel_loop3A_651 = arith.mulf %parallel_loop3A_647, %parallel_loop3A_650 : vector<16xf32>
        %parallel_loop3A_652 = arith.constant 10 : i32
        %parallel_loop3A_653 = arith.addi %parallel_loop3A_424, %parallel_loop3A_652 : i32
        %parallel_loop3A_654 = arith.constant 7 : i32
        %parallel_loop3A_655 = arith.index_cast %parallel_loop3A_654 : i32 to index
        %parallel_loop3A_656 = arith.index_cast %parallel_loop3A_653 : i32 to index
        %parallel_loop3A_657 = arith.constant 0 : index
        %parallel_loop3A_658 = tpu.vector_load %arg12[%parallel_loop3A_655, %parallel_loop3A_656, %parallel_loop3A_657] {strides = array<i32>} : memref<8x128x16xf32, #tpu.memory_space<vmem>>, vector<1x1x16xf32>,
        %parallel_loop3A_659 = vector.shape_cast %parallel_loop3A_658 : vector<1x1x16xf32> to vector<16xf32>
        %parallel_loop3A_660 = vector.shape_cast %parallel_loop3A_651 : vector<16xf32> to vector<1x1x16xf32>
        tpu.vector_store %arg12[%parallel_loop3A_655, %parallel_loop3A_656, %parallel_loop3A_657], %parallel_loop3A_660 {strides = array<i32>} : memref<8x128x16xf32, #tpu.memory_space<vmem>>, vector<1x1x16xf32>,
        %parallel_loop3A_661 = arith.constant 11 : i32
        %parallel_loop3A_662 = arith.addi %parallel_loop3A_424, %parallel_loop3A_661 : i32
        %parallel_loop3A_663 = arith.constant 7 : i32
        %parallel_loop3A_664 = arith.index_cast %parallel_loop3A_663 : i32 to index
        %parallel_loop3A_665 = arith.index_cast %parallel_loop3A_662 : i32 to index
        %parallel_loop3A_666 = arith.constant 0 : index
        %parallel_loop3A_667 = tpu.vector_load %arg12[%parallel_loop3A_664, %parallel_loop3A_665, %parallel_loop3A_666] {strides = array<i32>} : memref<8x128x16xf32, #tpu.memory_space<vmem>>, vector<1x1x16xf32>,
        %parallel_loop3A_668 = vector.shape_cast %parallel_loop3A_667 : vector<1x1x16xf32> to vector<16xf32>
        %parallel_loop3A_669 = vector.extract_strided_slice %parallel_loop3A_429 {offsets = [11], sizes = [1], strides = [1]} : vector<16xf32> to vector<1xf32>
        %parallel_loop3A_670 = vector.extract %parallel_loop3A_669[0] : f32 from vector<1xf32>
        %parallel_loop3A_671 = vector.broadcast %parallel_loop3A_670 : f32 to vector<16xf32>
        %parallel_loop3A_672 = arith.mulf %parallel_loop3A_668, %parallel_loop3A_671 : vector<16xf32>
        %parallel_loop3A_673 = arith.constant 11 : i32
        %parallel_loop3A_674 = arith.addi %parallel_loop3A_424, %parallel_loop3A_673 : i32
        %parallel_loop3A_675 = arith.constant 7 : i32
        %parallel_loop3A_676 = arith.index_cast %parallel_loop3A_675 : i32 to index
        %parallel_loop3A_677 = arith.index_cast %parallel_loop3A_674 : i32 to index
        %parallel_loop3A_678 = arith.constant 0 : index
        %parallel_loop3A_679 = tpu.vector_load %arg12[%parallel_loop3A_676, %parallel_loop3A_677, %parallel_loop3A_678] {strides = array<i32>} : memref<8x128x16xf32, #tpu.memory_space<vmem>>, vector<1x1x16xf32>,
        %parallel_loop3A_680 = vector.shape_cast %parallel_loop3A_679 : vector<1x1x16xf32> to vector<16xf32>
        %parallel_loop3A_681 = vector.shape_cast %parallel_loop3A_672 : vector<16xf32> to vector<1x1x16xf32>
        tpu.vector_store %arg12[%parallel_loop3A_676, %parallel_loop3A_677, %parallel_loop3A_678], %parallel_loop3A_681 {strides = array<i32>} : memref<8x128x16xf32, #tpu.memory_space<vmem>>, vector<1x1x16xf32>,
        %parallel_loop3A_682 = arith.constant 12 : i32
        %parallel_loop3A_683 = arith.addi %parallel_loop3A_424, %parallel_loop3A_682 : i32
        %parallel_loop3A_684 = arith.constant 7 : i32
        %parallel_loop3A_685 = arith.index_cast %parallel_loop3A_684 : i32 to index
        %parallel_loop3A_686 = arith.index_cast %parallel_loop3A_683 : i32 to index
        %parallel_loop3A_687 = arith.constant 0 : index
        %parallel_loop3A_688 = tpu.vector_load %arg12[%parallel_loop3A_685, %parallel_loop3A_686, %parallel_loop3A_687] {strides = array<i32>} : memref<8x128x16xf32, #tpu.memory_space<vmem>>, vector<1x1x16xf32>,
        %parallel_loop3A_689 = vector.shape_cast %parallel_loop3A_688 : vector<1x1x16xf32> to vector<16xf32>
        %parallel_loop3A_690 = vector.extract_strided_slice %parallel_loop3A_429 {offsets = [12], sizes = [1], strides = [1]} : vector<16xf32> to vector<1xf32>
        %parallel_loop3A_691 = vector.extract %parallel_loop3A_690[0] : f32 from vector<1xf32>
        %parallel_loop3A_692 = vector.broadcast %parallel_loop3A_691 : f32 to vector<16xf32>
        %parallel_loop3A_693 = arith.mulf %parallel_loop3A_689, %parallel_loop3A_692 : vector<16xf32>
        %parallel_loop3A_694 = arith.constant 12 : i32
        %parallel_loop3A_695 = arith.addi %parallel_loop3A_424, %parallel_loop3A_694 : i32
        %parallel_loop3A_696 = arith.constant 7 : i32
        %parallel_loop3A_697 = arith.index_cast %parallel_loop3A_696 : i32 to index
        %parallel_loop3A_698 = arith.index_cast %parallel_loop3A_695 : i32 to index
        %parallel_loop3A_699 = arith.constant 0 : index
        %parallel_loop3A_700 = tpu.vector_load %arg12[%parallel_loop3A_697, %parallel_loop3A_698, %parallel_loop3A_699] {strides = array<i32>} : memref<8x128x16xf32, #tpu.memory_space<vmem>>, vector<1x1x16xf32>,
        %parallel_loop3A_701 = vector.shape_cast %parallel_loop3A_700 : vector<1x1x16xf32> to vector<16xf32>
        %parallel_loop3A_702 = vector.shape_cast %parallel_loop3A_693 : vector<16xf32> to vector<1x1x16xf32>
        tpu.vector_store %arg12[%parallel_loop3A_697, %parallel_loop3A_698, %parallel_loop3A_699], %parallel_loop3A_702 {strides = array<i32>} : memref<8x128x16xf32, #tpu.memory_space<vmem>>, vector<1x1x16xf32>,
        %parallel_loop3A_703 = arith.constant 13 : i32
        %parallel_loop3A_704 = arith.addi %parallel_loop3A_424, %parallel_loop3A_703 : i32
        %parallel_loop3A_705 = arith.constant 7 : i32
        %parallel_loop3A_706 = arith.index_cast %parallel_loop3A_705 : i32 to index
        %parallel_loop3A_707 = arith.index_cast %parallel_loop3A_704 : i32 to index
        %parallel_loop3A_708 = arith.constant 0 : index
        %parallel_loop3A_709 = tpu.vector_load %arg12[%parallel_loop3A_706, %parallel_loop3A_707, %parallel_loop3A_708] {strides = array<i32>} : memref<8x128x16xf32, #tpu.memory_space<vmem>>, vector<1x1x16xf32>,
        %parallel_loop3A_710 = vector.shape_cast %parallel_loop3A_709 : vector<1x1x16xf32> to vector<16xf32>
        %parallel_loop3A_711 = vector.extract_strided_slice %parallel_loop3A_429 {offsets = [13], sizes = [1], strides = [1]} : vector<16xf32> to vector<1xf32>
        %parallel_loop3A_712 = vector.extract %parallel_loop3A_711[0] : f32 from vector<1xf32>
        %parallel_loop3A_713 = vector.broadcast %parallel_loop3A_712 : f32 to vector<16xf32>
        %parallel_loop3A_714 = arith.mulf %parallel_loop3A_710, %parallel_loop3A_713 : vector<16xf32>
        %parallel_loop3A_715 = arith.constant 13 : i32
        %parallel_loop3A_716 = arith.addi %parallel_loop3A_424, %parallel_loop3A_715 : i32
        %parallel_loop3A_717 = arith.constant 7 : i32
        %parallel_loop3A_718 = arith.index_cast %parallel_loop3A_717 : i32 to index
        %parallel_loop3A_719 = arith.index_cast %parallel_loop3A_716 : i32 to index
        %parallel_loop3A_720 = arith.constant 0 : index
        %parallel_loop3A_721 = tpu.vector_load %arg12[%parallel_loop3A_718, %parallel_loop3A_719, %parallel_loop3A_720] {strides = array<i32>} : memref<8x128x16xf32, #tpu.memory_space<vmem>>, vector<1x1x16xf32>,
        %parallel_loop3A_722 = vector.shape_cast %parallel_loop3A_721 : vector<1x1x16xf32> to vector<16xf32>
        %parallel_loop3A_723 = vector.shape_cast %parallel_loop3A_714 : vector<16xf32> to vector<1x1x16xf32>
        tpu.vector_store %arg12[%parallel_loop3A_718, %parallel_loop3A_719, %parallel_loop3A_720], %parallel_loop3A_723 {strides = array<i32>} : memref<8x128x16xf32, #tpu.memory_space<vmem>>, vector<1x1x16xf32>,
        %parallel_loop3A_724 = arith.constant 14 : i32
        %parallel_loop3A_725 = arith.addi %parallel_loop3A_424, %parallel_loop3A_724 : i32
        %parallel_loop3A_726 = arith.constant 7 : i32
        %parallel_loop3A_727 = arith.index_cast %parallel_loop3A_726 : i32 to index
        %parallel_loop3A_728 = arith.index_cast %parallel_loop3A_725 : i32 to index
        %parallel_loop3A_729 = arith.constant 0 : index
        %parallel_loop3A_730 = tpu.vector_load %arg12[%parallel_loop3A_727, %parallel_loop3A_728, %parallel_loop3A_729] {strides = array<i32>} : memref<8x128x16xf32, #tpu.memory_space<vmem>>, vector<1x1x16xf32>,
        %parallel_loop3A_731 = vector.shape_cast %parallel_loop3A_730 : vector<1x1x16xf32> to vector<16xf32>
        %parallel_loop3A_732 = vector.extract_strided_slice %parallel_loop3A_429 {offsets = [14], sizes = [1], strides = [1]} : vector<16xf32> to vector<1xf32>
        %parallel_loop3A_733 = vector.extract %parallel_loop3A_732[0] : f32 from vector<1xf32>
        %parallel_loop3A_734 = vector.broadcast %parallel_loop3A_733 : f32 to vector<16xf32>
        %parallel_loop3A_735 = arith.mulf %parallel_loop3A_731, %parallel_loop3A_734 : vector<16xf32>
        %parallel_loop3A_736 = arith.constant 14 : i32
        %parallel_loop3A_737 = arith.addi %parallel_loop3A_424, %parallel_loop3A_736 : i32
        %parallel_loop3A_738 = arith.constant 7 : i32
        %parallel_loop3A_739 = arith.index_cast %parallel_loop3A_738 : i32 to index
        %parallel_loop3A_740 = arith.index_cast %parallel_loop3A_737 : i32 to index
        %parallel_loop3A_741 = arith.constant 0 : index
        %parallel_loop3A_742 = tpu.vector_load %arg12[%parallel_loop3A_739, %parallel_loop3A_740, %parallel_loop3A_741] {strides = array<i32>} : memref<8x128x16xf32, #tpu.memory_space<vmem>>, vector<1x1x16xf32>,
        %parallel_loop3A_743 = vector.shape_cast %parallel_loop3A_742 : vector<1x1x16xf32> to vector<16xf32>
        %parallel_loop3A_744 = vector.shape_cast %parallel_loop3A_735 : vector<16xf32> to vector<1x1x16xf32>
        tpu.vector_store %arg12[%parallel_loop3A_739, %parallel_loop3A_740, %parallel_loop3A_741], %parallel_loop3A_744 {strides = array<i32>} : memref<8x128x16xf32, #tpu.memory_space<vmem>>, vector<1x1x16xf32>,
        %parallel_loop3A_745 = arith.constant 15 : i32
        %parallel_loop3A_746 = arith.addi %parallel_loop3A_424, %parallel_loop3A_745 : i32
        %parallel_loop3A_747 = arith.constant 7 : i32
        %parallel_loop3A_748 = arith.index_cast %parallel_loop3A_747 : i32 to index
        %parallel_loop3A_749 = arith.index_cast %parallel_loop3A_746 : i32 to index
        %parallel_loop3A_750 = arith.constant 0 : index
        %parallel_loop3A_751 = tpu.vector_load %arg12[%parallel_loop3A_748, %parallel_loop3A_749, %parallel_loop3A_750] {strides = array<i32>} : memref<8x128x16xf32, #tpu.memory_space<vmem>>, vector<1x1x16xf32>,
        %parallel_loop3A_752 = vector.shape_cast %parallel_loop3A_751 : vector<1x1x16xf32> to vector<16xf32>
        %parallel_loop3A_753 = vector.extract_strided_slice %parallel_loop3A_429 {offsets = [15], sizes = [1], strides = [1]} : vector<16xf32> to vector<1xf32>
        %parallel_loop3A_754 = vector.extract %parallel_loop3A_753[0] : f32 from vector<1xf32>
        %parallel_loop3A_755 = vector.broadcast %parallel_loop3A_754 : f32 to vector<16xf32>
        %parallel_loop3A_756 = arith.mulf %parallel_loop3A_752, %parallel_loop3A_755 : vector<16xf32>
        %parallel_loop3A_757 = arith.constant 15 : i32
        %parallel_loop3A_758 = arith.addi %parallel_loop3A_424, %parallel_loop3A_757 : i32
        %parallel_loop3A_759 = arith.constant 7 : i32
        %parallel_loop3A_760 = arith.index_cast %parallel_loop3A_759 : i32 to index
        %parallel_loop3A_761 = arith.index_cast %parallel_loop3A_758 : i32 to index
        %parallel_loop3A_762 = arith.constant 0 : index
        %parallel_loop3A_763 = tpu.vector_load %arg12[%parallel_loop3A_760, %parallel_loop3A_761, %parallel_loop3A_762] {strides = array<i32>} : memref<8x128x16xf32, #tpu.memory_space<vmem>>, vector<1x1x16xf32>,
        %parallel_loop3A_764 = vector.shape_cast %parallel_loop3A_763 : vector<1x1x16xf32> to vector<16xf32>
        %parallel_loop3A_765 = vector.shape_cast %parallel_loop3A_756 : vector<16xf32> to vector<1x1x16xf32>
        tpu.vector_store %arg12[%parallel_loop3A_760, %parallel_loop3A_761, %parallel_loop3A_762], %parallel_loop3A_765 {strides = array<i32>} : memref<8x128x16xf32, #tpu.memory_space<vmem>>, vector<1x1x16xf32>,
      } {sc.loop_unroll_factor = 2 : i64, sc.parallel_access}
      %dma_start3A_232 = arith.constant 0 : i32
      %dma_start3A_233 = arith.constant 0 : i32
      %dma_start3A_234 = arith.constant 0 : i32
      %dma_start3A_235 = arith.constant 0 : i32
      %dma_start3A_236 = tpu.memref_slice %arg12[%dma_start3A_232, %dma_start3A_234, %dma_start3A_235] : memref<8x128x16xf32, #tpu.memory_space<vmem>> -> memref<1x128x16xf32, #tpu.memory_space<vmem>>
      %dma_start3A_237 = tpu.memref_squeeze %dma_start3A_236 : memref<1x128x16xf32, #tpu.memory_space<vmem>> -> memref<128x16xf32, #tpu.memory_space<vmem>>
      %dma_start3A_238 = arith.constant 0 : i32
      %dma_start3A_239 = tpu.memref_slice %arg10[%dma_start3A_233, %dma_start3A_238] : memref<8x128xi32, #tpu.memory_space<vmem>> -> memref<1x128xi32, #tpu.memory_space<vmem>>
      %dma_start3A_240 = tpu.memref_squeeze %dma_start3A_239 : memref<1x128xi32, #tpu.memory_space<vmem>> -> memref<128xi32, #tpu.memory_space<vmem>>
      %dma_start3A_241 = arith.constant 0 : i32
      %dma_start3A_242 = arith.constant 0 : i32
      %dma_start3A_243 = tpu.memref_slice %arg8[%dma_start3A_241, %dma_start3A_242] : memref<100096x16xf32, #tpu.memory_space<vmem_shared>> -> memref<100096x16xf32, #tpu.memory_space<vmem_shared>>
      tpu.enqueue_indirect_dma source(%dma_start3A_237 : memref<128x16xf32, #tpu.memory_space<vmem>>) target(%dma_start3A_243 : memref<100096x16xf32, #tpu.memory_space<vmem_shared>>) offsets(%dma_start3A_240 : memref<128xi32, #tpu.memory_space<vmem>>) semaphore(%arg14 : memref<!tpu.dma_semaphore, #tpu.memory_space<semaphore_mem>>) {add = true}
      %dma_start3A_244 = arith.constant 1 : i32
      %dma_start3A_245 = arith.constant 1 : i32
      %dma_start3A_246 = arith.constant 0 : i32
      %dma_start3A_247 = arith.constant 0 : i32
      %dma_start3A_248 = tpu.memref_slice %arg12[%dma_start3A_244, %dma_start3A_246, %dma_start3A_247] : memref<8x128x16xf32, #tpu.memory_space<vmem>> -> memref<1x128x16xf32, #tpu.memory_space<vmem>>
      %dma_start3A_249 = tpu.memref_squeeze %dma_start3A_248 : memref<1x128x16xf32, #tpu.memory_space<vmem>> -> memref<128x16xf32, #tpu.memory_space<vmem>>
      %dma_start3A_250 = arith.constant 0 : i32
      %dma_start3A_251 = tpu.memref_slice %arg10[%dma_start3A_245, %dma_start3A_250] : memref<8x128xi32, #tpu.memory_space<vmem>> -> memref<1x128xi32, #tpu.memory_space<vmem>>
      %dma_start3A_252 = tpu.memref_squeeze %dma_start3A_251 : memref<1x128xi32, #tpu.memory_space<vmem>> -> memref<128xi32, #tpu.memory_space<vmem>>
      %dma_start3A_253 = arith.constant 0 : i32
      %dma_start3A_254 = arith.constant 0 : i32
      %dma_start3A_255 = tpu.memref_slice %arg8[%dma_start3A_253, %dma_start3A_254] : memref<100096x16xf32, #tpu.memory_space<vmem_shared>> -> memref<100096x16xf32, #tpu.memory_space<vmem_shared>>
      tpu.enqueue_indirect_dma source(%dma_start3A_249 : memref<128x16xf32, #tpu.memory_space<vmem>>) target(%dma_start3A_255 : memref<100096x16xf32, #tpu.memory_space<vmem_shared>>) offsets(%dma_start3A_252 : memref<128xi32, #tpu.memory_space<vmem>>) semaphore(%arg14 : memref<!tpu.dma_semaphore, #tpu.memory_space<semaphore_mem>>) {add = true}
      %dma_start3A_256 = arith.constant 2 : i32
      %dma_start3A_257 = arith.constant 2 : i32
      %dma_start3A_258 = arith.constant 0 : i32
      %dma_start3A_259 = arith.constant 0 : i32
      %dma_start3A_260 = tpu.memref_slice %arg12[%dma_start3A_256, %dma_start3A_258, %dma_start3A_259] : memref<8x128x16xf32, #tpu.memory_space<vmem>> -> memref<1x128x16xf32, #tpu.memory_space<vmem>>
      %dma_start3A_261 = tpu.memref_squeeze %dma_start3A_260 : memref<1x128x16xf32, #tpu.memory_space<vmem>> -> memref<128x16xf32, #tpu.memory_space<vmem>>
      %dma_start3A_262 = arith.constant 0 : i32
      %dma_start3A_263 = tpu.memref_slice %arg10[%dma_start3A_257, %dma_start3A_262] : memref<8x128xi32, #tpu.memory_space<vmem>> -> memref<1x128xi32, #tpu.memory_space<vmem>>
      %dma_start3A_264 = tpu.memref_squeeze %dma_start3A_263 : memref<1x128xi32, #tpu.memory_space<vmem>> -> memref<128xi32, #tpu.memory_space<vmem>>
      %dma_start3A_265 = arith.constant 0 : i32
      %dma_start3A_266 = arith.constant 0 : i32
      %dma_start3A_267 = tpu.memref_slice %arg8[%dma_start3A_265, %dma_start3A_266] : memref<100096x16xf32, #tpu.memory_space<vmem_shared>> -> memref<100096x16xf32, #tpu.memory_space<vmem_shared>>
      tpu.enqueue_indirect_dma source(%dma_start3A_261 : memref<128x16xf32, #tpu.memory_space<vmem>>) target(%dma_start3A_267 : memref<100096x16xf32, #tpu.memory_space<vmem_shared>>) offsets(%dma_start3A_264 : memref<128xi32, #tpu.memory_space<vmem>>) semaphore(%arg14 : memref<!tpu.dma_semaphore, #tpu.memory_space<semaphore_mem>>) {add = true}
      %dma_start3A_268 = arith.constant 3 : i32
      %dma_start3A_269 = arith.constant 3 : i32
      %dma_start3A_270 = arith.constant 0 : i32
      %dma_start3A_271 = arith.constant 0 : i32
      %dma_start3A_272 = tpu.memref_slice %arg12[%dma_start3A_268, %dma_start3A_270, %dma_start3A_271] : memref<8x128x16xf32, #tpu.memory_space<vmem>> -> memref<1x128x16xf32, #tpu.memory_space<vmem>>
      %dma_start3A_273 = tpu.memref_squeeze %dma_start3A_272 : memref<1x128x16xf32, #tpu.memory_space<vmem>> -> memref<128x16xf32, #tpu.memory_space<vmem>>
      %dma_start3A_274 = arith.constant 0 : i32
      %dma_start3A_275 = tpu.memref_slice %arg10[%dma_start3A_269, %dma_start3A_274] : memref<8x128xi32, #tpu.memory_space<vmem>> -> memref<1x128xi32, #tpu.memory_space<vmem>>
      %dma_start3A_276 = tpu.memref_squeeze %dma_start3A_275 : memref<1x128xi32, #tpu.memory_space<vmem>> -> memref<128xi32, #tpu.memory_space<vmem>>
      %dma_start3A_277 = arith.constant 0 : i32
      %dma_start3A_278 = arith.constant 0 : i32
      %dma_start3A_279 = tpu.memref_slice %arg8[%dma_start3A_277, %dma_start3A_278] : memref<100096x16xf32, #tpu.memory_space<vmem_shared>> -> memref<100096x16xf32, #tpu.memory_space<vmem_shared>>
      tpu.enqueue_indirect_dma source(%dma_start3A_273 : memref<128x16xf32, #tpu.memory_space<vmem>>) target(%dma_start3A_279 : memref<100096x16xf32, #tpu.memory_space<vmem_shared>>) offsets(%dma_start3A_276 : memref<128xi32, #tpu.memory_space<vmem>>) semaphore(%arg14 : memref<!tpu.dma_semaphore, #tpu.memory_space<semaphore_mem>>) {add = true}
      %dma_start3A_280 = arith.constant 4 : i32
      %dma_start3A_281 = arith.constant 4 : i32
      %dma_start3A_282 = arith.constant 0 : i32
      %dma_start3A_283 = arith.constant 0 : i32
      %dma_start3A_284 = tpu.memref_slice %arg12[%dma_start3A_280, %dma_start3A_282, %dma_start3A_283] : memref<8x128x16xf32, #tpu.memory_space<vmem>> -> memref<1x128x16xf32, #tpu.memory_space<vmem>>
      %dma_start3A_285 = tpu.memref_squeeze %dma_start3A_284 : memref<1x128x16xf32, #tpu.memory_space<vmem>> -> memref<128x16xf32, #tpu.memory_space<vmem>>
      %dma_start3A_286 = arith.constant 0 : i32
      %dma_start3A_287 = tpu.memref_slice %arg10[%dma_start3A_281, %dma_start3A_286] : memref<8x128xi32, #tpu.memory_space<vmem>> -> memref<1x128xi32, #tpu.memory_space<vmem>>
      %dma_start3A_288 = tpu.memref_squeeze %dma_start3A_287 : memref<1x128xi32, #tpu.memory_space<vmem>> -> memref<128xi32, #tpu.memory_space<vmem>>
      %dma_start3A_289 = arith.constant 0 : i32
      %dma_start3A_290 = arith.constant 0 : i32
      %dma_start3A_291 = tpu.memref_slice %arg8[%dma_start3A_289, %dma_start3A_290] : memref<100096x16xf32, #tpu.memory_space<vmem_shared>> -> memref<100096x16xf32, #tpu.memory_space<vmem_shared>>
      tpu.enqueue_indirect_dma source(%dma_start3A_285 : memref<128x16xf32, #tpu.memory_space<vmem>>) target(%dma_start3A_291 : memref<100096x16xf32, #tpu.memory_space<vmem_shared>>) offsets(%dma_start3A_288 : memref<128xi32, #tpu.memory_space<vmem>>) semaphore(%arg14 : memref<!tpu.dma_semaphore, #tpu.memory_space<semaphore_mem>>) {add = true}
      %dma_start3A_292 = arith.constant 5 : i32
      %dma_start3A_293 = arith.constant 5 : i32
      %dma_start3A_294 = arith.constant 0 : i32
      %dma_start3A_295 = arith.constant 0 : i32
      %dma_start3A_296 = tpu.memref_slice %arg12[%dma_start3A_292, %dma_start3A_294, %dma_start3A_295] : memref<8x128x16xf32, #tpu.memory_space<vmem>> -> memref<1x128x16xf32, #tpu.memory_space<vmem>>
      %dma_start3A_297 = tpu.memref_squeeze %dma_start3A_296 : memref<1x128x16xf32, #tpu.memory_space<vmem>> -> memref<128x16xf32, #tpu.memory_space<vmem>>
      %dma_start3A_298 = arith.constant 0 : i32
      %dma_start3A_299 = tpu.memref_slice %arg10[%dma_start3A_293, %dma_start3A_298] : memref<8x128xi32, #tpu.memory_space<vmem>> -> memref<1x128xi32, #tpu.memory_space<vmem>>
      %dma_start3A_300 = tpu.memref_squeeze %dma_start3A_299 : memref<1x128xi32, #tpu.memory_space<vmem>> -> memref<128xi32, #tpu.memory_space<vmem>>
      %dma_start3A_301 = arith.constant 0 : i32
      %dma_start3A_302 = arith.constant 0 : i32
      %dma_start3A_303 = tpu.memref_slice %arg8[%dma_start3A_301, %dma_start3A_302] : memref<100096x16xf32, #tpu.memory_space<vmem_shared>> -> memref<100096x16xf32, #tpu.memory_space<vmem_shared>>
      tpu.enqueue_indirect_dma source(%dma_start3A_297 : memref<128x16xf32, #tpu.memory_space<vmem>>) target(%dma_start3A_303 : memref<100096x16xf32, #tpu.memory_space<vmem_shared>>) offsets(%dma_start3A_300 : memref<128xi32, #tpu.memory_space<vmem>>) semaphore(%arg14 : memref<!tpu.dma_semaphore, #tpu.memory_space<semaphore_mem>>) {add = true}
      %dma_start3A_304 = arith.constant 6 : i32
      %dma_start3A_305 = arith.constant 6 : i32
      %dma_start3A_306 = arith.constant 0 : i32
      %dma_start3A_307 = arith.constant 0 : i32
      %dma_start3A_308 = tpu.memref_slice %arg12[%dma_start3A_304, %dma_start3A_306, %dma_start3A_307] : memref<8x128x16xf32, #tpu.memory_space<vmem>> -> memref<1x128x16xf32, #tpu.memory_space<vmem>>
      %dma_start3A_309 = tpu.memref_squeeze %dma_start3A_308 : memref<1x128x16xf32, #tpu.memory_space<vmem>> -> memref<128x16xf32, #tpu.memory_space<vmem>>
      %dma_start3A_310 = arith.constant 0 : i32
      %dma_start3A_311 = tpu.memref_slice %arg10[%dma_start3A_305, %dma_start3A_310] : memref<8x128xi32, #tpu.memory_space<vmem>> -> memref<1x128xi32, #tpu.memory_space<vmem>>
      %dma_start3A_312 = tpu.memref_squeeze %dma_start3A_311 : memref<1x128xi32, #tpu.memory_space<vmem>> -> memref<128xi32, #tpu.memory_space<vmem>>
      %dma_start3A_313 = arith.constant 0 : i32
      %dma_start3A_314 = arith.constant 0 : i32
      %dma_start3A_315 = tpu.memref_slice %arg8[%dma_start3A_313, %dma_start3A_314] : memref<100096x16xf32, #tpu.memory_space<vmem_shared>> -> memref<100096x16xf32, #tpu.memory_space<vmem_shared>>
      tpu.enqueue_indirect_dma source(%dma_start3A_309 : memref<128x16xf32, #tpu.memory_space<vmem>>) target(%dma_start3A_315 : memref<100096x16xf32, #tpu.memory_space<vmem_shared>>) offsets(%dma_start3A_312 : memref<128xi32, #tpu.memory_space<vmem>>) semaphore(%arg14 : memref<!tpu.dma_semaphore, #tpu.memory_space<semaphore_mem>>) {add = true}
      %dma_start3A_316 = arith.constant 7 : i32
      %dma_start3A_317 = arith.constant 7 : i32
      %dma_start3A_318 = arith.constant 0 : i32
      %dma_start3A_319 = arith.constant 0 : i32
      %dma_start3A_320 = tpu.memref_slice %arg12[%dma_start3A_316, %dma_start3A_318, %dma_start3A_319] : memref<8x128x16xf32, #tpu.memory_space<vmem>> -> memref<1x128x16xf32, #tpu.memory_space<vmem>>
      %dma_start3A_321 = tpu.memref_squeeze %dma_start3A_320 : memref<1x128x16xf32, #tpu.memory_space<vmem>> -> memref<128x16xf32, #tpu.memory_space<vmem>>
      %dma_start3A_322 = arith.constant 0 : i32
      %dma_start3A_323 = tpu.memref_slice %arg10[%dma_start3A_317, %dma_start3A_322] : memref<8x128xi32, #tpu.memory_space<vmem>> -> memref<1x128xi32, #tpu.memory_space<vmem>>
      %dma_start3A_324 = tpu.memref_squeeze %dma_start3A_323 : memref<1x128xi32, #tpu.memory_space<vmem>> -> memref<128xi32, #tpu.memory_space<vmem>>
      %dma_start3A_325 = arith.constant 0 : i32
      %dma_start3A_326 = arith.constant 0 : i32
      %dma_start3A_327 = tpu.memref_slice %arg8[%dma_start3A_325, %dma_start3A_326] : memref<100096x16xf32, #tpu.memory_space<vmem_shared>> -> memref<100096x16xf32, #tpu.memory_space<vmem_shared>>
      tpu.enqueue_indirect_dma source(%dma_start3A_321 : memref<128x16xf32, #tpu.memory_space<vmem>>) target(%dma_start3A_327 : memref<100096x16xf32, #tpu.memory_space<vmem_shared>>) offsets(%dma_start3A_324 : memref<128xi32, #tpu.memory_space<vmem>>) semaphore(%arg14 : memref<!tpu.dma_semaphore, #tpu.memory_space<semaphore_mem>>) {add = true}
      %dma_wait3A_328 = arith.constant 0 : i32
      %dma_wait3A_329 = arith.constant 0 : i32
      %dma_wait3A_330 = arith.constant 0 : i32
      %dma_wait3A_331 = arith.constant 0 : i32
      %dma_wait3A_332 = tpu.memref_slice %arg12[%dma_wait3A_328, %dma_wait3A_330, %dma_wait3A_331] : memref<8x128x16xf32, #tpu.memory_space<vmem>> -> memref<1x128x16xf32, #tpu.memory_space<vmem>>
      %dma_wait3A_333 = tpu.memref_squeeze %dma_wait3A_332 : memref<1x128x16xf32, #tpu.memory_space<vmem>> -> memref<128x16xf32, #tpu.memory_space<vmem>>
      %dma_wait3A_334 = arith.constant 0 : i32
      %dma_wait3A_335 = tpu.memref_slice %arg10[%dma_wait3A_329, %dma_wait3A_334] : memref<8x128xi32, #tpu.memory_space<vmem>> -> memref<1x128xi32, #tpu.memory_space<vmem>>
      %dma_wait3A_336 = tpu.memref_squeeze %dma_wait3A_335 : memref<1x128xi32, #tpu.memory_space<vmem>> -> memref<128xi32, #tpu.memory_space<vmem>>
      %dma_wait3A_337 = arith.constant 0 : i32
      %dma_wait3A_338 = arith.constant 0 : i32
      %dma_wait3A_339 = tpu.memref_slice %arg8[%dma_wait3A_337, %dma_wait3A_338] : memref<100096x16xf32, #tpu.memory_space<vmem_shared>> -> memref<100096x16xf32, #tpu.memory_space<vmem_shared>>
      tpu.wait_indirect_dma semaphore(%arg14 : memref<!tpu.dma_semaphore, #tpu.memory_space<semaphore_mem>>) src(%dma_wait3A_333 : memref<128x16xf32, #tpu.memory_space<vmem>>) dst(%dma_wait3A_339 : memref<100096x16xf32, #tpu.memory_space<vmem_shared>>)
      %dma_wait3A_340 = arith.constant 1 : i32
      %dma_wait3A_341 = arith.constant 1 : i32
      %dma_wait3A_342 = arith.constant 0 : i32
      %dma_wait3A_343 = arith.constant 0 : i32
      %dma_wait3A_344 = tpu.memref_slice %arg12[%dma_wait3A_340, %dma_wait3A_342, %dma_wait3A_343] : memref<8x128x16xf32, #tpu.memory_space<vmem>> -> memref<1x128x16xf32, #tpu.memory_space<vmem>>
      %dma_wait3A_345 = tpu.memref_squeeze %dma_wait3A_344 : memref<1x128x16xf32, #tpu.memory_space<vmem>> -> memref<128x16xf32, #tpu.memory_space<vmem>>
      %dma_wait3A_346 = arith.constant 0 : i32
      %dma_wait3A_347 = tpu.memref_slice %arg10[%dma_wait3A_341, %dma_wait3A_346] : memref<8x128xi32, #tpu.memory_space<vmem>> -> memref<1x128xi32, #tpu.memory_space<vmem>>
      %dma_wait3A_348 = tpu.memref_squeeze %dma_wait3A_347 : memref<1x128xi32, #tpu.memory_space<vmem>> -> memref<128xi32, #tpu.memory_space<vmem>>
      %dma_wait3A_349 = arith.constant 0 : i32
      %dma_wait3A_350 = arith.constant 0 : i32
      %dma_wait3A_351 = tpu.memref_slice %arg8[%dma_wait3A_349, %dma_wait3A_350] : memref<100096x16xf32, #tpu.memory_space<vmem_shared>> -> memref<100096x16xf32, #tpu.memory_space<vmem_shared>>
      tpu.wait_indirect_dma semaphore(%arg14 : memref<!tpu.dma_semaphore, #tpu.memory_space<semaphore_mem>>) src(%dma_wait3A_345 : memref<128x16xf32, #tpu.memory_space<vmem>>) dst(%dma_wait3A_351 : memref<100096x16xf32, #tpu.memory_space<vmem_shared>>)
      %dma_wait3A_352 = arith.constant 2 : i32
      %dma_wait3A_353 = arith.constant 2 : i32
      %dma_wait3A_354 = arith.constant 0 : i32
      %dma_wait3A_355 = arith.constant 0 : i32
      %dma_wait3A_356 = tpu.memref_slice %arg12[%dma_wait3A_352, %dma_wait3A_354, %dma_wait3A_355] : memref<8x128x16xf32, #tpu.memory_space<vmem>> -> memref<1x128x16xf32, #tpu.memory_space<vmem>>
      %dma_wait3A_357 = tpu.memref_squeeze %dma_wait3A_356 : memref<1x128x16xf32, #tpu.memory_space<vmem>> -> memref<128x16xf32, #tpu.memory_space<vmem>>
      %dma_wait3A_358 = arith.constant 0 : i32
      %dma_wait3A_359 = tpu.memref_slice %arg10[%dma_wait3A_353, %dma_wait3A_358] : memref<8x128xi32, #tpu.memory_space<vmem>> -> memref<1x128xi32, #tpu.memory_space<vmem>>
      %dma_wait3A_360 = tpu.memref_squeeze %dma_wait3A_359 : memref<1x128xi32, #tpu.memory_space<vmem>> -> memref<128xi32, #tpu.memory_space<vmem>>
      %dma_wait3A_361 = arith.constant 0 : i32
      %dma_wait3A_362 = arith.constant 0 : i32
      %dma_wait3A_363 = tpu.memref_slice %arg8[%dma_wait3A_361, %dma_wait3A_362] : memref<100096x16xf32, #tpu.memory_space<vmem_shared>> -> memref<100096x16xf32, #tpu.memory_space<vmem_shared>>
      tpu.wait_indirect_dma semaphore(%arg14 : memref<!tpu.dma_semaphore, #tpu.memory_space<semaphore_mem>>) src(%dma_wait3A_357 : memref<128x16xf32, #tpu.memory_space<vmem>>) dst(%dma_wait3A_363 : memref<100096x16xf32, #tpu.memory_space<vmem_shared>>)
      %dma_wait3A_364 = arith.constant 3 : i32
      %dma_wait3A_365 = arith.constant 3 : i32
      %dma_wait3A_366 = arith.constant 0 : i32
      %dma_wait3A_367 = arith.constant 0 : i32
      %dma_wait3A_368 = tpu.memref_slice %arg12[%dma_wait3A_364, %dma_wait3A_366, %dma_wait3A_367] : memref<8x128x16xf32, #tpu.memory_space<vmem>> -> memref<1x128x16xf32, #tpu.memory_space<vmem>>
      %dma_wait3A_369 = tpu.memref_squeeze %dma_wait3A_368 : memref<1x128x16xf32, #tpu.memory_space<vmem>> -> memref<128x16xf32, #tpu.memory_space<vmem>>
      %dma_wait3A_370 = arith.constant 0 : i32
      %dma_wait3A_371 = tpu.memref_slice %arg10[%dma_wait3A_365, %dma_wait3A_370] : memref<8x128xi32, #tpu.memory_space<vmem>> -> memref<1x128xi32, #tpu.memory_space<vmem>>
      %dma_wait3A_372 = tpu.memref_squeeze %dma_wait3A_371 : memref<1x128xi32, #tpu.memory_space<vmem>> -> memref<128xi32, #tpu.memory_space<vmem>>
      %dma_wait3A_373 = arith.constant 0 : i32
      %dma_wait3A_374 = arith.constant 0 : i32
      %dma_wait3A_375 = tpu.memref_slice %arg8[%dma_wait3A_373, %dma_wait3A_374] : memref<100096x16xf32, #tpu.memory_space<vmem_shared>> -> memref<100096x16xf32, #tpu.memory_space<vmem_shared>>
      tpu.wait_indirect_dma semaphore(%arg14 : memref<!tpu.dma_semaphore, #tpu.memory_space<semaphore_mem>>) src(%dma_wait3A_369 : memref<128x16xf32, #tpu.memory_space<vmem>>) dst(%dma_wait3A_375 : memref<100096x16xf32, #tpu.memory_space<vmem_shared>>)
      %dma_wait3A_376 = arith.constant 4 : i32
      %dma_wait3A_377 = arith.constant 4 : i32
      %dma_wait3A_378 = arith.constant 0 : i32
      %dma_wait3A_379 = arith.constant 0 : i32
      %dma_wait3A_380 = tpu.memref_slice %arg12[%dma_wait3A_376, %dma_wait3A_378, %dma_wait3A_379] : memref<8x128x16xf32, #tpu.memory_space<vmem>> -> memref<1x128x16xf32, #tpu.memory_space<vmem>>
      %dma_wait3A_381 = tpu.memref_squeeze %dma_wait3A_380 : memref<1x128x16xf32, #tpu.memory_space<vmem>> -> memref<128x16xf32, #tpu.memory_space<vmem>>
      %dma_wait3A_382 = arith.constant 0 : i32
      %dma_wait3A_383 = tpu.memref_slice %arg10[%dma_wait3A_377, %dma_wait3A_382] : memref<8x128xi32, #tpu.memory_space<vmem>> -> memref<1x128xi32, #tpu.memory_space<vmem>>
      %dma_wait3A_384 = tpu.memref_squeeze %dma_wait3A_383 : memref<1x128xi32, #tpu.memory_space<vmem>> -> memref<128xi32, #tpu.memory_space<vmem>>
      %dma_wait3A_385 = arith.constant 0 : i32
      %dma_wait3A_386 = arith.constant 0 : i32
      %dma_wait3A_387 = tpu.memref_slice %arg8[%dma_wait3A_385, %dma_wait3A_386] : memref<100096x16xf32, #tpu.memory_space<vmem_shared>> -> memref<100096x16xf32, #tpu.memory_space<vmem_shared>>
      tpu.wait_indirect_dma semaphore(%arg14 : memref<!tpu.dma_semaphore, #tpu.memory_space<semaphore_mem>>) src(%dma_wait3A_381 : memref<128x16xf32, #tpu.memory_space<vmem>>) dst(%dma_wait3A_387 : memref<100096x16xf32, #tpu.memory_space<vmem_shared>>)
      %dma_wait3A_388 = arith.constant 5 : i32
      %dma_wait3A_389 = arith.constant 5 : i32
      %dma_wait3A_390 = arith.constant 0 : i32
      %dma_wait3A_391 = arith.constant 0 : i32
      %dma_wait3A_392 = tpu.memref_slice %arg12[%dma_wait3A_388, %dma_wait3A_390, %dma_wait3A_391] : memref<8x128x16xf32, #tpu.memory_space<vmem>> -> memref<1x128x16xf32, #tpu.memory_space<vmem>>
      %dma_wait3A_393 = tpu.memref_squeeze %dma_wait3A_392 : memref<1x128x16xf32, #tpu.memory_space<vmem>> -> memref<128x16xf32, #tpu.memory_space<vmem>>
      %dma_wait3A_394 = arith.constant 0 : i32
      %dma_wait3A_395 = tpu.memref_slice %arg10[%dma_wait3A_389, %dma_wait3A_394] : memref<8x128xi32, #tpu.memory_space<vmem>> -> memref<1x128xi32, #tpu.memory_space<vmem>>
      %dma_wait3A_396 = tpu.memref_squeeze %dma_wait3A_395 : memref<1x128xi32, #tpu.memory_space<vmem>> -> memref<128xi32, #tpu.memory_space<vmem>>
      %dma_wait3A_397 = arith.constant 0 : i32
      %dma_wait3A_398 = arith.constant 0 : i32
      %dma_wait3A_399 = tpu.memref_slice %arg8[%dma_wait3A_397, %dma_wait3A_398] : memref<100096x16xf32, #tpu.memory_space<vmem_shared>> -> memref<100096x16xf32, #tpu.memory_space<vmem_shared>>
      tpu.wait_indirect_dma semaphore(%arg14 : memref<!tpu.dma_semaphore, #tpu.memory_space<semaphore_mem>>) src(%dma_wait3A_393 : memref<128x16xf32, #tpu.memory_space<vmem>>) dst(%dma_wait3A_399 : memref<100096x16xf32, #tpu.memory_space<vmem_shared>>)
      %dma_wait3A_400 = arith.constant 6 : i32
      %dma_wait3A_401 = arith.constant 6 : i32
      %dma_wait3A_402 = arith.constant 0 : i32
      %dma_wait3A_403 = arith.constant 0 : i32
      %dma_wait3A_404 = tpu.memref_slice %arg12[%dma_wait3A_400, %dma_wait3A_402, %dma_wait3A_403] : memref<8x128x16xf32, #tpu.memory_space<vmem>> -> memref<1x128x16xf32, #tpu.memory_space<vmem>>
      %dma_wait3A_405 = tpu.memref_squeeze %dma_wait3A_404 : memref<1x128x16xf32, #tpu.memory_space<vmem>> -> memref<128x16xf32, #tpu.memory_space<vmem>>
      %dma_wait3A_406 = arith.constant 0 : i32
      %dma_wait3A_407 = tpu.memref_slice %arg10[%dma_wait3A_401, %dma_wait3A_406] : memref<8x128xi32, #tpu.memory_space<vmem>> -> memref<1x128xi32, #tpu.memory_space<vmem>>
      %dma_wait3A_408 = tpu.memref_squeeze %dma_wait3A_407 : memref<1x128xi32, #tpu.memory_space<vmem>> -> memref<128xi32, #tpu.memory_space<vmem>>
      %dma_wait3A_409 = arith.constant 0 : i32
      %dma_wait3A_410 = arith.constant 0 : i32
      %dma_wait3A_411 = tpu.memref_slice %arg8[%dma_wait3A_409, %dma_wait3A_410] : memref<100096x16xf32, #tpu.memory_space<vmem_shared>> -> memref<100096x16xf32, #tpu.memory_space<vmem_shared>>
      tpu.wait_indirect_dma semaphore(%arg14 : memref<!tpu.dma_semaphore, #tpu.memory_space<semaphore_mem>>) src(%dma_wait3A_405 : memref<128x16xf32, #tpu.memory_space<vmem>>) dst(%dma_wait3A_411 : memref<100096x16xf32, #tpu.memory_space<vmem_shared>>)
      %dma_wait3A_412 = arith.constant 7 : i32
      %dma_wait3A_413 = arith.constant 7 : i32
      %dma_wait3A_414 = arith.constant 0 : i32
      %dma_wait3A_415 = arith.constant 0 : i32
      %dma_wait3A_416 = tpu.memref_slice %arg12[%dma_wait3A_412, %dma_wait3A_414, %dma_wait3A_415] : memref<8x128x16xf32, #tpu.memory_space<vmem>> -> memref<1x128x16xf32, #tpu.memory_space<vmem>>
      %dma_wait3A_417 = tpu.memref_squeeze %dma_wait3A_416 : memref<1x128x16xf32, #tpu.memory_space<vmem>> -> memref<128x16xf32, #tpu.memory_space<vmem>>
      %dma_wait3A_418 = arith.constant 0 : i32
      %dma_wait3A_419 = tpu.memref_slice %arg10[%dma_wait3A_413, %dma_wait3A_418] : memref<8x128xi32, #tpu.memory_space<vmem>> -> memref<1x128xi32, #tpu.memory_space<vmem>>
      %dma_wait3A_420 = tpu.memref_squeeze %dma_wait3A_419 : memref<1x128xi32, #tpu.memory_space<vmem>> -> memref<128xi32, #tpu.memory_space<vmem>>
      %dma_wait3A_421 = arith.constant 0 : i32
      %dma_wait3A_422 = arith.constant 0 : i32
      %dma_wait3A_423 = tpu.memref_slice %arg8[%dma_wait3A_421, %dma_wait3A_422] : memref<100096x16xf32, #tpu.memory_space<vmem_shared>> -> memref<100096x16xf32, #tpu.memory_space<vmem_shared>>
      tpu.wait_indirect_dma semaphore(%arg14 : memref<!tpu.dma_semaphore, #tpu.memory_space<semaphore_mem>>) src(%dma_wait3A_417 : memref<128x16xf32, #tpu.memory_space<vmem>>) dst(%dma_wait3A_423 : memref<100096x16xf32, #tpu.memory_space<vmem_shared>>)
    }
    %scan3A_7 = arith.constant 98 : i32
    %barrier3A_8 = arith.constant 0 : index
    tpu.barrier barrier_id(%barrier3A_8)
    %mul3A_9 = arith.constant 6256 : i32
    %mul3A_10 = arith.muli %arg1, %mul3A_9 : i32
    %mul3A_11 = arith.constant 6256 : i32
    %mul3A_12 = arith.muli %arg1, %mul3A_11 : i32
    "tpu.region"() ({
      %run_scoped3A = tpu.sem_alloc : memref<!tpu.dma_semaphore, #tpu.memory_space<semaphore_mem>>
      %dma_start3A = arith.constant 0 : i32
      %dma_start3A_13 = tpu.memref_slice %arg7[%arg0, %mul3A_12, %dma_start3A] : memref<2x100096x16xf32, #tpu.memory_space<hbm>> -> memref<1x6256x16xf32, #tpu.memory_space<hbm>>
      %dma_start3A_14 = tpu.memref_squeeze %dma_start3A_13 : memref<1x6256x16xf32, #tpu.memory_space<hbm>> -> memref<6256x16xf32, #tpu.memory_space<hbm>>
      %dma_start3A_15 = arith.constant 0 : i32
      %dma_start3A_16 = tpu.memref_slice %arg8[%mul3A_10, %dma_start3A_15] : memref<100096x16xf32, #tpu.memory_space<vmem_shared>> -> memref<6256x16xf32, #tpu.memory_space<vmem_shared>>
      tpu.enqueue_dma source(%dma_start3A_16 : memref<6256x16xf32, #tpu.memory_space<vmem_shared>>) target(%dma_start3A_14 : memref<6256x16xf32, #tpu.memory_space<hbm>>) target_semaphore(%run_scoped3A : memref<!tpu.dma_semaphore, #tpu.memory_space<semaphore_mem>>)
      %dma_wait3A = arith.constant 0 : i32
      %dma_wait3A_17 = tpu.memref_slice %arg7[%arg0, %mul3A_12, %dma_wait3A] : memref<2x100096x16xf32, #tpu.memory_space<hbm>> -> memref<1x6256x16xf32, #tpu.memory_space<hbm>>
      %dma_wait3A_18 = tpu.memref_squeeze %dma_wait3A_17 : memref<1x6256x16xf32, #tpu.memory_space<hbm>> -> memref<6256x16xf32, #tpu.memory_space<hbm>>
      %dma_wait3A_19 = arith.constant 0 : i32
      %dma_wait3A_20 = tpu.memref_slice %arg8[%mul3A_10, %dma_wait3A_19] : memref<100096x16xf32, #tpu.memory_space<vmem_shared>> -> memref<6256x16xf32, #tpu.memory_space<vmem_shared>>
      tpu.wait_dma2 semaphore(%run_scoped3A : memref<!tpu.dma_semaphore, #tpu.memory_space<semaphore_mem>>) src(%dma_wait3A_20 : memref<6256x16xf32, #tpu.memory_space<vmem_shared>>) dst(%dma_wait3A_18 : memref<6256x16xf32, #tpu.memory_space<hbm>>)
      tpu.yield
    }) : () -> ()
    return
  }
}

</mosaic_0001>

<sc_bundles>
// kernel: body.6.cloned.1.call-start
scs
__scs_entry_jumppad:
0x0: {  	(pc) =	sbr.rel $0x88, $3  }
0x1: {  	(tag) =	ssettag $0x0;
	lr =	simm.s32 $0x1  }
0x2: {  	[smem:$0x3F9A] =	sst lr;
	_ =	strace $0xD0000000  }
0x3: {  	_ = 	snop  }
0x4: {  	_ = 	snop  }
0x5: {  	_ = 	snop  }
0x6: {  	_ = 	snop  }
0x7: {  	_ = 	snop  }
__scs_overlays_trampoline_lowered:
0x8: {  	[smem:$0x3FA9] =	sst s0  }
0x9: {  	[smem:$0x3FAA] =	sst s1  }
0xa: {  	[smem:$0x3FAB] =	sst s2  }
0xb: {  	[smem:$0x3FAC] =	sst s3  }
0xc: {  	[smem:$0x3FAD] =	sst s4  }
0xd: {  	[smem:$0x3FAE] =	sst s5  }
0xe: {  	[smem:$0x3FAF] =	sst s6  }
0xf: {  	[smem:$0x3FB0] =	sst s7  }
0x10: {  	[smem:$0x3FB1] =	sst s8  }
0x11: {  	[smem:$0x3FB2] =	sst s9;
	s0 =	simm.s32 @!p0 $0x0  }
0x12: {  	s1 =	sld [smem:$0x3F98];
	s0 =	simm.s32 @p0 $0x1  }
0x13: {  	[smem:$0x3FB3] =	sst s0;
	s0 =	simm.s32 @!p1 $0x0  }
0x14: {  	s2 =	sld [smem:$0x3F97];
	s0 =	simm.s32 @p1 $0x1  }
0x15: {  	[smem:$0x3FB4] =	sst s0;
	s0 =	simm.s32 @!p2 $0x0  }
0x16: {  	s3 =	sld [smem:$0x3FDB];
	s0 =	simm.s32 @p2 $0x1  }
0x17: {  	s4 =	simm.s32 $0x1BF5;
	[smem:$0x3FB6] =	sst s0  }
0x18: {  	s0 =	sld [smem:$0x3F99];
	_ =	swait.ge [sflag:s4], $0x0  }
0x19: {  	s7 =	sld [smem:$0x3F9A]  }
0x1a: {  	s8 =	sadd.s32 $0xFFFFE003, lr  }
0x1b: {  	s9 =	sadd.s32 $0xFFFFFEF7, lr;
	s5 =	simm.s32 $0xFFFFFFFF;
	p2 =	slt.u32 s8, $0xFFFFF086  }
0x1c: {  	p1 =	slt.u32 s9, $0xF7A;
	s5 =	simm.s32 @!p2 $0x0  }
0x1d: {  	s5 =	simm.s32 @p1 $0x1;
	p0 =	seq.s32 s7, s2  }
0x1e: {  	s7 =	smul.u32 @!p0 $0xF7A, s2;
	p2 =	seq.s32 @!p0 s5, $0x0  }
0x1f: {  	s9 =	smul.u32 $0xF7A, s1;
	s8 =	simm.s32 @!p0 $0x1BF5;
	p2 =	por !p2, p0  }
0x20: {  	[sflag:s8] =	ssyncset.s32 @!p0 $0xFFFFF086;
	s6 =	sadd.s32 @!p0 s3, s7;
	s7 =	simm.s32 @!p0 $0x108  }
0x21: {  	s3 =	sadd.s32 s3, s9;
	s6 =	sadd.s32 @!p0 $0x88, s6;
	s7 =	simm.s32 @p2 $0x1082  }
0x22: {  	[simem:s7], [sflag:s8] =	dma.local @!p0 [hbm:s6], $0xF7A  }
0x23: {  	s9 =	sor.u32 $0xD0000000, s2;
	s6 =	simm.s32 $0x108;
	_ =	swait.ge @!p0 [sflag:s8], $0x0  }
0x24: {  	s3 =	sadd.s32 $0x88, s3;
	s6 =	simm.s32 @!p1 $0x1082;
	[sflag:s4] =	ssyncset.s32 $0xFFFFF086  }
0x25: {  	[simem:s6], [sflag:s4] =	dma.local [hbm:s3], $0xF7A  }
0x26: {  	[smem:$0x3F9A] =	sst s1;
	(tag) =	ssettag s2;
	_ =	strace s9  }
0x27: {  	s1 =	sld [smem:$0x3FAA]  }
0x28: {  	s2 =	sld [smem:$0x3FAB]  }
0x29: {  	s4 =	sld [smem:$0x3FAD]  }
0x2a: {  	p0 =	seq.s32 s5, $0x0;
	s5 =	sld [smem:$0x3FAE]  }
0x2b: {  	s6 =	sld [smem:$0x3FAF]  }
0x2c: {  	s7 =	sld [smem:$0x3FB0]  }
0x2d: {  	s3 =	simm.s32 $0x108;
	s8 =	sld [smem:$0x3FB1]  }
0x2e: {  	s3 =	simm.s32 @!p0 $0x1082;
	s9 =	sld [smem:$0x3FB2]  }
0x2f: {  	lr =	sadd.s32 s0, s3;
	s0 =	sld [smem:$0x3FA9]  }
0x30: {  	s3 =	sld [smem:$0x3FAC]  }
0x31: {  	[smem:$0x3FB5] =	sst s10  }
0x32: {  	s10 =	sld [smem:$0x3FB3];
	_ =	sdelay $0x3  }
0x33: {  	p0 =	seq.s32 s10, $0x1;
	s10 =	sld [smem:$0x3FB5];
	_ =	sdelay $0x3  }
0x34: {  	[smem:$0x3FB5] =	sst s10  }
0x35: {  	s10 =	sld [smem:$0x3FB4];
	_ =	sdelay $0x3  }
0x36: {  	p1 =	seq.s32 s10, $0x1;
	s10 =	sld [smem:$0x3FB5];
	_ =	sdelay $0x3  }
0x37: {  	[smem:$0x3FB5] =	sst s10  }
0x38: {  	s10 =	sld [smem:$0x3FB6]  }
0x39: {  	_ = 	snop;
	(pc) =	sbr.ind lr, $3  }
0x3a: {  	_ = 	snop  }
0x3b: {  	_ = 	snop  }
0x3c: {  	p2 =	seq.s32 s10, $0x1;
	s10 =	sld [smem:$0x3FB5]  }
0x3d: {  	_ =	shalt  }
0x3e: {  	_ =	shalt  }
0x3f: {  	_ =	shalt  }
0x40: {  	_ =	shalt  }
0x41: {  	_ =	shalt  }
0x42: {  	_ =	shalt  }
0x43: {  	_ =	shalt  }
0x44: {  	_ =	shalt  }
0x45: {  	_ =	shalt  }
0x46: {  	_ =	shalt  }
0x47: {  	_ =	shalt  }
0x48: {  	_ =	shalt  }
0x49: {  	_ =	shalt  }
0x4a: {  	_ =	shalt  }
0x4b: {  	_ =	shalt  }
0x4c: {  	_ =	shalt  }
0x4d: {  	_ =	shalt  }
0x4e: {  	_ =	shalt  }
0x4f: {  	_ =	shalt  }
0x50: {  	_ =	shalt  }
0x51: {  	_ =	shalt  }
0x52: {  	_ =	shalt  }
0x53: {  	_ =	shalt  }
0x54: {  	_ =	shalt  }
0x55: {  	_ =	shalt  }
0x56: {  	_ =	shalt  }
0x57: {  	_ =	shalt  }
0x58: {  	_ =	shalt  }
0x59: {  	_ =	shalt  }
0x5a: {  	_ =	shalt  }
0x5b: {  	_ =	shalt  }
0x5c: {  	_ =	shalt  }
0x5d: {  	_ =	shalt  }
0x5e: {  	_ =	shalt  }
0x5f: {  	_ =	shalt  }
0x60: {  	_ =	shalt  }
0x61: {  	_ =	shalt  }
0x62: {  	_ =	shalt  }
0x63: {  	_ =	shalt  }
0x64: {  	_ =	shalt  }
0x65: {  	_ =	shalt  }
0x66: {  	_ =	shalt  }
0x67: {  	_ =	shalt  }
0x68: {  	_ =	shalt  }
0x69: {  	_ =	shalt  }
0x6a: {  	_ =	shalt  }
0x6b: {  	_ =	shalt  }
0x6c: {  	_ =	shalt  }
0x6d: {  	_ =	shalt  }
0x6e: {  	_ =	shalt  }
0x6f: {  	_ =	shalt  }
0x70: {  	_ =	shalt  }
0x71: {  	_ =	shalt  }
0x72: {  	_ =	shalt  }
0x73: {  	_ =	shalt  }
0x74: {  	_ =	shalt  }
0x75: {  	_ =	shalt  }
0x76: {  	_ =	shalt  }
0x77: {  	_ =	shalt  }
0x78: {  	_ =	shalt  }
0x79: {  	_ =	shalt  }
0x7a: {  	_ =	shalt  }
0x7b: {  	_ =	shalt  }
0x7c: {  	_ =	shalt  }
0x7d: {  	_ =	shalt  }
0x7e: {  	_ =	shalt  }
0x7f: {  	_ =	shalt  }
0x80: {  	_ =	shalt  }
0x81: {  	_ =	shalt  }
0x82: {  	_ =	shalt  }
0x83: {  	_ =	shalt  }
0x84: {  	_ =	shalt  }
0x85: {  	_ =	shalt  }
0x86: {  	_ =	shalt  }
0x87: {  	_ =	shalt  }
.Lfunc_end0:
.L_simem_size_0:
called_computation_lowered:
.L_overlay_start_0:
0x88: {  	s2 =	sld [smem:$0x3FD9]  }
0x89: {  	s3 =	sld [smem:$0x3FFE];
	_ =	sdelay $0x1  }
0x8a: {  	s1 =	srdreg.scid  }
0x8b: {  	s0 =	sand.u32 $0x1, s1  }
0x8c: {  	s17 =	sshll.u32 s0, $0xA;
	s2 =	sadd.s32 s3, s2  }
0x8d: {  	s2 =	sadd.s32 s2, s17  }
0x8e: {  	[smem:$0x3FC1] =	sst s2  }
0x8f: {  	_ = 	snop  }
0x90: {  	s2 =	sld [smem:$0x3FD0];
	(tm) =	ssettm $0x1  }
0x91: {  	s18 =	sld [smem:$0x3FFB];
	_ =	sdelay $0x3  }
0x92: {  	_ =	strace s18  }
0x93: {  	s3 =	sld [smem:$0x3FFC];
	_ =	sdelay $0x3  }
0x94: {  	_ =	strace s3  }
0x95: {  	s3 =	sld [smem:$0x3FFD];
	_ =	sdelay $0x3  }
0x96: {  	_ =	strace s3  }
0x97: {  	_ =	strace $0x8FFFFFFF  }
0x98: {  	s19 =	sld [smem:$0x3FDB];
	_ =	sdelay $0x1  }
0x99: {  	s4 =	simm.s32 $_scs_section_size  }
0x9a: {  	s5 =	simm.s32 $_size__tile_overlayer_lowered;
	s6 =	simm.s32 $_tile_overlayer_lowered  }
0x9b: {  	s22 =	simm.s32 $0x1BFF;
	s21 =	sshll.u32 s6, $0x1;
	s3 =	sadd.s32 s4, s19  }
0x9c: {  	s7 =	simm.s32 $0x0;
	s20 =	sshll.u32 s5, $0x1;
	s5 =	sadd.s32 s21, s3  }
0x9d: {  	[timem:s7], [sflag:s22] =	dma.local [hbm:s5], s20  }
0x9e: {  	_ =	swait.ge [sflag:s22], s20  }
0x9f: {  	s4 =	ssub.s32 $0x0, s20;
	[sflag:s22] =	ssyncset.done $0x0  }
0xa0: {  	[sflag:s22] =	ssyncadd.s32 s4;
	_ =	sdelay $0x1  }
0xa1: {  	s23 =	simm.s32 $0x1B8B  }
0xa2: {  	_ =	swait.ge [sflag:s23], $0x1  }
0xa3: {  	[sflag:s23] =	ssyncset.done $0x0  }
0xa4: {  	s25 =	simm.s32 $0x1B8E;
	s24 =	sld [smem:$0x3FFE];
	[sflag:s23] =	ssyncadd.s32 $0xFFFFFFFF  }
0xa5: {  	s26 =	simm.s32 $execute0_lowered;
	[smem:$0x3FD2] =	sst s25  }
0xa6: {  	s5 =	sshll.u32 s26, $0x1;
	_ =	strace $0x80000046;
	[dreg:$0x1] =	wrdreg $0xFFFFFFFF  }
0xa7: {  	s28 =	simm.s32 $_size_execute0_lowered;
	s3 =	sadd.s32 s3, s5;
	[dreg:$0x0] =	wrdreg $0x0  }
0xa8: {  	s5 =	sshll.u32 s28, $0x1;
	[dreg:$0x2] =	wrdreg s3  }
0xa9: {  	[dreg:$0x3] =	wrdreg s5  }
0xaa: {  	[dreg:$0x4] =	wrdreg $0xC0  }
0xab: {  	_ =	task [dreg:s7], $0x5FFFF  }
0xac: {  	[dreg:$0x1] =	wrdreg $0xFFFFFFFF  }
0xad: {  	[dreg:$0x0] =	wrdreg $0x60  }
0xae: {  	[dreg:$0x2] =	wrdreg s2  }
0xaf: {  	[dreg:$0x3] =	wrdreg s24  }
0xb0: {  	[dreg:$0x4] =	wrdreg $0x0  }
0xb1: {  	[dreg:$0x5] =	wrdreg $0x9  }
0xb2: {  	_ =	task.clear_ibuf [dreg:s7], $0x6FFFF;
	_ =	strace $0x90000046  }
0xb3: {  	s29 =	simm.s32 $0x9;
	_ =	strace $0x80000048  }
0xb4: {  	_ =	swait.ge [sflag:s29], $0x1  }
0xb5: {  	[sflag:s29] =	ssyncadd.s32 $0xFFFFFFFF  }
0xb6: {  	_ =	strace $0x90000048  }
0xb7: {  	_ =	sfence  }
0xb8: {  	s30 =	sld [smem:$0x0];
	_ =	sdelay $0x2  }
0xb9: {  	s31 =	sshll.u32 s1, $0xD;
	s1 =	sshrl.u32 s1, $0x2  }
0xba: {  	s3 =	sand.u32 $0x4000, s31;
	s1 =	sadd.s32 s1, s30  }
0xbb: {  	s0 =	sor.u32 s3, s0;
	s1 =	sshll.u32 s1, $0x11  }
0xbc: {  	s0 =	sor.u32 s1, s0  }
0xbd: {  	s0 =	sadd.s32 $0x8F2B, s0  }
0xbe: {  	[sflag:s0] =	ssyncadd.remote.s32 $0x1  }
0xbf: {  	_ =	sfence.sel $0xFFFF  }
0xc0: {  	[dreg:$0x0] =	wrdreg $0xFFFFFFFF;
	(pc) =	sbr.abs _section_cstart, $3  }
0xc1: {  	[dreg:$0x1] =	wrdreg $0xFFFFFFFF  }
0xc2: {  	_ =	task.clear_ibuf [dreg:s7], $0x2FFFF;
	_ =	strace $0x9FFFFFFF  }
0xc3: {  	(tm) =	ssettm $0x7FFFFFFF  }
tec
execute0_lowered:
.L_overlay_start_1:
0x0: {  	(tag) =	ssettag $0x1  }
0x1: {  	s1 =	rddreg [dreg:$0x0]  }
0x2: {  	s0 =	rddreg [dreg:$0x1]  }
0x3: {  	s3 =	rddreg [dreg:$0x2]  }
0x4: {  	s2 =	srdreg.scid;
	s12 =	stileid.u32  }
0x5: {  	s4 =	simm.s32 $0x0;
	s14 =	simm.s32 $0x3;
	s15 =	simm.s32 $0x18700  }
0x6: {  	s16 =	simm.s32 $0x18B00;
	s18 =	simm.s32 $0x80;
	s19 =	simm.s32 $0x19300  }
0x7: {  	s21 =	simm.s32 $0x19B00;
	s23 =	simm.s32 $0x1A300;
	s28 =	simm.s32 $0x1B300  }
0x8: {  	s30 =	simm.s32 $0x1BB00;
	s20 =	simm.s32 $0x18D80;
	s22 =	simm.s32 $0x18E00  }
0x9: {  	s24 =	simm.s32 $0x18E80;
	s13 =	simm.s32 $0x0;
	s2 =	sand.u32 $0x1, s2  }
0xa: {  	s8 =	smul.u32 $0x18700, s12;
	[smem:$0x7FF] =	sst s4;
	s5 =	sadd.s32 $0xC5400, s0  }
0xb: {  	s6 =	sadd.s32 $0x2ADE00, s0;
	s7 =	sadd.s32 $0x1C00, s0;
	s10 =	sadd.s32 $0x63C00, s0  }
0xc: {  	s11 =	sshll.u32 s12, $0x1;
	s29 =	sshll.u32 s12, $0x6;
	s9 =	smul.u32 $0x187000, s2  }
0xd: {  	_ =	strace $0x80000047;
	[dreg:$0x4] =	wrdreg s10;
	s25 =	ssub.s32 $0x2, s2  }
0xe: {  	s2 =	sor.u32 s2, s11;
	s12 =	sor.u32 $0x1C03, s29;
	s9 =	sadd.s32 s8, s9  }
0xf: {  	s11 =	simm.s32 $0x1;
	s26 =	sshrl.u32 s25, $0x1;
	s9 =	sshrl.u32 s9, $0x3  }
0x10: {  	s10 =	smul.u32 $0x62, s2;
	[dreg:$0x5] =	wrdreg s12;
	s0 =	sadd.s32 s9, s0  }
0x11: {  	s8 =	sadd.s32 s8, s3;
	s9 =	ssub.s32 s25, s26;
	s0 =	sadd.s32 $0x30FE00, s0  }
0x12: {  	s25 =	simm.s32 $0x1AB00;
	s31 =	smax.u32 s9, $0x1;
	[dreg:$0x6] =	wrdreg s0  }
0x13: {  	s26 =	simm.s32 $0x2;
	s9 =	sshrl.u32 s8, $0x3;
	[dreg:$0x7] =	wrdreg s31  }
0x14: {  	s8 =	simm.s32 $0x1CB00;
	s0 =	simm.s32 $0x1C300;
	[dreg:$0x8] =	wrdreg s9  }
.LBB2_1:
0x15: {  	[dreg:$0x9] =	wrdreg s13  }
0x16: {  	s2 =	rddreg [dreg:$0x4]  }
0x17: {  	[spmem:s9], [sflag:s12] =	dma.local [hbm:s2], $0x30E0  }
0x18: {  	_ =	swait.ge [sflag:s14], $0x30E0  }
0x19: {  	[sflag:s14] =	ssyncset.done $0x0  }
0x1a: {  	[sflag:s14] =	ssyncadd.s32 $0xFFFFCF20  }
0x1b: {  	s29 =	simm.s32 $0x0;
	[bflag:$0x0] =	sbarrier.arrive $0xFFFF  }
.LBB2_2:
0x1c: {  	s2 =	sadd.s32 s10, s29  }
0x1d: {  	s2 =	sshll.u32 s2, $0x7  }
0x1e: {  	s9 =	sadd.s32 s5, s2  }
0x1f: {  	[tilespmem:s15], [sflag:$0x3] =	stream.linear.gather [hbm4b:s9+s4], $0x400, $0x38;
	[tilespmem:$0x1D300] =	vst v63  }
0x20: {  	_ =	swait.ge [sflag:s14], $0x400  }
0x21: {  	[sflag:s14] =	ssyncset.done $0x0  }
0x22: {  	s13 =	sadd.s32 s6, s2;
	[sflag:s14] =	ssyncadd.s32 $0xFFFFFC00  }
0x23: {  	[tilespmem:s16], [sflag:$0x3] =	stream.linear.gather [hbm4b:s13+s4], $0x400, $0x38;
	[tilespmem:$0x1D300] =	vst v63  }
0x24: {  	_ =	swait.ge [sflag:s14], $0x400  }
0x25: {  	[sflag:s14] =	ssyncset.done $0x0  }
0x26: {  	s17 =	simm.s32 $0x18F00;
	s2 =	sadd.s32 s7, s2;
	[sflag:s14] =	ssyncadd.s32 $0xFFFFFC00  }
0x27: {  	[tilespmem:s17], [sflag:$0x3] =	stream.linear.gather [hbm4b:s2+s4], $0x400, $0x38;
	[tilespmem:$0x1D300] =	vst v63  }
0x28: {  	_ =	swait.ge [sflag:s14], $0x400  }
0x29: {  	[sflag:s14] =	ssyncset.done $0x0  }
0x2a: {  	[sflag:s14] =	ssyncadd.s32 $0xFFFFFC00  }
0x2b: {  	[tilespmem:s19], [sflag:$0x1] =	stream.indirect.gather [hbm4b:s1+s18], $0x10, s15, s18, $0xb8;
	[tilespmem:$0x1D300] =	vst v63  }
0x2c: {  	s9 =	simm.s32 $0x18780  }
0x2d: {  	[tilespmem:s21], [sflag:$0x1] =	stream.indirect.gather [hbm4b:s1+s18], $0x10, s9, s18, $0xb8;
	[tilespmem:$0x1D300] =	vst v63  }
0x2e: {  	s12 =	simm.s32 $0x18800  }
0x2f: {  	[tilespmem:s23], [sflag:$0x1] =	stream.indirect.gather [hbm4b:s1+s18], $0x10, s12, s18, $0xb8;
	[tilespmem:$0x1D300] =	vst v63  }
0x30: {  	s13 =	simm.s32 $0x18880  }
0x31: {  	[tilespmem:s25], [sflag:$0x1] =	stream.indirect.gather [hbm4b:s1+s18], $0x10, s13, s18, $0xb8;
	[tilespmem:$0x1D300] =	vst v63  }
0x32: {  	s17 =	simm.s32 $0x18900  }
0x33: {  	[tilespmem:s28], [sflag:$0x1] =	stream.indirect.gather [hbm4b:s1+s18], $0x10, s17, s18, $0xb8;
	[tilespmem:$0x1D300] =	vst v63  }
0x34: {  	s9 =	simm.s32 $0x18980  }
0x35: {  	[tilespmem:s30], [sflag:$0x1] =	stream.indirect.gather [hbm4b:s1+s18], $0x10, s9, s18, $0xb8;
	[tilespmem:$0x1D300] =	vst v63  }
0x36: {  	s12 =	simm.s32 $0x18A00  }
0x37: {  	[tilespmem:s0], [sflag:$0x1] =	stream.indirect.gather [hbm4b:s1+s18], $0x10, s12, s18, $0xb8;
	[tilespmem:$0x1D300] =	vst v63  }
0x38: {  	s13 =	simm.s32 $0x18A80  }
0x39: {  	[tilespmem:s8], [sflag:$0x1] =	stream.indirect.gather [hbm4b:s1+s18], $0x10, s13, s18, $0xb8;
	[tilespmem:$0x1D300] =	vst v63  }
0x3a: {  	_ =	swait.ge [sflag:s11], $0x800  }
0x3b: {  	[sflag:s11] =	ssyncset.done $0x0  }
0x3c: {  	[sflag:s11] =	ssyncadd.s32 $0xFFFFF800  }
0x3d: {  	_ =	swait.ge [sflag:s11], $0x800  }
0x3e: {  	[sflag:s11] =	ssyncset.done $0x0  }
0x3f: {  	[sflag:s11] =	ssyncadd.s32 $0xFFFFF800  }
0x40: {  	_ =	swait.ge [sflag:s11], $0x800  }
0x41: {  	[sflag:s11] =	ssyncset.done $0x0  }
0x42: {  	[sflag:s11] =	ssyncadd.s32 $0xFFFFF800  }
0x43: {  	_ =	swait.ge [sflag:s11], $0x800  }
0x44: {  	[sflag:s11] =	ssyncset.done $0x0  }
0x45: {  	[sflag:s11] =	ssyncadd.s32 $0xFFFFF800  }
0x46: {  	_ =	swait.ge [sflag:s11], $0x800  }
0x47: {  	[sflag:s11] =	ssyncset.done $0x0  }
0x48: {  	[sflag:s11] =	ssyncadd.s32 $0xFFFFF800  }
0x49: {  	_ =	swait.ge [sflag:s11], $0x800  }
0x4a: {  	[sflag:s11] =	ssyncset.done $0x0  }
0x4b: {  	[sflag:s11] =	ssyncadd.s32 $0xFFFFF800  }
0x4c: {  	_ =	swait.ge [sflag:s11], $0x800  }
0x4d: {  	[sflag:s11] =	ssyncset.done $0x0  }
0x4e: {  	[sflag:s11] =	ssyncadd.s32 $0xFFFFF800  }
0x4f: {  	_ =	swait.ge [sflag:s11], $0x800  }
0x50: {  	[sflag:s11] =	ssyncset.done $0x0  }
0x51: {  	s17 =	simm.s32 $0x18F10;
	[sflag:s11] =	ssyncadd.s32 $0xFFFFF800  }
0x52: {  	v1 =	vld [tilespmem:s17+$0x0]  }
0x53: {  	s2 =	simm.s32 $0x19400;
	v0 =	vld [tilespmem:s17+$0xFFFFFFF0]  }
0x54: {  	v2 =	vld [tilespmem:s2+$0xF0]  }
0x55: {  	v6 =	vld [tilespmem:s2+$0xFFFFFF00]  }
0x56: {  	v7 =	vld [tilespmem:s2+$0xFFFFFF10]  }
0x57: {  	v8 =	vld [tilespmem:s2+$0xFFFFFF20];
	v9 =	vbroadcast v1, $0x0;
	v3 =	vbroadcast v1, $0xF  }
0x58: {  	v12 =	vld [tilespmem:s2+$0xFFFFFF30];
	v10 =	vbroadcast v0, $0x0;
	v11 =	vbroadcast v0, $0x1  }
0x59: {  	v14 =	vld [tilespmem:s2+$0xFFFFFF40];
	v13 =	vbroadcast v0, $0x2;
	v15 =	vbroadcast v0, $0x3  }
0x5a: {  	v17 =	vld [tilespmem:s2+$0xFFFFFF50];
	v16 =	vbroadcast v0, $0x4;
	v18 =	vbroadcast v0, $0x5  }
0x5b: {  	v19 =	vld [tilespmem:s2+$0xFFFFFF60];
	v20 =	vbroadcast v0, $0x6;
	v22 =	vbroadcast v0, $0x7  }
0x5c: {  	v21 =	vld [tilespmem:s2+$0xFFFFFF70];
	v23 =	vbroadcast v0, $0x8;
	v25 =	vbroadcast v0, $0x9  }
0x5d: {  	v24 =	vld [tilespmem:s2+$0xFFFFFF80];
	v26 =	vbroadcast v0, $0xA;
	v28 =	vbroadcast v0, $0xB  }
0x5e: {  	v27 =	vld [tilespmem:s2+$0xFFFFFF90];
	v29 =	vbroadcast v0, $0xC;
	v31 =	vbroadcast v0, $0xD  }
0x5f: {  	v30 =	vld [tilespmem:s2+$0xFFFFFFA0];
	v32 =	vbroadcast v0, $0xE;
	v34 =	vbroadcast v0, $0xF  }
0x60: {  	v33 =	vld [tilespmem:s2+$0xFFFFFFB0];
	v35 =	vbroadcast v1, $0x1;
	v37 =	vbroadcast v1, $0x2  }
0x61: {  	v36 =	vld [tilespmem:s2+$0xFFFFFFC0];
	v38 =	vbroadcast v1, $0x3;
	v40 =	vbroadcast v1, $0x4  }
0x62: {  	v39 =	vld [tilespmem:s2+$0xFFFFFFD0];
	v41 =	vbroadcast v1, $0x5;
	v43 =	vbroadcast v1, $0x6  }
0x63: {  	v42 =	vld [tilespmem:s2+$0xFFFFFFE0];
	v44 =	vbroadcast v1, $0x7;
	v46 =	vbroadcast v1, $0x8  }
0x64: {  	v47 =	vld [tilespmem:s2+$0x0];
	v4 =	vbroadcast v1, $0x9;
	v5 =	vbroadcast v1, $0xA  }
0x65: {  	v48 =	vld [tilespmem:s2+$0x10];
	v0 =	vbroadcast v1, $0xD;
	v2 =	vmul.f32 v2, v3  }
0x66: {  	v45 =	vld [tilespmem:s2+$0xFFFFFFF0];
	v3 =	vbroadcast v1, $0xB;
	v6 =	vmul.f32 v10, v6  }
0x67: {  	v49 =	vld [tilespmem:s2+$0x30];
	v7 =	vmul.f32 v7, v11;
	v8 =	vmul.f32 v8, v13  }
0x68: {  	v50 =	vld [tilespmem:s2+$0x40];
	v11 =	vmul.f32 v14, v16;
	v23 =	vmul.f32 v24, v23;
	[tilespmem:s2+$0xF0] =	vst v2  }
0x69: {  	v51 =	vld [tilespmem:s2+$0x50];
	v16 =	vmul.f32 v36, v29;
	v13 =	vmul.f32 v9, v47;
	[tilespmem:s2+$0xFFFFFF00] =	vst v6  }
0x6a: {  	v10 =	vld [tilespmem:s2+$0x20];
	v14 =	vmul.f32 v48, v35;
	v2 =	vbroadcast v1, $0xC;
	[tilespmem:s2+$0xFFFFFF10] =	vst v7  }
0x6b: {  	v24 =	vld [tilespmem:s2+$0x60];
	v1 =	vbroadcast v1, $0xE;
	v6 =	vmul.f32 v12, v15;
	[tilespmem:s2+$0xFFFFFF20] =	vst v8  }
0x6c: {  	v7 =	vmul.f32 v17, v18;
	v12 =	vmul.f32 v19, v20;
	[tilespmem:s2+$0xFFFFFF40] =	vst v11;
	v20 =	vld [tilespmem:s2+$0x90]  }
0x6d: {  	[tilespmem:s2+$0xFFFFFF30] =	vst v6;
	v6 =	vmul.f32 v27, v25;
	v25 =	vmul.f32 v30, v26;
	v26 =	vld [tilespmem:s2+$0x70]  }
0x6e: {  	v8 =	vmul.f32 v21, v22;
	v19 =	vmul.f32 v33, v28;
	[tilespmem:s2+$0xFFFFFF80] =	vst v23;
	v27 =	vld [tilespmem:s2+$0x80]  }
0x6f: {  	v18 =	vmul.f32 v39, v31;
	v15 =	vmul.f32 v42, v32;
	v21 =	vld [tilespmem:s2+$0xA0];
	[tilespmem:s2+$0xFFFFFF50] =	vst v7  }
0x70: {  	v17 =	vmul.f32 v45, v34;
	v22 =	vld [tilespmem:s2+$0xB0];
	[tilespmem:s2+$0xFFFFFF60] =	vst v12;
	v12 =	vmul.f32 v49, v38  }
0x71: {  	v23 =	vld [tilespmem:s2+$0xC0];
	[tilespmem:s2+$0xFFFFFF70] =	vst v8;
	v8 =	vmul.f32 v50, v40;
	v11 =	vmul.f32 v10, v37  }
0x72: {  	s31 =	simm.s32 $0x19CF0;
	s9 =	simm.s32 $0x19400;
	v10 =	vmul.f32 v51, v41;
	v7 =	vmul.f32 v24, v43;
	v24 =	vld [tilespmem:s2+$0xD0];
	[tilespmem:s2+$0xFFFFFF90] =	vst v6  }
0x73: {  	s12 =	simm.s32 $0x18F90;
	s13 =	simm.s32 $0x0;
	s17 =	simm.s32 $0x18F30;
	[tilespmem:s2+$0xFFFFFFA0] =	vst v25;
	v25 =	vld [tilespmem:s2+$0xE0];
	v9 =	vmul.f32 v26, v44;
	v6 =	vmul.f32 v27, v46  }
.LBB2_3:
0x74: {  	v26 =	vld [tilespmem:s17+$0x0];
	s13 =	sadd.s32 $0x20, s13;
	[tilespmem:s2+$0xFFFFFFB0] =	vst v19;
	v4 =	vmul.f32 v20, v4;
	v5 =	vmul.f32 v21, v5  }
0x75: {  	s2 =	sadd.s32 $0x200, s2;
	v19 =	vld [tilespmem:s17+$0xFFFFFFF0];
	p0 =	slt.u32 s13, $0x60;
	[tilespmem:s9+$0xFFFFFFC0] =	vst v16;
	v3 =	vmul.f32 v22, v3  }
0x76: {  	v16 =	vld [tilespmem:s2+$0xF0];
	[tilespmem:s9+$0xFFFFFFD0] =	vst v18;
	v2 =	vmul.f32 v23, v2  }
0x77: {  	v18 =	vld [tilespmem:s2+$0xFFFFFF00];
	[tilespmem:s9+$0xFFFFFFE0] =	vst v15;
	v0 =	vmul.f32 v24, v0  }
0x78: {  	v15 =	vld [tilespmem:s2+$0xFFFFFF10];
	[tilespmem:s9+$0xFFFFFFF0] =	vst v17;
	v1 =	vmul.f32 v25, v1  }
0x79: {  	v17 =	vld [tilespmem:s2+$0xFFFFFF20];
	v21 =	vbroadcast v26, $0x0;
	v20 =	vbroadcast v26, $0xF;
	[tilespmem:s9+$0x0] =	vst v13  }
0x7a: {  	v13 =	vbroadcast v19, $0x0;
	v22 =	vbroadcast v19, $0x1;
	v23 =	vld [tilespmem:s2+$0xFFFFFF30];
	[tilespmem:s9+$0x10] =	vst v14  }
0x7b: {  	v14 =	vbroadcast v19, $0x2;
	v24 =	vld [tilespmem:s2+$0xFFFFFF40];
	v16 =	vmul.f32 v16, v20;
	[tilespmem:s9+$0x20] =	vst v11  }
0x7c: {  	v11 =	vbroadcast v19, $0x3;
	v20 =	vbroadcast v19, $0x4;
	v25 =	vld [tilespmem:s2+$0xFFFFFF50];
	[tilespmem:s9+$0x30] =	vst v12  }
0x7d: {  	v28 =	vbroadcast v19, $0x6;
	v12 =	vbroadcast v19, $0x5;
	v27 =	vld [tilespmem:s2+$0xFFFFFF60];
	[tilespmem:s2+$0xF0] =	vst v16  }
0x7e: {  	v29 =	vbroadcast v19, $0x7;
	v30 =	vbroadcast v19, $0x8;
	v16 =	vld [tilespmem:s2+$0xFFFFFF70];
	[tilespmem:s9+$0x40] =	vst v8  }
0x7f: {  	v31 =	vbroadcast v19, $0x9;
	v32 =	vbroadcast v19, $0xA;
	v8 =	vld [tilespmem:s2+$0xFFFFFF80];
	[tilespmem:s9+$0x50] =	vst v10  }
0x80: {  	v33 =	vbroadcast v19, $0xB;
	v34 =	vbroadcast v19, $0xC;
	v10 =	vld [tilespmem:s2+$0xFFFFFF90];
	[tilespmem:s9+$0x60] =	vst v7  }
0x81: {  	v35 =	vbroadcast v19, $0xD;
	v36 =	vbroadcast v19, $0xE;
	v7 =	vld [tilespmem:s2+$0xFFFFFFA0];
	[tilespmem:s9+$0x70] =	vst v9  }
0x82: {  	v38 =	vbroadcast v26, $0x1;
	v37 =	vbroadcast v19, $0xF;
	v9 =	vld [tilespmem:s2+$0xFFFFFFB0];
	[tilespmem:s9+$0x80] =	vst v6  }
0x83: {  	v39 =	vbroadcast v26, $0x2;
	v40 =	vbroadcast v26, $0x3;
	v6 =	vld [tilespmem:s2+$0xFFFFFFC0];
	[tilespmem:s9+$0x90] =	vst v4  }
0x84: {  	v42 =	vbroadcast v26, $0x4;
	v43 =	vbroadcast v26, $0x5;
	v41 =	vld [tilespmem:s2+$0xFFFFFFD0];
	[tilespmem:s9+$0xA0] =	vst v5  }
0x85: {  	v45 =	vbroadcast v26, $0x6;
	v46 =	vbroadcast v26, $0x7;
	v44 =	vld [tilespmem:s2+$0xFFFFFFE0];
	[tilespmem:s9+$0xB0] =	vst v3  }
0x86: {  	v48 =	vbroadcast v26, $0x8;
	v4 =	vbroadcast v26, $0x9;
	v47 =	vld [tilespmem:s2+$0xFFFFFFF0];
	[tilespmem:s9+$0xC0] =	vst v2  }
0x87: {  	v5 =	vbroadcast v26, $0xA;
	v3 =	vbroadcast v26, $0xB;
	v49 =	vld [tilespmem:s2+$0x0];
	[tilespmem:s9+$0xD0] =	vst v0  }
0x88: {  	v2 =	vbroadcast v26, $0xC;
	v0 =	vbroadcast v26, $0xD;
	v50 =	vld [tilespmem:s2+$0x10];
	[tilespmem:s9+$0xE0] =	vst v1;
	s9 =	smov.u32 s2  }
0x89: {  	v13 =	vmul.f32 v13, v18;
	v1 =	vbroadcast v26, $0xE;
	v51 =	vld [tilespmem:s2+$0x20]  }
0x8a: {  	v15 =	vmul.f32 v15, v22;
	v14 =	vmul.f32 v17, v14;
	v26 =	vld [tilespmem:s2+$0x30]  }
0x8b: {  	v11 =	vmul.f32 v23, v11;
	[tilespmem:s2+$0xFFFFFF00] =	vst v13;
	v13 =	vmul.f32 v24, v20;
	v23 =	vld [tilespmem:s2+$0x40]  }
0x8c: {  	v12 =	vmul.f32 v25, v12;
	v17 =	vmul.f32 v27, v28;
	[tilespmem:s2+$0xFFFFFF10] =	vst v15;
	v24 =	vld [tilespmem:s2+$0x50]  }
0x8d: {  	v8 =	vmul.f32 v8, v30;
	[tilespmem:s2+$0xFFFFFF20] =	vst v14;
	v14 =	vmul.f32 v16, v29;
	v25 =	vld [tilespmem:s2+$0x60]  }
0x8e: {  	v10 =	vmul.f32 v10, v31;
	v27 =	vmul.f32 v7, v32;
	[tilespmem:s2+$0xFFFFFF30] =	vst v11;
	v28 =	vld [tilespmem:s2+$0x70]  }
0x8f: {  	v19 =	vmul.f32 v9, v33;
	v16 =	vmul.f32 v6, v34;
	[tilespmem:s2+$0xFFFFFF40] =	vst v13;
	v6 =	vld [tilespmem:s2+$0x80]  }
0x90: {  	v18 =	vmul.f32 v41, v35;
	v15 =	vmul.f32 v44, v36;
	[tilespmem:s2+$0xFFFFFF50] =	vst v12;
	v20 =	vld [tilespmem:s2+$0x90]  }
.Ltmp0:
0x91: {  	v13 =	vmul.f32 v21, v49;
	[tilespmem:s2+$0xFFFFFF60] =	vst v17;
	v17 =	vmul.f32 v47, v37;
	v21 =	vld [tilespmem:s2+$0xA0];
	(pc) =	sbr.rel @p0 .LBB2_3-.Ltmp0, $4  }
0x92: {  	v11 =	vmul.f32 v51, v39;
	[tilespmem:s2+$0xFFFFFF70] =	vst v14;
	v14 =	vmul.f32 v50, v38;
	v22 =	vld [tilespmem:s2+$0xB0]  }
0x93: {  	v12 =	vmul.f32 v26, v40;
	[tilespmem:s2+$0xFFFFFF80] =	vst v8;
	v8 =	vmul.f32 v23, v42;
	v23 =	vld [tilespmem:s2+$0xC0]  }
0x94: {  	v7 =	vmul.f32 v25, v45;
	[tilespmem:s2+$0xFFFFFF90] =	vst v10;
	v10 =	vmul.f32 v24, v43;
	v24 =	vld [tilespmem:s2+$0xD0]  }
0x95: {  	s17 =	sadd.s32 $0x20, s17;
	v9 =	vmul.f32 v28, v46;
	v6 =	vmul.f32 v6, v48;
	[tilespmem:s2+$0xFFFFFFA0] =	vst v27;
	v25 =	vld [tilespmem:s2+$0xE0]  }
0x96: {  	[tilespmem:s2+$0xFFFFFFB0] =	vst v19  }
0x97: {  	[tilespmem:s9+$0x0] =	vst v13  }
0x98: {  	[tilespmem:s9+$0x10] =	vst v14  }
0x99: {  	[tilespmem:s9+$0x20] =	vst v11  }
0x9a: {  	[tilespmem:s9+$0x30] =	vst v12  }
0x9b: {  	[tilespmem:s9+$0x40] =	vst v8  }
0x9c: {  	[tilespmem:s9+$0x50] =	vst v10  }
0x9d: {  	[tilespmem:s9+$0x60] =	vst v7  }
0x9e: {  	[tilespmem:s9+$0xFFFFFFC0] =	vst v16  }
0x9f: {  	[tilespmem:s9+$0xFFFFFFD0] =	vst v18  }
0xa0: {  	[tilespmem:s9+$0xFFFFFFE0] =	vst v15  }
0xa1: {  	[tilespmem:s9+$0xFFFFFFF0] =	vst v17  }
0xa2: {  	v4 =	vmul.f32 v20, v4;
	[tilespmem:s9+$0x70] =	vst v9  }
0xa3: {  	v5 =	vmul.f32 v21, v5;
	[tilespmem:s9+$0x80] =	vst v6  }
0xa4: {  	v3 =	vmul.f32 v22, v3;
	[tilespmem:s9+$0x90] =	vst v4  }
0xa5: {  	v2 =	vmul.f32 v23, v2;
	[tilespmem:s9+$0xA0] =	vst v5  }
0xa6: {  	v0 =	vmul.f32 v24, v0;
	[tilespmem:s9+$0xB0] =	vst v3  }
0xa7: {  	v1 =	vmul.f32 v25, v1;
	[tilespmem:s9+$0xC0] =	vst v2  }
0xa8: {  	[tilespmem:s9+$0xD0] =	vst v0  }
0xa9: {  	[tilespmem:s9+$0xE0] =	vst v1  }
0xaa: {  	v1 =	vld [tilespmem:s12+$0x0]  }
0xab: {  	v0 =	vld [tilespmem:s12+$0xFFFFFFF0]  }
0xac: {  	v2 =	vld [tilespmem:s31+$0x0]  }
0xad: {  	v6 =	vld [tilespmem:s31+$0xFFFFFE10]  }
0xae: {  	v7 =	vld [tilespmem:s31+$0xFFFFFE20]  }
0xaf: {  	v8 =	vld [tilespmem:s31+$0xFFFFFE30];
	v9 =	vbroadcast v1, $0x0;
	v3 =	vbroadcast v1, $0xF  }
0xb0: {  	v12 =	vld [tilespmem:s31+$0xFFFFFE40];
	v10 =	vbroadcast v0, $0x0;
	v11 =	vbroadcast v0, $0x1  }
0xb1: {  	v14 =	vld [tilespmem:s31+$0xFFFFFE50];
	v13 =	vbroadcast v0, $0x2;
	v15 =	vbroadcast v0, $0x3  }
0xb2: {  	v17 =	vld [tilespmem:s31+$0xFFFFFE60];
	v16 =	vbroadcast v0, $0x4;
	v18 =	vbroadcast v0, $0x5  }
0xb3: {  	v19 =	vld [tilespmem:s31+$0xFFFFFE70];
	v20 =	vbroadcast v0, $0x6;
	v22 =	vbroadcast v0, $0x7  }
0xb4: {  	v21 =	vld [tilespmem:s31+$0xFFFFFE80];
	v23 =	vbroadcast v0, $0x8;
	v25 =	vbroadcast v0, $0x9  }
0xb5: {  	v24 =	vld [tilespmem:s31+$0xFFFFFE90];
	v26 =	vbroadcast v0, $0xA;
	v28 =	vbroadcast v0, $0xB  }
0xb6: {  	v27 =	vld [tilespmem:s31+$0xFFFFFEA0];
	v29 =	vbroadcast v0, $0xC;
	v31 =	vbroadcast v0, $0xD  }
0xb7: {  	v30 =	vld [tilespmem:s31+$0xFFFFFEB0];
	v32 =	vbroadcast v0, $0xE;
	v34 =	vbroadcast v0, $0xF  }
0xb8: {  	v33 =	vld [tilespmem:s31+$0xFFFFFEC0];
	v35 =	vbroadcast v1, $0x1;
	v37 =	vbroadcast v1, $0x2  }
0xb9: {  	v36 =	vld [tilespmem:s31+$0xFFFFFED0];
	v38 =	vbroadcast v1, $0x3;
	v40 =	vbroadcast v1, $0x4  }
0xba: {  	v39 =	vld [tilespmem:s31+$0xFFFFFEE0];
	v41 =	vbroadcast v1, $0x5;
	v43 =	vbroadcast v1, $0x6  }
0xbb: {  	v42 =	vld [tilespmem:s31+$0xFFFFFEF0];
	v44 =	vbroadcast v1, $0x7;
	v46 =	vbroadcast v1, $0x8  }
0xbc: {  	v47 =	vld [tilespmem:s31+$0xFFFFFF10];
	v4 =	vbroadcast v1, $0x9;
	v5 =	vbroadcast v1, $0xA  }
0xbd: {  	v48 =	vld [tilespmem:s31+$0xFFFFFF20];
	v0 =	vbroadcast v1, $0xD;
	v2 =	vmul.f32 v2, v3  }
0xbe: {  	v45 =	vld [tilespmem:s31+$0xFFFFFF00];
	v3 =	vbroadcast v1, $0xB;
	v6 =	vmul.f32 v10, v6  }
0xbf: {  	v49 =	vld [tilespmem:s31+$0xFFFFFF40];
	v7 =	vmul.f32 v7, v11;
	v8 =	vmul.f32 v8, v13  }
0xc0: {  	v50 =	vld [tilespmem:s31+$0xFFFFFF50];
	v11 =	vmul.f32 v14, v16;
	v23 =	vmul.f32 v24, v23;
	[tilespmem:s31+$0x0] =	vst v2  }
0xc1: {  	v51 =	vld [tilespmem:s31+$0xFFFFFF60];
	v16 =	vmul.f32 v36, v29;
	v13 =	vmul.f32 v9, v47;
	[tilespmem:s31+$0xFFFFFE10] =	vst v6  }
0xc2: {  	v10 =	vld [tilespmem:s31+$0xFFFFFF30];
	v14 =	vmul.f32 v48, v35;
	v2 =	vbroadcast v1, $0xC;
	[tilespmem:s31+$0xFFFFFE20] =	vst v7  }
0xc3: {  	v24 =	vld [tilespmem:s31+$0xFFFFFF70];
	v1 =	vbroadcast v1, $0xE;
	v6 =	vmul.f32 v12, v15;
	[tilespmem:s31+$0xFFFFFE30] =	vst v8  }
0xc4: {  	v7 =	vmul.f32 v17, v18;
	v12 =	vmul.f32 v19, v20;
	[tilespmem:s31+$0xFFFFFE50] =	vst v11;
	v20 =	vld [tilespmem:s31+$0xFFFFFFA0]  }
0xc5: {  	[tilespmem:s31+$0xFFFFFE40] =	vst v6;
	v6 =	vmul.f32 v27, v25;
	v25 =	vmul.f32 v30, v26;
	v26 =	vld [tilespmem:s31+$0xFFFFFF80]  }
0xc6: {  	v8 =	vmul.f32 v21, v22;
	v19 =	vmul.f32 v33, v28;
	[tilespmem:s31+$0xFFFFFE90] =	vst v23;
	v27 =	vld [tilespmem:s31+$0xFFFFFF90]  }
0xc7: {  	v18 =	vmul.f32 v39, v31;
	v15 =	vmul.f32 v42, v32;
	v21 =	vld [tilespmem:s31+$0xFFFFFFB0];
	[tilespmem:s31+$0xFFFFFE60] =	vst v7  }
0xc8: {  	v17 =	vmul.f32 v45, v34;
	v22 =	vld [tilespmem:s31+$0xFFFFFFC0];
	[tilespmem:s31+$0xFFFFFE70] =	vst v12;
	v12 =	vmul.f32 v49, v38  }
0xc9: {  	v23 =	vld [tilespmem:s31+$0xFFFFFFD0];
	[tilespmem:s31+$0xFFFFFE80] =	vst v8;
	v8 =	vmul.f32 v50, v40;
	v11 =	vmul.f32 v10, v37  }
0xca: {  	s13 =	simm.s32 $0x0;
	s2 =	simm.s32 $0x1A4F0;
	v10 =	vmul.f32 v51, v41;
	v7 =	vmul.f32 v24, v43;
	v24 =	vld [tilespmem:s31+$0xFFFFFFE0];
	[tilespmem:s31+$0xFFFFFEA0] =	vst v6  }
0xcb: {  	s17 =	simm.s32 $0x18FB0;
	s9 =	simm.s32 $0x19CF0;
	s12 =	simm.s32 $0x19010;
	[tilespmem:s31+$0xFFFFFEB0] =	vst v25;
	v25 =	vld [tilespmem:s31+$0xFFFFFFF0];
	v9 =	vmul.f32 v26, v44;
	v6 =	vmul.f32 v27, v46  }
.LBB2_5:
0xcc: {  	v26 =	vld [tilespmem:s17+$0x0];
	s13 =	sadd.s32 $0x20, s13;
	[tilespmem:s31+$0xFFFFFEC0] =	vst v19;
	v4 =	vmul.f32 v20, v4;
	v5 =	vmul.f32 v21, v5  }
0xcd: {  	s31 =	sadd.s32 $0x200, s31;
	v19 =	vld [tilespmem:s17+$0xFFFFFFF0];
	p0 =	slt.u32 s13, $0x60;
	[tilespmem:s9+$0xFFFFFED0] =	vst v16;
	v3 =	vmul.f32 v22, v3  }
0xce: {  	v16 =	vld [tilespmem:s31+$0x0];
	[tilespmem:s9+$0xFFFFFEE0] =	vst v18;
	v2 =	vmul.f32 v23, v2  }
0xcf: {  	v18 =	vld [tilespmem:s31+$0xFFFFFE10];
	[tilespmem:s9+$0xFFFFFEF0] =	vst v15;
	v0 =	vmul.f32 v24, v0  }
0xd0: {  	v15 =	vld [tilespmem:s31+$0xFFFFFE20];
	[tilespmem:s9+$0xFFFFFF00] =	vst v17;
	v1 =	vmul.f32 v25, v1  }
0xd1: {  	v17 =	vld [tilespmem:s31+$0xFFFFFE30];
	v21 =	vbroadcast v26, $0x0;
	v20 =	vbroadcast v26, $0xF;
	[tilespmem:s9+$0xFFFFFF10] =	vst v13  }
0xd2: {  	v13 =	vbroadcast v19, $0x0;
	v22 =	vbroadcast v19, $0x1;
	v23 =	vld [tilespmem:s31+$0xFFFFFE40];
	[tilespmem:s9+$0xFFFFFF20] =	vst v14  }
0xd3: {  	v14 =	vbroadcast v19, $0x2;
	v24 =	vld [tilespmem:s31+$0xFFFFFE50];
	v16 =	vmul.f32 v16, v20;
	[tilespmem:s9+$0xFFFFFF30] =	vst v11  }
0xd4: {  	v11 =	vbroadcast v19, $0x3;
	v20 =	vbroadcast v19, $0x4;
	v25 =	vld [tilespmem:s31+$0xFFFFFE60];
	[tilespmem:s9+$0xFFFFFF40] =	vst v12  }
0xd5: {  	v28 =	vbroadcast v19, $0x6;
	v12 =	vbroadcast v19, $0x5;
	v27 =	vld [tilespmem:s31+$0xFFFFFE70];
	[tilespmem:s31+$0x0] =	vst v16  }
0xd6: {  	v29 =	vbroadcast v19, $0x7;
	v30 =	vbroadcast v19, $0x8;
	v16 =	vld [tilespmem:s31+$0xFFFFFE80];
	[tilespmem:s9+$0xFFFFFF50] =	vst v8  }
0xd7: {  	v31 =	vbroadcast v19, $0x9;
	v32 =	vbroadcast v19, $0xA;
	v8 =	vld [tilespmem:s31+$0xFFFFFE90];
	[tilespmem:s9+$0xFFFFFF60] =	vst v10  }
0xd8: {  	v33 =	vbroadcast v19, $0xB;
	v34 =	vbroadcast v19, $0xC;
	v10 =	vld [tilespmem:s31+$0xFFFFFEA0];
	[tilespmem:s9+$0xFFFFFF70] =	vst v7  }
0xd9: {  	v35 =	vbroadcast v19, $0xD;
	v36 =	vbroadcast v19, $0xE;
	v7 =	vld [tilespmem:s31+$0xFFFFFEB0];
	[tilespmem:s9+$0xFFFFFF80] =	vst v9  }
0xda: {  	v38 =	vbroadcast v26, $0x1;
	v37 =	vbroadcast v19, $0xF;
	v9 =	vld [tilespmem:s31+$0xFFFFFEC0];
	[tilespmem:s9+$0xFFFFFF90] =	vst v6  }
0xdb: {  	v39 =	vbroadcast v26, $0x2;
	v40 =	vbroadcast v26, $0x3;
	v6 =	vld [tilespmem:s31+$0xFFFFFED0];
	[tilespmem:s9+$0xFFFFFFA0] =	vst v4  }
0xdc: {  	v42 =	vbroadcast v26, $0x4;
	v43 =	vbroadcast v26, $0x5;
	v41 =	vld [tilespmem:s31+$0xFFFFFEE0];
	[tilespmem:s9+$0xFFFFFFB0] =	vst v5  }
0xdd: {  	v45 =	vbroadcast v26, $0x6;
	v46 =	vbroadcast v26, $0x7;
	v44 =	vld [tilespmem:s31+$0xFFFFFEF0];
	[tilespmem:s9+$0xFFFFFFC0] =	vst v3  }
0xde: {  	v48 =	vbroadcast v26, $0x8;
	v4 =	vbroadcast v26, $0x9;
	v47 =	vld [tilespmem:s31+$0xFFFFFF00];
	[tilespmem:s9+$0xFFFFFFD0] =	vst v2  }
0xdf: {  	v5 =	vbroadcast v26, $0xA;
	v3 =	vbroadcast v26, $0xB;
	v49 =	vld [tilespmem:s31+$0xFFFFFF10];
	[tilespmem:s9+$0xFFFFFFE0] =	vst v0  }
0xe0: {  	v2 =	vbroadcast v26, $0xC;
	v0 =	vbroadcast v26, $0xD;
	v50 =	vld [tilespmem:s31+$0xFFFFFF20];
	[tilespmem:s9+$0xFFFFFFF0] =	vst v1;
	s9 =	smov.u32 s31  }
0xe1: {  	v13 =	vmul.f32 v13, v18;
	v1 =	vbroadcast v26, $0xE;
	v51 =	vld [tilespmem:s31+$0xFFFFFF30]  }
0xe2: {  	v15 =	vmul.f32 v15, v22;
	v14 =	vmul.f32 v17, v14;
	v26 =	vld [tilespmem:s31+$0xFFFFFF40]  }
0xe3: {  	v11 =	vmul.f32 v23, v11;
	[tilespmem:s31+$0xFFFFFE10] =	vst v13;
	v13 =	vmul.f32 v24, v20;
	v23 =	vld [tilespmem:s31+$0xFFFFFF50]  }
0xe4: {  	v12 =	vmul.f32 v25, v12;
	v17 =	vmul.f32 v27, v28;
	[tilespmem:s31+$0xFFFFFE20] =	vst v15;
	v24 =	vld [tilespmem:s31+$0xFFFFFF60]  }
0xe5: {  	v8 =	vmul.f32 v8, v30;
	[tilespmem:s31+$0xFFFFFE30] =	vst v14;
	v14 =	vmul.f32 v16, v29;
	v25 =	vld [tilespmem:s31+$0xFFFFFF70]  }
0xe6: {  	v10 =	vmul.f32 v10, v31;
	v27 =	vmul.f32 v7, v32;
	[tilespmem:s31+$0xFFFFFE40] =	vst v11;
	v28 =	vld [tilespmem:s31+$0xFFFFFF80]  }
0xe7: {  	v19 =	vmul.f32 v9, v33;
	v16 =	vmul.f32 v6, v34;
	[tilespmem:s31+$0xFFFFFE50] =	vst v13;
	v6 =	vld [tilespmem:s31+$0xFFFFFF90]  }
0xe8: {  	v18 =	vmul.f32 v41, v35;
	v15 =	vmul.f32 v44, v36;
	[tilespmem:s31+$0xFFFFFE60] =	vst v12;
	v20 =	vld [tilespmem:s31+$0xFFFFFFA0]  }
.Ltmp1:
0xe9: {  	v13 =	vmul.f32 v21, v49;
	[tilespmem:s31+$0xFFFFFE70] =	vst v17;
	v17 =	vmul.f32 v47, v37;
	v21 =	vld [tilespmem:s31+$0xFFFFFFB0];
	(pc) =	sbr.rel @p0 .LBB2_5-.Ltmp1, $4  }
0xea: {  	v11 =	vmul.f32 v51, v39;
	[tilespmem:s31+$0xFFFFFE80] =	vst v14;
	v14 =	vmul.f32 v50, v38;
	v22 =	vld [tilespmem:s31+$0xFFFFFFC0]  }
0xeb: {  	v12 =	vmul.f32 v26, v40;
	[tilespmem:s31+$0xFFFFFE90] =	vst v8;
	v8 =	vmul.f32 v23, v42;
	v23 =	vld [tilespmem:s31+$0xFFFFFFD0]  }
0xec: {  	v7 =	vmul.f32 v25, v45;
	[tilespmem:s31+$0xFFFFFEA0] =	vst v10;
	v10 =	vmul.f32 v24, v43;
	v24 =	vld [tilespmem:s31+$0xFFFFFFE0]  }
0xed: {  	s17 =	sadd.s32 $0x20, s17;
	v9 =	vmul.f32 v28, v46;
	v6 =	vmul.f32 v6, v48;
	[tilespmem:s31+$0xFFFFFEB0] =	vst v27;
	v25 =	vld [tilespmem:s31+$0xFFFFFFF0]  }
0xee: {  	[tilespmem:s31+$0xFFFFFEC0] =	vst v19  }
0xef: {  	[tilespmem:s9+$0xFFFFFF10] =	vst v13  }
0xf0: {  	[tilespmem:s9+$0xFFFFFF20] =	vst v14  }
0xf1: {  	[tilespmem:s9+$0xFFFFFF30] =	vst v11  }
0xf2: {  	[tilespmem:s9+$0xFFFFFF40] =	vst v12  }
0xf3: {  	[tilespmem:s9+$0xFFFFFF50] =	vst v8  }
0xf4: {  	[tilespmem:s9+$0xFFFFFF60] =	vst v10  }
0xf5: {  	[tilespmem:s9+$0xFFFFFF70] =	vst v7  }
0xf6: {  	[tilespmem:s9+$0xFFFFFED0] =	vst v16  }
0xf7: {  	[tilespmem:s9+$0xFFFFFEE0] =	vst v18  }
0xf8: {  	[tilespmem:s9+$0xFFFFFEF0] =	vst v15  }
0xf9: {  	[tilespmem:s9+$0xFFFFFF00] =	vst v17  }
0xfa: {  	v4 =	vmul.f32 v20, v4;
	[tilespmem:s9+$0xFFFFFF80] =	vst v9  }
0xfb: {  	v5 =	vmul.f32 v21, v5;
	[tilespmem:s9+$0xFFFFFF90] =	vst v6  }
0xfc: {  	v3 =	vmul.f32 v22, v3;
	[tilespmem:s9+$0xFFFFFFA0] =	vst v4  }
0xfd: {  	v2 =	vmul.f32 v23, v2;
	[tilespmem:s9+$0xFFFFFFB0] =	vst v5  }
0xfe: {  	v0 =	vmul.f32 v24, v0;
	[tilespmem:s9+$0xFFFFFFC0] =	vst v3  }
0xff: {  	v1 =	vmul.f32 v25, v1;
	[tilespmem:s9+$0xFFFFFFD0] =	vst v2  }
0x100: {  	[tilespmem:s9+$0xFFFFFFE0] =	vst v0  }
0x101: {  	[tilespmem:s9+$0xFFFFFFF0] =	vst v1  }
0x102: {  	v1 =	vld [tilespmem:s12+$0x0]  }
0x103: {  	v0 =	vld [tilespmem:s12+$0xFFFFFFF0]  }
0x104: {  	v2 =	vld [tilespmem:s2+$0x0]  }
0x105: {  	v6 =	vld [tilespmem:s2+$0xFFFFFE10]  }
0x106: {  	v7 =	vld [tilespmem:s2+$0xFFFFFE20]  }
0x107: {  	v8 =	vld [tilespmem:s2+$0xFFFFFE30];
	v9 =	vbroadcast v1, $0x0;
	v3 =	vbroadcast v1, $0xF  }
0x108: {  	v12 =	vld [tilespmem:s2+$0xFFFFFE40];
	v10 =	vbroadcast v0, $0x0;
	v11 =	vbroadcast v0, $0x1  }
0x109: {  	v14 =	vld [tilespmem:s2+$0xFFFFFE50];
	v13 =	vbroadcast v0, $0x2;
	v15 =	vbroadcast v0, $0x3  }
0x10a: {  	v17 =	vld [tilespmem:s2+$0xFFFFFE60];
	v16 =	vbroadcast v0, $0x4;
	v18 =	vbroadcast v0, $0x5  }
0x10b: {  	v19 =	vld [tilespmem:s2+$0xFFFFFE70];
	v20 =	vbroadcast v0, $0x6;
	v22 =	vbroadcast v0, $0x7  }
0x10c: {  	v21 =	vld [tilespmem:s2+$0xFFFFFE80];
	v23 =	vbroadcast v0, $0x8;
	v25 =	vbroadcast v0, $0x9  }
0x10d: {  	v24 =	vld [tilespmem:s2+$0xFFFFFE90];
	v26 =	vbroadcast v0, $0xA;
	v28 =	vbroadcast v0, $0xB  }
0x10e: {  	v27 =	vld [tilespmem:s2+$0xFFFFFEA0];
	v29 =	vbroadcast v0, $0xC;
	v31 =	vbroadcast v0, $0xD  }
0x10f: {  	v30 =	vld [tilespmem:s2+$0xFFFFFEB0];
	v32 =	vbroadcast v0, $0xE;
	v34 =	vbroadcast v0, $0xF  }
0x110: {  	v33 =	vld [tilespmem:s2+$0xFFFFFEC0];
	v35 =	vbroadcast v1, $0x1;
	v37 =	vbroadcast v1, $0x2  }
0x111: {  	v36 =	vld [tilespmem:s2+$0xFFFFFED0];
	v38 =	vbroadcast v1, $0x3;
	v40 =	vbroadcast v1, $0x4  }
0x112: {  	v39 =	vld [tilespmem:s2+$0xFFFFFEE0];
	v41 =	vbroadcast v1, $0x5;
	v43 =	vbroadcast v1, $0x6  }
0x113: {  	v42 =	vld [tilespmem:s2+$0xFFFFFEF0];
	v44 =	vbroadcast v1, $0x7;
	v46 =	vbroadcast v1, $0x8  }
0x114: {  	v47 =	vld [tilespmem:s2+$0xFFFFFF10];
	v4 =	vbroadcast v1, $0x9;
	v5 =	vbroadcast v1, $0xA  }
0x115: {  	v48 =	vld [tilespmem:s2+$0xFFFFFF20];
	v0 =	vbroadcast v1, $0xD;
	v2 =	vmul.f32 v2, v3  }
0x116: {  	v45 =	vld [tilespmem:s2+$0xFFFFFF00];
	v3 =	vbroadcast v1, $0xB;
	v6 =	vmul.f32 v10, v6  }
0x117: {  	v49 =	vld [tilespmem:s2+$0xFFFFFF40];
	v7 =	vmul.f32 v7, v11;
	v8 =	vmul.f32 v8, v13  }
0x118: {  	v50 =	vld [tilespmem:s2+$0xFFFFFF50];
	v11 =	vmul.f32 v14, v16;
	v23 =	vmul.f32 v24, v23;
	[tilespmem:s2+$0x0] =	vst v2  }
0x119: {  	v51 =	vld [tilespmem:s2+$0xFFFFFF60];
	v16 =	vmul.f32 v36, v29;
	v13 =	vmul.f32 v9, v47;
	[tilespmem:s2+$0xFFFFFE10] =	vst v6  }
0x11a: {  	v10 =	vld [tilespmem:s2+$0xFFFFFF30];
	v14 =	vmul.f32 v48, v35;
	v2 =	vbroadcast v1, $0xC;
	[tilespmem:s2+$0xFFFFFE20] =	vst v7  }
0x11b: {  	v24 =	vld [tilespmem:s2+$0xFFFFFF70];
	v1 =	vbroadcast v1, $0xE;
	v6 =	vmul.f32 v12, v15;
	[tilespmem:s2+$0xFFFFFE30] =	vst v8  }
0x11c: {  	v7 =	vmul.f32 v17, v18;
	v12 =	vmul.f32 v19, v20;
	[tilespmem:s2+$0xFFFFFE50] =	vst v11;
	v20 =	vld [tilespmem:s2+$0xFFFFFFA0]  }
0x11d: {  	[tilespmem:s2+$0xFFFFFE40] =	vst v6;
	v6 =	vmul.f32 v27, v25;
	v25 =	vmul.f32 v30, v26;
	v26 =	vld [tilespmem:s2+$0xFFFFFF80]  }
0x11e: {  	v8 =	vmul.f32 v21, v22;
	v19 =	vmul.f32 v33, v28;
	[tilespmem:s2+$0xFFFFFE90] =	vst v23;
	v27 =	vld [tilespmem:s2+$0xFFFFFF90]  }
0x11f: {  	v18 =	vmul.f32 v39, v31;
	v15 =	vmul.f32 v42, v32;
	v21 =	vld [tilespmem:s2+$0xFFFFFFB0];
	[tilespmem:s2+$0xFFFFFE60] =	vst v7  }
0x120: {  	v17 =	vmul.f32 v45, v34;
	v22 =	vld [tilespmem:s2+$0xFFFFFFC0];
	[tilespmem:s2+$0xFFFFFE70] =	vst v12;
	v12 =	vmul.f32 v49, v38  }
0x121: {  	v23 =	vld [tilespmem:s2+$0xFFFFFFD0];
	[tilespmem:s2+$0xFFFFFE80] =	vst v8;
	v8 =	vmul.f32 v50, v40;
	v11 =	vmul.f32 v10, v37  }
0x122: {  	s13 =	simm.s32 $0x0;
	s31 =	simm.s32 $0x1ACF0;
	v10 =	vmul.f32 v51, v41;
	v7 =	vmul.f32 v24, v43;
	v24 =	vld [tilespmem:s2+$0xFFFFFFE0];
	[tilespmem:s2+$0xFFFFFEA0] =	vst v6  }
0x123: {  	s17 =	simm.s32 $0x19030;
	s9 =	simm.s32 $0x1A4F0;
	s12 =	simm.s32 $0x19090;
	[tilespmem:s2+$0xFFFFFEB0] =	vst v25;
	v25 =	vld [tilespmem:s2+$0xFFFFFFF0];
	v9 =	vmul.f32 v26, v44;
	v6 =	vmul.f32 v27, v46  }
.LBB2_7:
0x124: {  	v26 =	vld [tilespmem:s17+$0x0];
	s13 =	sadd.s32 $0x20, s13;
	[tilespmem:s2+$0xFFFFFEC0] =	vst v19;
	v4 =	vmul.f32 v20, v4;
	v5 =	vmul.f32 v21, v5  }
0x125: {  	s2 =	sadd.s32 $0x200, s2;
	v19 =	vld [tilespmem:s17+$0xFFFFFFF0];
	p0 =	slt.u32 s13, $0x60;
	[tilespmem:s9+$0xFFFFFED0] =	vst v16;
	v3 =	vmul.f32 v22, v3  }
0x126: {  	v16 =	vld [tilespmem:s2+$0x0];
	[tilespmem:s9+$0xFFFFFEE0] =	vst v18;
	v2 =	vmul.f32 v23, v2  }
0x127: {  	v18 =	vld [tilespmem:s2+$0xFFFFFE10];
	[tilespmem:s9+$0xFFFFFEF0] =	vst v15;
	v0 =	vmul.f32 v24, v0  }
0x128: {  	v15 =	vld [tilespmem:s2+$0xFFFFFE20];
	[tilespmem:s9+$0xFFFFFF00] =	vst v17;
	v1 =	vmul.f32 v25, v1  }
0x129: {  	v17 =	vld [tilespmem:s2+$0xFFFFFE30];
	v21 =	vbroadcast v26, $0x0;
	v20 =	vbroadcast v26, $0xF;
	[tilespmem:s9+$0xFFFFFF10] =	vst v13  }
0x12a: {  	v13 =	vbroadcast v19, $0x0;
	v22 =	vbroadcast v19, $0x1;
	v23 =	vld [tilespmem:s2+$0xFFFFFE40];
	[tilespmem:s9+$0xFFFFFF20] =	vst v14  }
0x12b: {  	v14 =	vbroadcast v19, $0x2;
	v24 =	vld [tilespmem:s2+$0xFFFFFE50];
	v16 =	vmul.f32 v16, v20;
	[tilespmem:s9+$0xFFFFFF30] =	vst v11  }
0x12c: {  	v11 =	vbroadcast v19, $0x3;
	v20 =	vbroadcast v19, $0x4;
	v25 =	vld [tilespmem:s2+$0xFFFFFE60];
	[tilespmem:s9+$0xFFFFFF40] =	vst v12  }
0x12d: {  	v28 =	vbroadcast v19, $0x6;
	v12 =	vbroadcast v19, $0x5;
	v27 =	vld [tilespmem:s2+$0xFFFFFE70];
	[tilespmem:s2+$0x0] =	vst v16  }
0x12e: {  	v29 =	vbroadcast v19, $0x7;
	v30 =	vbroadcast v19, $0x8;
	v16 =	vld [tilespmem:s2+$0xFFFFFE80];
	[tilespmem:s9+$0xFFFFFF50] =	vst v8  }
0x12f: {  	v31 =	vbroadcast v19, $0x9;
	v32 =	vbroadcast v19, $0xA;
	v8 =	vld [tilespmem:s2+$0xFFFFFE90];
	[tilespmem:s9+$0xFFFFFF60] =	vst v10  }
0x130: {  	v33 =	vbroadcast v19, $0xB;
	v34 =	vbroadcast v19, $0xC;
	v10 =	vld [tilespmem:s2+$0xFFFFFEA0];
	[tilespmem:s9+$0xFFFFFF70] =	vst v7  }
0x131: {  	v35 =	vbroadcast v19, $0xD;
	v36 =	vbroadcast v19, $0xE;
	v7 =	vld [tilespmem:s2+$0xFFFFFEB0];
	[tilespmem:s9+$0xFFFFFF80] =	vst v9  }
0x132: {  	v38 =	vbroadcast v26, $0x1;
	v37 =	vbroadcast v19, $0xF;
	v9 =	vld [tilespmem:s2+$0xFFFFFEC0];
	[tilespmem:s9+$0xFFFFFF90] =	vst v6  }
0x133: {  	v39 =	vbroadcast v26, $0x2;
	v40 =	vbroadcast v26, $0x3;
	v6 =	vld [tilespmem:s2+$0xFFFFFED0];
	[tilespmem:s9+$0xFFFFFFA0] =	vst v4  }
0x134: {  	v42 =	vbroadcast v26, $0x4;
	v43 =	vbroadcast v26, $0x5;
	v41 =	vld [tilespmem:s2+$0xFFFFFEE0];
	[tilespmem:s9+$0xFFFFFFB0] =	vst v5  }
0x135: {  	v45 =	vbroadcast v26, $0x6;
	v46 =	vbroadcast v26, $0x7;
	v44 =	vld [tilespmem:s2+$0xFFFFFEF0];
	[tilespmem:s9+$0xFFFFFFC0] =	vst v3  }
0x136: {  	v48 =	vbroadcast v26, $0x8;
	v4 =	vbroadcast v26, $0x9;
	v47 =	vld [tilespmem:s2+$0xFFFFFF00];
	[tilespmem:s9+$0xFFFFFFD0] =	vst v2  }
0x137: {  	v5 =	vbroadcast v26, $0xA;
	v3 =	vbroadcast v26, $0xB;
	v49 =	vld [tilespmem:s2+$0xFFFFFF10];
	[tilespmem:s9+$0xFFFFFFE0] =	vst v0  }
0x138: {  	v2 =	vbroadcast v26, $0xC;
	v0 =	vbroadcast v26, $0xD;
	v50 =	vld [tilespmem:s2+$0xFFFFFF20];
	[tilespmem:s9+$0xFFFFFFF0] =	vst v1;
	s9 =	smov.u32 s2  }
0x139: {  	v13 =	vmul.f32 v13, v18;
	v1 =	vbroadcast v26, $0xE;
	v51 =	vld [tilespmem:s2+$0xFFFFFF30]  }
0x13a: {  	v15 =	vmul.f32 v15, v22;
	v14 =	vmul.f32 v17, v14;
	v26 =	vld [tilespmem:s2+$0xFFFFFF40]  }
0x13b: {  	v11 =	vmul.f32 v23, v11;
	[tilespmem:s2+$0xFFFFFE10] =	vst v13;
	v13 =	vmul.f32 v24, v20;
	v23 =	vld [tilespmem:s2+$0xFFFFFF50]  }
0x13c: {  	v12 =	vmul.f32 v25, v12;
	v17 =	vmul.f32 v27, v28;
	[tilespmem:s2+$0xFFFFFE20] =	vst v15;
	v24 =	vld [tilespmem:s2+$0xFFFFFF60]  }
0x13d: {  	v8 =	vmul.f32 v8, v30;
	[tilespmem:s2+$0xFFFFFE30] =	vst v14;
	v14 =	vmul.f32 v16, v29;
	v25 =	vld [tilespmem:s2+$0xFFFFFF70]  }
0x13e: {  	v10 =	vmul.f32 v10, v31;
	v27 =	vmul.f32 v7, v32;
	[tilespmem:s2+$0xFFFFFE40] =	vst v11;
	v28 =	vld [tilespmem:s2+$0xFFFFFF80]  }
0x13f: {  	v19 =	vmul.f32 v9, v33;
	v16 =	vmul.f32 v6, v34;
	[tilespmem:s2+$0xFFFFFE50] =	vst v13;
	v6 =	vld [tilespmem:s2+$0xFFFFFF90]  }
0x140: {  	v18 =	vmul.f32 v41, v35;
	v15 =	vmul.f32 v44, v36;
	[tilespmem:s2+$0xFFFFFE60] =	vst v12;
	v20 =	vld [tilespmem:s2+$0xFFFFFFA0]  }
.Ltmp2:
0x141: {  	v13 =	vmul.f32 v21, v49;
	[tilespmem:s2+$0xFFFFFE70] =	vst v17;
	v17 =	vmul.f32 v47, v37;
	v21 =	vld [tilespmem:s2+$0xFFFFFFB0];
	(pc) =	sbr.rel @p0 .LBB2_7-.Ltmp2, $4  }
0x142: {  	v11 =	vmul.f32 v51, v39;
	[tilespmem:s2+$0xFFFFFE80] =	vst v14;
	v14 =	vmul.f32 v50, v38;
	v22 =	vld [tilespmem:s2+$0xFFFFFFC0]  }
0x143: {  	v12 =	vmul.f32 v26, v40;
	[tilespmem:s2+$0xFFFFFE90] =	vst v8;
	v8 =	vmul.f32 v23, v42;
	v23 =	vld [tilespmem:s2+$0xFFFFFFD0]  }
0x144: {  	v7 =	vmul.f32 v25, v45;
	[tilespmem:s2+$0xFFFFFEA0] =	vst v10;
	v10 =	vmul.f32 v24, v43;
	v24 =	vld [tilespmem:s2+$0xFFFFFFE0]  }
0x145: {  	s17 =	sadd.s32 $0x20, s17;
	v9 =	vmul.f32 v28, v46;
	v6 =	vmul.f32 v6, v48;
	[tilespmem:s2+$0xFFFFFEB0] =	vst v27;
	v25 =	vld [tilespmem:s2+$0xFFFFFFF0]  }
0x146: {  	[tilespmem:s2+$0xFFFFFEC0] =	vst v19  }
0x147: {  	[tilespmem:s9+$0xFFFFFF10] =	vst v13  }
0x148: {  	[tilespmem:s9+$0xFFFFFF20] =	vst v14  }
0x149: {  	[tilespmem:s9+$0xFFFFFF30] =	vst v11  }
0x14a: {  	[tilespmem:s9+$0xFFFFFF40] =	vst v12  }
0x14b: {  	[tilespmem:s9+$0xFFFFFF50] =	vst v8  }
0x14c: {  	[tilespmem:s9+$0xFFFFFF60] =	vst v10  }
0x14d: {  	[tilespmem:s9+$0xFFFFFF70] =	vst v7  }
0x14e: {  	[tilespmem:s9+$0xFFFFFED0] =	vst v16  }
0x14f: {  	[tilespmem:s9+$0xFFFFFEE0] =	vst v18  }
0x150: {  	[tilespmem:s9+$0xFFFFFEF0] =	vst v15  }
0x151: {  	[tilespmem:s9+$0xFFFFFF00] =	vst v17  }
0x152: {  	v4 =	vmul.f32 v20, v4;
	[tilespmem:s9+$0xFFFFFF80] =	vst v9  }
0x153: {  	v5 =	vmul.f32 v21, v5;
	[tilespmem:s9+$0xFFFFFF90] =	vst v6  }
0x154: {  	v3 =	vmul.f32 v22, v3;
	[tilespmem:s9+$0xFFFFFFA0] =	vst v4  }
0x155: {  	v2 =	vmul.f32 v23, v2;
	[tilespmem:s9+$0xFFFFFFB0] =	vst v5  }
0x156: {  	v0 =	vmul.f32 v24, v0;
	[tilespmem:s9+$0xFFFFFFC0] =	vst v3  }
0x157: {  	v1 =	vmul.f32 v25, v1;
	[tilespmem:s9+$0xFFFFFFD0] =	vst v2  }
0x158: {  	[tilespmem:s9+$0xFFFFFFE0] =	vst v0  }
0x159: {  	[tilespmem:s9+$0xFFFFFFF0] =	vst v1  }
0x15a: {  	v1 =	vld [tilespmem:s12+$0x0]  }
0x15b: {  	v0 =	vld [tilespmem:s12+$0xFFFFFFF0]  }
0x15c: {  	v2 =	vld [tilespmem:s31+$0x0]  }
0x15d: {  	v6 =	vld [tilespmem:s31+$0xFFFFFE10]  }
0x15e: {  	v7 =	vld [tilespmem:s31+$0xFFFFFE20]  }
0x15f: {  	v8 =	vld [tilespmem:s31+$0xFFFFFE30];
	v9 =	vbroadcast v1, $0x0;
	v3 =	vbroadcast v1, $0xF  }
0x160: {  	v12 =	vld [tilespmem:s31+$0xFFFFFE40];
	v10 =	vbroadcast v0, $0x0;
	v11 =	vbroadcast v0, $0x1  }
0x161: {  	v14 =	vld [tilespmem:s31+$0xFFFFFE50];
	v13 =	vbroadcast v0, $0x2;
	v15 =	vbroadcast v0, $0x3  }
0x162: {  	v17 =	vld [tilespmem:s31+$0xFFFFFE60];
	v16 =	vbroadcast v0, $0x4;
	v18 =	vbroadcast v0, $0x5  }
0x163: {  	v19 =	vld [tilespmem:s31+$0xFFFFFE70];
	v20 =	vbroadcast v0, $0x6;
	v22 =	vbroadcast v0, $0x7  }
0x164: {  	v21 =	vld [tilespmem:s31+$0xFFFFFE80];
	v23 =	vbroadcast v0, $0x8;
	v25 =	vbroadcast v0, $0x9  }
0x165: {  	v24 =	vld [tilespmem:s31+$0xFFFFFE90];
	v26 =	vbroadcast v0, $0xA;
	v28 =	vbroadcast v0, $0xB  }
0x166: {  	v27 =	vld [tilespmem:s31+$0xFFFFFEA0];
	v29 =	vbroadcast v0, $0xC;
	v31 =	vbroadcast v0, $0xD  }
0x167: {  	v30 =	vld [tilespmem:s31+$0xFFFFFEB0];
	v32 =	vbroadcast v0, $0xE;
	v34 =	vbroadcast v0, $0xF  }
0x168: {  	v33 =	vld [tilespmem:s31+$0xFFFFFEC0];
	v35 =	vbroadcast v1, $0x1;
	v37 =	vbroadcast v1, $0x2  }
0x169: {  	v36 =	vld [tilespmem:s31+$0xFFFFFED0];
	v38 =	vbroadcast v1, $0x3;
	v40 =	vbroadcast v1, $0x4  }
0x16a: {  	v39 =	vld [tilespmem:s31+$0xFFFFFEE0];
	v41 =	vbroadcast v1, $0x5;
	v43 =	vbroadcast v1, $0x6  }
0x16b: {  	v42 =	vld [tilespmem:s31+$0xFFFFFEF0];
	v44 =	vbroadcast v1, $0x7;
	v46 =	vbroadcast v1, $0x8  }
0x16c: {  	v47 =	vld [tilespmem:s31+$0xFFFFFF10];
	v4 =	vbroadcast v1, $0x9;
	v5 =	vbroadcast v1, $0xA  }
0x16d: {  	v48 =	vld [tilespmem:s31+$0xFFFFFF20];
	v0 =	vbroadcast v1, $0xD;
	v2 =	vmul.f32 v2, v3  }
0x16e: {  	v45 =	vld [tilespmem:s31+$0xFFFFFF00];
	v3 =	vbroadcast v1, $0xB;
	v6 =	vmul.f32 v10, v6  }
0x16f: {  	v49 =	vld [tilespmem:s31+$0xFFFFFF40];
	v7 =	vmul.f32 v7, v11;
	v8 =	vmul.f32 v8, v13  }
0x170: {  	v50 =	vld [tilespmem:s31+$0xFFFFFF50];
	v11 =	vmul.f32 v14, v16;
	v23 =	vmul.f32 v24, v23;
	[tilespmem:s31+$0x0] =	vst v2  }
0x171: {  	v51 =	vld [tilespmem:s31+$0xFFFFFF60];
	v16 =	vmul.f32 v36, v29;
	v13 =	vmul.f32 v9, v47;
	[tilespmem:s31+$0xFFFFFE10] =	vst v6  }
0x172: {  	v10 =	vld [tilespmem:s31+$0xFFFFFF30];
	v14 =	vmul.f32 v48, v35;
	v2 =	vbroadcast v1, $0xC;
	[tilespmem:s31+$0xFFFFFE20] =	vst v7  }
0x173: {  	v24 =	vld [tilespmem:s31+$0xFFFFFF70];
	v1 =	vbroadcast v1, $0xE;
	v6 =	vmul.f32 v12, v15;
	[tilespmem:s31+$0xFFFFFE30] =	vst v8  }
0x174: {  	v7 =	vmul.f32 v17, v18;
	v12 =	vmul.f32 v19, v20;
	[tilespmem:s31+$0xFFFFFE50] =	vst v11;
	v20 =	vld [tilespmem:s31+$0xFFFFFFA0]  }
0x175: {  	[tilespmem:s31+$0xFFFFFE40] =	vst v6;
	v6 =	vmul.f32 v27, v25;
	v25 =	vmul.f32 v30, v26;
	v26 =	vld [tilespmem:s31+$0xFFFFFF80]  }
0x176: {  	v8 =	vmul.f32 v21, v22;
	v19 =	vmul.f32 v33, v28;
	[tilespmem:s31+$0xFFFFFE90] =	vst v23;
	v27 =	vld [tilespmem:s31+$0xFFFFFF90]  }
0x177: {  	v18 =	vmul.f32 v39, v31;
	v15 =	vmul.f32 v42, v32;
	v21 =	vld [tilespmem:s31+$0xFFFFFFB0];
	[tilespmem:s31+$0xFFFFFE60] =	vst v7  }
0x178: {  	v17 =	vmul.f32 v45, v34;
	v22 =	vld [tilespmem:s31+$0xFFFFFFC0];
	[tilespmem:s31+$0xFFFFFE70] =	vst v12;
	v12 =	vmul.f32 v49, v38  }
0x179: {  	v23 =	vld [tilespmem:s31+$0xFFFFFFD0];
	[tilespmem:s31+$0xFFFFFE80] =	vst v8;
	v8 =	vmul.f32 v50, v40;
	v11 =	vmul.f32 v10, v37  }
0x17a: {  	s13 =	simm.s32 $0x0;
	s2 =	simm.s32 $0x1B4F0;
	v10 =	vmul.f32 v51, v41;
	v7 =	vmul.f32 v24, v43;
	v24 =	vld [tilespmem:s31+$0xFFFFFFE0];
	[tilespmem:s31+$0xFFFFFEA0] =	vst v6  }
0x17b: {  	s17 =	simm.s32 $0x190B0;
	s9 =	simm.s32 $0x1ACF0;
	s12 =	simm.s32 $0x19110;
	[tilespmem:s31+$0xFFFFFEB0] =	vst v25;
	v25 =	vld [tilespmem:s31+$0xFFFFFFF0];
	v9 =	vmul.f32 v26, v44;
	v6 =	vmul.f32 v27, v46  }
.LBB2_9:
0x17c: {  	v26 =	vld [tilespmem:s17+$0x0];
	s13 =	sadd.s32 $0x20, s13;
	[tilespmem:s31+$0xFFFFFEC0] =	vst v19;
	v4 =	vmul.f32 v20, v4;
	v5 =	vmul.f32 v21, v5  }
0x17d: {  	s31 =	sadd.s32 $0x200, s31;
	v19 =	vld [tilespmem:s17+$0xFFFFFFF0];
	p0 =	slt.u32 s13, $0x60;
	[tilespmem:s9+$0xFFFFFED0] =	vst v16;
	v3 =	vmul.f32 v22, v3  }
0x17e: {  	v16 =	vld [tilespmem:s31+$0x0];
	[tilespmem:s9+$0xFFFFFEE0] =	vst v18;
	v2 =	vmul.f32 v23, v2  }
0x17f: {  	v18 =	vld [tilespmem:s31+$0xFFFFFE10];
	[tilespmem:s9+$0xFFFFFEF0] =	vst v15;
	v0 =	vmul.f32 v24, v0  }
0x180: {  	v15 =	vld [tilespmem:s31+$0xFFFFFE20];
	[tilespmem:s9+$0xFFFFFF00] =	vst v17;
	v1 =	vmul.f32 v25, v1  }
0x181: {  	v17 =	vld [tilespmem:s31+$0xFFFFFE30];
	v21 =	vbroadcast v26, $0x0;
	v20 =	vbroadcast v26, $0xF;
	[tilespmem:s9+$0xFFFFFF10] =	vst v13  }
0x182: {  	v13 =	vbroadcast v19, $0x0;
	v22 =	vbroadcast v19, $0x1;
	v23 =	vld [tilespmem:s31+$0xFFFFFE40];
	[tilespmem:s9+$0xFFFFFF20] =	vst v14  }
0x183: {  	v14 =	vbroadcast v19, $0x2;
	v24 =	vld [tilespmem:s31+$0xFFFFFE50];
	v16 =	vmul.f32 v16, v20;
	[tilespmem:s9+$0xFFFFFF30] =	vst v11  }
0x184: {  	v11 =	vbroadcast v19, $0x3;
	v20 =	vbroadcast v19, $0x4;
	v25 =	vld [tilespmem:s31+$0xFFFFFE60];
	[tilespmem:s9+$0xFFFFFF40] =	vst v12  }
0x185: {  	v28 =	vbroadcast v19, $0x6;
	v12 =	vbroadcast v19, $0x5;
	v27 =	vld [tilespmem:s31+$0xFFFFFE70];
	[tilespmem:s31+$0x0] =	vst v16  }
0x186: {  	v29 =	vbroadcast v19, $0x7;
	v30 =	vbroadcast v19, $0x8;
	v16 =	vld [tilespmem:s31+$0xFFFFFE80];
	[tilespmem:s9+$0xFFFFFF50] =	vst v8  }
0x187: {  	v31 =	vbroadcast v19, $0x9;
	v32 =	vbroadcast v19, $0xA;
	v8 =	vld [tilespmem:s31+$0xFFFFFE90];
	[tilespmem:s9+$0xFFFFFF60] =	vst v10  }
0x188: {  	v33 =	vbroadcast v19, $0xB;
	v34 =	vbroadcast v19, $0xC;
	v10 =	vld [tilespmem:s31+$0xFFFFFEA0];
	[tilespmem:s9+$0xFFFFFF70] =	vst v7  }
0x189: {  	v35 =	vbroadcast v19, $0xD;
	v36 =	vbroadcast v19, $0xE;
	v7 =	vld [tilespmem:s31+$0xFFFFFEB0];
	[tilespmem:s9+$0xFFFFFF80] =	vst v9  }
0x18a: {  	v38 =	vbroadcast v26, $0x1;
	v37 =	vbroadcast v19, $0xF;
	v9 =	vld [tilespmem:s31+$0xFFFFFEC0];
	[tilespmem:s9+$0xFFFFFF90] =	vst v6  }
0x18b: {  	v39 =	vbroadcast v26, $0x2;
	v40 =	vbroadcast v26, $0x3;
	v6 =	vld [tilespmem:s31+$0xFFFFFED0];
	[tilespmem:s9+$0xFFFFFFA0] =	vst v4  }
0x18c: {  	v42 =	vbroadcast v26, $0x4;
	v43 =	vbroadcast v26, $0x5;
	v41 =	vld [tilespmem:s31+$0xFFFFFEE0];
	[tilespmem:s9+$0xFFFFFFB0] =	vst v5  }
0x18d: {  	v45 =	vbroadcast v26, $0x6;
	v46 =	vbroadcast v26, $0x7;
	v44 =	vld [tilespmem:s31+$0xFFFFFEF0];
	[tilespmem:s9+$0xFFFFFFC0] =	vst v3  }
0x18e: {  	v48 =	vbroadcast v26, $0x8;
	v4 =	vbroadcast v26, $0x9;
	v47 =	vld [tilespmem:s31+$0xFFFFFF00];
	[tilespmem:s9+$0xFFFFFFD0] =	vst v2  }
0x18f: {  	v5 =	vbroadcast v26, $0xA;
	v3 =	vbroadcast v26, $0xB;
	v49 =	vld [tilespmem:s31+$0xFFFFFF10];
	[tilespmem:s9+$0xFFFFFFE0] =	vst v0  }
0x190: {  	v2 =	vbroadcast v26, $0xC;
	v0 =	vbroadcast v26, $0xD;
	v50 =	vld [tilespmem:s31+$0xFFFFFF20];
	[tilespmem:s9+$0xFFFFFFF0] =	vst v1;
	s9 =	smov.u32 s31  }
0x191: {  	v13 =	vmul.f32 v13, v18;
	v1 =	vbroadcast v26, $0xE;
	v51 =	vld [tilespmem:s31+$0xFFFFFF30]  }
0x192: {  	v15 =	vmul.f32 v15, v22;
	v14 =	vmul.f32 v17, v14;
	v26 =	vld [tilespmem:s31+$0xFFFFFF40]  }
0x193: {  	v11 =	vmul.f32 v23, v11;
	[tilespmem:s31+$0xFFFFFE10] =	vst v13;
	v13 =	vmul.f32 v24, v20;
	v23 =	vld [tilespmem:s31+$0xFFFFFF50]  }
0x194: {  	v12 =	vmul.f32 v25, v12;
	v17 =	vmul.f32 v27, v28;
	[tilespmem:s31+$0xFFFFFE20] =	vst v15;
	v24 =	vld [tilespmem:s31+$0xFFFFFF60]  }
0x195: {  	v8 =	vmul.f32 v8, v30;
	[tilespmem:s31+$0xFFFFFE30] =	vst v14;
	v14 =	vmul.f32 v16, v29;
	v25 =	vld [tilespmem:s31+$0xFFFFFF70]  }
0x196: {  	v10 =	vmul.f32 v10, v31;
	v27 =	vmul.f32 v7, v32;
	[tilespmem:s31+$0xFFFFFE40] =	vst v11;
	v28 =	vld [tilespmem:s31+$0xFFFFFF80]  }
0x197: {  	v19 =	vmul.f32 v9, v33;
	v16 =	vmul.f32 v6, v34;
	[tilespmem:s31+$0xFFFFFE50] =	vst v13;
	v6 =	vld [tilespmem:s31+$0xFFFFFF90]  }
0x198: {  	v18 =	vmul.f32 v41, v35;
	v15 =	vmul.f32 v44, v36;
	[tilespmem:s31+$0xFFFFFE60] =	vst v12;
	v20 =	vld [tilespmem:s31+$0xFFFFFFA0]  }
.Ltmp3:
0x199: {  	v13 =	vmul.f32 v21, v49;
	[tilespmem:s31+$0xFFFFFE70] =	vst v17;
	v17 =	vmul.f32 v47, v37;
	v21 =	vld [tilespmem:s31+$0xFFFFFFB0];
	(pc) =	sbr.rel @p0 .LBB2_9-.Ltmp3, $4  }
0x19a: {  	v11 =	vmul.f32 v51, v39;
	[tilespmem:s31+$0xFFFFFE80] =	vst v14;
	v14 =	vmul.f32 v50, v38;
	v22 =	vld [tilespmem:s31+$0xFFFFFFC0]  }
0x19b: {  	v12 =	vmul.f32 v26, v40;
	[tilespmem:s31+$0xFFFFFE90] =	vst v8;
	v8 =	vmul.f32 v23, v42;
	v23 =	vld [tilespmem:s31+$0xFFFFFFD0]  }
0x19c: {  	v7 =	vmul.f32 v25, v45;
	[tilespmem:s31+$0xFFFFFEA0] =	vst v10;
	v10 =	vmul.f32 v24, v43;
	v24 =	vld [tilespmem:s31+$0xFFFFFFE0]  }
0x19d: {  	s17 =	sadd.s32 $0x20, s17;
	v9 =	vmul.f32 v28, v46;
	v6 =	vmul.f32 v6, v48;
	[tilespmem:s31+$0xFFFFFEB0] =	vst v27;
	v25 =	vld [tilespmem:s31+$0xFFFFFFF0]  }
0x19e: {  	[tilespmem:s31+$0xFFFFFEC0] =	vst v19  }
0x19f: {  	[tilespmem:s9+$0xFFFFFF10] =	vst v13  }
0x1a0: {  	[tilespmem:s9+$0xFFFFFF20] =	vst v14  }
0x1a1: {  	[tilespmem:s9+$0xFFFFFF30] =	vst v11  }
0x1a2: {  	[tilespmem:s9+$0xFFFFFF40] =	vst v12  }
0x1a3: {  	[tilespmem:s9+$0xFFFFFF50] =	vst v8  }
0x1a4: {  	[tilespmem:s9+$0xFFFFFF60] =	vst v10  }
0x1a5: {  	[tilespmem:s9+$0xFFFFFF70] =	vst v7  }
0x1a6: {  	[tilespmem:s9+$0xFFFFFED0] =	vst v16  }
0x1a7: {  	[tilespmem:s9+$0xFFFFFEE0] =	vst v18  }
0x1a8: {  	[tilespmem:s9+$0xFFFFFEF0] =	vst v15  }
0x1a9: {  	[tilespmem:s9+$0xFFFFFF00] =	vst v17  }
0x1aa: {  	v4 =	vmul.f32 v20, v4;
	[tilespmem:s9+$0xFFFFFF80] =	vst v9  }
0x1ab: {  	v5 =	vmul.f32 v21, v5;
	[tilespmem:s9+$0xFFFFFF90] =	vst v6  }
0x1ac: {  	v3 =	vmul.f32 v22, v3;
	[tilespmem:s9+$0xFFFFFFA0] =	vst v4  }
0x1ad: {  	v2 =	vmul.f32 v23, v2;
	[tilespmem:s9+$0xFFFFFFB0] =	vst v5  }
0x1ae: {  	v0 =	vmul.f32 v24, v0;
	[tilespmem:s9+$0xFFFFFFC0] =	vst v3  }
0x1af: {  	v1 =	vmul.f32 v25, v1;
	[tilespmem:s9+$0xFFFFFFD0] =	vst v2  }
0x1b0: {  	[tilespmem:s9+$0xFFFFFFE0] =	vst v0  }
0x1b1: {  	[tilespmem:s9+$0xFFFFFFF0] =	vst v1  }
0x1b2: {  	v1 =	vld [tilespmem:s12+$0x0]  }
0x1b3: {  	v0 =	vld [tilespmem:s12+$0xFFFFFFF0]  }
0x1b4: {  	v2 =	vld [tilespmem:s2+$0x0]  }
0x1b5: {  	v6 =	vld [tilespmem:s2+$0xFFFFFE10]  }
0x1b6: {  	v7 =	vld [tilespmem:s2+$0xFFFFFE20]  }
0x1b7: {  	v8 =	vld [tilespmem:s2+$0xFFFFFE30];
	v9 =	vbroadcast v1, $0x0;
	v3 =	vbroadcast v1, $0xF  }
0x1b8: {  	v12 =	vld [tilespmem:s2+$0xFFFFFE40];
	v10 =	vbroadcast v0, $0x0;
	v11 =	vbroadcast v0, $0x1  }
0x1b9: {  	v14 =	vld [tilespmem:s2+$0xFFFFFE50];
	v13 =	vbroadcast v0, $0x2;
	v15 =	vbroadcast v0, $0x3  }
0x1ba: {  	v17 =	vld [tilespmem:s2+$0xFFFFFE60];
	v16 =	vbroadcast v0, $0x4;
	v18 =	vbroadcast v0, $0x5  }
0x1bb: {  	v19 =	vld [tilespmem:s2+$0xFFFFFE70];
	v20 =	vbroadcast v0, $0x6;
	v22 =	vbroadcast v0, $0x7  }
0x1bc: {  	v21 =	vld [tilespmem:s2+$0xFFFFFE80];
	v23 =	vbroadcast v0, $0x8;
	v25 =	vbroadcast v0, $0x9  }
0x1bd: {  	v24 =	vld [tilespmem:s2+$0xFFFFFE90];
	v26 =	vbroadcast v0, $0xA;
	v28 =	vbroadcast v0, $0xB  }
0x1be: {  	v27 =	vld [tilespmem:s2+$0xFFFFFEA0];
	v29 =	vbroadcast v0, $0xC;
	v31 =	vbroadcast v0, $0xD  }
0x1bf: {  	v30 =	vld [tilespmem:s2+$0xFFFFFEB0];
	v32 =	vbroadcast v0, $0xE;
	v34 =	vbroadcast v0, $0xF  }
0x1c0: {  	v33 =	vld [tilespmem:s2+$0xFFFFFEC0];
	v35 =	vbroadcast v1, $0x1;
	v37 =	vbroadcast v1, $0x2  }
0x1c1: {  	v36 =	vld [tilespmem:s2+$0xFFFFFED0];
	v38 =	vbroadcast v1, $0x3;
	v40 =	vbroadcast v1, $0x4  }
0x1c2: {  	v39 =	vld [tilespmem:s2+$0xFFFFFEE0];
	v41 =	vbroadcast v1, $0x5;
	v43 =	vbroadcast v1, $0x6  }
0x1c3: {  	v42 =	vld [tilespmem:s2+$0xFFFFFEF0];
	v44 =	vbroadcast v1, $0x7;
	v46 =	vbroadcast v1, $0x8  }
0x1c4: {  	v47 =	vld [tilespmem:s2+$0xFFFFFF10];
	v4 =	vbroadcast v1, $0x9;
	v5 =	vbroadcast v1, $0xA  }
0x1c5: {  	v48 =	vld [tilespmem:s2+$0xFFFFFF20];
	v0 =	vbroadcast v1, $0xD;
	v2 =	vmul.f32 v2, v3  }
0x1c6: {  	v45 =	vld [tilespmem:s2+$0xFFFFFF00];
	v3 =	vbroadcast v1, $0xB;
	v6 =	vmul.f32 v10, v6  }
0x1c7: {  	v49 =	vld [tilespmem:s2+$0xFFFFFF40];
	v7 =	vmul.f32 v7, v11;
	v8 =	vmul.f32 v8, v13  }
0x1c8: {  	v50 =	vld [tilespmem:s2+$0xFFFFFF50];
	v11 =	vmul.f32 v14, v16;
	v23 =	vmul.f32 v24, v23;
	[tilespmem:s2+$0x0] =	vst v2  }
0x1c9: {  	v51 =	vld [tilespmem:s2+$0xFFFFFF60];
	v16 =	vmul.f32 v36, v29;
	v13 =	vmul.f32 v9, v47;
	[tilespmem:s2+$0xFFFFFE10] =	vst v6  }
0x1ca: {  	v10 =	vld [tilespmem:s2+$0xFFFFFF30];
	v14 =	vmul.f32 v48, v35;
	v2 =	vbroadcast v1, $0xC;
	[tilespmem:s2+$0xFFFFFE20] =	vst v7  }
0x1cb: {  	v24 =	vld [tilespmem:s2+$0xFFFFFF70];
	v1 =	vbroadcast v1, $0xE;
	v6 =	vmul.f32 v12, v15;
	[tilespmem:s2+$0xFFFFFE30] =	vst v8  }
0x1cc: {  	v7 =	vmul.f32 v17, v18;
	v12 =	vmul.f32 v19, v20;
	[tilespmem:s2+$0xFFFFFE50] =	vst v11;
	v20 =	vld [tilespmem:s2+$0xFFFFFFA0]  }
0x1cd: {  	[tilespmem:s2+$0xFFFFFE40] =	vst v6;
	v6 =	vmul.f32 v27, v25;
	v25 =	vmul.f32 v30, v26;
	v26 =	vld [tilespmem:s2+$0xFFFFFF80]  }
0x1ce: {  	v8 =	vmul.f32 v21, v22;
	v19 =	vmul.f32 v33, v28;
	[tilespmem:s2+$0xFFFFFE90] =	vst v23;
	v27 =	vld [tilespmem:s2+$0xFFFFFF90]  }
0x1cf: {  	v18 =	vmul.f32 v39, v31;
	v15 =	vmul.f32 v42, v32;
	v21 =	vld [tilespmem:s2+$0xFFFFFFB0];
	[tilespmem:s2+$0xFFFFFE60] =	vst v7  }
0x1d0: {  	v17 =	vmul.f32 v45, v34;
	v22 =	vld [tilespmem:s2+$0xFFFFFFC0];
	[tilespmem:s2+$0xFFFFFE70] =	vst v12;
	v12 =	vmul.f32 v49, v38  }
0x1d1: {  	v23 =	vld [tilespmem:s2+$0xFFFFFFD0];
	[tilespmem:s2+$0xFFFFFE80] =	vst v8;
	v8 =	vmul.f32 v50, v40;
	v11 =	vmul.f32 v10, v37  }
0x1d2: {  	s13 =	simm.s32 $0x0;
	s31 =	simm.s32 $0x1BCF0;
	v10 =	vmul.f32 v51, v41;
	v7 =	vmul.f32 v24, v43;
	v24 =	vld [tilespmem:s2+$0xFFFFFFE0];
	[tilespmem:s2+$0xFFFFFEA0] =	vst v6  }
0x1d3: {  	s17 =	simm.s32 $0x19130;
	s9 =	simm.s32 $0x1B4F0;
	s12 =	simm.s32 $0x19190;
	[tilespmem:s2+$0xFFFFFEB0] =	vst v25;
	v25 =	vld [tilespmem:s2+$0xFFFFFFF0];
	v9 =	vmul.f32 v26, v44;
	v6 =	vmul.f32 v27, v46  }
.LBB2_11:
0x1d4: {  	v26 =	vld [tilespmem:s17+$0x0];
	s13 =	sadd.s32 $0x20, s13;
	[tilespmem:s2+$0xFFFFFEC0] =	vst v19;
	v4 =	vmul.f32 v20, v4;
	v5 =	vmul.f32 v21, v5  }
0x1d5: {  	s2 =	sadd.s32 $0x200, s2;
	v19 =	vld [tilespmem:s17+$0xFFFFFFF0];
	p0 =	slt.u32 s13, $0x60;
	[tilespmem:s9+$0xFFFFFED0] =	vst v16;
	v3 =	vmul.f32 v22, v3  }
0x1d6: {  	v16 =	vld [tilespmem:s2+$0x0];
	[tilespmem:s9+$0xFFFFFEE0] =	vst v18;
	v2 =	vmul.f32 v23, v2  }
0x1d7: {  	v18 =	vld [tilespmem:s2+$0xFFFFFE10];
	[tilespmem:s9+$0xFFFFFEF0] =	vst v15;
	v0 =	vmul.f32 v24, v0  }
0x1d8: {  	v15 =	vld [tilespmem:s2+$0xFFFFFE20];
	[tilespmem:s9+$0xFFFFFF00] =	vst v17;
	v1 =	vmul.f32 v25, v1  }
0x1d9: {  	v17 =	vld [tilespmem:s2+$0xFFFFFE30];
	v21 =	vbroadcast v26, $0x0;
	v20 =	vbroadcast v26, $0xF;
	[tilespmem:s9+$0xFFFFFF10] =	vst v13  }
0x1da: {  	v13 =	vbroadcast v19, $0x0;
	v22 =	vbroadcast v19, $0x1;
	v23 =	vld [tilespmem:s2+$0xFFFFFE40];
	[tilespmem:s9+$0xFFFFFF20] =	vst v14  }
0x1db: {  	v14 =	vbroadcast v19, $0x2;
	v24 =	vld [tilespmem:s2+$0xFFFFFE50];
	v16 =	vmul.f32 v16, v20;
	[tilespmem:s9+$0xFFFFFF30] =	vst v11  }
0x1dc: {  	v11 =	vbroadcast v19, $0x3;
	v20 =	vbroadcast v19, $0x4;
	v25 =	vld [tilespmem:s2+$0xFFFFFE60];
	[tilespmem:s9+$0xFFFFFF40] =	vst v12  }
0x1dd: {  	v28 =	vbroadcast v19, $0x6;
	v12 =	vbroadcast v19, $0x5;
	v27 =	vld [tilespmem:s2+$0xFFFFFE70];
	[tilespmem:s2+$0x0] =	vst v16  }
0x1de: {  	v29 =	vbroadcast v19, $0x7;
	v30 =	vbroadcast v19, $0x8;
	v16 =	vld [tilespmem:s2+$0xFFFFFE80];
	[tilespmem:s9+$0xFFFFFF50] =	vst v8  }
0x1df: {  	v31 =	vbroadcast v19, $0x9;
	v32 =	vbroadcast v19, $0xA;
	v8 =	vld [tilespmem:s2+$0xFFFFFE90];
	[tilespmem:s9+$0xFFFFFF60] =	vst v10  }
0x1e0: {  	v33 =	vbroadcast v19, $0xB;
	v34 =	vbroadcast v19, $0xC;
	v10 =	vld [tilespmem:s2+$0xFFFFFEA0];
	[tilespmem:s9+$0xFFFFFF70] =	vst v7  }
0x1e1: {  	v35 =	vbroadcast v19, $0xD;
	v36 =	vbroadcast v19, $0xE;
	v7 =	vld [tilespmem:s2+$0xFFFFFEB0];
	[tilespmem:s9+$0xFFFFFF80] =	vst v9  }
0x1e2: {  	v38 =	vbroadcast v26, $0x1;
	v37 =	vbroadcast v19, $0xF;
	v9 =	vld [tilespmem:s2+$0xFFFFFEC0];
	[tilespmem:s9+$0xFFFFFF90] =	vst v6  }
0x1e3: {  	v39 =	vbroadcast v26, $0x2;
	v40 =	vbroadcast v26, $0x3;
	v6 =	vld [tilespmem:s2+$0xFFFFFED0];
	[tilespmem:s9+$0xFFFFFFA0] =	vst v4  }
0x1e4: {  	v42 =	vbroadcast v26, $0x4;
	v43 =	vbroadcast v26, $0x5;
	v41 =	vld [tilespmem:s2+$0xFFFFFEE0];
	[tilespmem:s9+$0xFFFFFFB0] =	vst v5  }
0x1e5: {  	v45 =	vbroadcast v26, $0x6;
	v46 =	vbroadcast v26, $0x7;
	v44 =	vld [tilespmem:s2+$0xFFFFFEF0];
	[tilespmem:s9+$0xFFFFFFC0] =	vst v3  }
0x1e6: {  	v48 =	vbroadcast v26, $0x8;
	v4 =	vbroadcast v26, $0x9;
	v47 =	vld [tilespmem:s2+$0xFFFFFF00];
	[tilespmem:s9+$0xFFFFFFD0] =	vst v2  }
0x1e7: {  	v5 =	vbroadcast v26, $0xA;
	v3 =	vbroadcast v26, $0xB;
	v49 =	vld [tilespmem:s2+$0xFFFFFF10];
	[tilespmem:s9+$0xFFFFFFE0] =	vst v0  }
0x1e8: {  	v2 =	vbroadcast v26, $0xC;
	v0 =	vbroadcast v26, $0xD;
	v50 =	vld [tilespmem:s2+$0xFFFFFF20];
	[tilespmem:s9+$0xFFFFFFF0] =	vst v1;
	s9 =	smov.u32 s2  }
0x1e9: {  	v13 =	vmul.f32 v13, v18;
	v1 =	vbroadcast v26, $0xE;
	v51 =	vld [tilespmem:s2+$0xFFFFFF30]  }
0x1ea: {  	v15 =	vmul.f32 v15, v22;
	v14 =	vmul.f32 v17, v14;
	v26 =	vld [tilespmem:s2+$0xFFFFFF40]  }
0x1eb: {  	v11 =	vmul.f32 v23, v11;
	[tilespmem:s2+$0xFFFFFE10] =	vst v13;
	v13 =	vmul.f32 v24, v20;
	v23 =	vld [tilespmem:s2+$0xFFFFFF50]  }
0x1ec: {  	v12 =	vmul.f32 v25, v12;
	v17 =	vmul.f32 v27, v28;
	[tilespmem:s2+$0xFFFFFE20] =	vst v15;
	v24 =	vld [tilespmem:s2+$0xFFFFFF60]  }
0x1ed: {  	v8 =	vmul.f32 v8, v30;
	[tilespmem:s2+$0xFFFFFE30] =	vst v14;
	v14 =	vmul.f32 v16, v29;
	v25 =	vld [tilespmem:s2+$0xFFFFFF70]  }
0x1ee: {  	v10 =	vmul.f32 v10, v31;
	v27 =	vmul.f32 v7, v32;
	[tilespmem:s2+$0xFFFFFE40] =	vst v11;
	v28 =	vld [tilespmem:s2+$0xFFFFFF80]  }
0x1ef: {  	v19 =	vmul.f32 v9, v33;
	v16 =	vmul.f32 v6, v34;
	[tilespmem:s2+$0xFFFFFE50] =	vst v13;
	v6 =	vld [tilespmem:s2+$0xFFFFFF90]  }
0x1f0: {  	v18 =	vmul.f32 v41, v35;
	v15 =	vmul.f32 v44, v36;
	[tilespmem:s2+$0xFFFFFE60] =	vst v12;
	v20 =	vld [tilespmem:s2+$0xFFFFFFA0]  }
.Ltmp4:
0x1f1: {  	v13 =	vmul.f32 v21, v49;
	[tilespmem:s2+$0xFFFFFE70] =	vst v17;
	v17 =	vmul.f32 v47, v37;
	v21 =	vld [tilespmem:s2+$0xFFFFFFB0];
	(pc) =	sbr.rel @p0 .LBB2_11-.Ltmp4, $4  }
0x1f2: {  	v11 =	vmul.f32 v51, v39;
	[tilespmem:s2+$0xFFFFFE80] =	vst v14;
	v14 =	vmul.f32 v50, v38;
	v22 =	vld [tilespmem:s2+$0xFFFFFFC0]  }
0x1f3: {  	v12 =	vmul.f32 v26, v40;
	[tilespmem:s2+$0xFFFFFE90] =	vst v8;
	v8 =	vmul.f32 v23, v42;
	v23 =	vld [tilespmem:s2+$0xFFFFFFD0]  }
0x1f4: {  	v7 =	vmul.f32 v25, v45;
	[tilespmem:s2+$0xFFFFFEA0] =	vst v10;
	v10 =	vmul.f32 v24, v43;
	v24 =	vld [tilespmem:s2+$0xFFFFFFE0]  }
0x1f5: {  	s17 =	sadd.s32 $0x20, s17;
	v9 =	vmul.f32 v28, v46;
	v6 =	vmul.f32 v6, v48;
	[tilespmem:s2+$0xFFFFFEB0] =	vst v27;
	v25 =	vld [tilespmem:s2+$0xFFFFFFF0]  }
0x1f6: {  	[tilespmem:s2+$0xFFFFFEC0] =	vst v19  }
0x1f7: {  	[tilespmem:s9+$0xFFFFFF10] =	vst v13  }
0x1f8: {  	[tilespmem:s9+$0xFFFFFF20] =	vst v14  }
0x1f9: {  	[tilespmem:s9+$0xFFFFFF30] =	vst v11  }
0x1fa: {  	[tilespmem:s9+$0xFFFFFF40] =	vst v12  }
0x1fb: {  	[tilespmem:s9+$0xFFFFFF50] =	vst v8  }
0x1fc: {  	[tilespmem:s9+$0xFFFFFF60] =	vst v10  }
0x1fd: {  	[tilespmem:s9+$0xFFFFFF70] =	vst v7  }
0x1fe: {  	[tilespmem:s9+$0xFFFFFED0] =	vst v16  }
0x1ff: {  	[tilespmem:s9+$0xFFFFFEE0] =	vst v18  }
0x200: {  	[tilespmem:s9+$0xFFFFFEF0] =	vst v15  }
0x201: {  	[tilespmem:s9+$0xFFFFFF00] =	vst v17  }
0x202: {  	v4 =	vmul.f32 v20, v4;
	[tilespmem:s9+$0xFFFFFF80] =	vst v9  }
0x203: {  	v5 =	vmul.f32 v21, v5;
	[tilespmem:s9+$0xFFFFFF90] =	vst v6  }
0x204: {  	v3 =	vmul.f32 v22, v3;
	[tilespmem:s9+$0xFFFFFFA0] =	vst v4  }
0x205: {  	v2 =	vmul.f32 v23, v2;
	[tilespmem:s9+$0xFFFFFFB0] =	vst v5  }
0x206: {  	v0 =	vmul.f32 v24, v0;
	[tilespmem:s9+$0xFFFFFFC0] =	vst v3  }
0x207: {  	v1 =	vmul.f32 v25, v1;
	[tilespmem:s9+$0xFFFFFFD0] =	vst v2  }
0x208: {  	[tilespmem:s9+$0xFFFFFFE0] =	vst v0  }
0x209: {  	[tilespmem:s9+$0xFFFFFFF0] =	vst v1  }
0x20a: {  	v1 =	vld [tilespmem:s12+$0x0]  }
0x20b: {  	v0 =	vld [tilespmem:s12+$0xFFFFFFF0]  }
0x20c: {  	v2 =	vld [tilespmem:s31+$0x0]  }
0x20d: {  	v6 =	vld [tilespmem:s31+$0xFFFFFE10]  }
0x20e: {  	v7 =	vld [tilespmem:s31+$0xFFFFFE20]  }
0x20f: {  	v8 =	vld [tilespmem:s31+$0xFFFFFE30];
	v9 =	vbroadcast v1, $0x0;
	v3 =	vbroadcast v1, $0xF  }
0x210: {  	v12 =	vld [tilespmem:s31+$0xFFFFFE40];
	v10 =	vbroadcast v0, $0x0;
	v11 =	vbroadcast v0, $0x1  }
0x211: {  	v14 =	vld [tilespmem:s31+$0xFFFFFE50];
	v13 =	vbroadcast v0, $0x2;
	v15 =	vbroadcast v0, $0x3  }
0x212: {  	v17 =	vld [tilespmem:s31+$0xFFFFFE60];
	v16 =	vbroadcast v0, $0x4;
	v18 =	vbroadcast v0, $0x5  }
0x213: {  	v19 =	vld [tilespmem:s31+$0xFFFFFE70];
	v20 =	vbroadcast v0, $0x6;
	v22 =	vbroadcast v0, $0x7  }
0x214: {  	v21 =	vld [tilespmem:s31+$0xFFFFFE80];
	v23 =	vbroadcast v0, $0x8;
	v25 =	vbroadcast v0, $0x9  }
0x215: {  	v24 =	vld [tilespmem:s31+$0xFFFFFE90];
	v26 =	vbroadcast v0, $0xA;
	v28 =	vbroadcast v0, $0xB  }
0x216: {  	v27 =	vld [tilespmem:s31+$0xFFFFFEA0];
	v29 =	vbroadcast v0, $0xC;
	v31 =	vbroadcast v0, $0xD  }
0x217: {  	v30 =	vld [tilespmem:s31+$0xFFFFFEB0];
	v32 =	vbroadcast v0, $0xE;
	v34 =	vbroadcast v0, $0xF  }
0x218: {  	v33 =	vld [tilespmem:s31+$0xFFFFFEC0];
	v35 =	vbroadcast v1, $0x1;
	v37 =	vbroadcast v1, $0x2  }
0x219: {  	v36 =	vld [tilespmem:s31+$0xFFFFFED0];
	v38 =	vbroadcast v1, $0x3;
	v40 =	vbroadcast v1, $0x4  }
0x21a: {  	v39 =	vld [tilespmem:s31+$0xFFFFFEE0];
	v41 =	vbroadcast v1, $0x5;
	v43 =	vbroadcast v1, $0x6  }
0x21b: {  	v42 =	vld [tilespmem:s31+$0xFFFFFEF0];
	v44 =	vbroadcast v1, $0x7;
	v46 =	vbroadcast v1, $0x8  }
0x21c: {  	v47 =	vld [tilespmem:s31+$0xFFFFFF10];
	v4 =	vbroadcast v1, $0x9;
	v5 =	vbroadcast v1, $0xA  }
0x21d: {  	v48 =	vld [tilespmem:s31+$0xFFFFFF20];
	v0 =	vbroadcast v1, $0xD;
	v2 =	vmul.f32 v2, v3  }
0x21e: {  	v45 =	vld [tilespmem:s31+$0xFFFFFF00];
	v3 =	vbroadcast v1, $0xB;
	v6 =	vmul.f32 v10, v6  }
0x21f: {  	v49 =	vld [tilespmem:s31+$0xFFFFFF40];
	v7 =	vmul.f32 v7, v11;
	v8 =	vmul.f32 v8, v13  }
0x220: {  	v50 =	vld [tilespmem:s31+$0xFFFFFF50];
	v11 =	vmul.f32 v14, v16;
	v23 =	vmul.f32 v24, v23;
	[tilespmem:s31+$0x0] =	vst v2  }
0x221: {  	v51 =	vld [tilespmem:s31+$0xFFFFFF60];
	v16 =	vmul.f32 v36, v29;
	v13 =	vmul.f32 v9, v47;
	[tilespmem:s31+$0xFFFFFE10] =	vst v6  }
0x222: {  	v10 =	vld [tilespmem:s31+$0xFFFFFF30];
	v14 =	vmul.f32 v48, v35;
	v2 =	vbroadcast v1, $0xC;
	[tilespmem:s31+$0xFFFFFE20] =	vst v7  }
0x223: {  	v24 =	vld [tilespmem:s31+$0xFFFFFF70];
	v1 =	vbroadcast v1, $0xE;
	v6 =	vmul.f32 v12, v15;
	[tilespmem:s31+$0xFFFFFE30] =	vst v8  }
0x224: {  	v7 =	vmul.f32 v17, v18;
	v12 =	vmul.f32 v19, v20;
	[tilespmem:s31+$0xFFFFFE50] =	vst v11;
	v20 =	vld [tilespmem:s31+$0xFFFFFFA0]  }
0x225: {  	[tilespmem:s31+$0xFFFFFE40] =	vst v6;
	v6 =	vmul.f32 v27, v25;
	v25 =	vmul.f32 v30, v26;
	v26 =	vld [tilespmem:s31+$0xFFFFFF80]  }
0x226: {  	v8 =	vmul.f32 v21, v22;
	v19 =	vmul.f32 v33, v28;
	[tilespmem:s31+$0xFFFFFE90] =	vst v23;
	v27 =	vld [tilespmem:s31+$0xFFFFFF90]  }
0x227: {  	v18 =	vmul.f32 v39, v31;
	v15 =	vmul.f32 v42, v32;
	v21 =	vld [tilespmem:s31+$0xFFFFFFB0];
	[tilespmem:s31+$0xFFFFFE60] =	vst v7  }
0x228: {  	v17 =	vmul.f32 v45, v34;
	v22 =	vld [tilespmem:s31+$0xFFFFFFC0];
	[tilespmem:s31+$0xFFFFFE70] =	vst v12;
	v12 =	vmul.f32 v49, v38  }
0x229: {  	v23 =	vld [tilespmem:s31+$0xFFFFFFD0];
	[tilespmem:s31+$0xFFFFFE80] =	vst v8;
	v8 =	vmul.f32 v50, v40;
	v11 =	vmul.f32 v10, v37  }
0x22a: {  	s13 =	simm.s32 $0x0;
	s2 =	simm.s32 $0x1C4F0;
	v10 =	vmul.f32 v51, v41;
	v7 =	vmul.f32 v24, v43;
	v24 =	vld [tilespmem:s31+$0xFFFFFFE0];
	[tilespmem:s31+$0xFFFFFEA0] =	vst v6  }
0x22b: {  	s17 =	simm.s32 $0x191B0;
	s9 =	simm.s32 $0x1BCF0;
	s12 =	simm.s32 $0x19210;
	[tilespmem:s31+$0xFFFFFEB0] =	vst v25;
	v25 =	vld [tilespmem:s31+$0xFFFFFFF0];
	v9 =	vmul.f32 v26, v44;
	v6 =	vmul.f32 v27, v46  }
.LBB2_13:
0x22c: {  	v26 =	vld [tilespmem:s17+$0x0];
	s13 =	sadd.s32 $0x20, s13;
	[tilespmem:s31+$0xFFFFFEC0] =	vst v19;
	v4 =	vmul.f32 v20, v4;
	v5 =	vmul.f32 v21, v5  }
0x22d: {  	s31 =	sadd.s32 $0x200, s31;
	v19 =	vld [tilespmem:s17+$0xFFFFFFF0];
	p0 =	slt.u32 s13, $0x60;
	[tilespmem:s9+$0xFFFFFED0] =	vst v16;
	v3 =	vmul.f32 v22, v3  }
0x22e: {  	v16 =	vld [tilespmem:s31+$0x0];
	[tilespmem:s9+$0xFFFFFEE0] =	vst v18;
	v2 =	vmul.f32 v23, v2  }
0x22f: {  	v18 =	vld [tilespmem:s31+$0xFFFFFE10];
	[tilespmem:s9+$0xFFFFFEF0] =	vst v15;
	v0 =	vmul.f32 v24, v0  }
0x230: {  	v15 =	vld [tilespmem:s31+$0xFFFFFE20];
	[tilespmem:s9+$0xFFFFFF00] =	vst v17;
	v1 =	vmul.f32 v25, v1  }
0x231: {  	v17 =	vld [tilespmem:s31+$0xFFFFFE30];
	v21 =	vbroadcast v26, $0x0;
	v20 =	vbroadcast v26, $0xF;
	[tilespmem:s9+$0xFFFFFF10] =	vst v13  }
0x232: {  	v13 =	vbroadcast v19, $0x0;
	v22 =	vbroadcast v19, $0x1;
	v23 =	vld [tilespmem:s31+$0xFFFFFE40];
	[tilespmem:s9+$0xFFFFFF20] =	vst v14  }
0x233: {  	v14 =	vbroadcast v19, $0x2;
	v24 =	vld [tilespmem:s31+$0xFFFFFE50];
	v16 =	vmul.f32 v16, v20;
	[tilespmem:s9+$0xFFFFFF30] =	vst v11  }
0x234: {  	v11 =	vbroadcast v19, $0x3;
	v20 =	vbroadcast v19, $0x4;
	v25 =	vld [tilespmem:s31+$0xFFFFFE60];
	[tilespmem:s9+$0xFFFFFF40] =	vst v12  }
0x235: {  	v28 =	vbroadcast v19, $0x6;
	v12 =	vbroadcast v19, $0x5;
	v27 =	vld [tilespmem:s31+$0xFFFFFE70];
	[tilespmem:s31+$0x0] =	vst v16  }
0x236: {  	v29 =	vbroadcast v19, $0x7;
	v30 =	vbroadcast v19, $0x8;
	v16 =	vld [tilespmem:s31+$0xFFFFFE80];
	[tilespmem:s9+$0xFFFFFF50] =	vst v8  }
0x237: {  	v31 =	vbroadcast v19, $0x9;
	v32 =	vbroadcast v19, $0xA;
	v8 =	vld [tilespmem:s31+$0xFFFFFE90];
	[tilespmem:s9+$0xFFFFFF60] =	vst v10  }
0x238: {  	v33 =	vbroadcast v19, $0xB;
	v34 =	vbroadcast v19, $0xC;
	v10 =	vld [tilespmem:s31+$0xFFFFFEA0];
	[tilespmem:s9+$0xFFFFFF70] =	vst v7  }
0x239: {  	v35 =	vbroadcast v19, $0xD;
	v36 =	vbroadcast v19, $0xE;
	v7 =	vld [tilespmem:s31+$0xFFFFFEB0];
	[tilespmem:s9+$0xFFFFFF80] =	vst v9  }
0x23a: {  	v38 =	vbroadcast v26, $0x1;
	v37 =	vbroadcast v19, $0xF;
	v9 =	vld [tilespmem:s31+$0xFFFFFEC0];
	[tilespmem:s9+$0xFFFFFF90] =	vst v6  }
0x23b: {  	v39 =	vbroadcast v26, $0x2;
	v40 =	vbroadcast v26, $0x3;
	v6 =	vld [tilespmem:s31+$0xFFFFFED0];
	[tilespmem:s9+$0xFFFFFFA0] =	vst v4  }
0x23c: {  	v42 =	vbroadcast v26, $0x4;
	v43 =	vbroadcast v26, $0x5;
	v41 =	vld [tilespmem:s31+$0xFFFFFEE0];
	[tilespmem:s9+$0xFFFFFFB0] =	vst v5  }
0x23d: {  	v45 =	vbroadcast v26, $0x6;
	v46 =	vbroadcast v26, $0x7;
	v44 =	vld [tilespmem:s31+$0xFFFFFEF0];
	[tilespmem:s9+$0xFFFFFFC0] =	vst v3  }
0x23e: {  	v48 =	vbroadcast v26, $0x8;
	v4 =	vbroadcast v26, $0x9;
	v47 =	vld [tilespmem:s31+$0xFFFFFF00];
	[tilespmem:s9+$0xFFFFFFD0] =	vst v2  }
0x23f: {  	v5 =	vbroadcast v26, $0xA;
	v3 =	vbroadcast v26, $0xB;
	v49 =	vld [tilespmem:s31+$0xFFFFFF10];
	[tilespmem:s9+$0xFFFFFFE0] =	vst v0  }
0x240: {  	v2 =	vbroadcast v26, $0xC;
	v0 =	vbroadcast v26, $0xD;
	v50 =	vld [tilespmem:s31+$0xFFFFFF20];
	[tilespmem:s9+$0xFFFFFFF0] =	vst v1;
	s9 =	smov.u32 s31  }
0x241: {  	v13 =	vmul.f32 v13, v18;
	v1 =	vbroadcast v26, $0xE;
	v51 =	vld [tilespmem:s31+$0xFFFFFF30]  }
0x242: {  	v15 =	vmul.f32 v15, v22;
	v14 =	vmul.f32 v17, v14;
	v26 =	vld [tilespmem:s31+$0xFFFFFF40]  }
0x243: {  	v11 =	vmul.f32 v23, v11;
	[tilespmem:s31+$0xFFFFFE10] =	vst v13;
	v13 =	vmul.f32 v24, v20;
	v23 =	vld [tilespmem:s31+$0xFFFFFF50]  }
0x244: {  	v12 =	vmul.f32 v25, v12;
	v17 =	vmul.f32 v27, v28;
	[tilespmem:s31+$0xFFFFFE20] =	vst v15;
	v24 =	vld [tilespmem:s31+$0xFFFFFF60]  }
0x245: {  	v8 =	vmul.f32 v8, v30;
	[tilespmem:s31+$0xFFFFFE30] =	vst v14;
	v14 =	vmul.f32 v16, v29;
	v25 =	vld [tilespmem:s31+$0xFFFFFF70]  }
0x246: {  	v10 =	vmul.f32 v10, v31;
	v27 =	vmul.f32 v7, v32;
	[tilespmem:s31+$0xFFFFFE40] =	vst v11;
	v28 =	vld [tilespmem:s31+$0xFFFFFF80]  }
0x247: {  	v19 =	vmul.f32 v9, v33;
	v16 =	vmul.f32 v6, v34;
	[tilespmem:s31+$0xFFFFFE50] =	vst v13;
	v6 =	vld [tilespmem:s31+$0xFFFFFF90]  }
0x248: {  	v18 =	vmul.f32 v41, v35;
	v15 =	vmul.f32 v44, v36;
	[tilespmem:s31+$0xFFFFFE60] =	vst v12;
	v20 =	vld [tilespmem:s31+$0xFFFFFFA0]  }
.Ltmp5:
0x249: {  	v13 =	vmul.f32 v21, v49;
	[tilespmem:s31+$0xFFFFFE70] =	vst v17;
	v17 =	vmul.f32 v47, v37;
	v21 =	vld [tilespmem:s31+$0xFFFFFFB0];
	(pc) =	sbr.rel @p0 .LBB2_13-.Ltmp5, $4  }
0x24a: {  	v11 =	vmul.f32 v51, v39;
	[tilespmem:s31+$0xFFFFFE80] =	vst v14;
	v14 =	vmul.f32 v50, v38;
	v22 =	vld [tilespmem:s31+$0xFFFFFFC0]  }
0x24b: {  	v12 =	vmul.f32 v26, v40;
	[tilespmem:s31+$0xFFFFFE90] =	vst v8;
	v8 =	vmul.f32 v23, v42;
	v23 =	vld [tilespmem:s31+$0xFFFFFFD0]  }
0x24c: {  	v7 =	vmul.f32 v25, v45;
	[tilespmem:s31+$0xFFFFFEA0] =	vst v10;
	v10 =	vmul.f32 v24, v43;
	v24 =	vld [tilespmem:s31+$0xFFFFFFE0]  }
0x24d: {  	s17 =	sadd.s32 $0x20, s17;
	v9 =	vmul.f32 v28, v46;
	v6 =	vmul.f32 v6, v48;
	[tilespmem:s31+$0xFFFFFEB0] =	vst v27;
	v25 =	vld [tilespmem:s31+$0xFFFFFFF0]  }
0x24e: {  	[tilespmem:s31+$0xFFFFFEC0] =	vst v19  }
0x24f: {  	[tilespmem:s9+$0xFFFFFF10] =	vst v13  }
0x250: {  	[tilespmem:s9+$0xFFFFFF20] =	vst v14  }
0x251: {  	[tilespmem:s9+$0xFFFFFF30] =	vst v11  }
0x252: {  	[tilespmem:s9+$0xFFFFFF40] =	vst v12  }
0x253: {  	[tilespmem:s9+$0xFFFFFF50] =	vst v8  }
0x254: {  	[tilespmem:s9+$0xFFFFFF60] =	vst v10  }
0x255: {  	[tilespmem:s9+$0xFFFFFF70] =	vst v7  }
0x256: {  	[tilespmem:s9+$0xFFFFFED0] =	vst v16  }
0x257: {  	[tilespmem:s9+$0xFFFFFEE0] =	vst v18  }
0x258: {  	[tilespmem:s9+$0xFFFFFEF0] =	vst v15  }
0x259: {  	[tilespmem:s9+$0xFFFFFF00] =	vst v17  }
0x25a: {  	v4 =	vmul.f32 v20, v4;
	[tilespmem:s9+$0xFFFFFF80] =	vst v9  }
0x25b: {  	v5 =	vmul.f32 v21, v5;
	[tilespmem:s9+$0xFFFFFF90] =	vst v6  }
0x25c: {  	v3 =	vmul.f32 v22, v3;
	[tilespmem:s9+$0xFFFFFFA0] =	vst v4  }
0x25d: {  	v2 =	vmul.f32 v23, v2;
	[tilespmem:s9+$0xFFFFFFB0] =	vst v5  }
0x25e: {  	v0 =	vmul.f32 v24, v0;
	[tilespmem:s9+$0xFFFFFFC0] =	vst v3  }
0x25f: {  	v1 =	vmul.f32 v25, v1;
	[tilespmem:s9+$0xFFFFFFD0] =	vst v2  }
0x260: {  	[tilespmem:s9+$0xFFFFFFE0] =	vst v0  }
0x261: {  	[tilespmem:s9+$0xFFFFFFF0] =	vst v1  }
0x262: {  	v1 =	vld [tilespmem:s12+$0x0]  }
0x263: {  	v0 =	vld [tilespmem:s12+$0xFFFFFFF0]  }
0x264: {  	v2 =	vld [tilespmem:s2+$0x0]  }
0x265: {  	v6 =	vld [tilespmem:s2+$0xFFFFFE10]  }
0x266: {  	v7 =	vld [tilespmem:s2+$0xFFFFFE20]  }
0x267: {  	v8 =	vld [tilespmem:s2+$0xFFFFFE30];
	v9 =	vbroadcast v1, $0x0;
	v3 =	vbroadcast v1, $0xF  }
0x268: {  	v12 =	vld [tilespmem:s2+$0xFFFFFE40];
	v10 =	vbroadcast v0, $0x0;
	v11 =	vbroadcast v0, $0x1  }
0x269: {  	v14 =	vld [tilespmem:s2+$0xFFFFFE50];
	v13 =	vbroadcast v0, $0x2;
	v15 =	vbroadcast v0, $0x3  }
0x26a: {  	v17 =	vld [tilespmem:s2+$0xFFFFFE60];
	v16 =	vbroadcast v0, $0x4;
	v18 =	vbroadcast v0, $0x5  }
0x26b: {  	v19 =	vld [tilespmem:s2+$0xFFFFFE70];
	v20 =	vbroadcast v0, $0x6;
	v22 =	vbroadcast v0, $0x7  }
0x26c: {  	v21 =	vld [tilespmem:s2+$0xFFFFFE80];
	v23 =	vbroadcast v0, $0x8;
	v25 =	vbroadcast v0, $0x9  }
0x26d: {  	v24 =	vld [tilespmem:s2+$0xFFFFFE90];
	v26 =	vbroadcast v0, $0xA;
	v28 =	vbroadcast v0, $0xB  }
0x26e: {  	v27 =	vld [tilespmem:s2+$0xFFFFFEA0];
	v29 =	vbroadcast v0, $0xC;
	v31 =	vbroadcast v0, $0xD  }
0x26f: {  	v30 =	vld [tilespmem:s2+$0xFFFFFEB0];
	v32 =	vbroadcast v0, $0xE;
	v34 =	vbroadcast v0, $0xF  }
0x270: {  	v33 =	vld [tilespmem:s2+$0xFFFFFEC0];
	v35 =	vbroadcast v1, $0x1;
	v37 =	vbroadcast v1, $0x2  }
0x271: {  	v36 =	vld [tilespmem:s2+$0xFFFFFED0];
	v38 =	vbroadcast v1, $0x3;
	v40 =	vbroadcast v1, $0x4  }
0x272: {  	v39 =	vld [tilespmem:s2+$0xFFFFFEE0];
	v41 =	vbroadcast v1, $0x5;
	v43 =	vbroadcast v1, $0x6  }
0x273: {  	v42 =	vld [tilespmem:s2+$0xFFFFFEF0];
	v44 =	vbroadcast v1, $0x7;
	v46 =	vbroadcast v1, $0x8  }
0x274: {  	v47 =	vld [tilespmem:s2+$0xFFFFFF10];
	v4 =	vbroadcast v1, $0x9;
	v5 =	vbroadcast v1, $0xA  }
0x275: {  	v48 =	vld [tilespmem:s2+$0xFFFFFF20];
	v0 =	vbroadcast v1, $0xD;
	v2 =	vmul.f32 v2, v3  }
0x276: {  	v45 =	vld [tilespmem:s2+$0xFFFFFF00];
	v3 =	vbroadcast v1, $0xB;
	v6 =	vmul.f32 v10, v6  }
0x277: {  	v49 =	vld [tilespmem:s2+$0xFFFFFF40];
	v7 =	vmul.f32 v7, v11;
	v8 =	vmul.f32 v8, v13  }
0x278: {  	v50 =	vld [tilespmem:s2+$0xFFFFFF50];
	v11 =	vmul.f32 v14, v16;
	v23 =	vmul.f32 v24, v23;
	[tilespmem:s2+$0x0] =	vst v2  }
0x279: {  	v51 =	vld [tilespmem:s2+$0xFFFFFF60];
	v16 =	vmul.f32 v36, v29;
	v13 =	vmul.f32 v9, v47;
	[tilespmem:s2+$0xFFFFFE10] =	vst v6  }
0x27a: {  	v10 =	vld [tilespmem:s2+$0xFFFFFF30];
	v14 =	vmul.f32 v48, v35;
	v2 =	vbroadcast v1, $0xC;
	[tilespmem:s2+$0xFFFFFE20] =	vst v7  }
0x27b: {  	v24 =	vld [tilespmem:s2+$0xFFFFFF70];
	v1 =	vbroadcast v1, $0xE;
	v6 =	vmul.f32 v12, v15;
	[tilespmem:s2+$0xFFFFFE30] =	vst v8  }
0x27c: {  	v7 =	vmul.f32 v17, v18;
	v12 =	vmul.f32 v19, v20;
	[tilespmem:s2+$0xFFFFFE50] =	vst v11;
	v20 =	vld [tilespmem:s2+$0xFFFFFFA0]  }
0x27d: {  	[tilespmem:s2+$0xFFFFFE40] =	vst v6;
	v6 =	vmul.f32 v27, v25;
	v25 =	vmul.f32 v30, v26;
	v26 =	vld [tilespmem:s2+$0xFFFFFF80]  }
0x27e: {  	v8 =	vmul.f32 v21, v22;
	v19 =	vmul.f32 v33, v28;
	[tilespmem:s2+$0xFFFFFE90] =	vst v23;
	v27 =	vld [tilespmem:s2+$0xFFFFFF90]  }
0x27f: {  	v18 =	vmul.f32 v39, v31;
	v15 =	vmul.f32 v42, v32;
	v21 =	vld [tilespmem:s2+$0xFFFFFFB0];
	[tilespmem:s2+$0xFFFFFE60] =	vst v7  }
0x280: {  	v17 =	vmul.f32 v45, v34;
	v22 =	vld [tilespmem:s2+$0xFFFFFFC0];
	[tilespmem:s2+$0xFFFFFE70] =	vst v12;
	v12 =	vmul.f32 v49, v38  }
0x281: {  	v23 =	vld [tilespmem:s2+$0xFFFFFFD0];
	[tilespmem:s2+$0xFFFFFE80] =	vst v8;
	v8 =	vmul.f32 v50, v40;
	v11 =	vmul.f32 v10, v37  }
0x282: {  	s13 =	simm.s32 $0x0;
	s31 =	simm.s32 $0x1CCF0;
	v10 =	vmul.f32 v51, v41;
	v7 =	vmul.f32 v24, v43;
	v24 =	vld [tilespmem:s2+$0xFFFFFFE0];
	[tilespmem:s2+$0xFFFFFEA0] =	vst v6  }
0x283: {  	s17 =	simm.s32 $0x19230;
	s9 =	simm.s32 $0x1C4F0;
	s12 =	simm.s32 $0x19290;
	[tilespmem:s2+$0xFFFFFEB0] =	vst v25;
	v25 =	vld [tilespmem:s2+$0xFFFFFFF0];
	v9 =	vmul.f32 v26, v44;
	v6 =	vmul.f32 v27, v46  }
.LBB2_15:
0x284: {  	v26 =	vld [tilespmem:s17+$0x0];
	s13 =	sadd.s32 $0x20, s13;
	[tilespmem:s2+$0xFFFFFEC0] =	vst v19;
	v4 =	vmul.f32 v20, v4;
	v5 =	vmul.f32 v21, v5  }
0x285: {  	s2 =	sadd.s32 $0x200, s2;
	v19 =	vld [tilespmem:s17+$0xFFFFFFF0];
	p0 =	slt.u32 s13, $0x60;
	[tilespmem:s9+$0xFFFFFED0] =	vst v16;
	v3 =	vmul.f32 v22, v3  }
0x286: {  	v16 =	vld [tilespmem:s2+$0x0];
	[tilespmem:s9+$0xFFFFFEE0] =	vst v18;
	v2 =	vmul.f32 v23, v2  }
0x287: {  	v18 =	vld [tilespmem:s2+$0xFFFFFE10];
	[tilespmem:s9+$0xFFFFFEF0] =	vst v15;
	v0 =	vmul.f32 v24, v0  }
0x288: {  	v15 =	vld [tilespmem:s2+$0xFFFFFE20];
	[tilespmem:s9+$0xFFFFFF00] =	vst v17;
	v1 =	vmul.f32 v25, v1  }
0x289: {  	v17 =	vld [tilespmem:s2+$0xFFFFFE30];
	v21 =	vbroadcast v26, $0x0;
	v20 =	vbroadcast v26, $0xF;
	[tilespmem:s9+$0xFFFFFF10] =	vst v13  }
0x28a: {  	v13 =	vbroadcast v19, $0x0;
	v22 =	vbroadcast v19, $0x1;
	v23 =	vld [tilespmem:s2+$0xFFFFFE40];
	[tilespmem:s9+$0xFFFFFF20] =	vst v14  }
0x28b: {  	v14 =	vbroadcast v19, $0x2;
	v24 =	vld [tilespmem:s2+$0xFFFFFE50];
	v16 =	vmul.f32 v16, v20;
	[tilespmem:s9+$0xFFFFFF30] =	vst v11  }
0x28c: {  	v11 =	vbroadcast v19, $0x3;
	v20 =	vbroadcast v19, $0x4;
	v25 =	vld [tilespmem:s2+$0xFFFFFE60];
	[tilespmem:s9+$0xFFFFFF40] =	vst v12  }
0x28d: {  	v28 =	vbroadcast v19, $0x6;
	v12 =	vbroadcast v19, $0x5;
	v27 =	vld [tilespmem:s2+$0xFFFFFE70];
	[tilespmem:s2+$0x0] =	vst v16  }
0x28e: {  	v29 =	vbroadcast v19, $0x7;
	v30 =	vbroadcast v19, $0x8;
	v16 =	vld [tilespmem:s2+$0xFFFFFE80];
	[tilespmem:s9+$0xFFFFFF50] =	vst v8  }
0x28f: {  	v31 =	vbroadcast v19, $0x9;
	v32 =	vbroadcast v19, $0xA;
	v8 =	vld [tilespmem:s2+$0xFFFFFE90];
	[tilespmem:s9+$0xFFFFFF60] =	vst v10  }
0x290: {  	v33 =	vbroadcast v19, $0xB;
	v34 =	vbroadcast v19, $0xC;
	v10 =	vld [tilespmem:s2+$0xFFFFFEA0];
	[tilespmem:s9+$0xFFFFFF70] =	vst v7  }
0x291: {  	v35 =	vbroadcast v19, $0xD;
	v36 =	vbroadcast v19, $0xE;
	v7 =	vld [tilespmem:s2+$0xFFFFFEB0];
	[tilespmem:s9+$0xFFFFFF80] =	vst v9  }
0x292: {  	v38 =	vbroadcast v26, $0x1;
	v37 =	vbroadcast v19, $0xF;
	v9 =	vld [tilespmem:s2+$0xFFFFFEC0];
	[tilespmem:s9+$0xFFFFFF90] =	vst v6  }
0x293: {  	v39 =	vbroadcast v26, $0x2;
	v40 =	vbroadcast v26, $0x3;
	v6 =	vld [tilespmem:s2+$0xFFFFFED0];
	[tilespmem:s9+$0xFFFFFFA0] =	vst v4  }
0x294: {  	v42 =	vbroadcast v26, $0x4;
	v43 =	vbroadcast v26, $0x5;
	v41 =	vld [tilespmem:s2+$0xFFFFFEE0];
	[tilespmem:s9+$0xFFFFFFB0] =	vst v5  }
0x295: {  	v45 =	vbroadcast v26, $0x6;
	v46 =	vbroadcast v26, $0x7;
	v44 =	vld [tilespmem:s2+$0xFFFFFEF0];
	[tilespmem:s9+$0xFFFFFFC0] =	vst v3  }
0x296: {  	v48 =	vbroadcast v26, $0x8;
	v4 =	vbroadcast v26, $0x9;
	v47 =	vld [tilespmem:s2+$0xFFFFFF00];
	[tilespmem:s9+$0xFFFFFFD0] =	vst v2  }
0x297: {  	v5 =	vbroadcast v26, $0xA;
	v3 =	vbroadcast v26, $0xB;
	v49 =	vld [tilespmem:s2+$0xFFFFFF10];
	[tilespmem:s9+$0xFFFFFFE0] =	vst v0  }
0x298: {  	v2 =	vbroadcast v26, $0xC;
	v0 =	vbroadcast v26, $0xD;
	v50 =	vld [tilespmem:s2+$0xFFFFFF20];
	[tilespmem:s9+$0xFFFFFFF0] =	vst v1;
	s9 =	smov.u32 s2  }
0x299: {  	v13 =	vmul.f32 v13, v18;
	v1 =	vbroadcast v26, $0xE;
	v51 =	vld [tilespmem:s2+$0xFFFFFF30]  }
0x29a: {  	v15 =	vmul.f32 v15, v22;
	v14 =	vmul.f32 v17, v14;
	v26 =	vld [tilespmem:s2+$0xFFFFFF40]  }
0x29b: {  	v11 =	vmul.f32 v23, v11;
	[tilespmem:s2+$0xFFFFFE10] =	vst v13;
	v13 =	vmul.f32 v24, v20;
	v23 =	vld [tilespmem:s2+$0xFFFFFF50]  }
0x29c: {  	v12 =	vmul.f32 v25, v12;
	v17 =	vmul.f32 v27, v28;
	[tilespmem:s2+$0xFFFFFE20] =	vst v15;
	v24 =	vld [tilespmem:s2+$0xFFFFFF60]  }
0x29d: {  	v8 =	vmul.f32 v8, v30;
	[tilespmem:s2+$0xFFFFFE30] =	vst v14;
	v14 =	vmul.f32 v16, v29;
	v25 =	vld [tilespmem:s2+$0xFFFFFF70]  }
0x29e: {  	v10 =	vmul.f32 v10, v31;
	v27 =	vmul.f32 v7, v32;
	[tilespmem:s2+$0xFFFFFE40] =	vst v11;
	v28 =	vld [tilespmem:s2+$0xFFFFFF80]  }
0x29f: {  	v19 =	vmul.f32 v9, v33;
	v16 =	vmul.f32 v6, v34;
	[tilespmem:s2+$0xFFFFFE50] =	vst v13;
	v6 =	vld [tilespmem:s2+$0xFFFFFF90]  }
0x2a0: {  	v18 =	vmul.f32 v41, v35;
	v15 =	vmul.f32 v44, v36;
	[tilespmem:s2+$0xFFFFFE60] =	vst v12;
	v20 =	vld [tilespmem:s2+$0xFFFFFFA0]  }
.Ltmp6:
0x2a1: {  	v13 =	vmul.f32 v21, v49;
	[tilespmem:s2+$0xFFFFFE70] =	vst v17;
	v17 =	vmul.f32 v47, v37;
	v21 =	vld [tilespmem:s2+$0xFFFFFFB0];
	(pc) =	sbr.rel @p0 .LBB2_15-.Ltmp6, $4  }
0x2a2: {  	v11 =	vmul.f32 v51, v39;
	[tilespmem:s2+$0xFFFFFE80] =	vst v14;
	v14 =	vmul.f32 v50, v38;
	v22 =	vld [tilespmem:s2+$0xFFFFFFC0]  }
0x2a3: {  	v12 =	vmul.f32 v26, v40;
	[tilespmem:s2+$0xFFFFFE90] =	vst v8;
	v8 =	vmul.f32 v23, v42;
	v23 =	vld [tilespmem:s2+$0xFFFFFFD0]  }
0x2a4: {  	v7 =	vmul.f32 v25, v45;
	[tilespmem:s2+$0xFFFFFEA0] =	vst v10;
	v10 =	vmul.f32 v24, v43;
	v24 =	vld [tilespmem:s2+$0xFFFFFFE0]  }
0x2a5: {  	s17 =	sadd.s32 $0x20, s17;
	v9 =	vmul.f32 v28, v46;
	v6 =	vmul.f32 v6, v48;
	[tilespmem:s2+$0xFFFFFEB0] =	vst v27;
	v25 =	vld [tilespmem:s2+$0xFFFFFFF0]  }
0x2a6: {  	[tilespmem:s2+$0xFFFFFEC0] =	vst v19  }
0x2a7: {  	[tilespmem:s9+$0xFFFFFF10] =	vst v13  }
0x2a8: {  	[tilespmem:s9+$0xFFFFFF20] =	vst v14  }
0x2a9: {  	[tilespmem:s9+$0xFFFFFF30] =	vst v11  }
0x2aa: {  	[tilespmem:s9+$0xFFFFFF40] =	vst v12  }
0x2ab: {  	[tilespmem:s9+$0xFFFFFF50] =	vst v8  }
0x2ac: {  	[tilespmem:s9+$0xFFFFFF60] =	vst v10  }
0x2ad: {  	[tilespmem:s9+$0xFFFFFF70] =	vst v7  }
0x2ae: {  	[tilespmem:s9+$0xFFFFFED0] =	vst v16  }
0x2af: {  	[tilespmem:s9+$0xFFFFFEE0] =	vst v18  }
0x2b0: {  	[tilespmem:s9+$0xFFFFFEF0] =	vst v15  }
0x2b1: {  	[tilespmem:s9+$0xFFFFFF00] =	vst v17  }
0x2b2: {  	v4 =	vmul.f32 v20, v4;
	[tilespmem:s9+$0xFFFFFF80] =	vst v9  }
0x2b3: {  	v5 =	vmul.f32 v21, v5;
	[tilespmem:s9+$0xFFFFFF90] =	vst v6  }
0x2b4: {  	v3 =	vmul.f32 v22, v3;
	[tilespmem:s9+$0xFFFFFFA0] =	vst v4  }
0x2b5: {  	v2 =	vmul.f32 v23, v2;
	[tilespmem:s9+$0xFFFFFFB0] =	vst v5  }
0x2b6: {  	v0 =	vmul.f32 v24, v0;
	[tilespmem:s9+$0xFFFFFFC0] =	vst v3  }
0x2b7: {  	v1 =	vmul.f32 v25, v1;
	[tilespmem:s9+$0xFFFFFFD0] =	vst v2  }
0x2b8: {  	[tilespmem:s9+$0xFFFFFFE0] =	vst v0  }
0x2b9: {  	[tilespmem:s9+$0xFFFFFFF0] =	vst v1  }
0x2ba: {  	v1 =	vld [tilespmem:s12+$0x0]  }
0x2bb: {  	v0 =	vld [tilespmem:s12+$0xFFFFFFF0]  }
0x2bc: {  	v2 =	vld [tilespmem:s31+$0x0]  }
0x2bd: {  	v6 =	vld [tilespmem:s31+$0xFFFFFE10]  }
0x2be: {  	v7 =	vld [tilespmem:s31+$0xFFFFFE20]  }
0x2bf: {  	v8 =	vld [tilespmem:s31+$0xFFFFFE30];
	v9 =	vbroadcast v1, $0x0;
	v3 =	vbroadcast v1, $0xF  }
0x2c0: {  	v12 =	vld [tilespmem:s31+$0xFFFFFE40];
	v10 =	vbroadcast v0, $0x0;
	v11 =	vbroadcast v0, $0x1  }
0x2c1: {  	v14 =	vld [tilespmem:s31+$0xFFFFFE50];
	v13 =	vbroadcast v0, $0x2;
	v15 =	vbroadcast v0, $0x3  }
0x2c2: {  	v17 =	vld [tilespmem:s31+$0xFFFFFE60];
	v16 =	vbroadcast v0, $0x4;
	v18 =	vbroadcast v0, $0x5  }
0x2c3: {  	v19 =	vld [tilespmem:s31+$0xFFFFFE70];
	v20 =	vbroadcast v0, $0x6;
	v22 =	vbroadcast v0, $0x7  }
0x2c4: {  	v21 =	vld [tilespmem:s31+$0xFFFFFE80];
	v23 =	vbroadcast v0, $0x8;
	v25 =	vbroadcast v0, $0x9  }
0x2c5: {  	v24 =	vld [tilespmem:s31+$0xFFFFFE90];
	v26 =	vbroadcast v0, $0xA;
	v28 =	vbroadcast v0, $0xB  }
0x2c6: {  	v27 =	vld [tilespmem:s31+$0xFFFFFEA0];
	v29 =	vbroadcast v0, $0xC;
	v31 =	vbroadcast v0, $0xD  }
0x2c7: {  	v30 =	vld [tilespmem:s31+$0xFFFFFEB0];
	v32 =	vbroadcast v0, $0xE;
	v34 =	vbroadcast v0, $0xF  }
0x2c8: {  	v33 =	vld [tilespmem:s31+$0xFFFFFEC0];
	v35 =	vbroadcast v1, $0x1;
	v37 =	vbroadcast v1, $0x2  }
0x2c9: {  	v36 =	vld [tilespmem:s31+$0xFFFFFED0];
	v38 =	vbroadcast v1, $0x3;
	v40 =	vbroadcast v1, $0x4  }
0x2ca: {  	v39 =	vld [tilespmem:s31+$0xFFFFFEE0];
	v41 =	vbroadcast v1, $0x5;
	v43 =	vbroadcast v1, $0x6  }
0x2cb: {  	v47 =	vld [tilespmem:s31+$0xFFFFFF10];
	v44 =	vbroadcast v1, $0x7;
	v46 =	vbroadcast v1, $0x8  }
0x2cc: {  	v48 =	vld [tilespmem:s31+$0xFFFFFF20];
	v4 =	vbroadcast v1, $0x9;
	v5 =	vbroadcast v1, $0xA  }
0x2cd: {  	v50 =	vld [tilespmem:s31+$0xFFFFFF50];
	v0 =	vbroadcast v1, $0xD;
	v2 =	vmul.f32 v2, v3  }
0x2ce: {  	v42 =	vld [tilespmem:s31+$0xFFFFFEF0];
	v3 =	vbroadcast v1, $0xB;
	v6 =	vmul.f32 v10, v6  }
0x2cf: {  	v45 =	vld [tilespmem:s31+$0xFFFFFF00];
	v7 =	vmul.f32 v7, v11;
	v8 =	vmul.f32 v8, v13  }
0x2d0: {  	v49 =	vld [tilespmem:s31+$0xFFFFFF40];
	v11 =	vmul.f32 v14, v16;
	v23 =	vmul.f32 v24, v23;
	[tilespmem:s31+$0x0] =	vst v2  }
0x2d1: {  	v51 =	vld [tilespmem:s31+$0xFFFFFF60];
	v16 =	vmul.f32 v36, v29;
	v13 =	vmul.f32 v9, v47;
	[tilespmem:s31+$0xFFFFFE10] =	vst v6  }
0x2d2: {  	v10 =	vld [tilespmem:s31+$0xFFFFFF30];
	v14 =	vmul.f32 v48, v35;
	v9 =	vmul.f32 v50, v40;
	[tilespmem:s31+$0xFFFFFE20] =	vst v7  }
0x2d3: {  	v24 =	vld [tilespmem:s31+$0xFFFFFF70];
	v2 =	vbroadcast v1, $0xC;
	v6 =	vmul.f32 v12, v15;
	[tilespmem:s31+$0xFFFFFE30] =	vst v8  }
0x2d4: {  	v7 =	vmul.f32 v17, v18;
	v12 =	vmul.f32 v19, v20;
	[tilespmem:s31+$0xFFFFFE50] =	vst v11;
	v20 =	vld [tilespmem:s31+$0xFFFFFFA0]  }
0x2d5: {  	[tilespmem:s31+$0xFFFFFE40] =	vst v6;
	v6 =	vmul.f32 v27, v25;
	v25 =	vmul.f32 v30, v26;
	v26 =	vld [tilespmem:s31+$0xFFFFFF80]  }
0x2d6: {  	v1 =	vbroadcast v1, $0xE;
	v8 =	vmul.f32 v21, v22;
	[tilespmem:s31+$0xFFFFFE90] =	vst v23;
	v27 =	vld [tilespmem:s31+$0xFFFFFF90]  }
0x2d7: {  	v19 =	vmul.f32 v33, v28;
	v18 =	vmul.f32 v39, v31;
	v21 =	vld [tilespmem:s31+$0xFFFFFFB0];
	[tilespmem:s31+$0xFFFFFE60] =	vst v7  }
0x2d8: {  	v15 =	vmul.f32 v42, v32;
	v17 =	vmul.f32 v45, v34;
	v22 =	vld [tilespmem:s31+$0xFFFFFFC0];
	[tilespmem:s31+$0xFFFFFE70] =	vst v12  }
0x2d9: {  	v23 =	vld [tilespmem:s31+$0xFFFFFFD0];
	[tilespmem:s31+$0xFFFFFE80] =	vst v8;
	v12 =	vmul.f32 v49, v38;
	v11 =	vmul.f32 v10, v37  }
0x2da: {  	v10 =	vmul.f32 v51, v41;
	v7 =	vmul.f32 v24, v43;
	v24 =	vld [tilespmem:s31+$0xFFFFFFE0];
	[tilespmem:s31+$0xFFFFFEA0] =	vst v6  }
0x2db: {  	s2 =	simm.s32 $0x1CCF0;
	s9 =	simm.s32 $0x0;
	s12 =	simm.s32 $0x192B0;
	[tilespmem:s31+$0xFFFFFEB0] =	vst v25;
	v25 =	vld [tilespmem:s31+$0xFFFFFFF0];
	v8 =	vmul.f32 v26, v44;
	v6 =	vmul.f32 v27, v46  }
.LBB2_17:
0x2dc: {  	v26 =	vld [tilespmem:s12+$0x0];
	s9 =	sadd.s32 $0x20, s9;
	[tilespmem:s31+$0xFFFFFEC0] =	vst v19;
	v4 =	vmul.f32 v20, v4;
	v5 =	vmul.f32 v21, v5  }
0x2dd: {  	s31 =	sadd.s32 $0x200, s31;
	v19 =	vld [tilespmem:s12+$0xFFFFFFF0];
	p0 =	slt.u32 s9, $0x60;
	[tilespmem:s2+$0xFFFFFED0] =	vst v16;
	v3 =	vmul.f32 v22, v3  }
0x2de: {  	v16 =	vld [tilespmem:s31+$0x0];
	[tilespmem:s2+$0xFFFFFEE0] =	vst v18;
	v2 =	vmul.f32 v23, v2  }
0x2df: {  	v18 =	vld [tilespmem:s31+$0xFFFFFE10];
	[tilespmem:s2+$0xFFFFFEF0] =	vst v15;
	v0 =	vmul.f32 v24, v0  }
0x2e0: {  	v15 =	vld [tilespmem:s31+$0xFFFFFE20];
	[tilespmem:s2+$0xFFFFFF00] =	vst v17;
	v1 =	vmul.f32 v25, v1  }
0x2e1: {  	v17 =	vld [tilespmem:s31+$0xFFFFFE30];
	v21 =	vbroadcast v26, $0x0;
	v20 =	vbroadcast v26, $0xF;
	[tilespmem:s2+$0xFFFFFF10] =	vst v13  }
0x2e2: {  	v13 =	vbroadcast v19, $0x0;
	v22 =	vbroadcast v19, $0x1;
	v23 =	vld [tilespmem:s31+$0xFFFFFE40];
	[tilespmem:s2+$0xFFFFFF20] =	vst v14  }
0x2e3: {  	v14 =	vbroadcast v19, $0x2;
	v24 =	vld [tilespmem:s31+$0xFFFFFE50];
	v16 =	vmul.f32 v16, v20;
	[tilespmem:s2+$0xFFFFFF30] =	vst v11  }
0x2e4: {  	v11 =	vbroadcast v19, $0x3;
	v20 =	vbroadcast v19, $0x4;
	v25 =	vld [tilespmem:s31+$0xFFFFFE60];
	[tilespmem:s2+$0xFFFFFF40] =	vst v12  }
0x2e5: {  	v28 =	vbroadcast v19, $0x6;
	v12 =	vbroadcast v19, $0x5;
	v27 =	vld [tilespmem:s31+$0xFFFFFE70];
	[tilespmem:s31+$0x0] =	vst v16  }
0x2e6: {  	v29 =	vbroadcast v19, $0x7;
	v30 =	vbroadcast v19, $0x8;
	v16 =	vld [tilespmem:s31+$0xFFFFFE80];
	[tilespmem:s2+$0xFFFFFF50] =	vst v9  }
0x2e7: {  	v31 =	vbroadcast v19, $0x9;
	v32 =	vbroadcast v19, $0xA;
	v9 =	vld [tilespmem:s31+$0xFFFFFE90];
	[tilespmem:s2+$0xFFFFFF60] =	vst v10  }
0x2e8: {  	v33 =	vbroadcast v19, $0xB;
	v34 =	vbroadcast v19, $0xC;
	v10 =	vld [tilespmem:s31+$0xFFFFFEA0];
	[tilespmem:s2+$0xFFFFFF70] =	vst v7  }
0x2e9: {  	v35 =	vbroadcast v19, $0xD;
	v36 =	vbroadcast v19, $0xE;
	v7 =	vld [tilespmem:s31+$0xFFFFFEB0];
	[tilespmem:s2+$0xFFFFFF80] =	vst v8  }
0x2ea: {  	v38 =	vbroadcast v26, $0x1;
	v37 =	vbroadcast v19, $0xF;
	v8 =	vld [tilespmem:s31+$0xFFFFFEC0];
	[tilespmem:s2+$0xFFFFFF90] =	vst v6  }
0x2eb: {  	v39 =	vbroadcast v26, $0x2;
	v40 =	vbroadcast v26, $0x3;
	v6 =	vld [tilespmem:s31+$0xFFFFFED0];
	[tilespmem:s2+$0xFFFFFFA0] =	vst v4  }
0x2ec: {  	v42 =	vbroadcast v26, $0x4;
	v43 =	vbroadcast v26, $0x5;
	v41 =	vld [tilespmem:s31+$0xFFFFFEE0];
	[tilespmem:s2+$0xFFFFFFB0] =	vst v5  }
0x2ed: {  	v45 =	vbroadcast v26, $0x6;
	v46 =	vbroadcast v26, $0x7;
	v44 =	vld [tilespmem:s31+$0xFFFFFEF0];
	[tilespmem:s2+$0xFFFFFFC0] =	vst v3  }
0x2ee: {  	v48 =	vbroadcast v26, $0x8;
	v4 =	vbroadcast v26, $0x9;
	v47 =	vld [tilespmem:s31+$0xFFFFFF00];
	[tilespmem:s2+$0xFFFFFFD0] =	vst v2  }
0x2ef: {  	v5 =	vbroadcast v26, $0xA;
	v3 =	vbroadcast v26, $0xB;
	v49 =	vld [tilespmem:s31+$0xFFFFFF10];
	[tilespmem:s2+$0xFFFFFFE0] =	vst v0  }
0x2f0: {  	v2 =	vbroadcast v26, $0xC;
	v0 =	vbroadcast v26, $0xD;
	v50 =	vld [tilespmem:s31+$0xFFFFFF20];
	[tilespmem:s2+$0xFFFFFFF0] =	vst v1;
	s2 =	smov.u32 s31  }
0x2f1: {  	v13 =	vmul.f32 v13, v18;
	v1 =	vbroadcast v26, $0xE;
	v51 =	vld [tilespmem:s31+$0xFFFFFF30]  }
0x2f2: {  	v15 =	vmul.f32 v15, v22;
	v14 =	vmul.f32 v17, v14;
	v26 =	vld [tilespmem:s31+$0xFFFFFF40]  }
0x2f3: {  	v11 =	vmul.f32 v23, v11;
	[tilespmem:s31+$0xFFFFFE10] =	vst v13;
	v13 =	vmul.f32 v24, v20;
	v23 =	vld [tilespmem:s31+$0xFFFFFF50]  }
0x2f4: {  	v12 =	vmul.f32 v25, v12;
	v17 =	vmul.f32 v27, v28;
	[tilespmem:s31+$0xFFFFFE20] =	vst v15;
	v24 =	vld [tilespmem:s31+$0xFFFFFF60]  }
0x2f5: {  	v9 =	vmul.f32 v9, v30;
	[tilespmem:s31+$0xFFFFFE30] =	vst v14;
	v14 =	vmul.f32 v16, v29;
	v25 =	vld [tilespmem:s31+$0xFFFFFF70]  }
0x2f6: {  	v10 =	vmul.f32 v10, v31;
	v27 =	vmul.f32 v7, v32;
	[tilespmem:s31+$0xFFFFFE40] =	vst v11;
	v28 =	vld [tilespmem:s31+$0xFFFFFF80]  }
0x2f7: {  	v19 =	vmul.f32 v8, v33;
	v16 =	vmul.f32 v6, v34;
	[tilespmem:s31+$0xFFFFFE50] =	vst v13;
	v6 =	vld [tilespmem:s31+$0xFFFFFF90]  }
0x2f8: {  	v18 =	vmul.f32 v41, v35;
	v15 =	vmul.f32 v44, v36;
	[tilespmem:s31+$0xFFFFFE60] =	vst v12;
	v20 =	vld [tilespmem:s31+$0xFFFFFFA0]  }
.Ltmp7:
0x2f9: {  	v13 =	vmul.f32 v21, v49;
	[tilespmem:s31+$0xFFFFFE70] =	vst v17;
	v17 =	vmul.f32 v47, v37;
	v21 =	vld [tilespmem:s31+$0xFFFFFFB0];
	(pc) =	sbr.rel @p0 .LBB2_17-.Ltmp7, $4  }
0x2fa: {  	v11 =	vmul.f32 v51, v39;
	[tilespmem:s31+$0xFFFFFE80] =	vst v14;
	v14 =	vmul.f32 v50, v38;
	v22 =	vld [tilespmem:s31+$0xFFFFFFC0]  }
0x2fb: {  	v12 =	vmul.f32 v26, v40;
	[tilespmem:s31+$0xFFFFFE90] =	vst v9;
	v9 =	vmul.f32 v23, v42;
	v23 =	vld [tilespmem:s31+$0xFFFFFFD0]  }
0x2fc: {  	v7 =	vmul.f32 v25, v45;
	[tilespmem:s31+$0xFFFFFEA0] =	vst v10;
	v10 =	vmul.f32 v24, v43;
	v24 =	vld [tilespmem:s31+$0xFFFFFFE0]  }
0x2fd: {  	s12 =	sadd.s32 $0x20, s12;
	v8 =	vmul.f32 v28, v46;
	v6 =	vmul.f32 v6, v48;
	[tilespmem:s31+$0xFFFFFEB0] =	vst v27;
	v25 =	vld [tilespmem:s31+$0xFFFFFFF0]  }
0x2fe: {  	[tilespmem:s31+$0xFFFFFEC0] =	vst v19  }
0x2ff: {  	[tilespmem:s2+$0xFFFFFF10] =	vst v13  }
0x300: {  	[tilespmem:s2+$0xFFFFFF20] =	vst v14  }
0x301: {  	[tilespmem:s2+$0xFFFFFF30] =	vst v11  }
0x302: {  	[tilespmem:s2+$0xFFFFFF40] =	vst v12  }
0x303: {  	[tilespmem:s2+$0xFFFFFF50] =	vst v9  }
0x304: {  	[tilespmem:s2+$0xFFFFFF60] =	vst v10  }
0x305: {  	[tilespmem:s2+$0xFFFFFF70] =	vst v7  }
0x306: {  	[tilespmem:s2+$0xFFFFFED0] =	vst v16  }
0x307: {  	[tilespmem:s2+$0xFFFFFEE0] =	vst v18  }
0x308: {  	[tilespmem:s2+$0xFFFFFEF0] =	vst v15  }
0x309: {  	[tilespmem:s2+$0xFFFFFF00] =	vst v17  }
0x30a: {  	v4 =	vmul.f32 v20, v4;
	[tilespmem:s2+$0xFFFFFF80] =	vst v8  }
0x30b: {  	v5 =	vmul.f32 v21, v5;
	[tilespmem:s2+$0xFFFFFF90] =	vst v6  }
0x30c: {  	v3 =	vmul.f32 v22, v3;
	[tilespmem:s2+$0xFFFFFFA0] =	vst v4  }
0x30d: {  	v2 =	vmul.f32 v23, v2;
	[tilespmem:s2+$0xFFFFFFB0] =	vst v5  }
0x30e: {  	v0 =	vmul.f32 v24, v0;
	[tilespmem:s2+$0xFFFFFFC0] =	vst v3  }
0x30f: {  	v1 =	vmul.f32 v25, v1;
	[tilespmem:s2+$0xFFFFFFD0] =	vst v2  }
0x310: {  	[tilespmem:s2+$0xFFFFFFE0] =	vst v0  }
0x311: {  	[tilespmem:s2+$0xFFFFFFF0] =	vst v1  }
0x312: {  	[spmem:s3] =	stream.indirect.scatter.add.f32 [tilespmem:s19], [sflag:$0x2], $0x10, s16, s18, $0xb8;
	[tilespmem:$0x1D300] =	vst v63  }
0x313: {  	s12 =	simm.s32 $0x18B80  }
0x314: {  	[spmem:s3] =	stream.indirect.scatter.add.f32 [tilespmem:s21], [sflag:$0x2], $0x10, s12, s18, $0xb8;
	[tilespmem:$0x1D300] =	vst v63  }
0x315: {  	s13 =	simm.s32 $0x18C00  }
0x316: {  	[spmem:s3] =	stream.indirect.scatter.add.f32 [tilespmem:s23], [sflag:$0x2], $0x10, s13, s18, $0xb8;
	[tilespmem:$0x1D300] =	vst v63  }
0x317: {  	s17 =	simm.s32 $0x18C80  }
0x318: {  	[spmem:s3] =	stream.indirect.scatter.add.f32 [tilespmem:s25], [sflag:$0x2], $0x10, s17, s18, $0xb8;
	[tilespmem:$0x1D300] =	vst v63  }
0x319: {  	s31 =	simm.s32 $0x18D00  }
0x31a: {  	[spmem:s3] =	stream.indirect.scatter.add.f32 [tilespmem:s28], [sflag:$0x2], $0x10, s31, s18, $0xb8;
	[tilespmem:$0x1D300] =	vst v63  }
0x31b: {  	_ = 	snop  }
0x31c: {  	[spmem:s3] =	stream.indirect.scatter.add.f32 [tilespmem:s30], [sflag:$0x2], $0x10, s20, s18, $0xb8;
	[tilespmem:$0x1D300] =	vst v63  }
0x31d: {  	_ = 	snop  }
0x31e: {  	[spmem:s3] =	stream.indirect.scatter.add.f32 [tilespmem:s0], [sflag:$0x2], $0x10, s22, s18, $0xb8;
	[tilespmem:$0x1D300] =	vst v63  }
0x31f: {  	_ = 	snop  }
0x320: {  	[spmem:s3] =	stream.indirect.scatter.add.f32 [tilespmem:s8], [sflag:$0x2], $0x10, s24, s18, $0xb8;
	[tilespmem:$0x1D300] =	vst v63  }
0x321: {  	_ =	swait.ge [sflag:s26], $0x800  }
0x322: {  	[sflag:s26] =	ssyncset.done $0x0  }
0x323: {  	[sflag:s26] =	ssyncadd.s32 $0xFFFFF800  }
0x324: {  	_ =	swait.ge [sflag:s26], $0x800  }
0x325: {  	[sflag:s26] =	ssyncset.done $0x0  }
0x326: {  	[sflag:s26] =	ssyncadd.s32 $0xFFFFF800  }
0x327: {  	_ =	swait.ge [sflag:s26], $0x800  }
0x328: {  	[sflag:s26] =	ssyncset.done $0x0  }
0x329: {  	[sflag:s26] =	ssyncadd.s32 $0xFFFFF800  }
0x32a: {  	_ =	swait.ge [sflag:s26], $0x800  }
0x32b: {  	[sflag:s26] =	ssyncset.done $0x0  }
0x32c: {  	[sflag:s26] =	ssyncadd.s32 $0xFFFFF800  }
0x32d: {  	_ =	swait.ge [sflag:s26], $0x800  }
0x32e: {  	[sflag:s26] =	ssyncset.done $0x0  }
0x32f: {  	[sflag:s26] =	ssyncadd.s32 $0xFFFFF800  }
0x330: {  	_ =	swait.ge [sflag:s26], $0x800  }
0x331: {  	[sflag:s26] =	ssyncset.done $0x0  }
0x332: {  	s29 =	sadd.s32 $0x1, s29;
	[sflag:s26] =	ssyncadd.s32 $0xFFFFF800  }
0x333: {  	p0 =	sne.s32 s29, $0x62;
	_ =	swait.ge [sflag:s26], $0x800  }
.Ltmp8:
0x334: {  	[sflag:s26] =	ssyncset.done $0x0;
	(pc) =	sbr.rel @p0 .LBB2_2-.Ltmp8, $4  }
0x335: {  	[sflag:s26] =	ssyncadd.s32 $0xFFFFF800  }
0x336: {  	_ =	swait.ge [sflag:s26], $0x800  }
0x337: {  	[sflag:s26] =	ssyncset.done $0x0  }
0x338: {  	[sflag:s26] =	ssyncadd.s32 $0xFFFFF800  }
0x339: {  	[bflag:$0x0] =	sbarrier.arrive $0xFFFF  }
0x33a: {  	s12 =	rddreg [dreg:$0x5]  }
0x33b: {  	s2 =	rddreg [dreg:$0x6]  }
0x33c: {  	s9 =	rddreg [dreg:$0x8]  }
0x33d: {  	[hbm:s2], [sflag:s12] =	dma.local [spmem:s9], $0x30E0  }
0x33e: {  	_ =	swait.ge [sflag:s14], $0x30E0  }
0x33f: {  	s13 =	rddreg [dreg:$0x9]  }
0x340: {  	s31 =	rddreg [dreg:$0x7];
	s13 =	sadd.s32 $0x1, s13  }
0x341: {  	p0 =	sne.s32 s13, s31  }
.Ltmp9:
0x342: {  	_ = 	snop;
	(pc) =	sbr.rel @p0 .LBB2_1-.Ltmp9, $3  }
0x343: {  	_ =	sdelay $0x1  }
0x344: {  	[sflag:s14] =	ssyncset.done $0x0  }
0x345: {  	[sflag:s14] =	ssyncadd.s32 $0xFFFFCF20  }
0x346: {  	_ =	sfence.sel $0x180000  }
0x347: {  	[bflag:$0x0] =	sbarrier.arrive $0xFFFF  }
0x348: {  	_ =	strace $0x90000047  }
0x349: {  	s0 =	stileid.u32;
	[bflag:$0x2] =	sbarrier.arrive $0xFFFF  }
0x34a: {  	p0 =	sne.s32 s0, $0x0;
	s0 =	rddreg [dreg:$0x3]  }
0x34b: {  	s0 =	sadd.s32 @!p0 $0x100000, s0  }
0x34c: {  	[sflag:s0] =	ssyncadd.tile.s32 @!p0 $0x1;
	_ =	shalt  }
.Lfunc_end2:
_tile_overlayer_lowered:
.L_overlay_start_2:
0x34d: {  	(tag) =	ssettag $0x2  }
0x34e: {  	s0 =	rddreg [dreg:$0x0];
	s2 =	stileid.u32  }
0x34f: {  	s1 =	rddreg [dreg:$0x1];
	p0 =	sne.s32 s2, $0x0  }
0x350: {  	s3 =	rddreg [dreg:$0x2];
	[bflag:$0x3] =	sbarrier.arrive $0xFFFF;
	s2 =	simm.s32 @!p0 $0x1C03  }
0x351: {  	[timem:s3], [sflag:s2] =	dma.local @!p0 [hbm:s0], s1  }
0x352: {  	s0 =	simm.s32 @!p0 $0x3  }
0x353: {  	_ =	swait.ge @!p0 [sflag:s0], s1  }
0x354: {  	s1 =	ssub.s32 @!p0 $0x0, s1;
	[sflag:s0] =	ssyncset.done @!p0 $0x0  }
0x355: {  	[sflag:s0] =	ssyncadd.s32 @!p0 s1  }
0x356: {  	[bflag:$0x3] =	sbarrier.arrive $0xFFFF  }
0x357: {  	_ =	shalt  }

</sc_bundles>
